<compile_context>
chip_gen: v7x
topology: tpu7x:2x2x1
jax: 0.10.2.dev20260603
libtpu: 0.0.44.dev20260713+nightly
codegen_flags: <defaults>
</compile_context>

<pallas_src>
import functools

import jax
import jax.numpy as jnp
from jax import lax
from jax.experimental import pallas as pl
from jax.experimental.pallas import tpu as pltpu
from jax.experimental.pallas import tpu_sc as plsc

N_NODES = 10000
N_GRAPHS = 64
D = 128

NPAD = 10240
EPAD = 327680
K = 128
CHUNKS_PER_TILE = 80
ROWS_PER_TILE = 640
GPAD = 128
BCHUNKS = 80
PAD_DST = NPAD - 8
PAD_GRAPH = N_GRAPHS
CW = 16

_MESH = plsc.VectorSubcoreMesh(core_axis_name="c", subcore_axis_name="s")
_SC_PARAMS = pltpu.CompilerParams(use_tc_tiling_on_sc=False)


def _zero_my_rows(zrows_hbm, rows_v, table_s, r0, nrows):
    pltpu.sync_copy(zrows_hbm, rows_v)
    @pl.loop(0, nrows // K)
    def _(j):
        pltpu.sync_copy(rows_v, table_s.at[pl.ds(r0 + j * K, K)])


_G = 16
_NG = [9, 1]
assert 16 * (_NG[0] + _NG[1]) * _G == EPAD // K


def _make_agg_kernel():
    outs = [jax.ShapeDtypeStruct((2 * NPAD, D), jnp.float32)]
    scratch = [
        pltpu.VMEM((_G, K), jnp.int32),
        pltpu.VMEM((_G, K), jnp.int32),
        pltpu.VMEM((K, D), jnp.float32),
        pltpu.VMEM((K, D), jnp.float32),
        pltpu.VMEM_SHARED((NPAD, D), jnp.float32),
        pltpu.SemaphoreType.DMA,
        pltpu.SemaphoreType.DMA,
        pltpu.SemaphoreType.DMA,
        pltpu.SemaphoreType.DMA,
    ]

    def body(h_hbm, src_hbm, dst_hbm, zrows_hbm, agg_hbm,
             src_v, dst_v, rows0, rows1, agg_s, g0, g1, s0, s1):
        cid = lax.axis_index("c")
        sid = lax.axis_index("s")
        r0 = sid * ROWS_PER_TILE

        _zero_my_rows(zrows_hbm, rows0, agg_s, r0, ROWS_PER_TILE)
        ngroups = jnp.where(cid == 0, _NG[0], _NG[1])
        c0 = jnp.where(cid == 0, sid * (_NG[0] * _G),
                       16 * _NG[0] * _G + sid * (_NG[1] * _G))
        plsc.subcore_barrier()

        def gath(i, buf, sem):
            pltpu.async_copy(h_hbm.at[src_v.at[i]], buf, sem)

        def wait_g(i, buf, sem):
            pltpu.make_async_copy(h_hbm.at[src_v.at[i]], buf, sem).wait()

        def scat(i, buf, sem):
            pltpu.async_copy(buf, agg_s.at[dst_v.at[i]], sem, add=True)

        def wait_s(i, buf, sem):
            pltpu.make_async_copy(
                buf, agg_s.at[dst_v.at[i]], sem).wait()

        @pl.loop(0, ngroups)
        def _(grp):
            h0 = c0 + grp * _G
            pltpu.sync_copy(src_hbm.at[pl.ds(h0, _G)], src_v)
            pltpu.sync_copy(dst_hbm.at[pl.ds(h0, _G)], dst_v)
            gath(0, rows0, g0)
            @pl.loop(0, _G // 2)
            def _(j):
                i0 = 2 * j
                i1 = 2 * j + 1
                wait_g(i0, rows0, g0)
                scat(i0, rows0, s0)
                @pl.when(j > 0)
                def _():
                    wait_s(i1, rows1, s1)
                gath(i1, rows1, g1)
                wait_g(i1, rows1, g1)
                scat(i1, rows1, s1)
                wait_s(i0, rows0, s0)
                @pl.when(j < _G // 2 - 1)
                def _():
                    gath(i0 + 2, rows0, g0)
            wait_s(_G - 1, rows1, s1)

        plsc.subcore_barrier()
        out0 = cid * NPAD + r0
        @pl.loop(0, ROWS_PER_TILE // K)
        def _(j):
            pltpu.sync_copy(agg_s.at[pl.ds(r0 + j * K, K)], rows0)
            pltpu.sync_copy(rows0, agg_hbm.at[pl.ds(out0 + j * K, K)])

    return pl.kernel(body, out_type=outs, mesh=_MESH, scratch_types=scratch,
                     compiler_params=_SC_PARAMS, name="sc_agg")


_agg_kernel = _make_agg_kernel()


_HALF = CHUNKS_PER_TILE // 2


def _cnt_body(dst_hbm, ones_hbm, zcol_hbm, cnt_hbm,
              dst_v, ones_v, col_v, cnt_s):
    cid = lax.axis_index("c")
    sid = lax.axis_index("s")
    wid = sid * 2 + cid
    r0 = sid * ROWS_PER_TILE

    pltpu.sync_copy(zcol_hbm, col_v)
    @pl.loop(0, ROWS_PER_TILE // K)
    def _(j):
        pltpu.sync_copy(col_v, cnt_s.at[pl.ds(r0 + j * K, K)])
    pltpu.sync_copy(ones_hbm, ones_v)
    c0 = wid * CHUNKS_PER_TILE
    plsc.subcore_barrier()

    @pl.loop(0, 2)
    def _(half):
        pltpu.sync_copy(dst_hbm.at[pl.ds(c0 + half * _HALF, _HALF)], dst_v)
        @pl.loop(0, _HALF)
        def _(i):
            pltpu.sync_copy(ones_v, cnt_s.at[dst_v.at[i]], add=True)

    plsc.subcore_barrier()
    out0 = cid * NPAD + r0
    @pl.loop(0, ROWS_PER_TILE // K)
    def _(j):
        pltpu.sync_copy(cnt_s.at[pl.ds(r0 + j * K, K)], col_v)
        pltpu.sync_copy(col_v, cnt_hbm.at[pl.ds(out0 + j * K, K)])


_cnt_kernel = pl.kernel(
    _cnt_body,
    out_type=[jax.ShapeDtypeStruct((2 * NPAD, CW), jnp.float32)],
    mesh=_MESH,
    scratch_types=[
        pltpu.VMEM((_HALF, K), jnp.int32),
        pltpu.VMEM((K, CW), jnp.float32),
        pltpu.VMEM((K, CW), jnp.float32),
        pltpu.VMEM_SHARED((NPAD, CW), jnp.float32),
    ],
    compiler_params=_SC_PARAMS,
    name="sc_cnt",
)


def _pool_body(h_hbm, bidx_hbm, ones_hbm, zrows_hbm, zcol_hbm,
               pool_hbm, pcnt_hbm, bidx_v, rows_v, ones_v, col_v,
               pool_s, pcnt_s, sem):
    cid = lax.axis_index("c")
    sid = lax.axis_index("s")
    wid = sid * 2 + cid

    @pl.when(sid == 0)
    def _():
        _zero_my_rows(zrows_hbm, rows_v, pool_s, 0, GPAD)
        pltpu.sync_copy(zcol_hbm, col_v)
        pltpu.sync_copy(col_v, pcnt_s)
    pltpu.sync_copy(ones_hbm, ones_v)
    pltpu.sync_copy(bidx_hbm.at[pl.ds(0, BCHUNKS)], bidx_v)
    plsc.subcore_barrier()

    @pl.loop(0, 3)
    def _(j):
        chunk = wid + j * 32
        @pl.when(chunk < BCHUNKS)
        def _():
            pltpu.async_copy(h_hbm.at[pl.ds(chunk * K, K)], rows_v, sem).wait()
            pltpu.sync_copy(rows_v, pool_s.at[bidx_v.at[chunk]], add=True)
            pltpu.sync_copy(ones_v, pcnt_s.at[bidx_v.at[chunk]], add=True)

    plsc.subcore_barrier()
    @pl.when(sid == 0)
    def _():
        pltpu.sync_copy(pool_s, rows_v)
        pltpu.sync_copy(rows_v, pool_hbm.at[pl.ds(cid * GPAD, GPAD)])
        pltpu.sync_copy(pcnt_s, col_v)
        pltpu.sync_copy(col_v, pcnt_hbm.at[pl.ds(cid * GPAD, GPAD)])


_pool_kernel = pl.kernel(
    _pool_body,
    out_type=[jax.ShapeDtypeStruct((2 * GPAD, D), jnp.float32),
              jax.ShapeDtypeStruct((2 * GPAD, CW), jnp.float32)],
    mesh=_MESH,
    scratch_types=[
        pltpu.VMEM((BCHUNKS, K), jnp.int32),
        pltpu.VMEM((K, D), jnp.float32),
        pltpu.VMEM((K, CW), jnp.float32),
        pltpu.VMEM((GPAD, CW), jnp.float32),
        pltpu.VMEM_SHARED((GPAD, D), jnp.float32),
        pltpu.VMEM_SHARED((GPAD, CW), jnp.float32),
        pltpu.SemaphoreType.DMA,
    ],
    compiler_params=_SC_PARAMS,
    name="sc_pool",
)


_DOT = functools.partial(
    lax.dot_general,
    precision=lax.Precision.HIGHEST,
    preferred_element_type=jnp.float32,
)

_RBLK = 640
_RGRID = NPAD // _RBLK


def _dense_body(relu, aggA, aggB, cA, cB, h, Wl, Wr, bl, o):
    cnt = jnp.maximum(cA[...] + cB[...], 1.0)[:, :1]
    mean = (aggA[...] + aggB[...]) / cnt
    r = _DOT(mean, Wl[...], (((1,), (1,)), ((), ())))
    r = r + _DOT(h[...], Wr[...], (((1,), (1,)), ((), ())))
    r = r + bl[...]
    o[...] = jnp.maximum(r, 0.0) if relu else r


def _dense_layer(agg, cnt, h, Wl, bl, Wr, relu):
    body = functools.partial(_dense_body, relu)
    return pl.pallas_call(
        body,
        grid=(_RGRID,),
        in_specs=[
            pl.BlockSpec((_RBLK, D), lambda i: (i, 0)),
            pl.BlockSpec((_RBLK, D), lambda i: (i + _RGRID, 0)),
            pl.BlockSpec((_RBLK, CW), lambda i: (i, 0)),
            pl.BlockSpec((_RBLK, CW), lambda i: (i + _RGRID, 0)),
            pl.BlockSpec((_RBLK, D), lambda i: (i, 0)),
            pl.BlockSpec((D, D), lambda i: (0, 0)),
            pl.BlockSpec((D, D), lambda i: (0, 0)),
            pl.BlockSpec((1, D), lambda i: (0, 0)),
        ],
        out_specs=pl.BlockSpec((_RBLK, D), lambda i: (i, 0)),
        out_shape=jax.ShapeDtypeStruct((NPAD, D), jnp.float32),
    )(agg, agg, cnt, cnt, h, Wl, Wr, bl)


def _final_body(pA, pB, cA, cB, W, b, o):
    cnt = jnp.maximum(cA[...] + cB[...], 1.0)[:, :1]
    g = (pA[...] + pB[...]) / cnt
    o[...] = _DOT(g, W[...], (((1,), (1,)), ((), ()))) + b[...]


def _final_layer(pool, pcnt, W, b):
    nb = GPAD // N_GRAPHS
    return pl.pallas_call(
        _final_body,
        grid=(1,),
        in_specs=[
            pl.BlockSpec((N_GRAPHS, D), lambda i: (0, 0)),
            pl.BlockSpec((N_GRAPHS, D), lambda i: (nb, 0)),
            pl.BlockSpec((N_GRAPHS, CW), lambda i: (0, 0)),
            pl.BlockSpec((N_GRAPHS, CW), lambda i: (nb, 0)),
            pl.BlockSpec(W.shape, lambda i: (0, 0)),
            pl.BlockSpec((1, W.shape[0]), lambda i: (0, 0)),
        ],
        out_specs=pl.BlockSpec((N_GRAPHS, W.shape[0]), lambda i: (0, 0)),
        out_shape=jax.ShapeDtypeStruct((N_GRAPHS, W.shape[0]), jnp.float32),
    )(pool, pool, pcnt, pcnt, W, b)


def kernel(x, edge_index, batch, Wl1, bl1, Wr1, Wl2, bl2, Wr2, Wl3, bl3,
           Wr3, W, b):
    e = edge_index.shape[1]
    src = jnp.asarray(edge_index[0], jnp.int32)
    dst = jnp.asarray(edge_index[1], jnp.int32)
    src = jnp.concatenate(
        [src, jnp.zeros((EPAD - e,), jnp.int32)]).reshape(-1, K)
    dst = jnp.concatenate(
        [dst, jnp.full((EPAD - e,), PAD_DST, jnp.int32)]).reshape(-1, K)
    bidx = jnp.concatenate(
        [jnp.asarray(batch, jnp.int32),
         jnp.full((NPAD - N_NODES,), PAD_GRAPH, jnp.int32)]).reshape(-1, K)

    xpad = jnp.concatenate(
        [x, jnp.zeros((NPAD - N_NODES, D), jnp.float32)], axis=0)
    ones = jnp.ones((K, CW), jnp.float32)
    zrows = jnp.zeros((K, D), jnp.float32)
    zcol = jnp.zeros((K, CW), jnp.float32)
    zcol_g = jnp.zeros((GPAD, CW), jnp.float32)
    bl1r, bl2r, bl3r = (v.reshape(1, D) for v in (bl1, bl2, bl3))

    cnt, = _cnt_kernel(dst, ones, zcol)
    agg1, = _agg_kernel(xpad, src, dst, zrows)
    h1 = _dense_layer(agg1, cnt, xpad, Wl1, bl1r, Wr1, relu=True)
    agg2, = _agg_kernel(h1, src, dst, zrows)
    h2 = _dense_layer(agg2, cnt, h1, Wl2, bl2r, Wr2, relu=True)
    agg3, = _agg_kernel(h2, src, dst, zrows)
    h3 = _dense_layer(agg3, cnt, h2, Wl3, bl3r, Wr3, relu=False)
    pool, pcnt = _pool_kernel(h3, bidx, ones, zrows, zcol_g)
    return _final_layer(pool, pcnt, W, b.reshape(1, -1))

# --- scband reference (transcript-rebuilt; emitter-appended) ---
"""Pipeline reference for scband-gnn-51556787421768 (READ-ONLY COPY).

The authoritative reference and input builder live on the scoring server;
editing this copy changes nothing except your own understanding.
"""

import jax, jax.numpy as jnp
import numpy as np

N_NODES = 10000
N_EDGES = 320000
N_GRAPHS = 64
D_IN = 128
D_HID = 128
D_OUT = 10


def setup_inputs(seed: int = 0) -> dict:
    key = jax.random.key(seed)
    ks = jax.random.split(key, 16)
    x = jax.random.normal(ks[0], (N_NODES, D_IN), dtype=jnp.float32)
    edge_index = jax.random.randint(ks[1], (2, N_EDGES), 0, N_NODES, dtype=jnp.int64)
    batch = jnp.sort(jax.random.randint(ks[2], (N_NODES,), 0, N_GRAPHS, dtype=jnp.int64))
    def glorot(k, shape):
        fan_in, fan_out = shape[1], shape[0]
        lim = jnp.sqrt(6.0 / (fan_in + fan_out))
        return jax.random.uniform(k, shape, dtype=jnp.float32, minval=-lim, maxval=lim)
    params = {
        'Wl1': glorot(ks[3], (D_HID, D_IN)), 'bl1': jnp.zeros((D_HID,), jnp.float32), 'Wr1': glorot(ks[4], (D_HID, D_IN)),
        'Wl2': glorot(ks[5], (D_HID, D_HID)), 'bl2': jnp.zeros((D_HID,), jnp.float32), 'Wr2': glorot(ks[6], (D_HID, D_HID)),
        'Wl3': glorot(ks[7], (D_HID, D_HID)), 'bl3': jnp.zeros((D_HID,), jnp.float32), 'Wr3': glorot(ks[8], (D_HID, D_HID)),
        'W': glorot(ks[9], (D_OUT, D_HID)), 'b': jnp.zeros((D_OUT,), jnp.float32),
    }
    out = {'x': x, 'edge_index': edge_index, 'batch': batch}
    out.update(params)
    return out


def _sage_conv(x, src, dst, Wl, bl, Wr):
    # PyG SAGEConv with mean aggregation: lin_l(mean_{j in N(i)} x_j) + lin_r(x_i)
    msg = jnp.take(x, src, axis=0)
    agg = jax.ops.segment_sum(msg, dst, num_segments=N_NODES)
    cnt = jax.ops.segment_sum(jnp.ones((src.shape[0],), x.dtype), dst, num_segments=N_NODES)
    mean = agg / jnp.clip(cnt, 1.0, None)[:, None]
    return mean @ Wl.T + bl + x @ Wr.T


def _gap(x, batch):
    s = jax.ops.segment_sum(x, batch, num_segments=N_GRAPHS)
    c = jax.ops.segment_sum(jnp.ones((x.shape[0],), x.dtype), batch, num_segments=N_GRAPHS)
    return s / jnp.clip(c, 1.0, None)[:, None]


def reference(x, edge_index, batch, Wl1, bl1, Wr1, Wl2, bl2, Wr2, Wl3, bl3, Wr3, W, b):
    src, dst = edge_index[0], edge_index[1]
    h = jax.nn.relu(_sage_conv(x, src, dst, Wl1, bl1, Wr1))
    h = jax.nn.relu(_sage_conv(h, src, dst, Wl2, bl2, Wr2))
    h = _sage_conv(h, src, dst, Wl3, bl3, Wr3)
    g = _gap(h, batch)
    # dropout is identity in eval mode
    return g @ W.T + b

if __name__ == "__main__":
    import jax
    _d = setup_inputs()
    print(jax.jit(kernel)(*tuple(_d.values())))

</pallas_src>

<mosaic_0001>
#map = affine_map<(d0, d1) -> (0, 0)>
module attributes {stable_mosaic.version = 14 : i64} {
  func.func @sc_agg(%arg0: i32, %arg1: i32, %arg2: memref<10240x128xf32, #tpu.memory_space<hbm>>, %arg3: memref<2560x128xi32, #tpu.memory_space<hbm>>, %arg4: memref<2560x128xi32, #tpu.memory_space<hbm>>, %arg5: memref<128x128xf32, #tpu.memory_space<hbm>>, %arg6: memref<20480x128xf32, #tpu.memory_space<hbm>>, %arg7: memref<16x128xi32, #tpu.memory_space<vmem>>, %arg8: memref<16x128xi32, #tpu.memory_space<vmem>>, %arg9: memref<128x128xf32, #tpu.memory_space<vmem>>, %arg10: memref<128x128xf32, #tpu.memory_space<vmem>>, %arg11: memref<10240x128xf32, #tpu.memory_space<vmem_shared>>, %arg12: memref<!tpu.dma_semaphore, #tpu.memory_space<semaphore_mem>>, %arg13: memref<!tpu.dma_semaphore, #tpu.memory_space<semaphore_mem>>, %arg14: memref<!tpu.dma_semaphore, #tpu.memory_space<semaphore_mem>>, %arg15: memref<!tpu.dma_semaphore, #tpu.memory_space<semaphore_mem>>) attributes {dimension_semantics = [#tpu.dimension_semantics<core_parallel>, #tpu.dimension_semantics<subcore_parallel>], iteration_bounds = array<i64: 2, 16>, scalar_prefetch = 0 : i64, scratch_operands = 9 : i64, tpu.core_type = #tpu.core_type<sc_vector_subcore>, window_params = [{transform_indices = #map}, {transform_indices = #map}, {transform_indices = #map}, {transform_indices = #map}, {transform_indices = #map}]} {
    %mul3A = arith.constant 640 : i32
    %mul3A_0 = arith.muli %arg1, %mul3A : i32
    "tpu.region"() ({
      %run_scoped3A = tpu.sem_alloc : memref<!tpu.dma_semaphore, #tpu.memory_space<semaphore_mem>>
      tpu.enqueue_dma source(%arg5 : memref<128x128xf32, #tpu.memory_space<hbm>>) target(%arg9 : memref<128x128xf32, #tpu.memory_space<vmem>>) target_semaphore(%run_scoped3A : memref<!tpu.dma_semaphore, #tpu.memory_space<semaphore_mem>>)
      tpu.wait_dma2 semaphore(%run_scoped3A : memref<!tpu.dma_semaphore, #tpu.memory_space<semaphore_mem>>) src(%arg5 : memref<128x128xf32, #tpu.memory_space<hbm>>) dst(%arg9 : memref<128x128xf32, #tpu.memory_space<vmem>>)
      tpu.yield
    }) : () -> ()
    %scan3A = arith.constant 0 : i32
    %scan3A_1 = arith.constant 5 : i32
    %scan3A_2 = arith.addi %scan3A, %scan3A_1 : i32
    %scan3A_3 = arith.constant 1 : i32
    scf.for %scan3A_40 = %scan3A to %scan3A_2 step %scan3A_3  : i32 {
      %mul3A_41 = arith.constant 1 : i32
      %mul3A_42 = arith.muli %scan3A_40, %mul3A_41 : i32
      %add3A_43 = arith.constant 0 : i32
      %add3A_44 = arith.addi %add3A_43, %mul3A_42 : i32
      %mul3A_45 = arith.constant 128 : i32
      %mul3A_46 = arith.muli %add3A_44, %mul3A_45 : i32
      %add3A_47 = arith.addi %mul3A_0, %mul3A_46 : i32
      "tpu.region"() ({
        %run_scoped3A = tpu.sem_alloc : memref<!tpu.dma_semaphore, #tpu.memory_space<semaphore_mem>>
        %dma_start3A = arith.constant 0 : i32
        %dma_start3A_48 = tpu.memref_slice %arg11[%add3A_47, %dma_start3A] : memref<10240x128xf32, #tpu.memory_space<vmem_shared>> -> memref<128x128xf32, #tpu.memory_space<vmem_shared>>
        %dma_start3A_49 = arith.constant 0 : i32
        %dma_start3A_50 = tpu.memref_slice %arg11[%add3A_47, %dma_start3A_49] : memref<10240x128xf32, #tpu.memory_space<vmem_shared>> -> memref<128x128xf32, #tpu.memory_space<vmem_shared>>
        tpu.enqueue_dma source(%arg9 : memref<128x128xf32, #tpu.memory_space<vmem>>) target(%dma_start3A_50 : memref<128x128xf32, #tpu.memory_space<vmem_shared>>) target_semaphore(%run_scoped3A : memref<!tpu.dma_semaphore, #tpu.memory_space<semaphore_mem>>)
        %dma_wait3A = arith.constant 0 : i32
        %dma_wait3A_51 = tpu.memref_slice %arg11[%add3A_47, %dma_wait3A] : memref<10240x128xf32, #tpu.memory_space<vmem_shared>> -> memref<128x128xf32, #tpu.memory_space<vmem_shared>>
        %dma_wait3A_52 = arith.constant 0 : i32
        %dma_wait3A_53 = tpu.memref_slice %arg11[%add3A_47, %dma_wait3A_52] : memref<10240x128xf32, #tpu.memory_space<vmem_shared>> -> memref<128x128xf32, #tpu.memory_space<vmem_shared>>
        tpu.wait_dma2 semaphore(%run_scoped3A : memref<!tpu.dma_semaphore, #tpu.memory_space<semaphore_mem>>) src(%arg9 : memref<128x128xf32, #tpu.memory_space<vmem>>) dst(%dma_wait3A_53 : memref<128x128xf32, #tpu.memory_space<vmem_shared>>)
        tpu.yield
      }) : () -> ()
    }
    %scan3A_4 = arith.constant 5 : i32
    %eq3A = arith.constant 0 : i32
    %eq3A_5 = arith.cmpi eq, %arg0, %eq3A : i32
    %jit3A = arith.constant 9 : i32
    %jit3A_6 = arith.constant 1 : i32
    %select_n3A = arith.select %eq3A_5, %jit3A, %jit3A_6 : i32
    %eq3A_7 = arith.constant 0 : i32
    %eq3A_8 = arith.cmpi eq, %arg0, %eq3A_7 : i32
    %mul3A_9 = arith.constant 144 : i32
    %mul3A_10 = arith.muli %arg1, %mul3A_9 : i32
    %mul3A_11 = arith.constant 16 : i32
    %mul3A_12 = arith.muli %arg1, %mul3A_11 : i32
    %add3A = arith.constant 2304 : i32
    %add3A_13 = arith.addi %add3A, %mul3A_12 : i32
    %select_n3A_14 = arith.select %eq3A_8, %mul3A_10, %add3A_13 : i32
    %barrier3A = arith.constant 0 : index
    tpu.barrier barrier_id(%barrier3A)
    %sub3A = arith.constant 0 : i32
    %sub3A_15 = arith.subi %select_n3A, %sub3A : i32
    %sub3A_16 = arith.constant 1 : i32
    %sub3A_17 = arith.constant 1 : i32
    %sub3A_18 = arith.subi %sub3A_16, %sub3A_17 : i32
    %add3A_19 = arith.addi %sub3A_15, %sub3A_18 : i32
    %div3A = arith.constant 1 : i32
    %div3A_20 = arith.divsi %add3A_19, %div3A : i32
    %while3A = arith.constant 1 : i32
    %while3A_21 = arith.constant 0 : i32
    %while3A_22 = arith.constant 0 : i32
    %while3A_23 = arith.subi %div3A_20, %while3A_22 : i32
    %while3A_24 = arith.addi %while3A_22, %while3A_23 : i32
    %while3A_25 = arith.constant 1 : i32
    %while3A_26 = arith.divsi %while3A_23, %while3A_25 : i32
    %while3A_27 = arith.muli %while3A_26, %while3A_25 : i32
    %while3A_28 = arith.addi %while3A_22, %while3A_27 : i32
    %while3A_29 = arith.constant 1 : i32
    scf.for %while3A_40 = %while3A_22 to %while3A_28 step %while3A_29  : i32 {
      %mul3A_41 = arith.muli %while3A_40, %while3A : i32
      %add3A_42 = arith.addi %while3A_21, %mul3A_41 : i32
      %mul3A_43 = arith.constant 16 : i32
      %mul3A_44 = arith.muli %add3A_42, %mul3A_43 : i32
      %add3A_45 = arith.addi %select_n3A_14, %mul3A_44 : i32
      "tpu.region"() ({
        %run_scoped3A = tpu.sem_alloc : memref<!tpu.dma_semaphore, #tpu.memory_space<semaphore_mem>>
        %dma_start3A_63 = arith.constant 0 : i32
        %dma_start3A_64 = tpu.memref_slice %arg3[%add3A_45, %dma_start3A_63] : memref<2560x128xi32, #tpu.memory_space<hbm>> -> memref<16x128xi32, #tpu.memory_space<hbm>>
        %dma_start3A_65 = arith.constant 0 : i32
        %dma_start3A_66 = tpu.memref_slice %arg3[%add3A_45, %dma_start3A_65] : memref<2560x128xi32, #tpu.memory_space<hbm>> -> memref<16x128xi32, #tpu.memory_space<hbm>>
        tpu.enqueue_dma source(%dma_start3A_66 : memref<16x128xi32, #tpu.memory_space<hbm>>) target(%arg7 : memref<16x128xi32, #tpu.memory_space<vmem>>) target_semaphore(%run_scoped3A : memref<!tpu.dma_semaphore, #tpu.memory_space<semaphore_mem>>)
        %dma_wait3A_67 = arith.constant 0 : i32
        %dma_wait3A_68 = tpu.memref_slice %arg3[%add3A_45, %dma_wait3A_67] : memref<2560x128xi32, #tpu.memory_space<hbm>> -> memref<16x128xi32, #tpu.memory_space<hbm>>
        %dma_wait3A_69 = arith.constant 0 : i32
        %dma_wait3A_70 = tpu.memref_slice %arg3[%add3A_45, %dma_wait3A_69] : memref<2560x128xi32, #tpu.memory_space<hbm>> -> memref<16x128xi32, #tpu.memory_space<hbm>>
        tpu.wait_dma2 semaphore(%run_scoped3A : memref<!tpu.dma_semaphore, #tpu.memory_space<semaphore_mem>>) src(%dma_wait3A_70 : memref<16x128xi32, #tpu.memory_space<hbm>>) dst(%arg7 : memref<16x128xi32, #tpu.memory_space<vmem>>)
        tpu.yield
      }) : () -> ()
      "tpu.region"() ({
        %run_scoped3A = tpu.sem_alloc : memref<!tpu.dma_semaphore, #tpu.memory_space<semaphore_mem>>
        %dma_start3A_63 = arith.constant 0 : i32
        %dma_start3A_64 = tpu.memref_slice %arg4[%add3A_45, %dma_start3A_63] : memref<2560x128xi32, #tpu.memory_space<hbm>> -> memref<16x128xi32, #tpu.memory_space<hbm>>
        %dma_start3A_65 = arith.constant 0 : i32
        %dma_start3A_66 = tpu.memref_slice %arg4[%add3A_45, %dma_start3A_65] : memref<2560x128xi32, #tpu.memory_space<hbm>> -> memref<16x128xi32, #tpu.memory_space<hbm>>
        tpu.enqueue_dma source(%dma_start3A_66 : memref<16x128xi32, #tpu.memory_space<hbm>>) target(%arg8 : memref<16x128xi32, #tpu.memory_space<vmem>>) target_semaphore(%run_scoped3A : memref<!tpu.dma_semaphore, #tpu.memory_space<semaphore_mem>>)
        %dma_wait3A_67 = arith.constant 0 : i32
        %dma_wait3A_68 = tpu.memref_slice %arg4[%add3A_45, %dma_wait3A_67] : memref<2560x128xi32, #tpu.memory_space<hbm>> -> memref<16x128xi32, #tpu.memory_space<hbm>>
        %dma_wait3A_69 = arith.constant 0 : i32
        %dma_wait3A_70 = tpu.memref_slice %arg4[%add3A_45, %dma_wait3A_69] : memref<2560x128xi32, #tpu.memory_space<hbm>> -> memref<16x128xi32, #tpu.memory_space<hbm>>
        tpu.wait_dma2 semaphore(%run_scoped3A : memref<!tpu.dma_semaphore, #tpu.memory_space<semaphore_mem>>) src(%dma_wait3A_70 : memref<16x128xi32, #tpu.memory_space<hbm>>) dst(%arg8 : memref<16x128xi32, #tpu.memory_space<vmem>>)
        tpu.yield
      }) : () -> ()
      %dma_start3A = arith.constant 0 : i32
      %dma_start3A_46 = arith.constant 0 : i32
      %dma_start3A_47 = tpu.memref_slice %arg7[%dma_start3A, %dma_start3A_46] : memref<16x128xi32, #tpu.memory_space<vmem>> -> memref<1x128xi32, #tpu.memory_space<vmem>>
      %dma_start3A_48 = tpu.memref_squeeze %dma_start3A_47 : memref<1x128xi32, #tpu.memory_space<vmem>> -> memref<128xi32, #tpu.memory_space<vmem>>
      %dma_start3A_49 = arith.constant 0 : i32
      %dma_start3A_50 = arith.constant 0 : i32
      %dma_start3A_51 = tpu.memref_slice %arg2[%dma_start3A_49, %dma_start3A_50] : memref<10240x128xf32, #tpu.memory_space<hbm>> -> memref<10240x128xf32, #tpu.memory_space<hbm>>
      tpu.enqueue_indirect_dma source(%dma_start3A_51 : memref<10240x128xf32, #tpu.memory_space<hbm>>) target(%arg9 : memref<128x128xf32, #tpu.memory_space<vmem>>) offsets(%dma_start3A_48 : memref<128xi32, #tpu.memory_space<vmem>>) semaphore(%arg12 : memref<!tpu.dma_semaphore, #tpu.memory_space<semaphore_mem>>)
      %scan3A_52 = arith.constant 0 : i32
      %scan3A_53 = arith.constant 8 : i32
      %scan3A_54 = arith.addi %scan3A_52, %scan3A_53 : i32
      %scan3A_55 = arith.constant 1 : i32
      scf.for %scan3A_63 = %scan3A_52 to %scan3A_54 step %scan3A_55  : i32 {
        %mul3A_64 = arith.constant 1 : i32
        %mul3A_65 = arith.muli %scan3A_63, %mul3A_64 : i32
        %add3A_66 = arith.constant 0 : i32
        %add3A_67 = arith.addi %add3A_66, %mul3A_65 : i32
        %mul3A_68 = arith.constant 2 : i32
        %mul3A_69 = arith.muli %mul3A_68, %add3A_67 : i32
        %mul3A_70 = arith.constant 2 : i32
        %mul3A_71 = arith.muli %mul3A_70, %add3A_67 : i32
        %add3A_72 = arith.constant 1 : i32
        %add3A_73 = arith.addi %mul3A_71, %add3A_72 : i32
        %dma_wait3A_74 = arith.constant 0 : i32
        %dma_wait3A_75 = tpu.memref_slice %arg7[%mul3A_69, %dma_wait3A_74] : memref<16x128xi32, #tpu.memory_space<vmem>> -> memref<1x128xi32, #tpu.memory_space<vmem>>
        %dma_wait3A_76 = tpu.memref_squeeze %dma_wait3A_75 : memref<1x128xi32, #tpu.memory_space<vmem>> -> memref<128xi32, #tpu.memory_space<vmem>>
        %dma_wait3A_77 = arith.constant 0 : i32
        %dma_wait3A_78 = arith.constant 0 : i32
        %dma_wait3A_79 = tpu.memref_slice %arg2[%dma_wait3A_77, %dma_wait3A_78] : memref<10240x128xf32, #tpu.memory_space<hbm>> -> memref<10240x128xf32, #tpu.memory_space<hbm>>
        tpu.wait_indirect_dma semaphore(%arg12 : memref<!tpu.dma_semaphore, #tpu.memory_space<semaphore_mem>>) src(%dma_wait3A_79 : memref<10240x128xf32, #tpu.memory_space<hbm>>) dst(%arg9 : memref<128x128xf32, #tpu.memory_space<vmem>>)
        %dma_start3A_80 = arith.constant 0 : i32
        %dma_start3A_81 = tpu.memref_slice %arg8[%mul3A_69, %dma_start3A_80] : memref<16x128xi32, #tpu.memory_space<vmem>> -> memref<1x128xi32, #tpu.memory_space<vmem>>
        %dma_start3A_82 = tpu.memref_squeeze %dma_start3A_81 : memref<1x128xi32, #tpu.memory_space<vmem>> -> memref<128xi32, #tpu.memory_space<vmem>>
        %dma_start3A_83 = arith.constant 0 : i32
        %dma_start3A_84 = arith.constant 0 : i32
        %dma_start3A_85 = tpu.memref_slice %arg11[%dma_start3A_83, %dma_start3A_84] : memref<10240x128xf32, #tpu.memory_space<vmem_shared>> -> memref<10240x128xf32, #tpu.memory_space<vmem_shared>>
        tpu.enqueue_indirect_dma source(%arg9 : memref<128x128xf32, #tpu.memory_space<vmem>>) target(%dma_start3A_85 : memref<10240x128xf32, #tpu.memory_space<vmem_shared>>) offsets(%dma_start3A_82 : memref<128xi32, #tpu.memory_space<vmem>>) semaphore(%arg14 : memref<!tpu.dma_semaphore, #tpu.memory_space<semaphore_mem>>) {add = true}
        %gt3A = arith.constant 0 : i32
        %gt3A_86 = arith.cmpi sgt, %add3A_67, %gt3A : i32
        %convert_element_type3A = arith.extui %gt3A_86 : i1 to i32
        %cond3A = arith.constant 0 : i32
        %cond3A_87 = arith.cmpi ne, %convert_element_type3A, %cond3A : i32
        scf.if %cond3A_87 {
          %dma_wait3A_116 = arith.constant 0 : i32
          %dma_wait3A_117 = tpu.memref_slice %arg8[%add3A_73, %dma_wait3A_116] : memref<16x128xi32, #tpu.memory_space<vmem>> -> memref<1x128xi32, #tpu.memory_space<vmem>>
          %dma_wait3A_118 = tpu.memref_squeeze %dma_wait3A_117 : memref<1x128xi32, #tpu.memory_space<vmem>> -> memref<128xi32, #tpu.memory_space<vmem>>
          %dma_wait3A_119 = arith.constant 0 : i32
          %dma_wait3A_120 = arith.constant 0 : i32
          %dma_wait3A_121 = tpu.memref_slice %arg11[%dma_wait3A_119, %dma_wait3A_120] : memref<10240x128xf32, #tpu.memory_space<vmem_shared>> -> memref<10240x128xf32, #tpu.memory_space<vmem_shared>>
          tpu.wait_indirect_dma semaphore(%arg15 : memref<!tpu.dma_semaphore, #tpu.memory_space<semaphore_mem>>) src(%arg10 : memref<128x128xf32, #tpu.memory_space<vmem>>) dst(%dma_wait3A_121 : memref<10240x128xf32, #tpu.memory_space<vmem_shared>>)
        } else {
        }
        %dma_start3A_88 = arith.constant 0 : i32
        %dma_start3A_89 = tpu.memref_slice %arg7[%add3A_73, %dma_start3A_88] : memref<16x128xi32, #tpu.memory_space<vmem>> -> memref<1x128xi32, #tpu.memory_space<vmem>>
        %dma_start3A_90 = tpu.memref_squeeze %dma_start3A_89 : memref<1x128xi32, #tpu.memory_space<vmem>> -> memref<128xi32, #tpu.memory_space<vmem>>
        %dma_start3A_91 = arith.constant 0 : i32
        %dma_start3A_92 = arith.constant 0 : i32
        %dma_start3A_93 = tpu.memref_slice %arg2[%dma_start3A_91, %dma_start3A_92] : memref<10240x128xf32, #tpu.memory_space<hbm>> -> memref<10240x128xf32, #tpu.memory_space<hbm>>
        tpu.enqueue_indirect_dma source(%dma_start3A_93 : memref<10240x128xf32, #tpu.memory_space<hbm>>) target(%arg10 : memref<128x128xf32, #tpu.memory_space<vmem>>) offsets(%dma_start3A_90 : memref<128xi32, #tpu.memory_space<vmem>>) semaphore(%arg13 : memref<!tpu.dma_semaphore, #tpu.memory_space<semaphore_mem>>)
        %dma_wait3A_94 = arith.constant 0 : i32
        %dma_wait3A_95 = tpu.memref_slice %arg7[%add3A_73, %dma_wait3A_94] : memref<16x128xi32, #tpu.memory_space<vmem>> -> memref<1x128xi32, #tpu.memory_space<vmem>>
        %dma_wait3A_96 = tpu.memref_squeeze %dma_wait3A_95 : memref<1x128xi32, #tpu.memory_space<vmem>> -> memref<128xi32, #tpu.memory_space<vmem>>
        %dma_wait3A_97 = arith.constant 0 : i32
        %dma_wait3A_98 = arith.constant 0 : i32
        %dma_wait3A_99 = tpu.memref_slice %arg2[%dma_wait3A_97, %dma_wait3A_98] : memref<10240x128xf32, #tpu.memory_space<hbm>> -> memref<10240x128xf32, #tpu.memory_space<hbm>>
        tpu.wait_indirect_dma semaphore(%arg13 : memref<!tpu.dma_semaphore, #tpu.memory_space<semaphore_mem>>) src(%dma_wait3A_99 : memref<10240x128xf32, #tpu.memory_space<hbm>>) dst(%arg10 : memref<128x128xf32, #tpu.memory_space<vmem>>)
        %dma_start3A_100 = arith.constant 0 : i32
        %dma_start3A_101 = tpu.memref_slice %arg8[%add3A_73, %dma_start3A_100] : memref<16x128xi32, #tpu.memory_space<vmem>> -> memref<1x128xi32, #tpu.memory_space<vmem>>
        %dma_start3A_102 = tpu.memref_squeeze %dma_start3A_101 : memref<1x128xi32, #tpu.memory_space<vmem>> -> memref<128xi32, #tpu.memory_space<vmem>>
        %dma_start3A_103 = arith.constant 0 : i32
        %dma_start3A_104 = arith.constant 0 : i32
        %dma_start3A_105 = tpu.memref_slice %arg11[%dma_start3A_103, %dma_start3A_104] : memref<10240x128xf32, #tpu.memory_space<vmem_shared>> -> memref<10240x128xf32, #tpu.memory_space<vmem_shared>>
        tpu.enqueue_indirect_dma source(%arg10 : memref<128x128xf32, #tpu.memory_space<vmem>>) target(%dma_start3A_105 : memref<10240x128xf32, #tpu.memory_space<vmem_shared>>) offsets(%dma_start3A_102 : memref<128xi32, #tpu.memory_space<vmem>>) semaphore(%arg15 : memref<!tpu.dma_semaphore, #tpu.memory_space<semaphore_mem>>) {add = true}
        %dma_wait3A_106 = arith.constant 0 : i32
        %dma_wait3A_107 = tpu.memref_slice %arg8[%mul3A_69, %dma_wait3A_106] : memref<16x128xi32, #tpu.memory_space<vmem>> -> memref<1x128xi32, #tpu.memory_space<vmem>>
        %dma_wait3A_108 = tpu.memref_squeeze %dma_wait3A_107 : memref<1x128xi32, #tpu.memory_space<vmem>> -> memref<128xi32, #tpu.memory_space<vmem>>
        %dma_wait3A_109 = arith.constant 0 : i32
        %dma_wait3A_110 = arith.constant 0 : i32
        %dma_wait3A_111 = tpu.memref_slice %arg11[%dma_wait3A_109, %dma_wait3A_110] : memref<10240x128xf32, #tpu.memory_space<vmem_shared>> -> memref<10240x128xf32, #tpu.memory_space<vmem_shared>>
        tpu.wait_indirect_dma semaphore(%arg14 : memref<!tpu.dma_semaphore, #tpu.memory_space<semaphore_mem>>) src(%arg9 : memref<128x128xf32, #tpu.memory_space<vmem>>) dst(%dma_wait3A_111 : memref<10240x128xf32, #tpu.memory_space<vmem_shared>>)
        %lt3A = arith.constant 7 : i32
        %lt3A_112 = arith.cmpi slt, %add3A_67, %lt3A : i32
        %convert_element_type3A_113 = arith.extui %lt3A_112 : i1 to i32
        %cond3A_114 = arith.constant 0 : i32
        %cond3A_115 = arith.cmpi ne, %convert_element_type3A_113, %cond3A_114 : i32
        scf.if %cond3A_115 {
          %add3A_116 = arith.constant 2 : i32
          %add3A_117 = arith.addi %mul3A_69, %add3A_116 : i32
          %dma_start3A_118 = arith.constant 0 : i32
          %dma_start3A_119 = tpu.memref_slice %arg7[%add3A_117, %dma_start3A_118] : memref<16x128xi32, #tpu.memory_space<vmem>> -> memref<1x128xi32, #tpu.memory_space<vmem>>
          %dma_start3A_120 = tpu.memref_squeeze %dma_start3A_119 : memref<1x128xi32, #tpu.memory_space<vmem>> -> memref<128xi32, #tpu.memory_space<vmem>>
          %dma_start3A_121 = arith.constant 0 : i32
          %dma_start3A_122 = arith.constant 0 : i32
          %dma_start3A_123 = tpu.memref_slice %arg2[%dma_start3A_121, %dma_start3A_122] : memref<10240x128xf32, #tpu.memory_space<hbm>> -> memref<10240x128xf32, #tpu.memory_space<hbm>>
          tpu.enqueue_indirect_dma source(%dma_start3A_123 : memref<10240x128xf32, #tpu.memory_space<hbm>>) target(%arg9 : memref<128x128xf32, #tpu.memory_space<vmem>>) offsets(%dma_start3A_120 : memref<128xi32, #tpu.memory_space<vmem>>) semaphore(%arg12 : memref<!tpu.dma_semaphore, #tpu.memory_space<semaphore_mem>>)
        } else {
        }
      }
      %scan3A_56 = arith.constant 8 : i32
      %dma_wait3A = arith.constant 15 : i32
      %dma_wait3A_57 = arith.constant 0 : i32
      %dma_wait3A_58 = tpu.memref_slice %arg8[%dma_wait3A, %dma_wait3A_57] : memref<16x128xi32, #tpu.memory_space<vmem>> -> memref<1x128xi32, #tpu.memory_space<vmem>>
      %dma_wait3A_59 = tpu.memref_squeeze %dma_wait3A_58 : memref<1x128xi32, #tpu.memory_space<vmem>> -> memref<128xi32, #tpu.memory_space<vmem>>
      %dma_wait3A_60 = arith.constant 0 : i32
      %dma_wait3A_61 = arith.constant 0 : i32
      %dma_wait3A_62 = tpu.memref_slice %arg11[%dma_wait3A_60, %dma_wait3A_61] : memref<10240x128xf32, #tpu.memory_space<vmem_shared>> -> memref<10240x128xf32, #tpu.memory_space<vmem_shared>>
      tpu.wait_indirect_dma semaphore(%arg15 : memref<!tpu.dma_semaphore, #tpu.memory_space<semaphore_mem>>) src(%arg10 : memref<128x128xf32, #tpu.memory_space<vmem>>) dst(%dma_wait3A_62 : memref<10240x128xf32, #tpu.memory_space<vmem_shared>>)
    }
    %while3A_30 = arith.constant 1 : i32
    scf.for %while3A_40 = %while3A_28 to %while3A_24 step %while3A_30  : i32 {
      %mul3A_41 = arith.muli %while3A_40, %while3A : i32
      %add3A_42 = arith.addi %while3A_21, %mul3A_41 : i32
      %mul3A_43 = arith.constant 16 : i32
      %mul3A_44 = arith.muli %add3A_42, %mul3A_43 : i32
      %add3A_45 = arith.addi %select_n3A_14, %mul3A_44 : i32
      "tpu.region"() ({
        %run_scoped3A = tpu.sem_alloc : memref<!tpu.dma_semaphore, #tpu.memory_space<semaphore_mem>>
        %dma_start3A_63 = arith.constant 0 : i32
        %dma_start3A_64 = tpu.memref_slice %arg3[%add3A_45, %dma_start3A_63] : memref<2560x128xi32, #tpu.memory_space<hbm>> -> memref<16x128xi32, #tpu.memory_space<hbm>>
        %dma_start3A_65 = arith.constant 0 : i32
        %dma_start3A_66 = tpu.memref_slice %arg3[%add3A_45, %dma_start3A_65] : memref<2560x128xi32, #tpu.memory_space<hbm>> -> memref<16x128xi32, #tpu.memory_space<hbm>>
        tpu.enqueue_dma source(%dma_start3A_66 : memref<16x128xi32, #tpu.memory_space<hbm>>) target(%arg7 : memref<16x128xi32, #tpu.memory_space<vmem>>) target_semaphore(%run_scoped3A : memref<!tpu.dma_semaphore, #tpu.memory_space<semaphore_mem>>)
        %dma_wait3A_67 = arith.constant 0 : i32
        %dma_wait3A_68 = tpu.memref_slice %arg3[%add3A_45, %dma_wait3A_67] : memref<2560x128xi32, #tpu.memory_space<hbm>> -> memref<16x128xi32, #tpu.memory_space<hbm>>
        %dma_wait3A_69 = arith.constant 0 : i32
        %dma_wait3A_70 = tpu.memref_slice %arg3[%add3A_45, %dma_wait3A_69] : memref<2560x128xi32, #tpu.memory_space<hbm>> -> memref<16x128xi32, #tpu.memory_space<hbm>>
        tpu.wait_dma2 semaphore(%run_scoped3A : memref<!tpu.dma_semaphore, #tpu.memory_space<semaphore_mem>>) src(%dma_wait3A_70 : memref<16x128xi32, #tpu.memory_space<hbm>>) dst(%arg7 : memref<16x128xi32, #tpu.memory_space<vmem>>)
        tpu.yield
      }) : () -> ()
      "tpu.region"() ({
        %run_scoped3A = tpu.sem_alloc : memref<!tpu.dma_semaphore, #tpu.memory_space<semaphore_mem>>
        %dma_start3A_63 = arith.constant 0 : i32
        %dma_start3A_64 = tpu.memref_slice %arg4[%add3A_45, %dma_start3A_63] : memref<2560x128xi32, #tpu.memory_space<hbm>> -> memref<16x128xi32, #tpu.memory_space<hbm>>
        %dma_start3A_65 = arith.constant 0 : i32
        %dma_start3A_66 = tpu.memref_slice %arg4[%add3A_45, %dma_start3A_65] : memref<2560x128xi32, #tpu.memory_space<hbm>> -> memref<16x128xi32, #tpu.memory_space<hbm>>
        tpu.enqueue_dma source(%dma_start3A_66 : memref<16x128xi32, #tpu.memory_space<hbm>>) target(%arg8 : memref<16x128xi32, #tpu.memory_space<vmem>>) target_semaphore(%run_scoped3A : memref<!tpu.dma_semaphore, #tpu.memory_space<semaphore_mem>>)
        %dma_wait3A_67 = arith.constant 0 : i32
        %dma_wait3A_68 = tpu.memref_slice %arg4[%add3A_45, %dma_wait3A_67] : memref<2560x128xi32, #tpu.memory_space<hbm>> -> memref<16x128xi32, #tpu.memory_space<hbm>>
        %dma_wait3A_69 = arith.constant 0 : i32
        %dma_wait3A_70 = tpu.memref_slice %arg4[%add3A_45, %dma_wait3A_69] : memref<2560x128xi32, #tpu.memory_space<hbm>> -> memref<16x128xi32, #tpu.memory_space<hbm>>
        tpu.wait_dma2 semaphore(%run_scoped3A : memref<!tpu.dma_semaphore, #tpu.memory_space<semaphore_mem>>) src(%dma_wait3A_70 : memref<16x128xi32, #tpu.memory_space<hbm>>) dst(%arg8 : memref<16x128xi32, #tpu.memory_space<vmem>>)
        tpu.yield
      }) : () -> ()
      %dma_start3A = arith.constant 0 : i32
      %dma_start3A_46 = arith.constant 0 : i32
      %dma_start3A_47 = tpu.memref_slice %arg7[%dma_start3A, %dma_start3A_46] : memref<16x128xi32, #tpu.memory_space<vmem>> -> memref<1x128xi32, #tpu.memory_space<vmem>>
      %dma_start3A_48 = tpu.memref_squeeze %dma_start3A_47 : memref<1x128xi32, #tpu.memory_space<vmem>> -> memref<128xi32, #tpu.memory_space<vmem>>
      %dma_start3A_49 = arith.constant 0 : i32
      %dma_start3A_50 = arith.constant 0 : i32
      %dma_start3A_51 = tpu.memref_slice %arg2[%dma_start3A_49, %dma_start3A_50] : memref<10240x128xf32, #tpu.memory_space<hbm>> -> memref<10240x128xf32, #tpu.memory_space<hbm>>
      tpu.enqueue_indirect_dma source(%dma_start3A_51 : memref<10240x128xf32, #tpu.memory_space<hbm>>) target(%arg9 : memref<128x128xf32, #tpu.memory_space<vmem>>) offsets(%dma_start3A_48 : memref<128xi32, #tpu.memory_space<vmem>>) semaphore(%arg12 : memref<!tpu.dma_semaphore, #tpu.memory_space<semaphore_mem>>)
      %scan3A_52 = arith.constant 0 : i32
      %scan3A_53 = arith.constant 8 : i32
      %scan3A_54 = arith.addi %scan3A_52, %scan3A_53 : i32
      %scan3A_55 = arith.constant 1 : i32
      scf.for %scan3A_63 = %scan3A_52 to %scan3A_54 step %scan3A_55  : i32 {
        %mul3A_64 = arith.constant 1 : i32
        %mul3A_65 = arith.muli %scan3A_63, %mul3A_64 : i32
        %add3A_66 = arith.constant 0 : i32
        %add3A_67 = arith.addi %add3A_66, %mul3A_65 : i32
        %mul3A_68 = arith.constant 2 : i32
        %mul3A_69 = arith.muli %mul3A_68, %add3A_67 : i32
        %mul3A_70 = arith.constant 2 : i32
        %mul3A_71 = arith.muli %mul3A_70, %add3A_67 : i32
        %add3A_72 = arith.constant 1 : i32
        %add3A_73 = arith.addi %mul3A_71, %add3A_72 : i32
        %dma_wait3A_74 = arith.constant 0 : i32
        %dma_wait3A_75 = tpu.memref_slice %arg7[%mul3A_69, %dma_wait3A_74] : memref<16x128xi32, #tpu.memory_space<vmem>> -> memref<1x128xi32, #tpu.memory_space<vmem>>
        %dma_wait3A_76 = tpu.memref_squeeze %dma_wait3A_75 : memref<1x128xi32, #tpu.memory_space<vmem>> -> memref<128xi32, #tpu.memory_space<vmem>>
        %dma_wait3A_77 = arith.constant 0 : i32
        %dma_wait3A_78 = arith.constant 0 : i32
        %dma_wait3A_79 = tpu.memref_slice %arg2[%dma_wait3A_77, %dma_wait3A_78] : memref<10240x128xf32, #tpu.memory_space<hbm>> -> memref<10240x128xf32, #tpu.memory_space<hbm>>
        tpu.wait_indirect_dma semaphore(%arg12 : memref<!tpu.dma_semaphore, #tpu.memory_space<semaphore_mem>>) src(%dma_wait3A_79 : memref<10240x128xf32, #tpu.memory_space<hbm>>) dst(%arg9 : memref<128x128xf32, #tpu.memory_space<vmem>>)
        %dma_start3A_80 = arith.constant 0 : i32
        %dma_start3A_81 = tpu.memref_slice %arg8[%mul3A_69, %dma_start3A_80] : memref<16x128xi32, #tpu.memory_space<vmem>> -> memref<1x128xi32, #tpu.memory_space<vmem>>
        %dma_start3A_82 = tpu.memref_squeeze %dma_start3A_81 : memref<1x128xi32, #tpu.memory_space<vmem>> -> memref<128xi32, #tpu.memory_space<vmem>>
        %dma_start3A_83 = arith.constant 0 : i32
        %dma_start3A_84 = arith.constant 0 : i32
        %dma_start3A_85 = tpu.memref_slice %arg11[%dma_start3A_83, %dma_start3A_84] : memref<10240x128xf32, #tpu.memory_space<vmem_shared>> -> memref<10240x128xf32, #tpu.memory_space<vmem_shared>>
        tpu.enqueue_indirect_dma source(%arg9 : memref<128x128xf32, #tpu.memory_space<vmem>>) target(%dma_start3A_85 : memref<10240x128xf32, #tpu.memory_space<vmem_shared>>) offsets(%dma_start3A_82 : memref<128xi32, #tpu.memory_space<vmem>>) semaphore(%arg14 : memref<!tpu.dma_semaphore, #tpu.memory_space<semaphore_mem>>) {add = true}
        %gt3A = arith.constant 0 : i32
        %gt3A_86 = arith.cmpi sgt, %add3A_67, %gt3A : i32
        %convert_element_type3A = arith.extui %gt3A_86 : i1 to i32
        %cond3A = arith.constant 0 : i32
        %cond3A_87 = arith.cmpi ne, %convert_element_type3A, %cond3A : i32
        scf.if %cond3A_87 {
          %dma_wait3A_116 = arith.constant 0 : i32
          %dma_wait3A_117 = tpu.memref_slice %arg8[%add3A_73, %dma_wait3A_116] : memref<16x128xi32, #tpu.memory_space<vmem>> -> memref<1x128xi32, #tpu.memory_space<vmem>>
          %dma_wait3A_118 = tpu.memref_squeeze %dma_wait3A_117 : memref<1x128xi32, #tpu.memory_space<vmem>> -> memref<128xi32, #tpu.memory_space<vmem>>
          %dma_wait3A_119 = arith.constant 0 : i32
          %dma_wait3A_120 = arith.constant 0 : i32
          %dma_wait3A_121 = tpu.memref_slice %arg11[%dma_wait3A_119, %dma_wait3A_120] : memref<10240x128xf32, #tpu.memory_space<vmem_shared>> -> memref<10240x128xf32, #tpu.memory_space<vmem_shared>>
          tpu.wait_indirect_dma semaphore(%arg15 : memref<!tpu.dma_semaphore, #tpu.memory_space<semaphore_mem>>) src(%arg10 : memref<128x128xf32, #tpu.memory_space<vmem>>) dst(%dma_wait3A_121 : memref<10240x128xf32, #tpu.memory_space<vmem_shared>>)
        } else {
        }
        %dma_start3A_88 = arith.constant 0 : i32
        %dma_start3A_89 = tpu.memref_slice %arg7[%add3A_73, %dma_start3A_88] : memref<16x128xi32, #tpu.memory_space<vmem>> -> memref<1x128xi32, #tpu.memory_space<vmem>>
        %dma_start3A_90 = tpu.memref_squeeze %dma_start3A_89 : memref<1x128xi32, #tpu.memory_space<vmem>> -> memref<128xi32, #tpu.memory_space<vmem>>
        %dma_start3A_91 = arith.constant 0 : i32
        %dma_start3A_92 = arith.constant 0 : i32
        %dma_start3A_93 = tpu.memref_slice %arg2[%dma_start3A_91, %dma_start3A_92] : memref<10240x128xf32, #tpu.memory_space<hbm>> -> memref<10240x128xf32, #tpu.memory_space<hbm>>
        tpu.enqueue_indirect_dma source(%dma_start3A_93 : memref<10240x128xf32, #tpu.memory_space<hbm>>) target(%arg10 : memref<128x128xf32, #tpu.memory_space<vmem>>) offsets(%dma_start3A_90 : memref<128xi32, #tpu.memory_space<vmem>>) semaphore(%arg13 : memref<!tpu.dma_semaphore, #tpu.memory_space<semaphore_mem>>)
        %dma_wait3A_94 = arith.constant 0 : i32
        %dma_wait3A_95 = tpu.memref_slice %arg7[%add3A_73, %dma_wait3A_94] : memref<16x128xi32, #tpu.memory_space<vmem>> -> memref<1x128xi32, #tpu.memory_space<vmem>>
        %dma_wait3A_96 = tpu.memref_squeeze %dma_wait3A_95 : memref<1x128xi32, #tpu.memory_space<vmem>> -> memref<128xi32, #tpu.memory_space<vmem>>
        %dma_wait3A_97 = arith.constant 0 : i32
        %dma_wait3A_98 = arith.constant 0 : i32
        %dma_wait3A_99 = tpu.memref_slice %arg2[%dma_wait3A_97, %dma_wait3A_98] : memref<10240x128xf32, #tpu.memory_space<hbm>> -> memref<10240x128xf32, #tpu.memory_space<hbm>>
        tpu.wait_indirect_dma semaphore(%arg13 : memref<!tpu.dma_semaphore, #tpu.memory_space<semaphore_mem>>) src(%dma_wait3A_99 : memref<10240x128xf32, #tpu.memory_space<hbm>>) dst(%arg10 : memref<128x128xf32, #tpu.memory_space<vmem>>)
        %dma_start3A_100 = arith.constant 0 : i32
        %dma_start3A_101 = tpu.memref_slice %arg8[%add3A_73, %dma_start3A_100] : memref<16x128xi32, #tpu.memory_space<vmem>> -> memref<1x128xi32, #tpu.memory_space<vmem>>
        %dma_start3A_102 = tpu.memref_squeeze %dma_start3A_101 : memref<1x128xi32, #tpu.memory_space<vmem>> -> memref<128xi32, #tpu.memory_space<vmem>>
        %dma_start3A_103 = arith.constant 0 : i32
        %dma_start3A_104 = arith.constant 0 : i32
        %dma_start3A_105 = tpu.memref_slice %arg11[%dma_start3A_103, %dma_start3A_104] : memref<10240x128xf32, #tpu.memory_space<vmem_shared>> -> memref<10240x128xf32, #tpu.memory_space<vmem_shared>>
        tpu.enqueue_indirect_dma source(%arg10 : memref<128x128xf32, #tpu.memory_space<vmem>>) target(%dma_start3A_105 : memref<10240x128xf32, #tpu.memory_space<vmem_shared>>) offsets(%dma_start3A_102 : memref<128xi32, #tpu.memory_space<vmem>>) semaphore(%arg15 : memref<!tpu.dma_semaphore, #tpu.memory_space<semaphore_mem>>) {add = true}
        %dma_wait3A_106 = arith.constant 0 : i32
        %dma_wait3A_107 = tpu.memref_slice %arg8[%mul3A_69, %dma_wait3A_106] : memref<16x128xi32, #tpu.memory_space<vmem>> -> memref<1x128xi32, #tpu.memory_space<vmem>>
        %dma_wait3A_108 = tpu.memref_squeeze %dma_wait3A_107 : memref<1x128xi32, #tpu.memory_space<vmem>> -> memref<128xi32, #tpu.memory_space<vmem>>
        %dma_wait3A_109 = arith.constant 0 : i32
        %dma_wait3A_110 = arith.constant 0 : i32
        %dma_wait3A_111 = tpu.memref_slice %arg11[%dma_wait3A_109, %dma_wait3A_110] : memref<10240x128xf32, #tpu.memory_space<vmem_shared>> -> memref<10240x128xf32, #tpu.memory_space<vmem_shared>>
        tpu.wait_indirect_dma semaphore(%arg14 : memref<!tpu.dma_semaphore, #tpu.memory_space<semaphore_mem>>) src(%arg9 : memref<128x128xf32, #tpu.memory_space<vmem>>) dst(%dma_wait3A_111 : memref<10240x128xf32, #tpu.memory_space<vmem_shared>>)
        %lt3A = arith.constant 7 : i32
        %lt3A_112 = arith.cmpi slt, %add3A_67, %lt3A : i32
        %convert_element_type3A_113 = arith.extui %lt3A_112 : i1 to i32
        %cond3A_114 = arith.constant 0 : i32
        %cond3A_115 = arith.cmpi ne, %convert_element_type3A_113, %cond3A_114 : i32
        scf.if %cond3A_115 {
          %add3A_116 = arith.constant 2 : i32
          %add3A_117 = arith.addi %mul3A_69, %add3A_116 : i32
          %dma_start3A_118 = arith.constant 0 : i32
          %dma_start3A_119 = tpu.memref_slice %arg7[%add3A_117, %dma_start3A_118] : memref<16x128xi32, #tpu.memory_space<vmem>> -> memref<1x128xi32, #tpu.memory_space<vmem>>
          %dma_start3A_120 = tpu.memref_squeeze %dma_start3A_119 : memref<1x128xi32, #tpu.memory_space<vmem>> -> memref<128xi32, #tpu.memory_space<vmem>>
          %dma_start3A_121 = arith.constant 0 : i32
          %dma_start3A_122 = arith.constant 0 : i32
          %dma_start3A_123 = tpu.memref_slice %arg2[%dma_start3A_121, %dma_start3A_122] : memref<10240x128xf32, #tpu.memory_space<hbm>> -> memref<10240x128xf32, #tpu.memory_space<hbm>>
          tpu.enqueue_indirect_dma source(%dma_start3A_123 : memref<10240x128xf32, #tpu.memory_space<hbm>>) target(%arg9 : memref<128x128xf32, #tpu.memory_space<vmem>>) offsets(%dma_start3A_120 : memref<128xi32, #tpu.memory_space<vmem>>) semaphore(%arg12 : memref<!tpu.dma_semaphore, #tpu.memory_space<semaphore_mem>>)
        } else {
        }
      }
      %scan3A_56 = arith.constant 8 : i32
      %dma_wait3A = arith.constant 15 : i32
      %dma_wait3A_57 = arith.constant 0 : i32
      %dma_wait3A_58 = tpu.memref_slice %arg8[%dma_wait3A, %dma_wait3A_57] : memref<16x128xi32, #tpu.memory_space<vmem>> -> memref<1x128xi32, #tpu.memory_space<vmem>>
      %dma_wait3A_59 = tpu.memref_squeeze %dma_wait3A_58 : memref<1x128xi32, #tpu.memory_space<vmem>> -> memref<128xi32, #tpu.memory_space<vmem>>
      %dma_wait3A_60 = arith.constant 0 : i32
      %dma_wait3A_61 = arith.constant 0 : i32
      %dma_wait3A_62 = tpu.memref_slice %arg11[%dma_wait3A_60, %dma_wait3A_61] : memref<10240x128xf32, #tpu.memory_space<vmem_shared>> -> memref<10240x128xf32, #tpu.memory_space<vmem_shared>>
      tpu.wait_indirect_dma semaphore(%arg15 : memref<!tpu.dma_semaphore, #tpu.memory_space<semaphore_mem>>) src(%arg10 : memref<128x128xf32, #tpu.memory_space<vmem>>) dst(%dma_wait3A_62 : memref<10240x128xf32, #tpu.memory_space<vmem_shared>>)
    }
    %barrier3A_31 = arith.constant 0 : index
    tpu.barrier barrier_id(%barrier3A_31)
    %mul3A_32 = arith.constant 10240 : i32
    %mul3A_33 = arith.muli %arg0, %mul3A_32 : i32
    %add3A_34 = arith.addi %mul3A_33, %mul3A_0 : i32
    %scan3A_35 = arith.constant 0 : i32
    %scan3A_36 = arith.constant 5 : i32
    %scan3A_37 = arith.addi %scan3A_35, %scan3A_36 : i32
    %scan3A_38 = arith.constant 1 : i32
    scf.for %scan3A_40 = %scan3A_35 to %scan3A_37 step %scan3A_38  : i32 {
      %mul3A_41 = arith.constant 1 : i32
      %mul3A_42 = arith.muli %scan3A_40, %mul3A_41 : i32
      %add3A_43 = arith.constant 0 : i32
      %add3A_44 = arith.addi %add3A_43, %mul3A_42 : i32
      %mul3A_45 = arith.constant 128 : i32
      %mul3A_46 = arith.muli %add3A_44, %mul3A_45 : i32
      %add3A_47 = arith.addi %mul3A_0, %mul3A_46 : i32
      "tpu.region"() ({
        %run_scoped3A = tpu.sem_alloc : memref<!tpu.dma_semaphore, #tpu.memory_space<semaphore_mem>>
        %dma_start3A = arith.constant 0 : i32
        %dma_start3A_51 = tpu.memref_slice %arg11[%add3A_47, %dma_start3A] : memref<10240x128xf32, #tpu.memory_space<vmem_shared>> -> memref<128x128xf32, #tpu.memory_space<vmem_shared>>
        %dma_start3A_52 = arith.constant 0 : i32
        %dma_start3A_53 = tpu.memref_slice %arg11[%add3A_47, %dma_start3A_52] : memref<10240x128xf32, #tpu.memory_space<vmem_shared>> -> memref<128x128xf32, #tpu.memory_space<vmem_shared>>
        tpu.enqueue_dma source(%dma_start3A_53 : memref<128x128xf32, #tpu.memory_space<vmem_shared>>) target(%arg9 : memref<128x128xf32, #tpu.memory_space<vmem>>) target_semaphore(%run_scoped3A : memref<!tpu.dma_semaphore, #tpu.memory_space<semaphore_mem>>)
        %dma_wait3A = arith.constant 0 : i32
        %dma_wait3A_54 = tpu.memref_slice %arg11[%add3A_47, %dma_wait3A] : memref<10240x128xf32, #tpu.memory_space<vmem_shared>> -> memref<128x128xf32, #tpu.memory_space<vmem_shared>>
        %dma_wait3A_55 = arith.constant 0 : i32
        %dma_wait3A_56 = tpu.memref_slice %arg11[%add3A_47, %dma_wait3A_55] : memref<10240x128xf32, #tpu.memory_space<vmem_shared>> -> memref<128x128xf32, #tpu.memory_space<vmem_shared>>
        tpu.wait_dma2 semaphore(%run_scoped3A : memref<!tpu.dma_semaphore, #tpu.memory_space<semaphore_mem>>) src(%dma_wait3A_56 : memref<128x128xf32, #tpu.memory_space<vmem_shared>>) dst(%arg9 : memref<128x128xf32, #tpu.memory_space<vmem>>)
        tpu.yield
      }) : () -> ()
      %mul3A_48 = arith.constant 128 : i32
      %mul3A_49 = arith.muli %add3A_44, %mul3A_48 : i32
      %add3A_50 = arith.addi %add3A_34, %mul3A_49 : i32
      "tpu.region"() ({
        %run_scoped3A = tpu.sem_alloc : memref<!tpu.dma_semaphore, #tpu.memory_space<semaphore_mem>>
        %dma_start3A = arith.constant 0 : i32
        %dma_start3A_51 = tpu.memref_slice %arg6[%add3A_50, %dma_start3A] : memref<20480x128xf32, #tpu.memory_space<hbm>> -> memref<128x128xf32, #tpu.memory_space<hbm>>
        %dma_start3A_52 = arith.constant 0 : i32
        %dma_start3A_53 = tpu.memref_slice %arg6[%add3A_50, %dma_start3A_52] : memref<20480x128xf32, #tpu.memory_space<hbm>> -> memref<128x128xf32, #tpu.memory_space<hbm>>
        tpu.enqueue_dma source(%arg9 : memref<128x128xf32, #tpu.memory_space<vmem>>) target(%dma_start3A_53 : memref<128x128xf32, #tpu.memory_space<hbm>>) target_semaphore(%run_scoped3A : memref<!tpu.dma_semaphore, #tpu.memory_space<semaphore_mem>>)
        %dma_wait3A = arith.constant 0 : i32
        %dma_wait3A_54 = tpu.memref_slice %arg6[%add3A_50, %dma_wait3A] : memref<20480x128xf32, #tpu.memory_space<hbm>> -> memref<128x128xf32, #tpu.memory_space<hbm>>
        %dma_wait3A_55 = arith.constant 0 : i32
        %dma_wait3A_56 = tpu.memref_slice %arg6[%add3A_50, %dma_wait3A_55] : memref<20480x128xf32, #tpu.memory_space<hbm>> -> memref<128x128xf32, #tpu.memory_space<hbm>>
        tpu.wait_dma2 semaphore(%run_scoped3A : memref<!tpu.dma_semaphore, #tpu.memory_space<semaphore_mem>>) src(%arg9 : memref<128x128xf32, #tpu.memory_space<vmem>>) dst(%dma_wait3A_56 : memref<128x128xf32, #tpu.memory_space<hbm>>)
        tpu.yield
      }) : () -> ()
    }
    %scan3A_39 = arith.constant 5 : i32
    return
  }
}

#map = affine_map<(d0, d1) -> (0, 0)>
module attributes {stable_mosaic.version = 14 : i64} {
  func.func @sc_cnt(%arg0: i32, %arg1: i32, %arg2: memref<2560x128xi32, #tpu.memory_space<hbm>>, %arg3: memref<128x16xf32, #tpu.memory_space<hbm>>, %arg4: memref<128x16xf32, #tpu.memory_space<hbm>>, %arg5: memref<20480x16xf32, #tpu.memory_space<hbm>>, %arg6: memref<40x128xi32, #tpu.memory_space<vmem>>, %arg7: memref<128x16xf32, #tpu.memory_space<vmem>>, %arg8: memref<128x16xf32, #tpu.memory_space<vmem>>, %arg9: memref<10240x16xf32, #tpu.memory_space<vmem_shared>>) attributes {dimension_semantics = [#tpu.dimension_semantics<core_parallel>, #tpu.dimension_semantics<subcore_parallel>], iteration_bounds = array<i64: 2, 16>, scalar_prefetch = 0 : i64, scratch_operands = 4 : i64, tpu.core_type = #tpu.core_type<sc_vector_subcore>, window_params = [{transform_indices = #map}, {transform_indices = #map}, {transform_indices = #map}, {transform_indices = #map}]} {
    %mul3A = arith.constant 2 : i32
    %mul3A_0 = arith.muli %arg1, %mul3A : i32
    %add3A = arith.addi %mul3A_0, %arg0 : i32
    %mul3A_1 = arith.constant 640 : i32
    %mul3A_2 = arith.muli %arg1, %mul3A_1 : i32
    "tpu.region"() ({
      %run_scoped3A = tpu.sem_alloc : memref<!tpu.dma_semaphore, #tpu.memory_space<semaphore_mem>>
      tpu.enqueue_dma source(%arg4 : memref<128x16xf32, #tpu.memory_space<hbm>>) target(%arg8 : memref<128x16xf32, #tpu.memory_space<vmem>>) target_semaphore(%run_scoped3A : memref<!tpu.dma_semaphore, #tpu.memory_space<semaphore_mem>>)
      tpu.wait_dma2 semaphore(%run_scoped3A : memref<!tpu.dma_semaphore, #tpu.memory_space<semaphore_mem>>) src(%arg4 : memref<128x16xf32, #tpu.memory_space<hbm>>) dst(%arg8 : memref<128x16xf32, #tpu.memory_space<vmem>>)
      tpu.yield
    }) : () -> ()
    %scan3A = arith.constant 0 : i32
    %scan3A_3 = arith.constant 5 : i32
    %scan3A_4 = arith.addi %scan3A, %scan3A_3 : i32
    %scan3A_5 = arith.constant 1 : i32
    scf.for %scan3A_23 = %scan3A to %scan3A_4 step %scan3A_5  : i32 {
      %mul3A_24 = arith.constant 1 : i32
      %mul3A_25 = arith.muli %scan3A_23, %mul3A_24 : i32
      %add3A_26 = arith.constant 0 : i32
      %add3A_27 = arith.addi %add3A_26, %mul3A_25 : i32
      %mul3A_28 = arith.constant 128 : i32
      %mul3A_29 = arith.muli %add3A_27, %mul3A_28 : i32
      %add3A_30 = arith.addi %mul3A_2, %mul3A_29 : i32
      "tpu.region"() ({
        %run_scoped3A = tpu.sem_alloc : memref<!tpu.dma_semaphore, #tpu.memory_space<semaphore_mem>>
        %dma_start3A = arith.constant 0 : i32
        %dma_start3A_31 = tpu.memref_slice %arg9[%add3A_30, %dma_start3A] : memref<10240x16xf32, #tpu.memory_space<vmem_shared>> -> memref<128x16xf32, #tpu.memory_space<vmem_shared>>
        %dma_start3A_32 = arith.constant 0 : i32
        %dma_start3A_33 = tpu.memref_slice %arg9[%add3A_30, %dma_start3A_32] : memref<10240x16xf32, #tpu.memory_space<vmem_shared>> -> memref<128x16xf32, #tpu.memory_space<vmem_shared>>
        tpu.enqueue_dma source(%arg8 : memref<128x16xf32, #tpu.memory_space<vmem>>) target(%dma_start3A_33 : memref<128x16xf32, #tpu.memory_space<vmem_shared>>) target_semaphore(%run_scoped3A : memref<!tpu.dma_semaphore, #tpu.memory_space<semaphore_mem>>)
        %dma_wait3A = arith.constant 0 : i32
        %dma_wait3A_34 = tpu.memref_slice %arg9[%add3A_30, %dma_wait3A] : memref<10240x16xf32, #tpu.memory_space<vmem_shared>> -> memref<128x16xf32, #tpu.memory_space<vmem_shared>>
        %dma_wait3A_35 = arith.constant 0 : i32
        %dma_wait3A_36 = tpu.memref_slice %arg9[%add3A_30, %dma_wait3A_35] : memref<10240x16xf32, #tpu.memory_space<vmem_shared>> -> memref<128x16xf32, #tpu.memory_space<vmem_shared>>
        tpu.wait_dma2 semaphore(%run_scoped3A : memref<!tpu.dma_semaphore, #tpu.memory_space<semaphore_mem>>) src(%arg8 : memref<128x16xf32, #tpu.memory_space<vmem>>) dst(%dma_wait3A_36 : memref<128x16xf32, #tpu.memory_space<vmem_shared>>)
        tpu.yield
      }) : () -> ()
    }
    %scan3A_6 = arith.constant 5 : i32
    "tpu.region"() ({
      %run_scoped3A = tpu.sem_alloc : memref<!tpu.dma_semaphore, #tpu.memory_space<semaphore_mem>>
      tpu.enqueue_dma source(%arg3 : memref<128x16xf32, #tpu.memory_space<hbm>>) target(%arg7 : memref<128x16xf32, #tpu.memory_space<vmem>>) target_semaphore(%run_scoped3A : memref<!tpu.dma_semaphore, #tpu.memory_space<semaphore_mem>>)
      tpu.wait_dma2 semaphore(%run_scoped3A : memref<!tpu.dma_semaphore, #tpu.memory_space<semaphore_mem>>) src(%arg3 : memref<128x16xf32, #tpu.memory_space<hbm>>) dst(%arg7 : memref<128x16xf32, #tpu.memory_space<vmem>>)
      tpu.yield
    }) : () -> ()
    %mul3A_7 = arith.constant 80 : i32
    %mul3A_8 = arith.muli %add3A, %mul3A_7 : i32
    %barrier3A = arith.constant 0 : index
    tpu.barrier barrier_id(%barrier3A)
    %scan3A_9 = arith.constant 0 : i32
    %scan3A_10 = arith.constant 2 : i32
    %scan3A_11 = arith.addi %scan3A_9, %scan3A_10 : i32
    %scan3A_12 = arith.constant 1 : i32
    scf.for %scan3A_23 = %scan3A_9 to %scan3A_11 step %scan3A_12  : i32 {
      %mul3A_24 = arith.constant 1 : i32
      %mul3A_25 = arith.muli %scan3A_23, %mul3A_24 : i32
      %add3A_26 = arith.constant 0 : i32
      %add3A_27 = arith.addi %add3A_26, %mul3A_25 : i32
      %mul3A_28 = arith.constant 40 : i32
      %mul3A_29 = arith.muli %add3A_27, %mul3A_28 : i32
      %add3A_30 = arith.addi %mul3A_8, %mul3A_29 : i32
      "tpu.region"() ({
        %run_scoped3A = tpu.sem_alloc : memref<!tpu.dma_semaphore, #tpu.memory_space<semaphore_mem>>
        %dma_start3A = arith.constant 0 : i32
        %dma_start3A_36 = tpu.memref_slice %arg2[%add3A_30, %dma_start3A] : memref<2560x128xi32, #tpu.memory_space<hbm>> -> memref<40x128xi32, #tpu.memory_space<hbm>>
        %dma_start3A_37 = arith.constant 0 : i32
        %dma_start3A_38 = tpu.memref_slice %arg2[%add3A_30, %dma_start3A_37] : memref<2560x128xi32, #tpu.memory_space<hbm>> -> memref<40x128xi32, #tpu.memory_space<hbm>>
        tpu.enqueue_dma source(%dma_start3A_38 : memref<40x128xi32, #tpu.memory_space<hbm>>) target(%arg6 : memref<40x128xi32, #tpu.memory_space<vmem>>) target_semaphore(%run_scoped3A : memref<!tpu.dma_semaphore, #tpu.memory_space<semaphore_mem>>)
        %dma_wait3A = arith.constant 0 : i32
        %dma_wait3A_39 = tpu.memref_slice %arg2[%add3A_30, %dma_wait3A] : memref<2560x128xi32, #tpu.memory_space<hbm>> -> memref<40x128xi32, #tpu.memory_space<hbm>>
        %dma_wait3A_40 = arith.constant 0 : i32
        %dma_wait3A_41 = tpu.memref_slice %arg2[%add3A_30, %dma_wait3A_40] : memref<2560x128xi32, #tpu.memory_space<hbm>> -> memref<40x128xi32, #tpu.memory_space<hbm>>
        tpu.wait_dma2 semaphore(%run_scoped3A : memref<!tpu.dma_semaphore, #tpu.memory_space<semaphore_mem>>) src(%dma_wait3A_41 : memref<40x128xi32, #tpu.memory_space<hbm>>) dst(%arg6 : memref<40x128xi32, #tpu.memory_space<vmem>>)
        tpu.yield
      }) : () -> ()
      %scan3A_31 = arith.constant 0 : i32
      %scan3A_32 = arith.constant 40 : i32
      %scan3A_33 = arith.addi %scan3A_31, %scan3A_32 : i32
      %scan3A_34 = arith.constant 1 : i32
      scf.for %scan3A_36 = %scan3A_31 to %scan3A_33 step %scan3A_34  : i32 {
        %mul3A_37 = arith.constant 1 : i32
        %mul3A_38 = arith.muli %scan3A_36, %mul3A_37 : i32
        %add3A_39 = arith.constant 0 : i32
        %add3A_40 = arith.addi %add3A_39, %mul3A_38 : i32
        "tpu.region"() ({
          %run_scoped3A = tpu.sem_alloc : memref<!tpu.dma_semaphore, #tpu.memory_space<semaphore_mem>>
          %dma_start3A = arith.constant 0 : i32
          %dma_start3A_41 = tpu.memref_slice %arg6[%add3A_40, %dma_start3A] : memref<40x128xi32, #tpu.memory_space<vmem>> -> memref<1x128xi32, #tpu.memory_space<vmem>>
          %dma_start3A_42 = tpu.memref_squeeze %dma_start3A_41 : memref<1x128xi32, #tpu.memory_space<vmem>> -> memref<128xi32, #tpu.memory_space<vmem>>
          %dma_start3A_43 = arith.constant 0 : i32
          %dma_start3A_44 = arith.constant 0 : i32
          %dma_start3A_45 = tpu.memref_slice %arg9[%dma_start3A_43, %dma_start3A_44] : memref<10240x16xf32, #tpu.memory_space<vmem_shared>> -> memref<10240x16xf32, #tpu.memory_space<vmem_shared>>
          tpu.enqueue_indirect_dma source(%arg7 : memref<128x16xf32, #tpu.memory_space<vmem>>) target(%dma_start3A_45 : memref<10240x16xf32, #tpu.memory_space<vmem_shared>>) offsets(%dma_start3A_42 : memref<128xi32, #tpu.memory_space<vmem>>) semaphore(%run_scoped3A : memref<!tpu.dma_semaphore, #tpu.memory_space<semaphore_mem>>) {add = true}
          %dma_wait3A = arith.constant 0 : i32
          %dma_wait3A_46 = tpu.memref_slice %arg6[%add3A_40, %dma_wait3A] : memref<40x128xi32, #tpu.memory_space<vmem>> -> memref<1x128xi32, #tpu.memory_space<vmem>>
          %dma_wait3A_47 = tpu.memref_squeeze %dma_wait3A_46 : memref<1x128xi32, #tpu.memory_space<vmem>> -> memref<128xi32, #tpu.memory_space<vmem>>
          %dma_wait3A_48 = arith.constant 0 : i32
          %dma_wait3A_49 = arith.constant 0 : i32
          %dma_wait3A_50 = tpu.memref_slice %arg9[%dma_wait3A_48, %dma_wait3A_49] : memref<10240x16xf32, #tpu.memory_space<vmem_shared>> -> memref<10240x16xf32, #tpu.memory_space<vmem_shared>>
          tpu.wait_indirect_dma semaphore(%run_scoped3A : memref<!tpu.dma_semaphore, #tpu.memory_space<semaphore_mem>>) src(%arg7 : memref<128x16xf32, #tpu.memory_space<vmem>>) dst(%dma_wait3A_50 : memref<10240x16xf32, #tpu.memory_space<vmem_shared>>)
          tpu.yield
        }) : () -> ()
      }
      %scan3A_35 = arith.constant 40 : i32
    }
    %scan3A_13 = arith.constant 2 : i32
    %barrier3A_14 = arith.constant 0 : index
    tpu.barrier barrier_id(%barrier3A_14)
    %mul3A_15 = arith.constant 10240 : i32
    %mul3A_16 = arith.muli %arg0, %mul3A_15 : i32
    %add3A_17 = arith.addi %mul3A_16, %mul3A_2 : i32
    %scan3A_18 = arith.constant 0 : i32
    %scan3A_19 = arith.constant 5 : i32
    %scan3A_20 = arith.addi %scan3A_18, %scan3A_19 : i32
    %scan3A_21 = arith.constant 1 : i32
    scf.for %scan3A_23 = %scan3A_18 to %scan3A_20 step %scan3A_21  : i32 {
      %mul3A_24 = arith.constant 1 : i32
      %mul3A_25 = arith.muli %scan3A_23, %mul3A_24 : i32
      %add3A_26 = arith.constant 0 : i32
      %add3A_27 = arith.addi %add3A_26, %mul3A_25 : i32
      %mul3A_28 = arith.constant 128 : i32
      %mul3A_29 = arith.muli %add3A_27, %mul3A_28 : i32
      %add3A_30 = arith.addi %mul3A_2, %mul3A_29 : i32
      "tpu.region"() ({
        %run_scoped3A = tpu.sem_alloc : memref<!tpu.dma_semaphore, #tpu.memory_space<semaphore_mem>>
        %dma_start3A = arith.constant 0 : i32
        %dma_start3A_34 = tpu.memref_slice %arg9[%add3A_30, %dma_start3A] : memref<10240x16xf32, #tpu.memory_space<vmem_shared>> -> memref<128x16xf32, #tpu.memory_space<vmem_shared>>
        %dma_start3A_35 = arith.constant 0 : i32
        %dma_start3A_36 = tpu.memref_slice %arg9[%add3A_30, %dma_start3A_35] : memref<10240x16xf32, #tpu.memory_space<vmem_shared>> -> memref<128x16xf32, #tpu.memory_space<vmem_shared>>
        tpu.enqueue_dma source(%dma_start3A_36 : memref<128x16xf32, #tpu.memory_space<vmem_shared>>) target(%arg8 : memref<128x16xf32, #tpu.memory_space<vmem>>) target_semaphore(%run_scoped3A : memref<!tpu.dma_semaphore, #tpu.memory_space<semaphore_mem>>)
        %dma_wait3A = arith.constant 0 : i32
        %dma_wait3A_37 = tpu.memref_slice %arg9[%add3A_30, %dma_wait3A] : memref<10240x16xf32, #tpu.memory_space<vmem_shared>> -> memref<128x16xf32, #tpu.memory_space<vmem_shared>>
        %dma_wait3A_38 = arith.constant 0 : i32
        %dma_wait3A_39 = tpu.memref_slice %arg9[%add3A_30, %dma_wait3A_38] : memref<10240x16xf32, #tpu.memory_space<vmem_shared>> -> memref<128x16xf32, #tpu.memory_space<vmem_shared>>
        tpu.wait_dma2 semaphore(%run_scoped3A : memref<!tpu.dma_semaphore, #tpu.memory_space<semaphore_mem>>) src(%dma_wait3A_39 : memref<128x16xf32, #tpu.memory_space<vmem_shared>>) dst(%arg8 : memref<128x16xf32, #tpu.memory_space<vmem>>)
        tpu.yield
      }) : () -> ()
      %mul3A_31 = arith.constant 128 : i32
      %mul3A_32 = arith.muli %add3A_27, %mul3A_31 : i32
      %add3A_33 = arith.addi %add3A_17, %mul3A_32 : i32
      "tpu.region"() ({
        %run_scoped3A = tpu.sem_alloc : memref<!tpu.dma_semaphore, #tpu.memory_space<semaphore_mem>>
        %dma_start3A = arith.constant 0 : i32
        %dma_start3A_34 = tpu.memref_slice %arg5[%add3A_33, %dma_start3A] : memref<20480x16xf32, #tpu.memory_space<hbm>> -> memref<128x16xf32, #tpu.memory_space<hbm>>
        %dma_start3A_35 = arith.constant 0 : i32
        %dma_start3A_36 = tpu.memref_slice %arg5[%add3A_33, %dma_start3A_35] : memref<20480x16xf32, #tpu.memory_space<hbm>> -> memref<128x16xf32, #tpu.memory_space<hbm>>
        tpu.enqueue_dma source(%arg8 : memref<128x16xf32, #tpu.memory_space<vmem>>) target(%dma_start3A_36 : memref<128x16xf32, #tpu.memory_space<hbm>>) target_semaphore(%run_scoped3A : memref<!tpu.dma_semaphore, #tpu.memory_space<semaphore_mem>>)
        %dma_wait3A = arith.constant 0 : i32
        %dma_wait3A_37 = tpu.memref_slice %arg5[%add3A_33, %dma_wait3A] : memref<20480x16xf32, #tpu.memory_space<hbm>> -> memref<128x16xf32, #tpu.memory_space<hbm>>
        %dma_wait3A_38 = arith.constant 0 : i32
        %dma_wait3A_39 = tpu.memref_slice %arg5[%add3A_33, %dma_wait3A_38] : memref<20480x16xf32, #tpu.memory_space<hbm>> -> memref<128x16xf32, #tpu.memory_space<hbm>>
        tpu.wait_dma2 semaphore(%run_scoped3A : memref<!tpu.dma_semaphore, #tpu.memory_space<semaphore_mem>>) src(%arg8 : memref<128x16xf32, #tpu.memory_space<vmem>>) dst(%dma_wait3A_39 : memref<128x16xf32, #tpu.memory_space<hbm>>)
        tpu.yield
      }) : () -> ()
    }
    %scan3A_22 = arith.constant 5 : i32
    return
  }
}

#map = affine_map<(d0, d1) -> (0, 0)>
module attributes {stable_mosaic.version = 14 : i64} {
  func.func @sc_agg(%arg0: i32, %arg1: i32, %arg2: memref<10240x128xf32, #tpu.memory_space<hbm>>, %arg3: memref<2560x128xi32, #tpu.memory_space<hbm>>, %arg4: memref<2560x128xi32, #tpu.memory_space<hbm>>, %arg5: memref<128x128xf32, #tpu.memory_space<hbm>>, %arg6: memref<20480x128xf32, #tpu.memory_space<hbm>>, %arg7: memref<16x128xi32, #tpu.memory_space<vmem>>, %arg8: memref<16x128xi32, #tpu.memory_space<vmem>>, %arg9: memref<128x128xf32, #tpu.memory_space<vmem>>, %arg10: memref<128x128xf32, #tpu.memory_space<vmem>>, %arg11: memref<10240x128xf32, #tpu.memory_space<vmem_shared>>, %arg12: memref<!tpu.dma_semaphore, #tpu.memory_space<semaphore_mem>>, %arg13: memref<!tpu.dma_semaphore, #tpu.memory_space<semaphore_mem>>, %arg14: memref<!tpu.dma_semaphore, #tpu.memory_space<semaphore_mem>>, %arg15: memref<!tpu.dma_semaphore, #tpu.memory_space<semaphore_mem>>) attributes {dimension_semantics = [#tpu.dimension_semantics<core_parallel>, #tpu.dimension_semantics<subcore_parallel>], iteration_bounds = array<i64: 2, 16>, scalar_prefetch = 0 : i64, scratch_operands = 9 : i64, tpu.core_type = #tpu.core_type<sc_vector_subcore>, window_params = [{transform_indices = #map}, {transform_indices = #map}, {transform_indices = #map}, {transform_indices = #map}, {transform_indices = #map}]} {
    %mul3A = arith.constant 640 : i32
    %mul3A_0 = arith.muli %arg1, %mul3A : i32
    "tpu.region"() ({
      %run_scoped3A = tpu.sem_alloc : memref<!tpu.dma_semaphore, #tpu.memory_space<semaphore_mem>>
      tpu.enqueue_dma source(%arg5 : memref<128x128xf32, #tpu.memory_space<hbm>>) target(%arg9 : memref<128x128xf32, #tpu.memory_space<vmem>>) target_semaphore(%run_scoped3A : memref<!tpu.dma_semaphore, #tpu.memory_space<semaphore_mem>>)
      tpu.wait_dma2 semaphore(%run_scoped3A : memref<!tpu.dma_semaphore, #tpu.memory_space<semaphore_mem>>) src(%arg5 : memref<128x128xf32, #tpu.memory_space<hbm>>) dst(%arg9 : memref<128x128xf32, #tpu.memory_space<vmem>>)
      tpu.yield
    }) : () -> ()
    %scan3A = arith.constant 0 : i32
    %scan3A_1 = arith.constant 5 : i32
    %scan3A_2 = arith.addi %scan3A, %scan3A_1 : i32
    %scan3A_3 = arith.constant 1 : i32
    scf.for %scan3A_40 = %scan3A to %scan3A_2 step %scan3A_3  : i32 {
      %mul3A_41 = arith.constant 1 : i32
      %mul3A_42 = arith.muli %scan3A_40, %mul3A_41 : i32
      %add3A_43 = arith.constant 0 : i32
      %add3A_44 = arith.addi %add3A_43, %mul3A_42 : i32
      %mul3A_45 = arith.constant 128 : i32
      %mul3A_46 = arith.muli %add3A_44, %mul3A_45 : i32
      %add3A_47 = arith.addi %mul3A_0, %mul3A_46 : i32
      "tpu.region"() ({
        %run_scoped3A = tpu.sem_alloc : memref<!tpu.dma_semaphore, #tpu.memory_space<semaphore_mem>>
        %dma_start3A = arith.constant 0 : i32
        %dma_start3A_48 = tpu.memref_slice %arg11[%add3A_47, %dma_start3A] : memref<10240x128xf32, #tpu.memory_space<vmem_shared>> -> memref<128x128xf32, #tpu.memory_space<vmem_shared>>
        %dma_start3A_49 = arith.constant 0 : i32
        %dma_start3A_50 = tpu.memref_slice %arg11[%add3A_47, %dma_start3A_49] : memref<10240x128xf32, #tpu.memory_space<vmem_shared>> -> memref<128x128xf32, #tpu.memory_space<vmem_shared>>
        tpu.enqueue_dma source(%arg9 : memref<128x128xf32, #tpu.memory_space<vmem>>) target(%dma_start3A_50 : memref<128x128xf32, #tpu.memory_space<vmem_shared>>) target_semaphore(%run_scoped3A : memref<!tpu.dma_semaphore, #tpu.memory_space<semaphore_mem>>)
        %dma_wait3A = arith.constant 0 : i32
        %dma_wait3A_51 = tpu.memref_slice %arg11[%add3A_47, %dma_wait3A] : memref<10240x128xf32, #tpu.memory_space<vmem_shared>> -> memref<128x128xf32, #tpu.memory_space<vmem_shared>>
        %dma_wait3A_52 = arith.constant 0 : i32
        %dma_wait3A_53 = tpu.memref_slice %arg11[%add3A_47, %dma_wait3A_52] : memref<10240x128xf32, #tpu.memory_space<vmem_shared>> -> memref<128x128xf32, #tpu.memory_space<vmem_shared>>
        tpu.wait_dma2 semaphore(%run_scoped3A : memref<!tpu.dma_semaphore, #tpu.memory_space<semaphore_mem>>) src(%arg9 : memref<128x128xf32, #tpu.memory_space<vmem>>) dst(%dma_wait3A_53 : memref<128x128xf32, #tpu.memory_space<vmem_shared>>)
        tpu.yield
      }) : () -> ()
    }
    %scan3A_4 = arith.constant 5 : i32
    %eq3A = arith.constant 0 : i32
    %eq3A_5 = arith.cmpi eq, %arg0, %eq3A : i32
    %jit3A = arith.constant 9 : i32
    %jit3A_6 = arith.constant 1 : i32
    %select_n3A = arith.select %eq3A_5, %jit3A, %jit3A_6 : i32
    %eq3A_7 = arith.constant 0 : i32
    %eq3A_8 = arith.cmpi eq, %arg0, %eq3A_7 : i32
    %mul3A_9 = arith.constant 144 : i32
    %mul3A_10 = arith.muli %arg1, %mul3A_9 : i32
    %mul3A_11 = arith.constant 16 : i32
    %mul3A_12 = arith.muli %arg1, %mul3A_11 : i32
    %add3A = arith.constant 2304 : i32
    %add3A_13 = arith.addi %add3A, %mul3A_12 : i32
    %select_n3A_14 = arith.select %eq3A_8, %mul3A_10, %add3A_13 : i32
    %barrier3A = arith.constant 0 : index
    tpu.barrier barrier_id(%barrier3A)
    %sub3A = arith.constant 0 : i32
    %sub3A_15 = arith.subi %select_n3A, %sub3A : i32
    %sub3A_16 = arith.constant 1 : i32
    %sub3A_17 = arith.constant 1 : i32
    %sub3A_18 = arith.subi %sub3A_16, %sub3A_17 : i32
    %add3A_19 = arith.addi %sub3A_15, %sub3A_18 : i32
    %div3A = arith.constant 1 : i32
    %div3A_20 = arith.divsi %add3A_19, %div3A : i32
    %while3A = arith.constant 1 : i32
    %while3A_21 = arith.constant 0 : i32
    %while3A_22 = arith.constant 0 : i32
    %while3A_23 = arith.subi %div3A_20, %while3A_22 : i32
    %while3A_24 = arith.addi %while3A_22, %while3A_23 : i32
    %while3A_25 = arith.constant 1 : i32
    %while3A_26 = arith.divsi %while3A_23, %while3A_25 : i32
    %while3A_27 = arith.muli %while3A_26, %while3A_25 : i32
    %while3A_28 = arith.addi %while3A_22, %while3A_27 : i32
    %while3A_29 = arith.constant 1 : i32
    scf.for %while3A_40 = %while3A_22 to %while3A_28 step %while3A_29  : i32 {
      %mul3A_41 = arith.muli %while3A_40, %while3A : i32
      %add3A_42 = arith.addi %while3A_21, %mul3A_41 : i32
      %mul3A_43 = arith.constant 16 : i32
      %mul3A_44 = arith.muli %add3A_42, %mul3A_43 : i32
      %add3A_45 = arith.addi %select_n3A_14, %mul3A_44 : i32
      "tpu.region"() ({
        %run_scoped3A = tpu.sem_alloc : memref<!tpu.dma_semaphore, #tpu.memory_space<semaphore_mem>>
        %dma_start3A_63 = arith.constant 0 : i32
        %dma_start3A_64 = tpu.memref_slice %arg3[%add3A_45, %dma_start3A_63] : memref<2560x128xi32, #tpu.memory_space<hbm>> -> memref<16x128xi32, #tpu.memory_space<hbm>>
        %dma_start3A_65 = arith.constant 0 : i32
        %dma_start3A_66 = tpu.memref_slice %arg3[%add3A_45, %dma_start3A_65] : memref<2560x128xi32, #tpu.memory_space<hbm>> -> memref<16x128xi32, #tpu.memory_space<hbm>>
        tpu.enqueue_dma source(%dma_start3A_66 : memref<16x128xi32, #tpu.memory_space<hbm>>) target(%arg7 : memref<16x128xi32, #tpu.memory_space<vmem>>) target_semaphore(%run_scoped3A : memref<!tpu.dma_semaphore, #tpu.memory_space<semaphore_mem>>)
        %dma_wait3A_67 = arith.constant 0 : i32
        %dma_wait3A_68 = tpu.memref_slice %arg3[%add3A_45, %dma_wait3A_67] : memref<2560x128xi32, #tpu.memory_space<hbm>> -> memref<16x128xi32, #tpu.memory_space<hbm>>
        %dma_wait3A_69 = arith.constant 0 : i32
        %dma_wait3A_70 = tpu.memref_slice %arg3[%add3A_45, %dma_wait3A_69] : memref<2560x128xi32, #tpu.memory_space<hbm>> -> memref<16x128xi32, #tpu.memory_space<hbm>>
        tpu.wait_dma2 semaphore(%run_scoped3A : memref<!tpu.dma_semaphore, #tpu.memory_space<semaphore_mem>>) src(%dma_wait3A_70 : memref<16x128xi32, #tpu.memory_space<hbm>>) dst(%arg7 : memref<16x128xi32, #tpu.memory_space<vmem>>)
        tpu.yield
      }) : () -> ()
      "tpu.region"() ({
        %run_scoped3A = tpu.sem_alloc : memref<!tpu.dma_semaphore, #tpu.memory_space<semaphore_mem>>
        %dma_start3A_63 = arith.constant 0 : i32
        %dma_start3A_64 = tpu.memref_slice %arg4[%add3A_45, %dma_start3A_63] : memref<2560x128xi32, #tpu.memory_space<hbm>> -> memref<16x128xi32, #tpu.memory_space<hbm>>
        %dma_start3A_65 = arith.constant 0 : i32
        %dma_start3A_66 = tpu.memref_slice %arg4[%add3A_45, %dma_start3A_65] : memref<2560x128xi32, #tpu.memory_space<hbm>> -> memref<16x128xi32, #tpu.memory_space<hbm>>
        tpu.enqueue_dma source(%dma_start3A_66 : memref<16x128xi32, #tpu.memory_space<hbm>>) target(%arg8 : memref<16x128xi32, #tpu.memory_space<vmem>>) target_semaphore(%run_scoped3A : memref<!tpu.dma_semaphore, #tpu.memory_space<semaphore_mem>>)
        %dma_wait3A_67 = arith.constant 0 : i32
        %dma_wait3A_68 = tpu.memref_slice %arg4[%add3A_45, %dma_wait3A_67] : memref<2560x128xi32, #tpu.memory_space<hbm>> -> memref<16x128xi32, #tpu.memory_space<hbm>>
        %dma_wait3A_69 = arith.constant 0 : i32
        %dma_wait3A_70 = tpu.memref_slice %arg4[%add3A_45, %dma_wait3A_69] : memref<2560x128xi32, #tpu.memory_space<hbm>> -> memref<16x128xi32, #tpu.memory_space<hbm>>
        tpu.wait_dma2 semaphore(%run_scoped3A : memref<!tpu.dma_semaphore, #tpu.memory_space<semaphore_mem>>) src(%dma_wait3A_70 : memref<16x128xi32, #tpu.memory_space<hbm>>) dst(%arg8 : memref<16x128xi32, #tpu.memory_space<vmem>>)
        tpu.yield
      }) : () -> ()
      %dma_start3A = arith.constant 0 : i32
      %dma_start3A_46 = arith.constant 0 : i32
      %dma_start3A_47 = tpu.memref_slice %arg7[%dma_start3A, %dma_start3A_46] : memref<16x128xi32, #tpu.memory_space<vmem>> -> memref<1x128xi32, #tpu.memory_space<vmem>>
      %dma_start3A_48 = tpu.memref_squeeze %dma_start3A_47 : memref<1x128xi32, #tpu.memory_space<vmem>> -> memref<128xi32, #tpu.memory_space<vmem>>
      %dma_start3A_49 = arith.constant 0 : i32
      %dma_start3A_50 = arith.constant 0 : i32
      %dma_start3A_51 = tpu.memref_slice %arg2[%dma_start3A_49, %dma_start3A_50] : memref<10240x128xf32, #tpu.memory_space<hbm>> -> memref<10240x128xf32, #tpu.memory_space<hbm>>
      tpu.enqueue_indirect_dma source(%dma_start3A_51 : memref<10240x128xf32, #tpu.memory_space<hbm>>) target(%arg9 : memref<128x128xf32, #tpu.memory_space<vmem>>) offsets(%dma_start3A_48 : memref<128xi32, #tpu.memory_space<vmem>>) semaphore(%arg12 : memref<!tpu.dma_semaphore, #tpu.memory_space<semaphore_mem>>)
      %scan3A_52 = arith.constant 0 : i32
      %scan3A_53 = arith.constant 8 : i32
      %scan3A_54 = arith.addi %scan3A_52, %scan3A_53 : i32
      %scan3A_55 = arith.constant 1 : i32
      scf.for %scan3A_63 = %scan3A_52 to %scan3A_54 step %scan3A_55  : i32 {
        %mul3A_64 = arith.constant 1 : i32
        %mul3A_65 = arith.muli %scan3A_63, %mul3A_64 : i32
        %add3A_66 = arith.constant 0 : i32
        %add3A_67 = arith.addi %add3A_66, %mul3A_65 : i32
        %mul3A_68 = arith.constant 2 : i32
        %mul3A_69 = arith.muli %mul3A_68, %add3A_67 : i32
        %mul3A_70 = arith.constant 2 : i32
        %mul3A_71 = arith.muli %mul3A_70, %add3A_67 : i32
        %add3A_72 = arith.constant 1 : i32
        %add3A_73 = arith.addi %mul3A_71, %add3A_72 : i32
        %dma_wait3A_74 = arith.constant 0 : i32
        %dma_wait3A_75 = tpu.memref_slice %arg7[%mul3A_69, %dma_wait3A_74] : memref<16x128xi32, #tpu.memory_space<vmem>> -> memref<1x128xi32, #tpu.memory_space<vmem>>
        %dma_wait3A_76 = tpu.memref_squeeze %dma_wait3A_75 : memref<1x128xi32, #tpu.memory_space<vmem>> -> memref<128xi32, #tpu.memory_space<vmem>>
        %dma_wait3A_77 = arith.constant 0 : i32
        %dma_wait3A_78 = arith.constant 0 : i32
        %dma_wait3A_79 = tpu.memref_slice %arg2[%dma_wait3A_77, %dma_wait3A_78] : memref<10240x128xf32, #tpu.memory_space<hbm>> -> memref<10240x128xf32, #tpu.memory_space<hbm>>
        tpu.wait_indirect_dma semaphore(%arg12 : memref<!tpu.dma_semaphore, #tpu.memory_space<semaphore_mem>>) src(%dma_wait3A_79 : memref<10240x128xf32, #tpu.memory_space<hbm>>) dst(%arg9 : memref<128x128xf32, #tpu.memory_space<vmem>>)
        %dma_start3A_80 = arith.constant 0 : i32
        %dma_start3A_81 = tpu.memref_slice %arg8[%mul3A_69, %dma_start3A_80] : memref<16x128xi32, #tpu.memory_space<vmem>> -> memref<1x128xi32, #tpu.memory_space<vmem>>
        %dma_start3A_82 = tpu.memref_squeeze %dma_start3A_81 : memref<1x128xi32, #tpu.memory_space<vmem>> -> memref<128xi32, #tpu.memory_space<vmem>>
        %dma_start3A_83 = arith.constant 0 : i32
        %dma_start3A_84 = arith.constant 0 : i32
        %dma_start3A_85 = tpu.memref_slice %arg11[%dma_start3A_83, %dma_start3A_84] : memref<10240x128xf32, #tpu.memory_space<vmem_shared>> -> memref<10240x128xf32, #tpu.memory_space<vmem_shared>>
        tpu.enqueue_indirect_dma source(%arg9 : memref<128x128xf32, #tpu.memory_space<vmem>>) target(%dma_start3A_85 : memref<10240x128xf32, #tpu.memory_space<vmem_shared>>) offsets(%dma_start3A_82 : memref<128xi32, #tpu.memory_space<vmem>>) semaphore(%arg14 : memref<!tpu.dma_semaphore, #tpu.memory_space<semaphore_mem>>) {add = true}
        %gt3A = arith.constant 0 : i32
        %gt3A_86 = arith.cmpi sgt, %add3A_67, %gt3A : i32
        %convert_element_type3A = arith.extui %gt3A_86 : i1 to i32
        %cond3A = arith.constant 0 : i32
        %cond3A_87 = arith.cmpi ne, %convert_element_type3A, %cond3A : i32
        scf.if %cond3A_87 {
          %dma_wait3A_116 = arith.constant 0 : i32
          %dma_wait3A_117 = tpu.memref_slice %arg8[%add3A_73, %dma_wait3A_116] : memref<16x128xi32, #tpu.memory_space<vmem>> -> memref<1x128xi32, #tpu.memory_space<vmem>>
          %dma_wait3A_118 = tpu.memref_squeeze %dma_wait3A_117 : memref<1x128xi32, #tpu.memory_space<vmem>> -> memref<128xi32, #tpu.memory_space<vmem>>
          %dma_wait3A_119 = arith.constant 0 : i32
          %dma_wait3A_120 = arith.constant 0 : i32
          %dma_wait3A_121 = tpu.memref_slice %arg11[%dma_wait3A_119, %dma_wait3A_120] : memref<10240x128xf32, #tpu.memory_space<vmem_shared>> -> memref<10240x128xf32, #tpu.memory_space<vmem_shared>>
          tpu.wait_indirect_dma semaphore(%arg15 : memref<!tpu.dma_semaphore, #tpu.memory_space<semaphore_mem>>) src(%arg10 : memref<128x128xf32, #tpu.memory_space<vmem>>) dst(%dma_wait3A_121 : memref<10240x128xf32, #tpu.memory_space<vmem_shared>>)
        } else {
        }
        %dma_start3A_88 = arith.constant 0 : i32
        %dma_start3A_89 = tpu.memref_slice %arg7[%add3A_73, %dma_start3A_88] : memref<16x128xi32, #tpu.memory_space<vmem>> -> memref<1x128xi32, #tpu.memory_space<vmem>>
        %dma_start3A_90 = tpu.memref_squeeze %dma_start3A_89 : memref<1x128xi32, #tpu.memory_space<vmem>> -> memref<128xi32, #tpu.memory_space<vmem>>
        %dma_start3A_91 = arith.constant 0 : i32
        %dma_start3A_92 = arith.constant 0 : i32
        %dma_start3A_93 = tpu.memref_slice %arg2[%dma_start3A_91, %dma_start3A_92] : memref<10240x128xf32, #tpu.memory_space<hbm>> -> memref<10240x128xf32, #tpu.memory_space<hbm>>
        tpu.enqueue_indirect_dma source(%dma_start3A_93 : memref<10240x128xf32, #tpu.memory_space<hbm>>) target(%arg10 : memref<128x128xf32, #tpu.memory_space<vmem>>) offsets(%dma_start3A_90 : memref<128xi32, #tpu.memory_space<vmem>>) semaphore(%arg13 : memref<!tpu.dma_semaphore, #tpu.memory_space<semaphore_mem>>)
        %dma_wait3A_94 = arith.constant 0 : i32
        %dma_wait3A_95 = tpu.memref_slice %arg7[%add3A_73, %dma_wait3A_94] : memref<16x128xi32, #tpu.memory_space<vmem>> -> memref<1x128xi32, #tpu.memory_space<vmem>>
        %dma_wait3A_96 = tpu.memref_squeeze %dma_wait3A_95 : memref<1x128xi32, #tpu.memory_space<vmem>> -> memref<128xi32, #tpu.memory_space<vmem>>
        %dma_wait3A_97 = arith.constant 0 : i32
        %dma_wait3A_98 = arith.constant 0 : i32
        %dma_wait3A_99 = tpu.memref_slice %arg2[%dma_wait3A_97, %dma_wait3A_98] : memref<10240x128xf32, #tpu.memory_space<hbm>> -> memref<10240x128xf32, #tpu.memory_space<hbm>>
        tpu.wait_indirect_dma semaphore(%arg13 : memref<!tpu.dma_semaphore, #tpu.memory_space<semaphore_mem>>) src(%dma_wait3A_99 : memref<10240x128xf32, #tpu.memory_space<hbm>>) dst(%arg10 : memref<128x128xf32, #tpu.memory_space<vmem>>)
        %dma_start3A_100 = arith.constant 0 : i32
        %dma_start3A_101 = tpu.memref_slice %arg8[%add3A_73, %dma_start3A_100] : memref<16x128xi32, #tpu.memory_space<vmem>> -> memref<1x128xi32, #tpu.memory_space<vmem>>
        %dma_start3A_102 = tpu.memref_squeeze %dma_start3A_101 : memref<1x128xi32, #tpu.memory_space<vmem>> -> memref<128xi32, #tpu.memory_space<vmem>>
        %dma_start3A_103 = arith.constant 0 : i32
        %dma_start3A_104 = arith.constant 0 : i32
        %dma_start3A_105 = tpu.memref_slice %arg11[%dma_start3A_103, %dma_start3A_104] : memref<10240x128xf32, #tpu.memory_space<vmem_shared>> -> memref<10240x128xf32, #tpu.memory_space<vmem_shared>>
        tpu.enqueue_indirect_dma source(%arg10 : memref<128x128xf32, #tpu.memory_space<vmem>>) target(%dma_start3A_105 : memref<10240x128xf32, #tpu.memory_space<vmem_shared>>) offsets(%dma_start3A_102 : memref<128xi32, #tpu.memory_space<vmem>>) semaphore(%arg15 : memref<!tpu.dma_semaphore, #tpu.memory_space<semaphore_mem>>) {add = true}
        %dma_wait3A_106 = arith.constant 0 : i32
        %dma_wait3A_107 = tpu.memref_slice %arg8[%mul3A_69, %dma_wait3A_106] : memref<16x128xi32, #tpu.memory_space<vmem>> -> memref<1x128xi32, #tpu.memory_space<vmem>>
        %dma_wait3A_108 = tpu.memref_squeeze %dma_wait3A_107 : memref<1x128xi32, #tpu.memory_space<vmem>> -> memref<128xi32, #tpu.memory_space<vmem>>
        %dma_wait3A_109 = arith.constant 0 : i32
        %dma_wait3A_110 = arith.constant 0 : i32
        %dma_wait3A_111 = tpu.memref_slice %arg11[%dma_wait3A_109, %dma_wait3A_110] : memref<10240x128xf32, #tpu.memory_space<vmem_shared>> -> memref<10240x128xf32, #tpu.memory_space<vmem_shared>>
        tpu.wait_indirect_dma semaphore(%arg14 : memref<!tpu.dma_semaphore, #tpu.memory_space<semaphore_mem>>) src(%arg9 : memref<128x128xf32, #tpu.memory_space<vmem>>) dst(%dma_wait3A_111 : memref<10240x128xf32, #tpu.memory_space<vmem_shared>>)
        %lt3A = arith.constant 7 : i32
        %lt3A_112 = arith.cmpi slt, %add3A_67, %lt3A : i32
        %convert_element_type3A_113 = arith.extui %lt3A_112 : i1 to i32
        %cond3A_114 = arith.constant 0 : i32
        %cond3A_115 = arith.cmpi ne, %convert_element_type3A_113, %cond3A_114 : i32
        scf.if %cond3A_115 {
          %add3A_116 = arith.constant 2 : i32
          %add3A_117 = arith.addi %mul3A_69, %add3A_116 : i32
          %dma_start3A_118 = arith.constant 0 : i32
          %dma_start3A_119 = tpu.memref_slice %arg7[%add3A_117, %dma_start3A_118] : memref<16x128xi32, #tpu.memory_space<vmem>> -> memref<1x128xi32, #tpu.memory_space<vmem>>
          %dma_start3A_120 = tpu.memref_squeeze %dma_start3A_119 : memref<1x128xi32, #tpu.memory_space<vmem>> -> memref<128xi32, #tpu.memory_space<vmem>>
          %dma_start3A_121 = arith.constant 0 : i32
          %dma_start3A_122 = arith.constant 0 : i32
          %dma_start3A_123 = tpu.memref_slice %arg2[%dma_start3A_121, %dma_start3A_122] : memref<10240x128xf32, #tpu.memory_space<hbm>> -> memref<10240x128xf32, #tpu.memory_space<hbm>>
          tpu.enqueue_indirect_dma source(%dma_start3A_123 : memref<10240x128xf32, #tpu.memory_space<hbm>>) target(%arg9 : memref<128x128xf32, #tpu.memory_space<vmem>>) offsets(%dma_start3A_120 : memref<128xi32, #tpu.memory_space<vmem>>) semaphore(%arg12 : memref<!tpu.dma_semaphore, #tpu.memory_space<semaphore_mem>>)
        } else {
        }
      }
      %scan3A_56 = arith.constant 8 : i32
      %dma_wait3A = arith.constant 15 : i32
      %dma_wait3A_57 = arith.constant 0 : i32
      %dma_wait3A_58 = tpu.memref_slice %arg8[%dma_wait3A, %dma_wait3A_57] : memref<16x128xi32, #tpu.memory_space<vmem>> -> memref<1x128xi32, #tpu.memory_space<vmem>>
      %dma_wait3A_59 = tpu.memref_squeeze %dma_wait3A_58 : memref<1x128xi32, #tpu.memory_space<vmem>> -> memref<128xi32, #tpu.memory_space<vmem>>
      %dma_wait3A_60 = arith.constant 0 : i32
      %dma_wait3A_61 = arith.constant 0 : i32
      %dma_wait3A_62 = tpu.memref_slice %arg11[%dma_wait3A_60, %dma_wait3A_61] : memref<10240x128xf32, #tpu.memory_space<vmem_shared>> -> memref<10240x128xf32, #tpu.memory_space<vmem_shared>>
      tpu.wait_indirect_dma semaphore(%arg15 : memref<!tpu.dma_semaphore, #tpu.memory_space<semaphore_mem>>) src(%arg10 : memref<128x128xf32, #tpu.memory_space<vmem>>) dst(%dma_wait3A_62 : memref<10240x128xf32, #tpu.memory_space<vmem_shared>>)
    }
    %while3A_30 = arith.constant 1 : i32
    scf.for %while3A_40 = %while3A_28 to %while3A_24 step %while3A_30  : i32 {
      %mul3A_41 = arith.muli %while3A_40, %while3A : i32
      %add3A_42 = arith.addi %while3A_21, %mul3A_41 : i32
      %mul3A_43 = arith.constant 16 : i32
      %mul3A_44 = arith.muli %add3A_42, %mul3A_43 : i32
      %add3A_45 = arith.addi %select_n3A_14, %mul3A_44 : i32
      "tpu.region"() ({
        %run_scoped3A = tpu.sem_alloc : memref<!tpu.dma_semaphore, #tpu.memory_space<semaphore_mem>>
        %dma_start3A_63 = arith.constant 0 : i32
        %dma_start3A_64 = tpu.memref_slice %arg3[%add3A_45, %dma_start3A_63] : memref<2560x128xi32, #tpu.memory_space<hbm>> -> memref<16x128xi32, #tpu.memory_space<hbm>>
        %dma_start3A_65 = arith.constant 0 : i32
        %dma_start3A_66 = tpu.memref_slice %arg3[%add3A_45, %dma_start3A_65] : memref<2560x128xi32, #tpu.memory_space<hbm>> -> memref<16x128xi32, #tpu.memory_space<hbm>>
        tpu.enqueue_dma source(%dma_start3A_66 : memref<16x128xi32, #tpu.memory_space<hbm>>) target(%arg7 : memref<16x128xi32, #tpu.memory_space<vmem>>) target_semaphore(%run_scoped3A : memref<!tpu.dma_semaphore, #tpu.memory_space<semaphore_mem>>)
        %dma_wait3A_67 = arith.constant 0 : i32
        %dma_wait3A_68 = tpu.memref_slice %arg3[%add3A_45, %dma_wait3A_67] : memref<2560x128xi32, #tpu.memory_space<hbm>> -> memref<16x128xi32, #tpu.memory_space<hbm>>
        %dma_wait3A_69 = arith.constant 0 : i32
        %dma_wait3A_70 = tpu.memref_slice %arg3[%add3A_45, %dma_wait3A_69] : memref<2560x128xi32, #tpu.memory_space<hbm>> -> memref<16x128xi32, #tpu.memory_space<hbm>>
        tpu.wait_dma2 semaphore(%run_scoped3A : memref<!tpu.dma_semaphore, #tpu.memory_space<semaphore_mem>>) src(%dma_wait3A_70 : memref<16x128xi32, #tpu.memory_space<hbm>>) dst(%arg7 : memref<16x128xi32, #tpu.memory_space<vmem>>)
        tpu.yield
      }) : () -> ()
      "tpu.region"() ({
        %run_scoped3A = tpu.sem_alloc : memref<!tpu.dma_semaphore, #tpu.memory_space<semaphore_mem>>
        %dma_start3A_63 = arith.constant 0 : i32
        %dma_start3A_64 = tpu.memref_slice %arg4[%add3A_45, %dma_start3A_63] : memref<2560x128xi32, #tpu.memory_space<hbm>> -> memref<16x128xi32, #tpu.memory_space<hbm>>
        %dma_start3A_65 = arith.constant 0 : i32
        %dma_start3A_66 = tpu.memref_slice %arg4[%add3A_45, %dma_start3A_65] : memref<2560x128xi32, #tpu.memory_space<hbm>> -> memref<16x128xi32, #tpu.memory_space<hbm>>
        tpu.enqueue_dma source(%dma_start3A_66 : memref<16x128xi32, #tpu.memory_space<hbm>>) target(%arg8 : memref<16x128xi32, #tpu.memory_space<vmem>>) target_semaphore(%run_scoped3A : memref<!tpu.dma_semaphore, #tpu.memory_space<semaphore_mem>>)
        %dma_wait3A_67 = arith.constant 0 : i32
        %dma_wait3A_68 = tpu.memref_slice %arg4[%add3A_45, %dma_wait3A_67] : memref<2560x128xi32, #tpu.memory_space<hbm>> -> memref<16x128xi32, #tpu.memory_space<hbm>>
        %dma_wait3A_69 = arith.constant 0 : i32
        %dma_wait3A_70 = tpu.memref_slice %arg4[%add3A_45, %dma_wait3A_69] : memref<2560x128xi32, #tpu.memory_space<hbm>> -> memref<16x128xi32, #tpu.memory_space<hbm>>
        tpu.wait_dma2 semaphore(%run_scoped3A : memref<!tpu.dma_semaphore, #tpu.memory_space<semaphore_mem>>) src(%dma_wait3A_70 : memref<16x128xi32, #tpu.memory_space<hbm>>) dst(%arg8 : memref<16x128xi32, #tpu.memory_space<vmem>>)
        tpu.yield
      }) : () -> ()
      %dma_start3A = arith.constant 0 : i32
      %dma_start3A_46 = arith.constant 0 : i32
      %dma_start3A_47 = tpu.memref_slice %arg7[%dma_start3A, %dma_start3A_46] : memref<16x128xi32, #tpu.memory_space<vmem>> -> memref<1x128xi32, #tpu.memory_space<vmem>>
      %dma_start3A_48 = tpu.memref_squeeze %dma_start3A_47 : memref<1x128xi32, #tpu.memory_space<vmem>> -> memref<128xi32, #tpu.memory_space<vmem>>
      %dma_start3A_49 = arith.constant 0 : i32
      %dma_start3A_50 = arith.constant 0 : i32
      %dma_start3A_51 = tpu.memref_slice %arg2[%dma_start3A_49, %dma_start3A_50] : memref<10240x128xf32, #tpu.memory_space<hbm>> -> memref<10240x128xf32, #tpu.memory_space<hbm>>
      tpu.enqueue_indirect_dma source(%dma_start3A_51 : memref<10240x128xf32, #tpu.memory_space<hbm>>) target(%arg9 : memref<128x128xf32, #tpu.memory_space<vmem>>) offsets(%dma_start3A_48 : memref<128xi32, #tpu.memory_space<vmem>>) semaphore(%arg12 : memref<!tpu.dma_semaphore, #tpu.memory_space<semaphore_mem>>)
      %scan3A_52 = arith.constant 0 : i32
      %scan3A_53 = arith.constant 8 : i32
      %scan3A_54 = arith.addi %scan3A_52, %scan3A_53 : i32
      %scan3A_55 = arith.constant 1 : i32
      scf.for %scan3A_63 = %scan3A_52 to %scan3A_54 step %scan3A_55  : i32 {
        %mul3A_64 = arith.constant 1 : i32
        %mul3A_65 = arith.muli %scan3A_63, %mul3A_64 : i32
        %add3A_66 = arith.constant 0 : i32
        %add3A_67 = arith.addi %add3A_66, %mul3A_65 : i32
        %mul3A_68 = arith.constant 2 : i32
        %mul3A_69 = arith.muli %mul3A_68, %add3A_67 : i32
        %mul3A_70 = arith.constant 2 : i32
        %mul3A_71 = arith.muli %mul3A_70, %add3A_67 : i32
        %add3A_72 = arith.constant 1 : i32
        %add3A_73 = arith.addi %mul3A_71, %add3A_72 : i32
        %dma_wait3A_74 = arith.constant 0 : i32
        %dma_wait3A_75 = tpu.memref_slice %arg7[%mul3A_69, %dma_wait3A_74] : memref<16x128xi32, #tpu.memory_space<vmem>> -> memref<1x128xi32, #tpu.memory_space<vmem>>
        %dma_wait3A_76 = tpu.memref_squeeze %dma_wait3A_75 : memref<1x128xi32, #tpu.memory_space<vmem>> -> memref<128xi32, #tpu.memory_space<vmem>>
        %dma_wait3A_77 = arith.constant 0 : i32
        %dma_wait3A_78 = arith.constant 0 : i32
        %dma_wait3A_79 = tpu.memref_slice %arg2[%dma_wait3A_77, %dma_wait3A_78] : memref<10240x128xf32, #tpu.memory_space<hbm>> -> memref<10240x128xf32, #tpu.memory_space<hbm>>
        tpu.wait_indirect_dma semaphore(%arg12 : memref<!tpu.dma_semaphore, #tpu.memory_space<semaphore_mem>>) src(%dma_wait3A_79 : memref<10240x128xf32, #tpu.memory_space<hbm>>) dst(%arg9 : memref<128x128xf32, #tpu.memory_space<vmem>>)
        %dma_start3A_80 = arith.constant 0 : i32
        %dma_start3A_81 = tpu.memref_slice %arg8[%mul3A_69, %dma_start3A_80] : memref<16x128xi32, #tpu.memory_space<vmem>> -> memref<1x128xi32, #tpu.memory_space<vmem>>
        %dma_start3A_82 = tpu.memref_squeeze %dma_start3A_81 : memref<1x128xi32, #tpu.memory_space<vmem>> -> memref<128xi32, #tpu.memory_space<vmem>>
        %dma_start3A_83 = arith.constant 0 : i32
        %dma_start3A_84 = arith.constant 0 : i32
        %dma_start3A_85 = tpu.memref_slice %arg11[%dma_start3A_83, %dma_start3A_84] : memref<10240x128xf32, #tpu.memory_space<vmem_shared>> -> memref<10240x128xf32, #tpu.memory_space<vmem_shared>>
        tpu.enqueue_indirect_dma source(%arg9 : memref<128x128xf32, #tpu.memory_space<vmem>>) target(%dma_start3A_85 : memref<10240x128xf32, #tpu.memory_space<vmem_shared>>) offsets(%dma_start3A_82 : memref<128xi32, #tpu.memory_space<vmem>>) semaphore(%arg14 : memref<!tpu.dma_semaphore, #tpu.memory_space<semaphore_mem>>) {add = true}
        %gt3A = arith.constant 0 : i32
        %gt3A_86 = arith.cmpi sgt, %add3A_67, %gt3A : i32
        %convert_element_type3A = arith.extui %gt3A_86 : i1 to i32
        %cond3A = arith.constant 0 : i32
        %cond3A_87 = arith.cmpi ne, %convert_element_type3A, %cond3A : i32
        scf.if %cond3A_87 {
          %dma_wait3A_116 = arith.constant 0 : i32
          %dma_wait3A_117 = tpu.memref_slice %arg8[%add3A_73, %dma_wait3A_116] : memref<16x128xi32, #tpu.memory_space<vmem>> -> memref<1x128xi32, #tpu.memory_space<vmem>>
          %dma_wait3A_118 = tpu.memref_squeeze %dma_wait3A_117 : memref<1x128xi32, #tpu.memory_space<vmem>> -> memref<128xi32, #tpu.memory_space<vmem>>
          %dma_wait3A_119 = arith.constant 0 : i32
          %dma_wait3A_120 = arith.constant 0 : i32
          %dma_wait3A_121 = tpu.memref_slice %arg11[%dma_wait3A_119, %dma_wait3A_120] : memref<10240x128xf32, #tpu.memory_space<vmem_shared>> -> memref<10240x128xf32, #tpu.memory_space<vmem_shared>>
          tpu.wait_indirect_dma semaphore(%arg15 : memref<!tpu.dma_semaphore, #tpu.memory_space<semaphore_mem>>) src(%arg10 : memref<128x128xf32, #tpu.memory_space<vmem>>) dst(%dma_wait3A_121 : memref<10240x128xf32, #tpu.memory_space<vmem_shared>>)
        } else {
        }
        %dma_start3A_88 = arith.constant 0 : i32
        %dma_start3A_89 = tpu.memref_slice %arg7[%add3A_73, %dma_start3A_88] : memref<16x128xi32, #tpu.memory_space<vmem>> -> memref<1x128xi32, #tpu.memory_space<vmem>>
        %dma_start3A_90 = tpu.memref_squeeze %dma_start3A_89 : memref<1x128xi32, #tpu.memory_space<vmem>> -> memref<128xi32, #tpu.memory_space<vmem>>
        %dma_start3A_91 = arith.constant 0 : i32
        %dma_start3A_92 = arith.constant 0 : i32
        %dma_start3A_93 = tpu.memref_slice %arg2[%dma_start3A_91, %dma_start3A_92] : memref<10240x128xf32, #tpu.memory_space<hbm>> -> memref<10240x128xf32, #tpu.memory_space<hbm>>
        tpu.enqueue_indirect_dma source(%dma_start3A_93 : memref<10240x128xf32, #tpu.memory_space<hbm>>) target(%arg10 : memref<128x128xf32, #tpu.memory_space<vmem>>) offsets(%dma_start3A_90 : memref<128xi32, #tpu.memory_space<vmem>>) semaphore(%arg13 : memref<!tpu.dma_semaphore, #tpu.memory_space<semaphore_mem>>)
        %dma_wait3A_94 = arith.constant 0 : i32
        %dma_wait3A_95 = tpu.memref_slice %arg7[%add3A_73, %dma_wait3A_94] : memref<16x128xi32, #tpu.memory_space<vmem>> -> memref<1x128xi32, #tpu.memory_space<vmem>>
        %dma_wait3A_96 = tpu.memref_squeeze %dma_wait3A_95 : memref<1x128xi32, #tpu.memory_space<vmem>> -> memref<128xi32, #tpu.memory_space<vmem>>
        %dma_wait3A_97 = arith.constant 0 : i32
        %dma_wait3A_98 = arith.constant 0 : i32
        %dma_wait3A_99 = tpu.memref_slice %arg2[%dma_wait3A_97, %dma_wait3A_98] : memref<10240x128xf32, #tpu.memory_space<hbm>> -> memref<10240x128xf32, #tpu.memory_space<hbm>>
        tpu.wait_indirect_dma semaphore(%arg13 : memref<!tpu.dma_semaphore, #tpu.memory_space<semaphore_mem>>) src(%dma_wait3A_99 : memref<10240x128xf32, #tpu.memory_space<hbm>>) dst(%arg10 : memref<128x128xf32, #tpu.memory_space<vmem>>)
        %dma_start3A_100 = arith.constant 0 : i32
        %dma_start3A_101 = tpu.memref_slice %arg8[%add3A_73, %dma_start3A_100] : memref<16x128xi32, #tpu.memory_space<vmem>> -> memref<1x128xi32, #tpu.memory_space<vmem>>
        %dma_start3A_102 = tpu.memref_squeeze %dma_start3A_101 : memref<1x128xi32, #tpu.memory_space<vmem>> -> memref<128xi32, #tpu.memory_space<vmem>>
        %dma_start3A_103 = arith.constant 0 : i32
        %dma_start3A_104 = arith.constant 0 : i32
        %dma_start3A_105 = tpu.memref_slice %arg11[%dma_start3A_103, %dma_start3A_104] : memref<10240x128xf32, #tpu.memory_space<vmem_shared>> -> memref<10240x128xf32, #tpu.memory_space<vmem_shared>>
        tpu.enqueue_indirect_dma source(%arg10 : memref<128x128xf32, #tpu.memory_space<vmem>>) target(%dma_start3A_105 : memref<10240x128xf32, #tpu.memory_space<vmem_shared>>) offsets(%dma_start3A_102 : memref<128xi32, #tpu.memory_space<vmem>>) semaphore(%arg15 : memref<!tpu.dma_semaphore, #tpu.memory_space<semaphore_mem>>) {add = true}
        %dma_wait3A_106 = arith.constant 0 : i32
        %dma_wait3A_107 = tpu.memref_slice %arg8[%mul3A_69, %dma_wait3A_106] : memref<16x128xi32, #tpu.memory_space<vmem>> -> memref<1x128xi32, #tpu.memory_space<vmem>>
        %dma_wait3A_108 = tpu.memref_squeeze %dma_wait3A_107 : memref<1x128xi32, #tpu.memory_space<vmem>> -> memref<128xi32, #tpu.memory_space<vmem>>
        %dma_wait3A_109 = arith.constant 0 : i32
        %dma_wait3A_110 = arith.constant 0 : i32
        %dma_wait3A_111 = tpu.memref_slice %arg11[%dma_wait3A_109, %dma_wait3A_110] : memref<10240x128xf32, #tpu.memory_space<vmem_shared>> -> memref<10240x128xf32, #tpu.memory_space<vmem_shared>>
        tpu.wait_indirect_dma semaphore(%arg14 : memref<!tpu.dma_semaphore, #tpu.memory_space<semaphore_mem>>) src(%arg9 : memref<128x128xf32, #tpu.memory_space<vmem>>) dst(%dma_wait3A_111 : memref<10240x128xf32, #tpu.memory_space<vmem_shared>>)
        %lt3A = arith.constant 7 : i32
        %lt3A_112 = arith.cmpi slt, %add3A_67, %lt3A : i32
        %convert_element_type3A_113 = arith.extui %lt3A_112 : i1 to i32
        %cond3A_114 = arith.constant 0 : i32
        %cond3A_115 = arith.cmpi ne, %convert_element_type3A_113, %cond3A_114 : i32
        scf.if %cond3A_115 {
          %add3A_116 = arith.constant 2 : i32
          %add3A_117 = arith.addi %mul3A_69, %add3A_116 : i32
          %dma_start3A_118 = arith.constant 0 : i32
          %dma_start3A_119 = tpu.memref_slice %arg7[%add3A_117, %dma_start3A_118] : memref<16x128xi32, #tpu.memory_space<vmem>> -> memref<1x128xi32, #tpu.memory_space<vmem>>
          %dma_start3A_120 = tpu.memref_squeeze %dma_start3A_119 : memref<1x128xi32, #tpu.memory_space<vmem>> -> memref<128xi32, #tpu.memory_space<vmem>>
          %dma_start3A_121 = arith.constant 0 : i32
          %dma_start3A_122 = arith.constant 0 : i32
          %dma_start3A_123 = tpu.memref_slice %arg2[%dma_start3A_121, %dma_start3A_122] : memref<10240x128xf32, #tpu.memory_space<hbm>> -> memref<10240x128xf32, #tpu.memory_space<hbm>>
          tpu.enqueue_indirect_dma source(%dma_start3A_123 : memref<10240x128xf32, #tpu.memory_space<hbm>>) target(%arg9 : memref<128x128xf32, #tpu.memory_space<vmem>>) offsets(%dma_start3A_120 : memref<128xi32, #tpu.memory_space<vmem>>) semaphore(%arg12 : memref<!tpu.dma_semaphore, #tpu.memory_space<semaphore_mem>>)
        } else {
        }
      }
      %scan3A_56 = arith.constant 8 : i32
      %dma_wait3A = arith.constant 15 : i32
      %dma_wait3A_57 = arith.constant 0 : i32
      %dma_wait3A_58 = tpu.memref_slice %arg8[%dma_wait3A, %dma_wait3A_57] : memref<16x128xi32, #tpu.memory_space<vmem>> -> memref<1x128xi32, #tpu.memory_space<vmem>>
      %dma_wait3A_59 = tpu.memref_squeeze %dma_wait3A_58 : memref<1x128xi32, #tpu.memory_space<vmem>> -> memref<128xi32, #tpu.memory_space<vmem>>
      %dma_wait3A_60 = arith.constant 0 : i32
      %dma_wait3A_61 = arith.constant 0 : i32
      %dma_wait3A_62 = tpu.memref_slice %arg11[%dma_wait3A_60, %dma_wait3A_61] : memref<10240x128xf32, #tpu.memory_space<vmem_shared>> -> memref<10240x128xf32, #tpu.memory_space<vmem_shared>>
      tpu.wait_indirect_dma semaphore(%arg15 : memref<!tpu.dma_semaphore, #tpu.memory_space<semaphore_mem>>) src(%arg10 : memref<128x128xf32, #tpu.memory_space<vmem>>) dst(%dma_wait3A_62 : memref<10240x128xf32, #tpu.memory_space<vmem_shared>>)
    }
    %barrier3A_31 = arith.constant 0 : index
    tpu.barrier barrier_id(%barrier3A_31)
    %mul3A_32 = arith.constant 10240 : i32
    %mul3A_33 = arith.muli %arg0, %mul3A_32 : i32
    %add3A_34 = arith.addi %mul3A_33, %mul3A_0 : i32
    %scan3A_35 = arith.constant 0 : i32
    %scan3A_36 = arith.constant 5 : i32
    %scan3A_37 = arith.addi %scan3A_35, %scan3A_36 : i32
    %scan3A_38 = arith.constant 1 : i32
    scf.for %scan3A_40 = %scan3A_35 to %scan3A_37 step %scan3A_38  : i32 {
      %mul3A_41 = arith.constant 1 : i32
      %mul3A_42 = arith.muli %scan3A_40, %mul3A_41 : i32
      %add3A_43 = arith.constant 0 : i32
      %add3A_44 = arith.addi %add3A_43, %mul3A_42 : i32
      %mul3A_45 = arith.constant 128 : i32
      %mul3A_46 = arith.muli %add3A_44, %mul3A_45 : i32
      %add3A_47 = arith.addi %mul3A_0, %mul3A_46 : i32
      "tpu.region"() ({
        %run_scoped3A = tpu.sem_alloc : memref<!tpu.dma_semaphore, #tpu.memory_space<semaphore_mem>>
        %dma_start3A = arith.constant 0 : i32
        %dma_start3A_51 = tpu.memref_slice %arg11[%add3A_47, %dma_start3A] : memref<10240x128xf32, #tpu.memory_space<vmem_shared>> -> memref<128x128xf32, #tpu.memory_space<vmem_shared>>
        %dma_start3A_52 = arith.constant 0 : i32
        %dma_start3A_53 = tpu.memref_slice %arg11[%add3A_47, %dma_start3A_52] : memref<10240x128xf32, #tpu.memory_space<vmem_shared>> -> memref<128x128xf32, #tpu.memory_space<vmem_shared>>
        tpu.enqueue_dma source(%dma_start3A_53 : memref<128x128xf32, #tpu.memory_space<vmem_shared>>) target(%arg9 : memref<128x128xf32, #tpu.memory_space<vmem>>) target_semaphore(%run_scoped3A : memref<!tpu.dma_semaphore, #tpu.memory_space<semaphore_mem>>)
        %dma_wait3A = arith.constant 0 : i32
        %dma_wait3A_54 = tpu.memref_slice %arg11[%add3A_47, %dma_wait3A] : memref<10240x128xf32, #tpu.memory_space<vmem_shared>> -> memref<128x128xf32, #tpu.memory_space<vmem_shared>>
        %dma_wait3A_55 = arith.constant 0 : i32
        %dma_wait3A_56 = tpu.memref_slice %arg11[%add3A_47, %dma_wait3A_55] : memref<10240x128xf32, #tpu.memory_space<vmem_shared>> -> memref<128x128xf32, #tpu.memory_space<vmem_shared>>
        tpu.wait_dma2 semaphore(%run_scoped3A : memref<!tpu.dma_semaphore, #tpu.memory_space<semaphore_mem>>) src(%dma_wait3A_56 : memref<128x128xf32, #tpu.memory_space<vmem_shared>>) dst(%arg9 : memref<128x128xf32, #tpu.memory_space<vmem>>)
        tpu.yield
      }) : () -> ()
      %mul3A_48 = arith.constant 128 : i32
      %mul3A_49 = arith.muli %add3A_44, %mul3A_48 : i32
      %add3A_50 = arith.addi %add3A_34, %mul3A_49 : i32
      "tpu.region"() ({
        %run_scoped3A = tpu.sem_alloc : memref<!tpu.dma_semaphore, #tpu.memory_space<semaphore_mem>>
        %dma_start3A = arith.constant 0 : i32
        %dma_start3A_51 = tpu.memref_slice %arg6[%add3A_50, %dma_start3A] : memref<20480x128xf32, #tpu.memory_space<hbm>> -> memref<128x128xf32, #tpu.memory_space<hbm>>
        %dma_start3A_52 = arith.constant 0 : i32
        %dma_start3A_53 = tpu.memref_slice %arg6[%add3A_50, %dma_start3A_52] : memref<20480x128xf32, #tpu.memory_space<hbm>> -> memref<128x128xf32, #tpu.memory_space<hbm>>
        tpu.enqueue_dma source(%arg9 : memref<128x128xf32, #tpu.memory_space<vmem>>) target(%dma_start3A_53 : memref<128x128xf32, #tpu.memory_space<hbm>>) target_semaphore(%run_scoped3A : memref<!tpu.dma_semaphore, #tpu.memory_space<semaphore_mem>>)
        %dma_wait3A = arith.constant 0 : i32
        %dma_wait3A_54 = tpu.memref_slice %arg6[%add3A_50, %dma_wait3A] : memref<20480x128xf32, #tpu.memory_space<hbm>> -> memref<128x128xf32, #tpu.memory_space<hbm>>
        %dma_wait3A_55 = arith.constant 0 : i32
        %dma_wait3A_56 = tpu.memref_slice %arg6[%add3A_50, %dma_wait3A_55] : memref<20480x128xf32, #tpu.memory_space<hbm>> -> memref<128x128xf32, #tpu.memory_space<hbm>>
        tpu.wait_dma2 semaphore(%run_scoped3A : memref<!tpu.dma_semaphore, #tpu.memory_space<semaphore_mem>>) src(%arg9 : memref<128x128xf32, #tpu.memory_space<vmem>>) dst(%dma_wait3A_56 : memref<128x128xf32, #tpu.memory_space<hbm>>)
        tpu.yield
      }) : () -> ()
    }
    %scan3A_39 = arith.constant 5 : i32
    return
  }
}

#map = affine_map<(d0, d1) -> (0, 0)>
module attributes {stable_mosaic.version = 14 : i64} {
  func.func @sc_agg(%arg0: i32, %arg1: i32, %arg2: memref<10240x128xf32, #tpu.memory_space<hbm>>, %arg3: memref<2560x128xi32, #tpu.memory_space<hbm>>, %arg4: memref<2560x128xi32, #tpu.memory_space<hbm>>, %arg5: memref<128x128xf32, #tpu.memory_space<hbm>>, %arg6: memref<20480x128xf32, #tpu.memory_space<hbm>>, %arg7: memref<16x128xi32, #tpu.memory_space<vmem>>, %arg8: memref<16x128xi32, #tpu.memory_space<vmem>>, %arg9: memref<128x128xf32, #tpu.memory_space<vmem>>, %arg10: memref<128x128xf32, #tpu.memory_space<vmem>>, %arg11: memref<10240x128xf32, #tpu.memory_space<vmem_shared>>, %arg12: memref<!tpu.dma_semaphore, #tpu.memory_space<semaphore_mem>>, %arg13: memref<!tpu.dma_semaphore, #tpu.memory_space<semaphore_mem>>, %arg14: memref<!tpu.dma_semaphore, #tpu.memory_space<semaphore_mem>>, %arg15: memref<!tpu.dma_semaphore, #tpu.memory_space<semaphore_mem>>) attributes {dimension_semantics = [#tpu.dimension_semantics<core_parallel>, #tpu.dimension_semantics<subcore_parallel>], iteration_bounds = array<i64: 2, 16>, scalar_prefetch = 0 : i64, scratch_operands = 9 : i64, tpu.core_type = #tpu.core_type<sc_vector_subcore>, window_params = [{transform_indices = #map}, {transform_indices = #map}, {transform_indices = #map}, {transform_indices = #map}, {transform_indices = #map}]} {
    %mul3A = arith.constant 640 : i32
    %mul3A_0 = arith.muli %arg1, %mul3A : i32
    "tpu.region"() ({
      %run_scoped3A = tpu.sem_alloc : memref<!tpu.dma_semaphore, #tpu.memory_space<semaphore_mem>>
      tpu.enqueue_dma source(%arg5 : memref<128x128xf32, #tpu.memory_space<hbm>>) target(%arg9 : memref<128x128xf32, #tpu.memory_space<vmem>>) target_semaphore(%run_scoped3A : memref<!tpu.dma_semaphore, #tpu.memory_space<semaphore_mem>>)
      tpu.wait_dma2 semaphore(%run_scoped3A : memref<!tpu.dma_semaphore, #tpu.memory_space<semaphore_mem>>) src(%arg5 : memref<128x128xf32, #tpu.memory_space<hbm>>) dst(%arg9 : memref<128x128xf32, #tpu.memory_space<vmem>>)
      tpu.yield
    }) : () -> ()
    %scan3A = arith.constant 0 : i32
    %scan3A_1 = arith.constant 5 : i32
    %scan3A_2 = arith.addi %scan3A, %scan3A_1 : i32
    %scan3A_3 = arith.constant 1 : i32
    scf.for %scan3A_40 = %scan3A to %scan3A_2 step %scan3A_3  : i32 {
      %mul3A_41 = arith.constant 1 : i32
      %mul3A_42 = arith.muli %scan3A_40, %mul3A_41 : i32
      %add3A_43 = arith.constant 0 : i32
      %add3A_44 = arith.addi %add3A_43, %mul3A_42 : i32
      %mul3A_45 = arith.constant 128 : i32
      %mul3A_46 = arith.muli %add3A_44, %mul3A_45 : i32
      %add3A_47 = arith.addi %mul3A_0, %mul3A_46 : i32
      "tpu.region"() ({
        %run_scoped3A = tpu.sem_alloc : memref<!tpu.dma_semaphore, #tpu.memory_space<semaphore_mem>>
        %dma_start3A = arith.constant 0 : i32
        %dma_start3A_48 = tpu.memref_slice %arg11[%add3A_47, %dma_start3A] : memref<10240x128xf32, #tpu.memory_space<vmem_shared>> -> memref<128x128xf32, #tpu.memory_space<vmem_shared>>
        %dma_start3A_49 = arith.constant 0 : i32
        %dma_start3A_50 = tpu.memref_slice %arg11[%add3A_47, %dma_start3A_49] : memref<10240x128xf32, #tpu.memory_space<vmem_shared>> -> memref<128x128xf32, #tpu.memory_space<vmem_shared>>
        tpu.enqueue_dma source(%arg9 : memref<128x128xf32, #tpu.memory_space<vmem>>) target(%dma_start3A_50 : memref<128x128xf32, #tpu.memory_space<vmem_shared>>) target_semaphore(%run_scoped3A : memref<!tpu.dma_semaphore, #tpu.memory_space<semaphore_mem>>)
        %dma_wait3A = arith.constant 0 : i32
        %dma_wait3A_51 = tpu.memref_slice %arg11[%add3A_47, %dma_wait3A] : memref<10240x128xf32, #tpu.memory_space<vmem_shared>> -> memref<128x128xf32, #tpu.memory_space<vmem_shared>>
        %dma_wait3A_52 = arith.constant 0 : i32
        %dma_wait3A_53 = tpu.memref_slice %arg11[%add3A_47, %dma_wait3A_52] : memref<10240x128xf32, #tpu.memory_space<vmem_shared>> -> memref<128x128xf32, #tpu.memory_space<vmem_shared>>
        tpu.wait_dma2 semaphore(%run_scoped3A : memref<!tpu.dma_semaphore, #tpu.memory_space<semaphore_mem>>) src(%arg9 : memref<128x128xf32, #tpu.memory_space<vmem>>) dst(%dma_wait3A_53 : memref<128x128xf32, #tpu.memory_space<vmem_shared>>)
        tpu.yield
      }) : () -> ()
    }
    %scan3A_4 = arith.constant 5 : i32
    %eq3A = arith.constant 0 : i32
    %eq3A_5 = arith.cmpi eq, %arg0, %eq3A : i32
    %jit3A = arith.constant 9 : i32
    %jit3A_6 = arith.constant 1 : i32
    %select_n3A = arith.select %eq3A_5, %jit3A, %jit3A_6 : i32
    %eq3A_7 = arith.constant 0 : i32
    %eq3A_8 = arith.cmpi eq, %arg0, %eq3A_7 : i32
    %mul3A_9 = arith.constant 144 : i32
    %mul3A_10 = arith.muli %arg1, %mul3A_9 : i32
    %mul3A_11 = arith.constant 16 : i32
    %mul3A_12 = arith.muli %arg1, %mul3A_11 : i32
    %add3A = arith.constant 2304 : i32
    %add3A_13 = arith.addi %add3A, %mul3A_12 : i32
    %select_n3A_14 = arith.select %eq3A_8, %mul3A_10, %add3A_13 : i32
    %barrier3A = arith.constant 0 : index
    tpu.barrier barrier_id(%barrier3A)
    %sub3A = arith.constant 0 : i32
    %sub3A_15 = arith.subi %select_n3A, %sub3A : i32
    %sub3A_16 = arith.constant 1 : i32
    %sub3A_17 = arith.constant 1 : i32
    %sub3A_18 = arith.subi %sub3A_16, %sub3A_17 : i32
    %add3A_19 = arith.addi %sub3A_15, %sub3A_18 : i32
    %div3A = arith.constant 1 : i32
    %div3A_20 = arith.divsi %add3A_19, %div3A : i32
    %while3A = arith.constant 1 : i32
    %while3A_21 = arith.constant 0 : i32
    %while3A_22 = arith.constant 0 : i32
    %while3A_23 = arith.subi %div3A_20, %while3A_22 : i32
    %while3A_24 = arith.addi %while3A_22, %while3A_23 : i32
    %while3A_25 = arith.constant 1 : i32
    %while3A_26 = arith.divsi %while3A_23, %while3A_25 : i32
    %while3A_27 = arith.muli %while3A_26, %while3A_25 : i32
    %while3A_28 = arith.addi %while3A_22, %while3A_27 : i32
    %while3A_29 = arith.constant 1 : i32
    scf.for %while3A_40 = %while3A_22 to %while3A_28 step %while3A_29  : i32 {
      %mul3A_41 = arith.muli %while3A_40, %while3A : i32
      %add3A_42 = arith.addi %while3A_21, %mul3A_41 : i32
      %mul3A_43 = arith.constant 16 : i32
      %mul3A_44 = arith.muli %add3A_42, %mul3A_43 : i32
      %add3A_45 = arith.addi %select_n3A_14, %mul3A_44 : i32
      "tpu.region"() ({
        %run_scoped3A = tpu.sem_alloc : memref<!tpu.dma_semaphore, #tpu.memory_space<semaphore_mem>>
        %dma_start3A_63 = arith.constant 0 : i32
        %dma_start3A_64 = tpu.memref_slice %arg3[%add3A_45, %dma_start3A_63] : memref<2560x128xi32, #tpu.memory_space<hbm>> -> memref<16x128xi32, #tpu.memory_space<hbm>>
        %dma_start3A_65 = arith.constant 0 : i32
        %dma_start3A_66 = tpu.memref_slice %arg3[%add3A_45, %dma_start3A_65] : memref<2560x128xi32, #tpu.memory_space<hbm>> -> memref<16x128xi32, #tpu.memory_space<hbm>>
        tpu.enqueue_dma source(%dma_start3A_66 : memref<16x128xi32, #tpu.memory_space<hbm>>) target(%arg7 : memref<16x128xi32, #tpu.memory_space<vmem>>) target_semaphore(%run_scoped3A : memref<!tpu.dma_semaphore, #tpu.memory_space<semaphore_mem>>)
        %dma_wait3A_67 = arith.constant 0 : i32
        %dma_wait3A_68 = tpu.memref_slice %arg3[%add3A_45, %dma_wait3A_67] : memref<2560x128xi32, #tpu.memory_space<hbm>> -> memref<16x128xi32, #tpu.memory_space<hbm>>
        %dma_wait3A_69 = arith.constant 0 : i32
        %dma_wait3A_70 = tpu.memref_slice %arg3[%add3A_45, %dma_wait3A_69] : memref<2560x128xi32, #tpu.memory_space<hbm>> -> memref<16x128xi32, #tpu.memory_space<hbm>>
        tpu.wait_dma2 semaphore(%run_scoped3A : memref<!tpu.dma_semaphore, #tpu.memory_space<semaphore_mem>>) src(%dma_wait3A_70 : memref<16x128xi32, #tpu.memory_space<hbm>>) dst(%arg7 : memref<16x128xi32, #tpu.memory_space<vmem>>)
        tpu.yield
      }) : () -> ()
      "tpu.region"() ({
        %run_scoped3A = tpu.sem_alloc : memref<!tpu.dma_semaphore, #tpu.memory_space<semaphore_mem>>
        %dma_start3A_63 = arith.constant 0 : i32
        %dma_start3A_64 = tpu.memref_slice %arg4[%add3A_45, %dma_start3A_63] : memref<2560x128xi32, #tpu.memory_space<hbm>> -> memref<16x128xi32, #tpu.memory_space<hbm>>
        %dma_start3A_65 = arith.constant 0 : i32
        %dma_start3A_66 = tpu.memref_slice %arg4[%add3A_45, %dma_start3A_65] : memref<2560x128xi32, #tpu.memory_space<hbm>> -> memref<16x128xi32, #tpu.memory_space<hbm>>
        tpu.enqueue_dma source(%dma_start3A_66 : memref<16x128xi32, #tpu.memory_space<hbm>>) target(%arg8 : memref<16x128xi32, #tpu.memory_space<vmem>>) target_semaphore(%run_scoped3A : memref<!tpu.dma_semaphore, #tpu.memory_space<semaphore_mem>>)
        %dma_wait3A_67 = arith.constant 0 : i32
        %dma_wait3A_68 = tpu.memref_slice %arg4[%add3A_45, %dma_wait3A_67] : memref<2560x128xi32, #tpu.memory_space<hbm>> -> memref<16x128xi32, #tpu.memory_space<hbm>>
        %dma_wait3A_69 = arith.constant 0 : i32
        %dma_wait3A_70 = tpu.memref_slice %arg4[%add3A_45, %dma_wait3A_69] : memref<2560x128xi32, #tpu.memory_space<hbm>> -> memref<16x128xi32, #tpu.memory_space<hbm>>
        tpu.wait_dma2 semaphore(%run_scoped3A : memref<!tpu.dma_semaphore, #tpu.memory_space<semaphore_mem>>) src(%dma_wait3A_70 : memref<16x128xi32, #tpu.memory_space<hbm>>) dst(%arg8 : memref<16x128xi32, #tpu.memory_space<vmem>>)
        tpu.yield
      }) : () -> ()
      %dma_start3A = arith.constant 0 : i32
      %dma_start3A_46 = arith.constant 0 : i32
      %dma_start3A_47 = tpu.memref_slice %arg7[%dma_start3A, %dma_start3A_46] : memref<16x128xi32, #tpu.memory_space<vmem>> -> memref<1x128xi32, #tpu.memory_space<vmem>>
      %dma_start3A_48 = tpu.memref_squeeze %dma_start3A_47 : memref<1x128xi32, #tpu.memory_space<vmem>> -> memref<128xi32, #tpu.memory_space<vmem>>
      %dma_start3A_49 = arith.constant 0 : i32
      %dma_start3A_50 = arith.constant 0 : i32
      %dma_start3A_51 = tpu.memref_slice %arg2[%dma_start3A_49, %dma_start3A_50] : memref<10240x128xf32, #tpu.memory_space<hbm>> -> memref<10240x128xf32, #tpu.memory_space<hbm>>
      tpu.enqueue_indirect_dma source(%dma_start3A_51 : memref<10240x128xf32, #tpu.memory_space<hbm>>) target(%arg9 : memref<128x128xf32, #tpu.memory_space<vmem>>) offsets(%dma_start3A_48 : memref<128xi32, #tpu.memory_space<vmem>>) semaphore(%arg12 : memref<!tpu.dma_semaphore, #tpu.memory_space<semaphore_mem>>)
      %scan3A_52 = arith.constant 0 : i32
      %scan3A_53 = arith.constant 8 : i32
      %scan3A_54 = arith.addi %scan3A_52, %scan3A_53 : i32
      %scan3A_55 = arith.constant 1 : i32
      scf.for %scan3A_63 = %scan3A_52 to %scan3A_54 step %scan3A_55  : i32 {
        %mul3A_64 = arith.constant 1 : i32
        %mul3A_65 = arith.muli %scan3A_63, %mul3A_64 : i32
        %add3A_66 = arith.constant 0 : i32
        %add3A_67 = arith.addi %add3A_66, %mul3A_65 : i32
        %mul3A_68 = arith.constant 2 : i32
        %mul3A_69 = arith.muli %mul3A_68, %add3A_67 : i32
        %mul3A_70 = arith.constant 2 : i32
        %mul3A_71 = arith.muli %mul3A_70, %add3A_67 : i32
        %add3A_72 = arith.constant 1 : i32
        %add3A_73 = arith.addi %mul3A_71, %add3A_72 : i32
        %dma_wait3A_74 = arith.constant 0 : i32
        %dma_wait3A_75 = tpu.memref_slice %arg7[%mul3A_69, %dma_wait3A_74] : memref<16x128xi32, #tpu.memory_space<vmem>> -> memref<1x128xi32, #tpu.memory_space<vmem>>
        %dma_wait3A_76 = tpu.memref_squeeze %dma_wait3A_75 : memref<1x128xi32, #tpu.memory_space<vmem>> -> memref<128xi32, #tpu.memory_space<vmem>>
        %dma_wait3A_77 = arith.constant 0 : i32
        %dma_wait3A_78 = arith.constant 0 : i32
        %dma_wait3A_79 = tpu.memref_slice %arg2[%dma_wait3A_77, %dma_wait3A_78] : memref<10240x128xf32, #tpu.memory_space<hbm>> -> memref<10240x128xf32, #tpu.memory_space<hbm>>
        tpu.wait_indirect_dma semaphore(%arg12 : memref<!tpu.dma_semaphore, #tpu.memory_space<semaphore_mem>>) src(%dma_wait3A_79 : memref<10240x128xf32, #tpu.memory_space<hbm>>) dst(%arg9 : memref<128x128xf32, #tpu.memory_space<vmem>>)
        %dma_start3A_80 = arith.constant 0 : i32
        %dma_start3A_81 = tpu.memref_slice %arg8[%mul3A_69, %dma_start3A_80] : memref<16x128xi32, #tpu.memory_space<vmem>> -> memref<1x128xi32, #tpu.memory_space<vmem>>
        %dma_start3A_82 = tpu.memref_squeeze %dma_start3A_81 : memref<1x128xi32, #tpu.memory_space<vmem>> -> memref<128xi32, #tpu.memory_space<vmem>>
        %dma_start3A_83 = arith.constant 0 : i32
        %dma_start3A_84 = arith.constant 0 : i32
        %dma_start3A_85 = tpu.memref_slice %arg11[%dma_start3A_83, %dma_start3A_84] : memref<10240x128xf32, #tpu.memory_space<vmem_shared>> -> memref<10240x128xf32, #tpu.memory_space<vmem_shared>>
        tpu.enqueue_indirect_dma source(%arg9 : memref<128x128xf32, #tpu.memory_space<vmem>>) target(%dma_start3A_85 : memref<10240x128xf32, #tpu.memory_space<vmem_shared>>) offsets(%dma_start3A_82 : memref<128xi32, #tpu.memory_space<vmem>>) semaphore(%arg14 : memref<!tpu.dma_semaphore, #tpu.memory_space<semaphore_mem>>) {add = true}
        %gt3A = arith.constant 0 : i32
        %gt3A_86 = arith.cmpi sgt, %add3A_67, %gt3A : i32
        %convert_element_type3A = arith.extui %gt3A_86 : i1 to i32
        %cond3A = arith.constant 0 : i32
        %cond3A_87 = arith.cmpi ne, %convert_element_type3A, %cond3A : i32
        scf.if %cond3A_87 {
          %dma_wait3A_116 = arith.constant 0 : i32
          %dma_wait3A_117 = tpu.memref_slice %arg8[%add3A_73, %dma_wait3A_116] : memref<16x128xi32, #tpu.memory_space<vmem>> -> memref<1x128xi32, #tpu.memory_space<vmem>>
          %dma_wait3A_118 = tpu.memref_squeeze %dma_wait3A_117 : memref<1x128xi32, #tpu.memory_space<vmem>> -> memref<128xi32, #tpu.memory_space<vmem>>
          %dma_wait3A_119 = arith.constant 0 : i32
          %dma_wait3A_120 = arith.constant 0 : i32
          %dma_wait3A_121 = tpu.memref_slice %arg11[%dma_wait3A_119, %dma_wait3A_120] : memref<10240x128xf32, #tpu.memory_space<vmem_shared>> -> memref<10240x128xf32, #tpu.memory_space<vmem_shared>>
          tpu.wait_indirect_dma semaphore(%arg15 : memref<!tpu.dma_semaphore, #tpu.memory_space<semaphore_mem>>) src(%arg10 : memref<128x128xf32, #tpu.memory_space<vmem>>) dst(%dma_wait3A_121 : memref<10240x128xf32, #tpu.memory_space<vmem_shared>>)
        } else {
        }
        %dma_start3A_88 = arith.constant 0 : i32
        %dma_start3A_89 = tpu.memref_slice %arg7[%add3A_73, %dma_start3A_88] : memref<16x128xi32, #tpu.memory_space<vmem>> -> memref<1x128xi32, #tpu.memory_space<vmem>>
        %dma_start3A_90 = tpu.memref_squeeze %dma_start3A_89 : memref<1x128xi32, #tpu.memory_space<vmem>> -> memref<128xi32, #tpu.memory_space<vmem>>
        %dma_start3A_91 = arith.constant 0 : i32
        %dma_start3A_92 = arith.constant 0 : i32
        %dma_start3A_93 = tpu.memref_slice %arg2[%dma_start3A_91, %dma_start3A_92] : memref<10240x128xf32, #tpu.memory_space<hbm>> -> memref<10240x128xf32, #tpu.memory_space<hbm>>
        tpu.enqueue_indirect_dma source(%dma_start3A_93 : memref<10240x128xf32, #tpu.memory_space<hbm>>) target(%arg10 : memref<128x128xf32, #tpu.memory_space<vmem>>) offsets(%dma_start3A_90 : memref<128xi32, #tpu.memory_space<vmem>>) semaphore(%arg13 : memref<!tpu.dma_semaphore, #tpu.memory_space<semaphore_mem>>)
        %dma_wait3A_94 = arith.constant 0 : i32
        %dma_wait3A_95 = tpu.memref_slice %arg7[%add3A_73, %dma_wait3A_94] : memref<16x128xi32, #tpu.memory_space<vmem>> -> memref<1x128xi32, #tpu.memory_space<vmem>>
        %dma_wait3A_96 = tpu.memref_squeeze %dma_wait3A_95 : memref<1x128xi32, #tpu.memory_space<vmem>> -> memref<128xi32, #tpu.memory_space<vmem>>
        %dma_wait3A_97 = arith.constant 0 : i32
        %dma_wait3A_98 = arith.constant 0 : i32
        %dma_wait3A_99 = tpu.memref_slice %arg2[%dma_wait3A_97, %dma_wait3A_98] : memref<10240x128xf32, #tpu.memory_space<hbm>> -> memref<10240x128xf32, #tpu.memory_space<hbm>>
        tpu.wait_indirect_dma semaphore(%arg13 : memref<!tpu.dma_semaphore, #tpu.memory_space<semaphore_mem>>) src(%dma_wait3A_99 : memref<10240x128xf32, #tpu.memory_space<hbm>>) dst(%arg10 : memref<128x128xf32, #tpu.memory_space<vmem>>)
        %dma_start3A_100 = arith.constant 0 : i32
        %dma_start3A_101 = tpu.memref_slice %arg8[%add3A_73, %dma_start3A_100] : memref<16x128xi32, #tpu.memory_space<vmem>> -> memref<1x128xi32, #tpu.memory_space<vmem>>
        %dma_start3A_102 = tpu.memref_squeeze %dma_start3A_101 : memref<1x128xi32, #tpu.memory_space<vmem>> -> memref<128xi32, #tpu.memory_space<vmem>>
        %dma_start3A_103 = arith.constant 0 : i32
        %dma_start3A_104 = arith.constant 0 : i32
        %dma_start3A_105 = tpu.memref_slice %arg11[%dma_start3A_103, %dma_start3A_104] : memref<10240x128xf32, #tpu.memory_space<vmem_shared>> -> memref<10240x128xf32, #tpu.memory_space<vmem_shared>>
        tpu.enqueue_indirect_dma source(%arg10 : memref<128x128xf32, #tpu.memory_space<vmem>>) target(%dma_start3A_105 : memref<10240x128xf32, #tpu.memory_space<vmem_shared>>) offsets(%dma_start3A_102 : memref<128xi32, #tpu.memory_space<vmem>>) semaphore(%arg15 : memref<!tpu.dma_semaphore, #tpu.memory_space<semaphore_mem>>) {add = true}
        %dma_wait3A_106 = arith.constant 0 : i32
        %dma_wait3A_107 = tpu.memref_slice %arg8[%mul3A_69, %dma_wait3A_106] : memref<16x128xi32, #tpu.memory_space<vmem>> -> memref<1x128xi32, #tpu.memory_space<vmem>>
        %dma_wait3A_108 = tpu.memref_squeeze %dma_wait3A_107 : memref<1x128xi32, #tpu.memory_space<vmem>> -> memref<128xi32, #tpu.memory_space<vmem>>
        %dma_wait3A_109 = arith.constant 0 : i32
        %dma_wait3A_110 = arith.constant 0 : i32
        %dma_wait3A_111 = tpu.memref_slice %arg11[%dma_wait3A_109, %dma_wait3A_110] : memref<10240x128xf32, #tpu.memory_space<vmem_shared>> -> memref<10240x128xf32, #tpu.memory_space<vmem_shared>>
        tpu.wait_indirect_dma semaphore(%arg14 : memref<!tpu.dma_semaphore, #tpu.memory_space<semaphore_mem>>) src(%arg9 : memref<128x128xf32, #tpu.memory_space<vmem>>) dst(%dma_wait3A_111 : memref<10240x128xf32, #tpu.memory_space<vmem_shared>>)
        %lt3A = arith.constant 7 : i32
        %lt3A_112 = arith.cmpi slt, %add3A_67, %lt3A : i32
        %convert_element_type3A_113 = arith.extui %lt3A_112 : i1 to i32
        %cond3A_114 = arith.constant 0 : i32
        %cond3A_115 = arith.cmpi ne, %convert_element_type3A_113, %cond3A_114 : i32
        scf.if %cond3A_115 {
          %add3A_116 = arith.constant 2 : i32
          %add3A_117 = arith.addi %mul3A_69, %add3A_116 : i32
          %dma_start3A_118 = arith.constant 0 : i32
          %dma_start3A_119 = tpu.memref_slice %arg7[%add3A_117, %dma_start3A_118] : memref<16x128xi32, #tpu.memory_space<vmem>> -> memref<1x128xi32, #tpu.memory_space<vmem>>
          %dma_start3A_120 = tpu.memref_squeeze %dma_start3A_119 : memref<1x128xi32, #tpu.memory_space<vmem>> -> memref<128xi32, #tpu.memory_space<vmem>>
          %dma_start3A_121 = arith.constant 0 : i32
          %dma_start3A_122 = arith.constant 0 : i32
          %dma_start3A_123 = tpu.memref_slice %arg2[%dma_start3A_121, %dma_start3A_122] : memref<10240x128xf32, #tpu.memory_space<hbm>> -> memref<10240x128xf32, #tpu.memory_space<hbm>>
          tpu.enqueue_indirect_dma source(%dma_start3A_123 : memref<10240x128xf32, #tpu.memory_space<hbm>>) target(%arg9 : memref<128x128xf32, #tpu.memory_space<vmem>>) offsets(%dma_start3A_120 : memref<128xi32, #tpu.memory_space<vmem>>) semaphore(%arg12 : memref<!tpu.dma_semaphore, #tpu.memory_space<semaphore_mem>>)
        } else {
        }
      }
      %scan3A_56 = arith.constant 8 : i32
      %dma_wait3A = arith.constant 15 : i32
      %dma_wait3A_57 = arith.constant 0 : i32
      %dma_wait3A_58 = tpu.memref_slice %arg8[%dma_wait3A, %dma_wait3A_57] : memref<16x128xi32, #tpu.memory_space<vmem>> -> memref<1x128xi32, #tpu.memory_space<vmem>>
      %dma_wait3A_59 = tpu.memref_squeeze %dma_wait3A_58 : memref<1x128xi32, #tpu.memory_space<vmem>> -> memref<128xi32, #tpu.memory_space<vmem>>
      %dma_wait3A_60 = arith.constant 0 : i32
      %dma_wait3A_61 = arith.constant 0 : i32
      %dma_wait3A_62 = tpu.memref_slice %arg11[%dma_wait3A_60, %dma_wait3A_61] : memref<10240x128xf32, #tpu.memory_space<vmem_shared>> -> memref<10240x128xf32, #tpu.memory_space<vmem_shared>>
      tpu.wait_indirect_dma semaphore(%arg15 : memref<!tpu.dma_semaphore, #tpu.memory_space<semaphore_mem>>) src(%arg10 : memref<128x128xf32, #tpu.memory_space<vmem>>) dst(%dma_wait3A_62 : memref<10240x128xf32, #tpu.memory_space<vmem_shared>>)
    }
    %while3A_30 = arith.constant 1 : i32
    scf.for %while3A_40 = %while3A_28 to %while3A_24 step %while3A_30  : i32 {
      %mul3A_41 = arith.muli %while3A_40, %while3A : i32
      %add3A_42 = arith.addi %while3A_21, %mul3A_41 : i32
      %mul3A_43 = arith.constant 16 : i32
      %mul3A_44 = arith.muli %add3A_42, %mul3A_43 : i32
      %add3A_45 = arith.addi %select_n3A_14, %mul3A_44 : i32
      "tpu.region"() ({
        %run_scoped3A = tpu.sem_alloc : memref<!tpu.dma_semaphore, #tpu.memory_space<semaphore_mem>>
        %dma_start3A_63 = arith.constant 0 : i32
        %dma_start3A_64 = tpu.memref_slice %arg3[%add3A_45, %dma_start3A_63] : memref<2560x128xi32, #tpu.memory_space<hbm>> -> memref<16x128xi32, #tpu.memory_space<hbm>>
        %dma_start3A_65 = arith.constant 0 : i32
        %dma_start3A_66 = tpu.memref_slice %arg3[%add3A_45, %dma_start3A_65] : memref<2560x128xi32, #tpu.memory_space<hbm>> -> memref<16x128xi32, #tpu.memory_space<hbm>>
        tpu.enqueue_dma source(%dma_start3A_66 : memref<16x128xi32, #tpu.memory_space<hbm>>) target(%arg7 : memref<16x128xi32, #tpu.memory_space<vmem>>) target_semaphore(%run_scoped3A : memref<!tpu.dma_semaphore, #tpu.memory_space<semaphore_mem>>)
        %dma_wait3A_67 = arith.constant 0 : i32
        %dma_wait3A_68 = tpu.memref_slice %arg3[%add3A_45, %dma_wait3A_67] : memref<2560x128xi32, #tpu.memory_space<hbm>> -> memref<16x128xi32, #tpu.memory_space<hbm>>
        %dma_wait3A_69 = arith.constant 0 : i32
        %dma_wait3A_70 = tpu.memref_slice %arg3[%add3A_45, %dma_wait3A_69] : memref<2560x128xi32, #tpu.memory_space<hbm>> -> memref<16x128xi32, #tpu.memory_space<hbm>>
        tpu.wait_dma2 semaphore(%run_scoped3A : memref<!tpu.dma_semaphore, #tpu.memory_space<semaphore_mem>>) src(%dma_wait3A_70 : memref<16x128xi32, #tpu.memory_space<hbm>>) dst(%arg7 : memref<16x128xi32, #tpu.memory_space<vmem>>)
        tpu.yield
      }) : () -> ()
      "tpu.region"() ({
        %run_scoped3A = tpu.sem_alloc : memref<!tpu.dma_semaphore, #tpu.memory_space<semaphore_mem>>
        %dma_start3A_63 = arith.constant 0 : i32
        %dma_start3A_64 = tpu.memref_slice %arg4[%add3A_45, %dma_start3A_63] : memref<2560x128xi32, #tpu.memory_space<hbm>> -> memref<16x128xi32, #tpu.memory_space<hbm>>
        %dma_start3A_65 = arith.constant 0 : i32
        %dma_start3A_66 = tpu.memref_slice %arg4[%add3A_45, %dma_start3A_65] : memref<2560x128xi32, #tpu.memory_space<hbm>> -> memref<16x128xi32, #tpu.memory_space<hbm>>
        tpu.enqueue_dma source(%dma_start3A_66 : memref<16x128xi32, #tpu.memory_space<hbm>>) target(%arg8 : memref<16x128xi32, #tpu.memory_space<vmem>>) target_semaphore(%run_scoped3A : memref<!tpu.dma_semaphore, #tpu.memory_space<semaphore_mem>>)
        %dma_wait3A_67 = arith.constant 0 : i32
        %dma_wait3A_68 = tpu.memref_slice %arg4[%add3A_45, %dma_wait3A_67] : memref<2560x128xi32, #tpu.memory_space<hbm>> -> memref<16x128xi32, #tpu.memory_space<hbm>>
        %dma_wait3A_69 = arith.constant 0 : i32
        %dma_wait3A_70 = tpu.memref_slice %arg4[%add3A_45, %dma_wait3A_69] : memref<2560x128xi32, #tpu.memory_space<hbm>> -> memref<16x128xi32, #tpu.memory_space<hbm>>
        tpu.wait_dma2 semaphore(%run_scoped3A : memref<!tpu.dma_semaphore, #tpu.memory_space<semaphore_mem>>) src(%dma_wait3A_70 : memref<16x128xi32, #tpu.memory_space<hbm>>) dst(%arg8 : memref<16x128xi32, #tpu.memory_space<vmem>>)
        tpu.yield
      }) : () -> ()
      %dma_start3A = arith.constant 0 : i32
      %dma_start3A_46 = arith.constant 0 : i32
      %dma_start3A_47 = tpu.memref_slice %arg7[%dma_start3A, %dma_start3A_46] : memref<16x128xi32, #tpu.memory_space<vmem>> -> memref<1x128xi32, #tpu.memory_space<vmem>>
      %dma_start3A_48 = tpu.memref_squeeze %dma_start3A_47 : memref<1x128xi32, #tpu.memory_space<vmem>> -> memref<128xi32, #tpu.memory_space<vmem>>
      %dma_start3A_49 = arith.constant 0 : i32
      %dma_start3A_50 = arith.constant 0 : i32
      %dma_start3A_51 = tpu.memref_slice %arg2[%dma_start3A_49, %dma_start3A_50] : memref<10240x128xf32, #tpu.memory_space<hbm>> -> memref<10240x128xf32, #tpu.memory_space<hbm>>
      tpu.enqueue_indirect_dma source(%dma_start3A_51 : memref<10240x128xf32, #tpu.memory_space<hbm>>) target(%arg9 : memref<128x128xf32, #tpu.memory_space<vmem>>) offsets(%dma_start3A_48 : memref<128xi32, #tpu.memory_space<vmem>>) semaphore(%arg12 : memref<!tpu.dma_semaphore, #tpu.memory_space<semaphore_mem>>)
      %scan3A_52 = arith.constant 0 : i32
      %scan3A_53 = arith.constant 8 : i32
      %scan3A_54 = arith.addi %scan3A_52, %scan3A_53 : i32
      %scan3A_55 = arith.constant 1 : i32
      scf.for %scan3A_63 = %scan3A_52 to %scan3A_54 step %scan3A_55  : i32 {
        %mul3A_64 = arith.constant 1 : i32
        %mul3A_65 = arith.muli %scan3A_63, %mul3A_64 : i32
        %add3A_66 = arith.constant 0 : i32
        %add3A_67 = arith.addi %add3A_66, %mul3A_65 : i32
        %mul3A_68 = arith.constant 2 : i32
        %mul3A_69 = arith.muli %mul3A_68, %add3A_67 : i32
        %mul3A_70 = arith.constant 2 : i32
        %mul3A_71 = arith.muli %mul3A_70, %add3A_67 : i32
        %add3A_72 = arith.constant 1 : i32
        %add3A_73 = arith.addi %mul3A_71, %add3A_72 : i32
        %dma_wait3A_74 = arith.constant 0 : i32
        %dma_wait3A_75 = tpu.memref_slice %arg7[%mul3A_69, %dma_wait3A_74] : memref<16x128xi32, #tpu.memory_space<vmem>> -> memref<1x128xi32, #tpu.memory_space<vmem>>
        %dma_wait3A_76 = tpu.memref_squeeze %dma_wait3A_75 : memref<1x128xi32, #tpu.memory_space<vmem>> -> memref<128xi32, #tpu.memory_space<vmem>>
        %dma_wait3A_77 = arith.constant 0 : i32
        %dma_wait3A_78 = arith.constant 0 : i32
        %dma_wait3A_79 = tpu.memref_slice %arg2[%dma_wait3A_77, %dma_wait3A_78] : memref<10240x128xf32, #tpu.memory_space<hbm>> -> memref<10240x128xf32, #tpu.memory_space<hbm>>
        tpu.wait_indirect_dma semaphore(%arg12 : memref<!tpu.dma_semaphore, #tpu.memory_space<semaphore_mem>>) src(%dma_wait3A_79 : memref<10240x128xf32, #tpu.memory_space<hbm>>) dst(%arg9 : memref<128x128xf32, #tpu.memory_space<vmem>>)
        %dma_start3A_80 = arith.constant 0 : i32
        %dma_start3A_81 = tpu.memref_slice %arg8[%mul3A_69, %dma_start3A_80] : memref<16x128xi32, #tpu.memory_space<vmem>> -> memref<1x128xi32, #tpu.memory_space<vmem>>
        %dma_start3A_82 = tpu.memref_squeeze %dma_start3A_81 : memref<1x128xi32, #tpu.memory_space<vmem>> -> memref<128xi32, #tpu.memory_space<vmem>>
        %dma_start3A_83 = arith.constant 0 : i32
        %dma_start3A_84 = arith.constant 0 : i32
        %dma_start3A_85 = tpu.memref_slice %arg11[%dma_start3A_83, %dma_start3A_84] : memref<10240x128xf32, #tpu.memory_space<vmem_shared>> -> memref<10240x128xf32, #tpu.memory_space<vmem_shared>>
        tpu.enqueue_indirect_dma source(%arg9 : memref<128x128xf32, #tpu.memory_space<vmem>>) target(%dma_start3A_85 : memref<10240x128xf32, #tpu.memory_space<vmem_shared>>) offsets(%dma_start3A_82 : memref<128xi32, #tpu.memory_space<vmem>>) semaphore(%arg14 : memref<!tpu.dma_semaphore, #tpu.memory_space<semaphore_mem>>) {add = true}
        %gt3A = arith.constant 0 : i32
        %gt3A_86 = arith.cmpi sgt, %add3A_67, %gt3A : i32
        %convert_element_type3A = arith.extui %gt3A_86 : i1 to i32
        %cond3A = arith.constant 0 : i32
        %cond3A_87 = arith.cmpi ne, %convert_element_type3A, %cond3A : i32
        scf.if %cond3A_87 {
          %dma_wait3A_116 = arith.constant 0 : i32
          %dma_wait3A_117 = tpu.memref_slice %arg8[%add3A_73, %dma_wait3A_116] : memref<16x128xi32, #tpu.memory_space<vmem>> -> memref<1x128xi32, #tpu.memory_space<vmem>>
          %dma_wait3A_118 = tpu.memref_squeeze %dma_wait3A_117 : memref<1x128xi32, #tpu.memory_space<vmem>> -> memref<128xi32, #tpu.memory_space<vmem>>
          %dma_wait3A_119 = arith.constant 0 : i32
          %dma_wait3A_120 = arith.constant 0 : i32
          %dma_wait3A_121 = tpu.memref_slice %arg11[%dma_wait3A_119, %dma_wait3A_120] : memref<10240x128xf32, #tpu.memory_space<vmem_shared>> -> memref<10240x128xf32, #tpu.memory_space<vmem_shared>>
          tpu.wait_indirect_dma semaphore(%arg15 : memref<!tpu.dma_semaphore, #tpu.memory_space<semaphore_mem>>) src(%arg10 : memref<128x128xf32, #tpu.memory_space<vmem>>) dst(%dma_wait3A_121 : memref<10240x128xf32, #tpu.memory_space<vmem_shared>>)
        } else {
        }
        %dma_start3A_88 = arith.constant 0 : i32
        %dma_start3A_89 = tpu.memref_slice %arg7[%add3A_73, %dma_start3A_88] : memref<16x128xi32, #tpu.memory_space<vmem>> -> memref<1x128xi32, #tpu.memory_space<vmem>>
        %dma_start3A_90 = tpu.memref_squeeze %dma_start3A_89 : memref<1x128xi32, #tpu.memory_space<vmem>> -> memref<128xi32, #tpu.memory_space<vmem>>
        %dma_start3A_91 = arith.constant 0 : i32
        %dma_start3A_92 = arith.constant 0 : i32
        %dma_start3A_93 = tpu.memref_slice %arg2[%dma_start3A_91, %dma_start3A_92] : memref<10240x128xf32, #tpu.memory_space<hbm>> -> memref<10240x128xf32, #tpu.memory_space<hbm>>
        tpu.enqueue_indirect_dma source(%dma_start3A_93 : memref<10240x128xf32, #tpu.memory_space<hbm>>) target(%arg10 : memref<128x128xf32, #tpu.memory_space<vmem>>) offsets(%dma_start3A_90 : memref<128xi32, #tpu.memory_space<vmem>>) semaphore(%arg13 : memref<!tpu.dma_semaphore, #tpu.memory_space<semaphore_mem>>)
        %dma_wait3A_94 = arith.constant 0 : i32
        %dma_wait3A_95 = tpu.memref_slice %arg7[%add3A_73, %dma_wait3A_94] : memref<16x128xi32, #tpu.memory_space<vmem>> -> memref<1x128xi32, #tpu.memory_space<vmem>>
        %dma_wait3A_96 = tpu.memref_squeeze %dma_wait3A_95 : memref<1x128xi32, #tpu.memory_space<vmem>> -> memref<128xi32, #tpu.memory_space<vmem>>
        %dma_wait3A_97 = arith.constant 0 : i32
        %dma_wait3A_98 = arith.constant 0 : i32
        %dma_wait3A_99 = tpu.memref_slice %arg2[%dma_wait3A_97, %dma_wait3A_98] : memref<10240x128xf32, #tpu.memory_space<hbm>> -> memref<10240x128xf32, #tpu.memory_space<hbm>>
        tpu.wait_indirect_dma semaphore(%arg13 : memref<!tpu.dma_semaphore, #tpu.memory_space<semaphore_mem>>) src(%dma_wait3A_99 : memref<10240x128xf32, #tpu.memory_space<hbm>>) dst(%arg10 : memref<128x128xf32, #tpu.memory_space<vmem>>)
        %dma_start3A_100 = arith.constant 0 : i32
        %dma_start3A_101 = tpu.memref_slice %arg8[%add3A_73, %dma_start3A_100] : memref<16x128xi32, #tpu.memory_space<vmem>> -> memref<1x128xi32, #tpu.memory_space<vmem>>
        %dma_start3A_102 = tpu.memref_squeeze %dma_start3A_101 : memref<1x128xi32, #tpu.memory_space<vmem>> -> memref<128xi32, #tpu.memory_space<vmem>>
        %dma_start3A_103 = arith.constant 0 : i32
        %dma_start3A_104 = arith.constant 0 : i32
        %dma_start3A_105 = tpu.memref_slice %arg11[%dma_start3A_103, %dma_start3A_104] : memref<10240x128xf32, #tpu.memory_space<vmem_shared>> -> memref<10240x128xf32, #tpu.memory_space<vmem_shared>>
        tpu.enqueue_indirect_dma source(%arg10 : memref<128x128xf32, #tpu.memory_space<vmem>>) target(%dma_start3A_105 : memref<10240x128xf32, #tpu.memory_space<vmem_shared>>) offsets(%dma_start3A_102 : memref<128xi32, #tpu.memory_space<vmem>>) semaphore(%arg15 : memref<!tpu.dma_semaphore, #tpu.memory_space<semaphore_mem>>) {add = true}
        %dma_wait3A_106 = arith.constant 0 : i32
        %dma_wait3A_107 = tpu.memref_slice %arg8[%mul3A_69, %dma_wait3A_106] : memref<16x128xi32, #tpu.memory_space<vmem>> -> memref<1x128xi32, #tpu.memory_space<vmem>>
        %dma_wait3A_108 = tpu.memref_squeeze %dma_wait3A_107 : memref<1x128xi32, #tpu.memory_space<vmem>> -> memref<128xi32, #tpu.memory_space<vmem>>
        %dma_wait3A_109 = arith.constant 0 : i32
        %dma_wait3A_110 = arith.constant 0 : i32
        %dma_wait3A_111 = tpu.memref_slice %arg11[%dma_wait3A_109, %dma_wait3A_110] : memref<10240x128xf32, #tpu.memory_space<vmem_shared>> -> memref<10240x128xf32, #tpu.memory_space<vmem_shared>>
        tpu.wait_indirect_dma semaphore(%arg14 : memref<!tpu.dma_semaphore, #tpu.memory_space<semaphore_mem>>) src(%arg9 : memref<128x128xf32, #tpu.memory_space<vmem>>) dst(%dma_wait3A_111 : memref<10240x128xf32, #tpu.memory_space<vmem_shared>>)
        %lt3A = arith.constant 7 : i32
        %lt3A_112 = arith.cmpi slt, %add3A_67, %lt3A : i32
        %convert_element_type3A_113 = arith.extui %lt3A_112 : i1 to i32
        %cond3A_114 = arith.constant 0 : i32
        %cond3A_115 = arith.cmpi ne, %convert_element_type3A_113, %cond3A_114 : i32
        scf.if %cond3A_115 {
          %add3A_116 = arith.constant 2 : i32
          %add3A_117 = arith.addi %mul3A_69, %add3A_116 : i32
          %dma_start3A_118 = arith.constant 0 : i32
          %dma_start3A_119 = tpu.memref_slice %arg7[%add3A_117, %dma_start3A_118] : memref<16x128xi32, #tpu.memory_space<vmem>> -> memref<1x128xi32, #tpu.memory_space<vmem>>
          %dma_start3A_120 = tpu.memref_squeeze %dma_start3A_119 : memref<1x128xi32, #tpu.memory_space<vmem>> -> memref<128xi32, #tpu.memory_space<vmem>>
          %dma_start3A_121 = arith.constant 0 : i32
          %dma_start3A_122 = arith.constant 0 : i32
          %dma_start3A_123 = tpu.memref_slice %arg2[%dma_start3A_121, %dma_start3A_122] : memref<10240x128xf32, #tpu.memory_space<hbm>> -> memref<10240x128xf32, #tpu.memory_space<hbm>>
          tpu.enqueue_indirect_dma source(%dma_start3A_123 : memref<10240x128xf32, #tpu.memory_space<hbm>>) target(%arg9 : memref<128x128xf32, #tpu.memory_space<vmem>>) offsets(%dma_start3A_120 : memref<128xi32, #tpu.memory_space<vmem>>) semaphore(%arg12 : memref<!tpu.dma_semaphore, #tpu.memory_space<semaphore_mem>>)
        } else {
        }
      }
      %scan3A_56 = arith.constant 8 : i32
      %dma_wait3A = arith.constant 15 : i32
      %dma_wait3A_57 = arith.constant 0 : i32
      %dma_wait3A_58 = tpu.memref_slice %arg8[%dma_wait3A, %dma_wait3A_57] : memref<16x128xi32, #tpu.memory_space<vmem>> -> memref<1x128xi32, #tpu.memory_space<vmem>>
      %dma_wait3A_59 = tpu.memref_squeeze %dma_wait3A_58 : memref<1x128xi32, #tpu.memory_space<vmem>> -> memref<128xi32, #tpu.memory_space<vmem>>
      %dma_wait3A_60 = arith.constant 0 : i32
      %dma_wait3A_61 = arith.constant 0 : i32
      %dma_wait3A_62 = tpu.memref_slice %arg11[%dma_wait3A_60, %dma_wait3A_61] : memref<10240x128xf32, #tpu.memory_space<vmem_shared>> -> memref<10240x128xf32, #tpu.memory_space<vmem_shared>>
      tpu.wait_indirect_dma semaphore(%arg15 : memref<!tpu.dma_semaphore, #tpu.memory_space<semaphore_mem>>) src(%arg10 : memref<128x128xf32, #tpu.memory_space<vmem>>) dst(%dma_wait3A_62 : memref<10240x128xf32, #tpu.memory_space<vmem_shared>>)
    }
    %barrier3A_31 = arith.constant 0 : index
    tpu.barrier barrier_id(%barrier3A_31)
    %mul3A_32 = arith.constant 10240 : i32
    %mul3A_33 = arith.muli %arg0, %mul3A_32 : i32
    %add3A_34 = arith.addi %mul3A_33, %mul3A_0 : i32
    %scan3A_35 = arith.constant 0 : i32
    %scan3A_36 = arith.constant 5 : i32
    %scan3A_37 = arith.addi %scan3A_35, %scan3A_36 : i32
    %scan3A_38 = arith.constant 1 : i32
    scf.for %scan3A_40 = %scan3A_35 to %scan3A_37 step %scan3A_38  : i32 {
      %mul3A_41 = arith.constant 1 : i32
      %mul3A_42 = arith.muli %scan3A_40, %mul3A_41 : i32
      %add3A_43 = arith.constant 0 : i32
      %add3A_44 = arith.addi %add3A_43, %mul3A_42 : i32
      %mul3A_45 = arith.constant 128 : i32
      %mul3A_46 = arith.muli %add3A_44, %mul3A_45 : i32
      %add3A_47 = arith.addi %mul3A_0, %mul3A_46 : i32
      "tpu.region"() ({
        %run_scoped3A = tpu.sem_alloc : memref<!tpu.dma_semaphore, #tpu.memory_space<semaphore_mem>>
        %dma_start3A = arith.constant 0 : i32
        %dma_start3A_51 = tpu.memref_slice %arg11[%add3A_47, %dma_start3A] : memref<10240x128xf32, #tpu.memory_space<vmem_shared>> -> memref<128x128xf32, #tpu.memory_space<vmem_shared>>
        %dma_start3A_52 = arith.constant 0 : i32
        %dma_start3A_53 = tpu.memref_slice %arg11[%add3A_47, %dma_start3A_52] : memref<10240x128xf32, #tpu.memory_space<vmem_shared>> -> memref<128x128xf32, #tpu.memory_space<vmem_shared>>
        tpu.enqueue_dma source(%dma_start3A_53 : memref<128x128xf32, #tpu.memory_space<vmem_shared>>) target(%arg9 : memref<128x128xf32, #tpu.memory_space<vmem>>) target_semaphore(%run_scoped3A : memref<!tpu.dma_semaphore, #tpu.memory_space<semaphore_mem>>)
        %dma_wait3A = arith.constant 0 : i32
        %dma_wait3A_54 = tpu.memref_slice %arg11[%add3A_47, %dma_wait3A] : memref<10240x128xf32, #tpu.memory_space<vmem_shared>> -> memref<128x128xf32, #tpu.memory_space<vmem_shared>>
        %dma_wait3A_55 = arith.constant 0 : i32
        %dma_wait3A_56 = tpu.memref_slice %arg11[%add3A_47, %dma_wait3A_55] : memref<10240x128xf32, #tpu.memory_space<vmem_shared>> -> memref<128x128xf32, #tpu.memory_space<vmem_shared>>
        tpu.wait_dma2 semaphore(%run_scoped3A : memref<!tpu.dma_semaphore, #tpu.memory_space<semaphore_mem>>) src(%dma_wait3A_56 : memref<128x128xf32, #tpu.memory_space<vmem_shared>>) dst(%arg9 : memref<128x128xf32, #tpu.memory_space<vmem>>)
        tpu.yield
      }) : () -> ()
      %mul3A_48 = arith.constant 128 : i32
      %mul3A_49 = arith.muli %add3A_44, %mul3A_48 : i32
      %add3A_50 = arith.addi %add3A_34, %mul3A_49 : i32
      "tpu.region"() ({
        %run_scoped3A = tpu.sem_alloc : memref<!tpu.dma_semaphore, #tpu.memory_space<semaphore_mem>>
        %dma_start3A = arith.constant 0 : i32
        %dma_start3A_51 = tpu.memref_slice %arg6[%add3A_50, %dma_start3A] : memref<20480x128xf32, #tpu.memory_space<hbm>> -> memref<128x128xf32, #tpu.memory_space<hbm>>
        %dma_start3A_52 = arith.constant 0 : i32
        %dma_start3A_53 = tpu.memref_slice %arg6[%add3A_50, %dma_start3A_52] : memref<20480x128xf32, #tpu.memory_space<hbm>> -> memref<128x128xf32, #tpu.memory_space<hbm>>
        tpu.enqueue_dma source(%arg9 : memref<128x128xf32, #tpu.memory_space<vmem>>) target(%dma_start3A_53 : memref<128x128xf32, #tpu.memory_space<hbm>>) target_semaphore(%run_scoped3A : memref<!tpu.dma_semaphore, #tpu.memory_space<semaphore_mem>>)
        %dma_wait3A = arith.constant 0 : i32
        %dma_wait3A_54 = tpu.memref_slice %arg6[%add3A_50, %dma_wait3A] : memref<20480x128xf32, #tpu.memory_space<hbm>> -> memref<128x128xf32, #tpu.memory_space<hbm>>
        %dma_wait3A_55 = arith.constant 0 : i32
        %dma_wait3A_56 = tpu.memref_slice %arg6[%add3A_50, %dma_wait3A_55] : memref<20480x128xf32, #tpu.memory_space<hbm>> -> memref<128x128xf32, #tpu.memory_space<hbm>>
        tpu.wait_dma2 semaphore(%run_scoped3A : memref<!tpu.dma_semaphore, #tpu.memory_space<semaphore_mem>>) src(%arg9 : memref<128x128xf32, #tpu.memory_space<vmem>>) dst(%dma_wait3A_56 : memref<128x128xf32, #tpu.memory_space<hbm>>)
        tpu.yield
      }) : () -> ()
    }
    %scan3A_39 = arith.constant 5 : i32
    return
  }
}

#map = affine_map<(d0, d1) -> (0, 0)>
module attributes {stable_mosaic.version = 14 : i64} {
  func.func @sc_pool(%arg0: i32, %arg1: i32, %arg2: memref<10240x128xf32, #tpu.memory_space<hbm>>, %arg3: memref<80x128xi32, #tpu.memory_space<hbm>>, %arg4: memref<128x16xf32, #tpu.memory_space<hbm>>, %arg5: memref<128x128xf32, #tpu.memory_space<hbm>>, %arg6: memref<128x16xf32, #tpu.memory_space<hbm>>, %arg7: memref<256x128xf32, #tpu.memory_space<hbm>>, %arg8: memref<256x16xf32, #tpu.memory_space<hbm>>, %arg9: memref<80x128xi32, #tpu.memory_space<vmem>>, %arg10: memref<128x128xf32, #tpu.memory_space<vmem>>, %arg11: memref<128x16xf32, #tpu.memory_space<vmem>>, %arg12: memref<128x16xf32, #tpu.memory_space<vmem>>, %arg13: memref<128x128xf32, #tpu.memory_space<vmem_shared>>, %arg14: memref<128x16xf32, #tpu.memory_space<vmem_shared>>, %arg15: memref<!tpu.dma_semaphore, #tpu.memory_space<semaphore_mem>>) attributes {dimension_semantics = [#tpu.dimension_semantics<core_parallel>, #tpu.dimension_semantics<subcore_parallel>], iteration_bounds = array<i64: 2, 16>, scalar_prefetch = 0 : i64, scratch_operands = 7 : i64, tpu.core_type = #tpu.core_type<sc_vector_subcore>, window_params = [{transform_indices = #map}, {transform_indices = #map}, {transform_indices = #map}, {transform_indices = #map}, {transform_indices = #map}, {transform_indices = #map}, {transform_indices = #map}]} {
    %mul3A = arith.constant 2 : i32
    %mul3A_0 = arith.muli %arg1, %mul3A : i32
    %add3A = arith.addi %mul3A_0, %arg0 : i32
    %eq3A = arith.constant 0 : i32
    %eq3A_1 = arith.cmpi eq, %arg1, %eq3A : i32
    %convert_element_type3A = arith.extui %eq3A_1 : i1 to i32
    %cond3A = arith.constant 0 : i32
    %cond3A_2 = arith.cmpi ne, %convert_element_type3A, %cond3A : i32
    scf.if %cond3A_2 {
      "tpu.region"() ({
        %run_scoped3A = tpu.sem_alloc : memref<!tpu.dma_semaphore, #tpu.memory_space<semaphore_mem>>
        tpu.enqueue_dma source(%arg5 : memref<128x128xf32, #tpu.memory_space<hbm>>) target(%arg10 : memref<128x128xf32, #tpu.memory_space<vmem>>) target_semaphore(%run_scoped3A : memref<!tpu.dma_semaphore, #tpu.memory_space<semaphore_mem>>)
        tpu.wait_dma2 semaphore(%run_scoped3A : memref<!tpu.dma_semaphore, #tpu.memory_space<semaphore_mem>>) src(%arg5 : memref<128x128xf32, #tpu.memory_space<hbm>>) dst(%arg10 : memref<128x128xf32, #tpu.memory_space<vmem>>)
        tpu.yield
      }) : () -> ()
      %scan3A_13 = arith.constant 0 : i32
      %mul3A_14 = arith.constant 1 : i32
      %mul3A_15 = arith.muli %scan3A_13, %mul3A_14 : i32
      %add3A_16 = arith.constant 0 : i32
      %add3A_17 = arith.addi %add3A_16, %mul3A_15 : i32
      %mul3A_18 = arith.constant 128 : i32
      %mul3A_19 = arith.muli %add3A_17, %mul3A_18 : i32
      %add3A_20 = arith.constant 0 : i32
      %add3A_21 = arith.addi %add3A_20, %mul3A_19 : i32
      "tpu.region"() ({
        %run_scoped3A = tpu.sem_alloc : memref<!tpu.dma_semaphore, #tpu.memory_space<semaphore_mem>>
        %dma_start3A = arith.constant 0 : i32
        %dma_start3A_23 = tpu.memref_slice %arg13[%add3A_21, %dma_start3A] : memref<128x128xf32, #tpu.memory_space<vmem_shared>> -> memref<128x128xf32, #tpu.memory_space<vmem_shared>>
        %dma_start3A_24 = arith.constant 0 : i32
        %dma_start3A_25 = tpu.memref_slice %arg13[%add3A_21, %dma_start3A_24] : memref<128x128xf32, #tpu.memory_space<vmem_shared>> -> memref<128x128xf32, #tpu.memory_space<vmem_shared>>
        tpu.enqueue_dma source(%arg10 : memref<128x128xf32, #tpu.memory_space<vmem>>) target(%dma_start3A_25 : memref<128x128xf32, #tpu.memory_space<vmem_shared>>) target_semaphore(%run_scoped3A : memref<!tpu.dma_semaphore, #tpu.memory_space<semaphore_mem>>)
        %dma_wait3A = arith.constant 0 : i32
        %dma_wait3A_26 = tpu.memref_slice %arg13[%add3A_21, %dma_wait3A] : memref<128x128xf32, #tpu.memory_space<vmem_shared>> -> memref<128x128xf32, #tpu.memory_space<vmem_shared>>
        %dma_wait3A_27 = arith.constant 0 : i32
        %dma_wait3A_28 = tpu.memref_slice %arg13[%add3A_21, %dma_wait3A_27] : memref<128x128xf32, #tpu.memory_space<vmem_shared>> -> memref<128x128xf32, #tpu.memory_space<vmem_shared>>
        tpu.wait_dma2 semaphore(%run_scoped3A : memref<!tpu.dma_semaphore, #tpu.memory_space<semaphore_mem>>) src(%arg10 : memref<128x128xf32, #tpu.memory_space<vmem>>) dst(%dma_wait3A_28 : memref<128x128xf32, #tpu.memory_space<vmem_shared>>)
        tpu.yield
      }) : () -> ()
      %scan3A_22 = arith.constant 1 : i32
      "tpu.region"() ({
        %run_scoped3A = tpu.sem_alloc : memref<!tpu.dma_semaphore, #tpu.memory_space<semaphore_mem>>
        tpu.enqueue_dma source(%arg6 : memref<128x16xf32, #tpu.memory_space<hbm>>) target(%arg12 : memref<128x16xf32, #tpu.memory_space<vmem>>) target_semaphore(%run_scoped3A : memref<!tpu.dma_semaphore, #tpu.memory_space<semaphore_mem>>)
        tpu.wait_dma2 semaphore(%run_scoped3A : memref<!tpu.dma_semaphore, #tpu.memory_space<semaphore_mem>>) src(%arg6 : memref<128x16xf32, #tpu.memory_space<hbm>>) dst(%arg12 : memref<128x16xf32, #tpu.memory_space<vmem>>)
        tpu.yield
      }) : () -> ()
      "tpu.region"() ({
        %run_scoped3A = tpu.sem_alloc : memref<!tpu.dma_semaphore, #tpu.memory_space<semaphore_mem>>
        tpu.enqueue_dma source(%arg12 : memref<128x16xf32, #tpu.memory_space<vmem>>) target(%arg14 : memref<128x16xf32, #tpu.memory_space<vmem_shared>>) target_semaphore(%run_scoped3A : memref<!tpu.dma_semaphore, #tpu.memory_space<semaphore_mem>>)
        tpu.wait_dma2 semaphore(%run_scoped3A : memref<!tpu.dma_semaphore, #tpu.memory_space<semaphore_mem>>) src(%arg12 : memref<128x16xf32, #tpu.memory_space<vmem>>) dst(%arg14 : memref<128x16xf32, #tpu.memory_space<vmem_shared>>)
        tpu.yield
      }) : () -> ()
    } else {
    }
    "tpu.region"() ({
      %run_scoped3A = tpu.sem_alloc : memref<!tpu.dma_semaphore, #tpu.memory_space<semaphore_mem>>
      tpu.enqueue_dma source(%arg4 : memref<128x16xf32, #tpu.memory_space<hbm>>) target(%arg11 : memref<128x16xf32, #tpu.memory_space<vmem>>) target_semaphore(%run_scoped3A : memref<!tpu.dma_semaphore, #tpu.memory_space<semaphore_mem>>)
      tpu.wait_dma2 semaphore(%run_scoped3A : memref<!tpu.dma_semaphore, #tpu.memory_space<semaphore_mem>>) src(%arg4 : memref<128x16xf32, #tpu.memory_space<hbm>>) dst(%arg11 : memref<128x16xf32, #tpu.memory_space<vmem>>)
      tpu.yield
    }) : () -> ()
    "tpu.region"() ({
      %run_scoped3A = tpu.sem_alloc : memref<!tpu.dma_semaphore, #tpu.memory_space<semaphore_mem>>
      %dma_start3A = arith.constant 0 : i32
      %dma_start3A_13 = arith.constant 0 : i32
      %dma_start3A_14 = tpu.memref_slice %arg3[%dma_start3A, %dma_start3A_13] : memref<80x128xi32, #tpu.memory_space<hbm>> -> memref<80x128xi32, #tpu.memory_space<hbm>>
      %dma_start3A_15 = arith.constant 0 : i32
      %dma_start3A_16 = arith.constant 0 : i32
      %dma_start3A_17 = tpu.memref_slice %arg3[%dma_start3A_15, %dma_start3A_16] : memref<80x128xi32, #tpu.memory_space<hbm>> -> memref<80x128xi32, #tpu.memory_space<hbm>>
      tpu.enqueue_dma source(%dma_start3A_17 : memref<80x128xi32, #tpu.memory_space<hbm>>) target(%arg9 : memref<80x128xi32, #tpu.memory_space<vmem>>) target_semaphore(%run_scoped3A : memref<!tpu.dma_semaphore, #tpu.memory_space<semaphore_mem>>)
      %dma_wait3A = arith.constant 0 : i32
      %dma_wait3A_18 = arith.constant 0 : i32
      %dma_wait3A_19 = tpu.memref_slice %arg3[%dma_wait3A, %dma_wait3A_18] : memref<80x128xi32, #tpu.memory_space<hbm>> -> memref<80x128xi32, #tpu.memory_space<hbm>>
      %dma_wait3A_20 = arith.constant 0 : i32
      %dma_wait3A_21 = arith.constant 0 : i32
      %dma_wait3A_22 = tpu.memref_slice %arg3[%dma_wait3A_20, %dma_wait3A_21] : memref<80x128xi32, #tpu.memory_space<hbm>> -> memref<80x128xi32, #tpu.memory_space<hbm>>
      tpu.wait_dma2 semaphore(%run_scoped3A : memref<!tpu.dma_semaphore, #tpu.memory_space<semaphore_mem>>) src(%dma_wait3A_22 : memref<80x128xi32, #tpu.memory_space<hbm>>) dst(%arg9 : memref<80x128xi32, #tpu.memory_space<vmem>>)
      tpu.yield
    }) : () -> ()
    %barrier3A = arith.constant 0 : index
    tpu.barrier barrier_id(%barrier3A)
    %scan3A = arith.constant 0 : i32
    %scan3A_3 = arith.constant 3 : i32
    %scan3A_4 = arith.addi %scan3A, %scan3A_3 : i32
    %scan3A_5 = arith.constant 1 : i32
    scf.for %scan3A_13 = %scan3A to %scan3A_4 step %scan3A_5  : i32 {
      %mul3A_14 = arith.constant 1 : i32
      %mul3A_15 = arith.muli %scan3A_13, %mul3A_14 : i32
      %add3A_16 = arith.constant 0 : i32
      %add3A_17 = arith.addi %add3A_16, %mul3A_15 : i32
      %mul3A_18 = arith.constant 32 : i32
      %mul3A_19 = arith.muli %add3A_17, %mul3A_18 : i32
      %add3A_20 = arith.addi %add3A, %mul3A_19 : i32
      %lt3A = arith.constant 80 : i32
      %lt3A_21 = arith.cmpi slt, %add3A_20, %lt3A : i32
      %convert_element_type3A_22 = arith.extui %lt3A_21 : i1 to i32
      %cond3A_23 = arith.constant 0 : i32
      %cond3A_24 = arith.cmpi ne, %convert_element_type3A_22, %cond3A_23 : i32
      scf.if %cond3A_24 {
        %mul3A_25 = arith.constant 128 : i32
        %mul3A_26 = arith.muli %add3A_20, %mul3A_25 : i32
        %dma_start3A = arith.constant 0 : i32
        %dma_start3A_27 = tpu.memref_slice %arg2[%mul3A_26, %dma_start3A] : memref<10240x128xf32, #tpu.memory_space<hbm>> -> memref<128x128xf32, #tpu.memory_space<hbm>>
        %dma_start3A_28 = arith.constant 0 : i32
        %dma_start3A_29 = tpu.memref_slice %arg2[%mul3A_26, %dma_start3A_28] : memref<10240x128xf32, #tpu.memory_space<hbm>> -> memref<128x128xf32, #tpu.memory_space<hbm>>
        tpu.enqueue_dma source(%dma_start3A_29 : memref<128x128xf32, #tpu.memory_space<hbm>>) target(%arg10 : memref<128x128xf32, #tpu.memory_space<vmem>>) target_semaphore(%arg15 : memref<!tpu.dma_semaphore, #tpu.memory_space<semaphore_mem>>)
        %dma_wait3A = arith.constant 0 : i32
        %dma_wait3A_30 = tpu.memref_slice %arg2[%mul3A_26, %dma_wait3A] : memref<10240x128xf32, #tpu.memory_space<hbm>> -> memref<128x128xf32, #tpu.memory_space<hbm>>
        %dma_wait3A_31 = arith.constant 0 : i32
        %dma_wait3A_32 = tpu.memref_slice %arg2[%mul3A_26, %dma_wait3A_31] : memref<10240x128xf32, #tpu.memory_space<hbm>> -> memref<128x128xf32, #tpu.memory_space<hbm>>
        tpu.wait_dma2 semaphore(%arg15 : memref<!tpu.dma_semaphore, #tpu.memory_space<semaphore_mem>>) src(%dma_wait3A_32 : memref<128x128xf32, #tpu.memory_space<hbm>>) dst(%arg10 : memref<128x128xf32, #tpu.memory_space<vmem>>)
        "tpu.region"() ({
          %run_scoped3A = tpu.sem_alloc : memref<!tpu.dma_semaphore, #tpu.memory_space<semaphore_mem>>
          %dma_start3A_33 = arith.constant 0 : i32
          %dma_start3A_34 = tpu.memref_slice %arg9[%add3A_20, %dma_start3A_33] : memref<80x128xi32, #tpu.memory_space<vmem>> -> memref<1x128xi32, #tpu.memory_space<vmem>>
          %dma_start3A_35 = tpu.memref_squeeze %dma_start3A_34 : memref<1x128xi32, #tpu.memory_space<vmem>> -> memref<128xi32, #tpu.memory_space<vmem>>
          %dma_start3A_36 = arith.constant 0 : i32
          %dma_start3A_37 = arith.constant 0 : i32
          %dma_start3A_38 = tpu.memref_slice %arg13[%dma_start3A_36, %dma_start3A_37] : memref<128x128xf32, #tpu.memory_space<vmem_shared>> -> memref<128x128xf32, #tpu.memory_space<vmem_shared>>
          tpu.enqueue_indirect_dma source(%arg10 : memref<128x128xf32, #tpu.memory_space<vmem>>) target(%dma_start3A_38 : memref<128x128xf32, #tpu.memory_space<vmem_shared>>) offsets(%dma_start3A_35 : memref<128xi32, #tpu.memory_space<vmem>>) semaphore(%run_scoped3A : memref<!tpu.dma_semaphore, #tpu.memory_space<semaphore_mem>>) {add = true}
          %dma_wait3A_39 = arith.constant 0 : i32
          %dma_wait3A_40 = tpu.memref_slice %arg9[%add3A_20, %dma_wait3A_39] : memref<80x128xi32, #tpu.memory_space<vmem>> -> memref<1x128xi32, #tpu.memory_space<vmem>>
          %dma_wait3A_41 = tpu.memref_squeeze %dma_wait3A_40 : memref<1x128xi32, #tpu.memory_space<vmem>> -> memref<128xi32, #tpu.memory_space<vmem>>
          %dma_wait3A_42 = arith.constant 0 : i32
          %dma_wait3A_43 = arith.constant 0 : i32
          %dma_wait3A_44 = tpu.memref_slice %arg13[%dma_wait3A_42, %dma_wait3A_43] : memref<128x128xf32, #tpu.memory_space<vmem_shared>> -> memref<128x128xf32, #tpu.memory_space<vmem_shared>>
          tpu.wait_indirect_dma semaphore(%run_scoped3A : memref<!tpu.dma_semaphore, #tpu.memory_space<semaphore_mem>>) src(%arg10 : memref<128x128xf32, #tpu.memory_space<vmem>>) dst(%dma_wait3A_44 : memref<128x128xf32, #tpu.memory_space<vmem_shared>>)
          tpu.yield
        }) : () -> ()
        "tpu.region"() ({
          %run_scoped3A = tpu.sem_alloc : memref<!tpu.dma_semaphore, #tpu.memory_space<semaphore_mem>>
          %dma_start3A_33 = arith.constant 0 : i32
          %dma_start3A_34 = tpu.memref_slice %arg9[%add3A_20, %dma_start3A_33] : memref<80x128xi32, #tpu.memory_space<vmem>> -> memref<1x128xi32, #tpu.memory_space<vmem>>
          %dma_start3A_35 = tpu.memref_squeeze %dma_start3A_34 : memref<1x128xi32, #tpu.memory_space<vmem>> -> memref<128xi32, #tpu.memory_space<vmem>>
          %dma_start3A_36 = arith.constant 0 : i32
          %dma_start3A_37 = arith.constant 0 : i32
          %dma_start3A_38 = tpu.memref_slice %arg14[%dma_start3A_36, %dma_start3A_37] : memref<128x16xf32, #tpu.memory_space<vmem_shared>> -> memref<128x16xf32, #tpu.memory_space<vmem_shared>>
          tpu.enqueue_indirect_dma source(%arg11 : memref<128x16xf32, #tpu.memory_space<vmem>>) target(%dma_start3A_38 : memref<128x16xf32, #tpu.memory_space<vmem_shared>>) offsets(%dma_start3A_35 : memref<128xi32, #tpu.memory_space<vmem>>) semaphore(%run_scoped3A : memref<!tpu.dma_semaphore, #tpu.memory_space<semaphore_mem>>) {add = true}
          %dma_wait3A_39 = arith.constant 0 : i32
          %dma_wait3A_40 = tpu.memref_slice %arg9[%add3A_20, %dma_wait3A_39] : memref<80x128xi32, #tpu.memory_space<vmem>> -> memref<1x128xi32, #tpu.memory_space<vmem>>
          %dma_wait3A_41 = tpu.memref_squeeze %dma_wait3A_40 : memref<1x128xi32, #tpu.memory_space<vmem>> -> memref<128xi32, #tpu.memory_space<vmem>>
          %dma_wait3A_42 = arith.constant 0 : i32
          %dma_wait3A_43 = arith.constant 0 : i32
          %dma_wait3A_44 = tpu.memref_slice %arg14[%dma_wait3A_42, %dma_wait3A_43] : memref<128x16xf32, #tpu.memory_space<vmem_shared>> -> memref<128x16xf32, #tpu.memory_space<vmem_shared>>
          tpu.wait_indirect_dma semaphore(%run_scoped3A : memref<!tpu.dma_semaphore, #tpu.memory_space<semaphore_mem>>) src(%arg11 : memref<128x16xf32, #tpu.memory_space<vmem>>) dst(%dma_wait3A_44 : memref<128x16xf32, #tpu.memory_space<vmem_shared>>)
          tpu.yield
        }) : () -> ()
      } else {
      }
    }
    %scan3A_6 = arith.constant 3 : i32
    %barrier3A_7 = arith.constant 0 : index
    tpu.barrier barrier_id(%barrier3A_7)
    %eq3A_8 = arith.constant 0 : i32
    %eq3A_9 = arith.cmpi eq, %arg1, %eq3A_8 : i32
    %convert_element_type3A_10 = arith.extui %eq3A_9 : i1 to i32
    %cond3A_11 = arith.constant 0 : i32
    %cond3A_12 = arith.cmpi ne, %convert_element_type3A_10, %cond3A_11 : i32
    scf.if %cond3A_12 {
      "tpu.region"() ({
        %run_scoped3A = tpu.sem_alloc : memref<!tpu.dma_semaphore, #tpu.memory_space<semaphore_mem>>
        tpu.enqueue_dma source(%arg13 : memref<128x128xf32, #tpu.memory_space<vmem_shared>>) target(%arg10 : memref<128x128xf32, #tpu.memory_space<vmem>>) target_semaphore(%run_scoped3A : memref<!tpu.dma_semaphore, #tpu.memory_space<semaphore_mem>>)
        tpu.wait_dma2 semaphore(%run_scoped3A : memref<!tpu.dma_semaphore, #tpu.memory_space<semaphore_mem>>) src(%arg13 : memref<128x128xf32, #tpu.memory_space<vmem_shared>>) dst(%arg10 : memref<128x128xf32, #tpu.memory_space<vmem>>)
        tpu.yield
      }) : () -> ()
      %mul3A_13 = arith.constant 128 : i32
      %mul3A_14 = arith.muli %arg0, %mul3A_13 : i32
      "tpu.region"() ({
        %run_scoped3A = tpu.sem_alloc : memref<!tpu.dma_semaphore, #tpu.memory_space<semaphore_mem>>
        %dma_start3A = arith.constant 0 : i32
        %dma_start3A_17 = tpu.memref_slice %arg7[%mul3A_14, %dma_start3A] : memref<256x128xf32, #tpu.memory_space<hbm>> -> memref<128x128xf32, #tpu.memory_space<hbm>>
        %dma_start3A_18 = arith.constant 0 : i32
        %dma_start3A_19 = tpu.memref_slice %arg7[%mul3A_14, %dma_start3A_18] : memref<256x128xf32, #tpu.memory_space<hbm>> -> memref<128x128xf32, #tpu.memory_space<hbm>>
        tpu.enqueue_dma source(%arg10 : memref<128x128xf32, #tpu.memory_space<vmem>>) target(%dma_start3A_19 : memref<128x128xf32, #tpu.memory_space<hbm>>) target_semaphore(%run_scoped3A : memref<!tpu.dma_semaphore, #tpu.memory_space<semaphore_mem>>)
        %dma_wait3A = arith.constant 0 : i32
        %dma_wait3A_20 = tpu.memref_slice %arg7[%mul3A_14, %dma_wait3A] : memref<256x128xf32, #tpu.memory_space<hbm>> -> memref<128x128xf32, #tpu.memory_space<hbm>>
        %dma_wait3A_21 = arith.constant 0 : i32
        %dma_wait3A_22 = tpu.memref_slice %arg7[%mul3A_14, %dma_wait3A_21] : memref<256x128xf32, #tpu.memory_space<hbm>> -> memref<128x128xf32, #tpu.memory_space<hbm>>
        tpu.wait_dma2 semaphore(%run_scoped3A : memref<!tpu.dma_semaphore, #tpu.memory_space<semaphore_mem>>) src(%arg10 : memref<128x128xf32, #tpu.memory_space<vmem>>) dst(%dma_wait3A_22 : memref<128x128xf32, #tpu.memory_space<hbm>>)
        tpu.yield
      }) : () -> ()
      "tpu.region"() ({
        %run_scoped3A = tpu.sem_alloc : memref<!tpu.dma_semaphore, #tpu.memory_space<semaphore_mem>>
        tpu.enqueue_dma source(%arg14 : memref<128x16xf32, #tpu.memory_space<vmem_shared>>) target(%arg12 : memref<128x16xf32, #tpu.memory_space<vmem>>) target_semaphore(%run_scoped3A : memref<!tpu.dma_semaphore, #tpu.memory_space<semaphore_mem>>)
        tpu.wait_dma2 semaphore(%run_scoped3A : memref<!tpu.dma_semaphore, #tpu.memory_space<semaphore_mem>>) src(%arg14 : memref<128x16xf32, #tpu.memory_space<vmem_shared>>) dst(%arg12 : memref<128x16xf32, #tpu.memory_space<vmem>>)
        tpu.yield
      }) : () -> ()
      %mul3A_15 = arith.constant 128 : i32
      %mul3A_16 = arith.muli %arg0, %mul3A_15 : i32
      "tpu.region"() ({
        %run_scoped3A = tpu.sem_alloc : memref<!tpu.dma_semaphore, #tpu.memory_space<semaphore_mem>>
        %dma_start3A = arith.constant 0 : i32
        %dma_start3A_17 = tpu.memref_slice %arg8[%mul3A_16, %dma_start3A] : memref<256x16xf32, #tpu.memory_space<hbm>> -> memref<128x16xf32, #tpu.memory_space<hbm>>
        %dma_start3A_18 = arith.constant 0 : i32
        %dma_start3A_19 = tpu.memref_slice %arg8[%mul3A_16, %dma_start3A_18] : memref<256x16xf32, #tpu.memory_space<hbm>> -> memref<128x16xf32, #tpu.memory_space<hbm>>
        tpu.enqueue_dma source(%arg12 : memref<128x16xf32, #tpu.memory_space<vmem>>) target(%dma_start3A_19 : memref<128x16xf32, #tpu.memory_space<hbm>>) target_semaphore(%run_scoped3A : memref<!tpu.dma_semaphore, #tpu.memory_space<semaphore_mem>>)
        %dma_wait3A = arith.constant 0 : i32
        %dma_wait3A_20 = tpu.memref_slice %arg8[%mul3A_16, %dma_wait3A] : memref<256x16xf32, #tpu.memory_space<hbm>> -> memref<128x16xf32, #tpu.memory_space<hbm>>
        %dma_wait3A_21 = arith.constant 0 : i32
        %dma_wait3A_22 = tpu.memref_slice %arg8[%mul3A_16, %dma_wait3A_21] : memref<256x16xf32, #tpu.memory_space<hbm>> -> memref<128x16xf32, #tpu.memory_space<hbm>>
        tpu.wait_dma2 semaphore(%run_scoped3A : memref<!tpu.dma_semaphore, #tpu.memory_space<semaphore_mem>>) src(%arg12 : memref<128x16xf32, #tpu.memory_space<vmem>>) dst(%dma_wait3A_22 : memref<128x16xf32, #tpu.memory_space<hbm>>)
        tpu.yield
      }) : () -> ()
    } else {
    }
    return
  }
}

module attributes {stable_mosaic.version = 14 : i64} {
  func.func @_dense_body(%arg0: i32, %arg1: memref<640x128xf32, #tpu.memory_space<vmem>>, %arg2: memref<640x128xf32, #tpu.memory_space<vmem>>, %arg3: memref<640x16xf32, #tpu.memory_space<vmem>>, %arg4: memref<640x16xf32, #tpu.memory_space<vmem>>, %arg5: memref<640x128xf32, #tpu.memory_space<vmem>>, %arg6: memref<128x128xf32, #tpu.memory_space<vmem>>, %arg7: memref<128x128xf32, #tpu.memory_space<vmem>>, %arg8: memref<1x128xf32, #tpu.memory_space<vmem>>, %arg9: memref<640x128xf32, #tpu.memory_space<vmem>>) attributes {dimension_semantics = [#tpu.dimension_semantics<arbitrary>], iteration_bounds = array<i64: 16>, scalar_prefetch = 0 : i64, scratch_operands = 0 : i64, tpu.core_type = #tpu.core_type<tc>, window_params = [{transform_indices = @transform_0, window_bounds = array<i64: 640, 128>}, {transform_indices = @transform_1, window_bounds = array<i64: 640, 128>}, {transform_indices = @transform_2, window_bounds = array<i64: 640, 16>}, {transform_indices = @transform_3, window_bounds = array<i64: 640, 16>}, {transform_indices = @transform_4, window_bounds = array<i64: 640, 128>}, {pipeline_mode = #tpu.pipeline_mode<synchronous>, transform_indices = @transform_5, window_bounds = array<i64: 128, 128>}, {pipeline_mode = #tpu.pipeline_mode<synchronous>, transform_indices = @transform_6, window_bounds = array<i64: 128, 128>}, {pipeline_mode = #tpu.pipeline_mode<synchronous>, transform_indices = @transform_7, window_bounds = array<i64: 1, 128>}, {transform_indices = @transform_8, window_bounds = array<i64: 640, 128>}]} {
    %get3A = arith.constant 0 : index
    %get3A_0 = arith.constant 0 : index
    %get3A_1 = vector.load %arg3[%get3A, %get3A_0] : memref<640x16xf32, #tpu.memory_space<vmem>>, vector<640x16xf32>
    %get3A_2 = arith.constant 0 : index
    %get3A_3 = arith.constant 0 : index
    %get3A_4 = vector.load %arg4[%get3A_2, %get3A_3] : memref<640x16xf32, #tpu.memory_space<vmem>>, vector<640x16xf32>
    %add3A = arith.addf %get3A_1, %get3A_4 : vector<640x16xf32>
    %max3A = arith.constant 1.000000e+00 : f32
    %max3A_5 = vector.broadcast %max3A : f32 to vector<640x16xf32>
    %max3A_6 = arith.maximumf %add3A, %max3A_5 : vector<640x16xf32>
    %slice3A = vector.extract_strided_slice %max3A_6 {offsets = [0, 0], sizes = [640, 1], strides = [1, 1]} : vector<640x16xf32> to vector<640x1xf32>
    %get3A_7 = arith.constant 0 : index
    %get3A_8 = arith.constant 0 : index
    %get3A_9 = vector.load %arg1[%get3A_7, %get3A_8] : memref<640x128xf32, #tpu.memory_space<vmem>>, vector<640x128xf32>
    %get3A_10 = arith.constant 0 : index
    %get3A_11 = arith.constant 0 : index
    %get3A_12 = vector.load %arg2[%get3A_10, %get3A_11] : memref<640x128xf32, #tpu.memory_space<vmem>>, vector<640x128xf32>
    %add3A_13 = arith.addf %get3A_9, %get3A_12 : vector<640x128xf32>
    %div3A = vector.broadcast %slice3A : vector<640x1xf32> to vector<640x128xf32>
    %div3A_14 = arith.divf %add3A_13, %div3A : vector<640x128xf32>
    %get3A_15 = arith.constant 0 : index
    %get3A_16 = arith.constant 0 : index
    %get3A_17 = vector.load %arg6[%get3A_15, %get3A_16] : memref<128x128xf32, #tpu.memory_space<vmem>>, vector<128x128xf32>
    %dot_general3A = arith.constant dense<0.000000e+00> : vector<640x128xf32>
    %dot_general3A_18 = tpu.matmul %div3A_14, %get3A_17, %dot_general3A {dimension_numbers = #tpu.dot_dimension_numbers<[1], [1], [0], [0], [0, 0, 1, 0], [], []>, precision = #tpu.contract_precision<fp32>, transpose_lhs_hint = false} : vector<640x128xf32>, vector<128x128xf32>, vector<640x128xf32> -> vector<640x128xf32>
    %get3A_19 = arith.constant 0 : index
    %get3A_20 = arith.constant 0 : index
    %get3A_21 = vector.load %arg5[%get3A_19, %get3A_20] : memref<640x128xf32, #tpu.memory_space<vmem>>, vector<640x128xf32>
    %get3A_22 = arith.constant 0 : index
    %get3A_23 = arith.constant 0 : index
    %get3A_24 = vector.load %arg7[%get3A_22, %get3A_23] : memref<128x128xf32, #tpu.memory_space<vmem>>, vector<128x128xf32>
    %dot_general3A_25 = arith.constant dense<0.000000e+00> : vector<640x128xf32>
    %dot_general3A_26 = tpu.matmul %get3A_21, %get3A_24, %dot_general3A_25 {dimension_numbers = #tpu.dot_dimension_numbers<[1], [1], [0], [0], [0, 0, 1, 0], [], []>, precision = #tpu.contract_precision<fp32>, transpose_lhs_hint = false} : vector<640x128xf32>, vector<128x128xf32>, vector<640x128xf32> -> vector<640x128xf32>
    %add3A_27 = arith.addf %dot_general3A_18, %dot_general3A_26 : vector<640x128xf32>
    %get3A_28 = arith.constant 0 : index
    %get3A_29 = arith.constant 0 : index
    %get3A_30 = vector.load %arg8[%get3A_28, %get3A_29] : memref<1x128xf32, #tpu.memory_space<vmem>>, vector<1x128xf32>
    %add3A_31 = vector.broadcast %get3A_30 : vector<1x128xf32> to vector<640x128xf32>
    %add3A_32 = arith.addf %add3A_27, %add3A_31 : vector<640x128xf32>
    %max3A_33 = arith.constant 0.000000e+00 : f32
    %max3A_34 = vector.broadcast %max3A_33 : f32 to vector<640x128xf32>
    %max3A_35 = arith.maximumf %add3A_32, %max3A_34 : vector<640x128xf32>
    %swap3A = arith.constant 0 : index
    %swap3A_36 = arith.constant 0 : index
    %swap3A_37 = vector.load %arg9[%swap3A, %swap3A_36] : memref<640x128xf32, #tpu.memory_space<vmem>>, vector<640x128xf32>
    tpu.vector_store %arg9[%swap3A, %swap3A_36], %max3A_35 {strides = array<i32>} : memref<640x128xf32, #tpu.memory_space<vmem>>, vector<640x128xf32>,
    return
  }
  func.func @transform_0(%arg0: i32) -> (i32, i32) {
    %c0_i32 = arith.constant 0 : i32
    %c0_i32_0 = arith.constant 0 : i32
    return %arg0, %c0_i32 : i32, i32
  }
  func.func @transform_1(%arg0: i32) -> (i32, i32) {
    %add3A = arith.constant 16 : i32
    %add3A_0 = arith.addi %arg0, %add3A : i32
    %c0_i32 = arith.constant 0 : i32
    %c0_i32_1 = arith.constant 0 : i32
    return %add3A_0, %c0_i32 : i32, i32
  }
  func.func @transform_2(%arg0: i32) -> (i32, i32) {
    %c0_i32 = arith.constant 0 : i32
    %c0_i32_0 = arith.constant 0 : i32
    return %arg0, %c0_i32 : i32, i32
  }
  func.func @transform_3(%arg0: i32) -> (i32, i32) {
    %add3A = arith.constant 16 : i32
    %add3A_0 = arith.addi %arg0, %add3A : i32
    %c0_i32 = arith.constant 0 : i32
    %c0_i32_1 = arith.constant 0 : i32
    return %add3A_0, %c0_i32 : i32, i32
  }
  func.func @transform_4(%arg0: i32) -> (i32, i32) {
    %c0_i32 = arith.constant 0 : i32
    %c0_i32_0 = arith.constant 0 : i32
    return %arg0, %c0_i32 : i32, i32
  }
  func.func @transform_5(%arg0: i32) -> (i32, i32) {
    %c0_i32 = arith.constant 0 : i32
    %c0_i32_0 = arith.constant 0 : i32
    %c0_i32_1 = arith.constant 0 : i32
    return %c0_i32, %c0_i32_0 : i32, i32
  }
  func.func @transform_6(%arg0: i32) -> (i32, i32) {
    %c0_i32 = arith.constant 0 : i32
    %c0_i32_0 = arith.constant 0 : i32
    %c0_i32_1 = arith.constant 0 : i32
    return %c0_i32, %c0_i32_0 : i32, i32
  }
  func.func @transform_7(%arg0: i32) -> (i32, i32) {
    %c0_i32 = arith.constant 0 : i32
    %c0_i32_0 = arith.constant 0 : i32
    %c0_i32_1 = arith.constant 0 : i32
    return %c0_i32, %c0_i32_0 : i32, i32
  }
  func.func @transform_8(%arg0: i32) -> (i32, i32) {
    %c0_i32 = arith.constant 0 : i32
    %c0_i32_0 = arith.constant 0 : i32
    return %arg0, %c0_i32 : i32, i32
  }
}

module attributes {stable_mosaic.version = 14 : i64} {
  func.func @_dense_body(%arg0: i32, %arg1: memref<640x128xf32, #tpu.memory_space<vmem>>, %arg2: memref<640x128xf32, #tpu.memory_space<vmem>>, %arg3: memref<640x16xf32, #tpu.memory_space<vmem>>, %arg4: memref<640x16xf32, #tpu.memory_space<vmem>>, %arg5: memref<640x128xf32, #tpu.memory_space<vmem>>, %arg6: memref<128x128xf32, #tpu.memory_space<vmem>>, %arg7: memref<128x128xf32, #tpu.memory_space<vmem>>, %arg8: memref<1x128xf32, #tpu.memory_space<vmem>>, %arg9: memref<640x128xf32, #tpu.memory_space<vmem>>) attributes {dimension_semantics = [#tpu.dimension_semantics<arbitrary>], iteration_bounds = array<i64: 16>, scalar_prefetch = 0 : i64, scratch_operands = 0 : i64, tpu.core_type = #tpu.core_type<tc>, window_params = [{transform_indices = @transform_0, window_bounds = array<i64: 640, 128>}, {transform_indices = @transform_1, window_bounds = array<i64: 640, 128>}, {transform_indices = @transform_2, window_bounds = array<i64: 640, 16>}, {transform_indices = @transform_3, window_bounds = array<i64: 640, 16>}, {transform_indices = @transform_4, window_bounds = array<i64: 640, 128>}, {pipeline_mode = #tpu.pipeline_mode<synchronous>, transform_indices = @transform_5, window_bounds = array<i64: 128, 128>}, {pipeline_mode = #tpu.pipeline_mode<synchronous>, transform_indices = @transform_6, window_bounds = array<i64: 128, 128>}, {pipeline_mode = #tpu.pipeline_mode<synchronous>, transform_indices = @transform_7, window_bounds = array<i64: 1, 128>}, {transform_indices = @transform_8, window_bounds = array<i64: 640, 128>}]} {
    %get3A = arith.constant 0 : index
    %get3A_0 = arith.constant 0 : index
    %get3A_1 = vector.load %arg3[%get3A, %get3A_0] : memref<640x16xf32, #tpu.memory_space<vmem>>, vector<640x16xf32>
    %get3A_2 = arith.constant 0 : index
    %get3A_3 = arith.constant 0 : index
    %get3A_4 = vector.load %arg4[%get3A_2, %get3A_3] : memref<640x16xf32, #tpu.memory_space<vmem>>, vector<640x16xf32>
    %add3A = arith.addf %get3A_1, %get3A_4 : vector<640x16xf32>
    %max3A = arith.constant 1.000000e+00 : f32
    %max3A_5 = vector.broadcast %max3A : f32 to vector<640x16xf32>
    %max3A_6 = arith.maximumf %add3A, %max3A_5 : vector<640x16xf32>
    %slice3A = vector.extract_strided_slice %max3A_6 {offsets = [0, 0], sizes = [640, 1], strides = [1, 1]} : vector<640x16xf32> to vector<640x1xf32>
    %get3A_7 = arith.constant 0 : index
    %get3A_8 = arith.constant 0 : index
    %get3A_9 = vector.load %arg1[%get3A_7, %get3A_8] : memref<640x128xf32, #tpu.memory_space<vmem>>, vector<640x128xf32>
    %get3A_10 = arith.constant 0 : index
    %get3A_11 = arith.constant 0 : index
    %get3A_12 = vector.load %arg2[%get3A_10, %get3A_11] : memref<640x128xf32, #tpu.memory_space<vmem>>, vector<640x128xf32>
    %add3A_13 = arith.addf %get3A_9, %get3A_12 : vector<640x128xf32>
    %div3A = vector.broadcast %slice3A : vector<640x1xf32> to vector<640x128xf32>
    %div3A_14 = arith.divf %add3A_13, %div3A : vector<640x128xf32>
    %get3A_15 = arith.constant 0 : index
    %get3A_16 = arith.constant 0 : index
    %get3A_17 = vector.load %arg6[%get3A_15, %get3A_16] : memref<128x128xf32, #tpu.memory_space<vmem>>, vector<128x128xf32>
    %dot_general3A = arith.constant dense<0.000000e+00> : vector<640x128xf32>
    %dot_general3A_18 = tpu.matmul %div3A_14, %get3A_17, %dot_general3A {dimension_numbers = #tpu.dot_dimension_numbers<[1], [1], [0], [0], [0, 0, 1, 0], [], []>, precision = #tpu.contract_precision<fp32>, transpose_lhs_hint = false} : vector<640x128xf32>, vector<128x128xf32>, vector<640x128xf32> -> vector<640x128xf32>
    %get3A_19 = arith.constant 0 : index
    %get3A_20 = arith.constant 0 : index
    %get3A_21 = vector.load %arg5[%get3A_19, %get3A_20] : memref<640x128xf32, #tpu.memory_space<vmem>>, vector<640x128xf32>
    %get3A_22 = arith.constant 0 : index
    %get3A_23 = arith.constant 0 : index
    %get3A_24 = vector.load %arg7[%get3A_22, %get3A_23] : memref<128x128xf32, #tpu.memory_space<vmem>>, vector<128x128xf32>
    %dot_general3A_25 = arith.constant dense<0.000000e+00> : vector<640x128xf32>
    %dot_general3A_26 = tpu.matmul %get3A_21, %get3A_24, %dot_general3A_25 {dimension_numbers = #tpu.dot_dimension_numbers<[1], [1], [0], [0], [0, 0, 1, 0], [], []>, precision = #tpu.contract_precision<fp32>, transpose_lhs_hint = false} : vector<640x128xf32>, vector<128x128xf32>, vector<640x128xf32> -> vector<640x128xf32>
    %add3A_27 = arith.addf %dot_general3A_18, %dot_general3A_26 : vector<640x128xf32>
    %get3A_28 = arith.constant 0 : index
    %get3A_29 = arith.constant 0 : index
    %get3A_30 = vector.load %arg8[%get3A_28, %get3A_29] : memref<1x128xf32, #tpu.memory_space<vmem>>, vector<1x128xf32>
    %add3A_31 = vector.broadcast %get3A_30 : vector<1x128xf32> to vector<640x128xf32>
    %add3A_32 = arith.addf %add3A_27, %add3A_31 : vector<640x128xf32>
    %swap3A = arith.constant 0 : index
    %swap3A_33 = arith.constant 0 : index
    %swap3A_34 = vector.load %arg9[%swap3A, %swap3A_33] : memref<640x128xf32, #tpu.memory_space<vmem>>, vector<640x128xf32>
    tpu.vector_store %arg9[%swap3A, %swap3A_33], %add3A_32 {strides = array<i32>} : memref<640x128xf32, #tpu.memory_space<vmem>>, vector<640x128xf32>,
    return
  }
  func.func @transform_0(%arg0: i32) -> (i32, i32) {
    %c0_i32 = arith.constant 0 : i32
    %c0_i32_0 = arith.constant 0 : i32
    return %arg0, %c0_i32 : i32, i32
  }
  func.func @transform_1(%arg0: i32) -> (i32, i32) {
    %add3A = arith.constant 16 : i32
    %add3A_0 = arith.addi %arg0, %add3A : i32
    %c0_i32 = arith.constant 0 : i32
    %c0_i32_1 = arith.constant 0 : i32
    return %add3A_0, %c0_i32 : i32, i32
  }
  func.func @transform_2(%arg0: i32) -> (i32, i32) {
    %c0_i32 = arith.constant 0 : i32
    %c0_i32_0 = arith.constant 0 : i32
    return %arg0, %c0_i32 : i32, i32
  }
  func.func @transform_3(%arg0: i32) -> (i32, i32) {
    %add3A = arith.constant 16 : i32
    %add3A_0 = arith.addi %arg0, %add3A : i32
    %c0_i32 = arith.constant 0 : i32
    %c0_i32_1 = arith.constant 0 : i32
    return %add3A_0, %c0_i32 : i32, i32
  }
  func.func @transform_4(%arg0: i32) -> (i32, i32) {
    %c0_i32 = arith.constant 0 : i32
    %c0_i32_0 = arith.constant 0 : i32
    return %arg0, %c0_i32 : i32, i32
  }
  func.func @transform_5(%arg0: i32) -> (i32, i32) {
    %c0_i32 = arith.constant 0 : i32
    %c0_i32_0 = arith.constant 0 : i32
    %c0_i32_1 = arith.constant 0 : i32
    return %c0_i32, %c0_i32_0 : i32, i32
  }
  func.func @transform_6(%arg0: i32) -> (i32, i32) {
    %c0_i32 = arith.constant 0 : i32
    %c0_i32_0 = arith.constant 0 : i32
    %c0_i32_1 = arith.constant 0 : i32
    return %c0_i32, %c0_i32_0 : i32, i32
  }
  func.func @transform_7(%arg0: i32) -> (i32, i32) {
    %c0_i32 = arith.constant 0 : i32
    %c0_i32_0 = arith.constant 0 : i32
    %c0_i32_1 = arith.constant 0 : i32
    return %c0_i32, %c0_i32_0 : i32, i32
  }
  func.func @transform_8(%arg0: i32) -> (i32, i32) {
    %c0_i32 = arith.constant 0 : i32
    %c0_i32_0 = arith.constant 0 : i32
    return %arg0, %c0_i32 : i32, i32
  }
}

module attributes {stable_mosaic.version = 14 : i64} {
  func.func @_final_body(%arg0: i32, %arg1: memref<64x128xf32, #tpu.memory_space<vmem>>, %arg2: memref<64x128xf32, #tpu.memory_space<vmem>>, %arg3: memref<64x16xf32, #tpu.memory_space<vmem>>, %arg4: memref<64x16xf32, #tpu.memory_space<vmem>>, %arg5: memref<10x128xf32, #tpu.memory_space<vmem>>, %arg6: memref<1x10xf32, #tpu.memory_space<vmem>>, %arg7: memref<64x10xf32, #tpu.memory_space<vmem>>) attributes {dimension_semantics = [#tpu.dimension_semantics<arbitrary>], iteration_bounds = array<i64: 1>, scalar_prefetch = 0 : i64, scratch_operands = 0 : i64, tpu.core_type = #tpu.core_type<tc>, window_params = [{transform_indices = @transform_0, window_bounds = array<i64: 64, 128>}, {transform_indices = @transform_1, window_bounds = array<i64: 64, 128>}, {transform_indices = @transform_2, window_bounds = array<i64: 64, 16>}, {transform_indices = @transform_3, window_bounds = array<i64: 64, 16>}, {pipeline_mode = #tpu.pipeline_mode<synchronous>, transform_indices = @transform_4, window_bounds = array<i64: 10, 128>}, {pipeline_mode = #tpu.pipeline_mode<synchronous>, transform_indices = @transform_5, window_bounds = array<i64: 1, 10>}, {pipeline_mode = #tpu.pipeline_mode<synchronous>, transform_indices = @transform_6, window_bounds = array<i64: 64, 10>}]} {
    %get3A = arith.constant 0 : index
    %get3A_0 = arith.constant 0 : index
    %get3A_1 = vector.load %arg3[%get3A, %get3A_0] : memref<64x16xf32, #tpu.memory_space<vmem>>, vector<64x16xf32>
    %get3A_2 = arith.constant 0 : index
    %get3A_3 = arith.constant 0 : index
    %get3A_4 = vector.load %arg4[%get3A_2, %get3A_3] : memref<64x16xf32, #tpu.memory_space<vmem>>, vector<64x16xf32>
    %add3A = arith.addf %get3A_1, %get3A_4 : vector<64x16xf32>
    %max3A = arith.constant 1.000000e+00 : f32
    %max3A_5 = vector.broadcast %max3A : f32 to vector<64x16xf32>
    %max3A_6 = arith.maximumf %add3A, %max3A_5 : vector<64x16xf32>
    %slice3A = vector.extract_strided_slice %max3A_6 {offsets = [0, 0], sizes = [64, 1], strides = [1, 1]} : vector<64x16xf32> to vector<64x1xf32>
    %get3A_7 = arith.constant 0 : index
    %get3A_8 = arith.constant 0 : index
    %get3A_9 = vector.load %arg1[%get3A_7, %get3A_8] : memref<64x128xf32, #tpu.memory_space<vmem>>, vector<64x128xf32>
    %get3A_10 = arith.constant 0 : index
    %get3A_11 = arith.constant 0 : index
    %get3A_12 = vector.load %arg2[%get3A_10, %get3A_11] : memref<64x128xf32, #tpu.memory_space<vmem>>, vector<64x128xf32>
    %add3A_13 = arith.addf %get3A_9, %get3A_12 : vector<64x128xf32>
    %div3A = vector.broadcast %slice3A : vector<64x1xf32> to vector<64x128xf32>
    %div3A_14 = arith.divf %add3A_13, %div3A : vector<64x128xf32>
    %get3A_15 = arith.constant 0 : index
    %get3A_16 = arith.constant 0 : index
    %get3A_17 = vector.load %arg5[%get3A_15, %get3A_16] : memref<10x128xf32, #tpu.memory_space<vmem>>, vector<10x128xf32>
    %dot_general3A = arith.constant dense<0.000000e+00> : vector<64x10xf32>
    %dot_general3A_18 = tpu.matmul %div3A_14, %get3A_17, %dot_general3A {dimension_numbers = #tpu.dot_dimension_numbers<[1], [1], [0], [0], [0, 0, 1, 0], [], []>, precision = #tpu.contract_precision<fp32>, transpose_lhs_hint = false} : vector<64x128xf32>, vector<10x128xf32>, vector<64x10xf32> -> vector<64x10xf32>
    %get3A_19 = arith.constant 0 : index
    %get3A_20 = arith.constant 0 : index
    %get3A_21 = vector.load %arg6[%get3A_19, %get3A_20] : memref<1x10xf32, #tpu.memory_space<vmem>>, vector<1x10xf32>
    %add3A_22 = vector.broadcast %get3A_21 : vector<1x10xf32> to vector<64x10xf32>
    %add3A_23 = arith.addf %dot_general3A_18, %add3A_22 : vector<64x10xf32>
    %swap3A = arith.constant 0 : index
    %swap3A_24 = arith.constant 0 : index
    %swap3A_25 = vector.load %arg7[%swap3A, %swap3A_24] : memref<64x10xf32, #tpu.memory_space<vmem>>, vector<64x10xf32>
    tpu.vector_store %arg7[%swap3A, %swap3A_24], %add3A_23 {strides = array<i32>} : memref<64x10xf32, #tpu.memory_space<vmem>>, vector<64x10xf32>,
    return
  }
  func.func @transform_0(%arg0: i32) -> (i32, i32) {
    %c0_i32 = arith.constant 0 : i32
    %c0_i32_0 = arith.constant 0 : i32
    %c0_i32_1 = arith.constant 0 : i32
    return %c0_i32, %c0_i32_0 : i32, i32
  }
  func.func @transform_1(%arg0: i32) -> (i32, i32) {
    %c2_i32 = arith.constant 2 : i32
    %c0_i32 = arith.constant 0 : i32
    %c0_i32_0 = arith.constant 0 : i32
    return %c2_i32, %c0_i32 : i32, i32
  }
  func.func @transform_2(%arg0: i32) -> (i32, i32) {
    %c0_i32 = arith.constant 0 : i32
    %c0_i32_0 = arith.constant 0 : i32
    %c0_i32_1 = arith.constant 0 : i32
    return %c0_i32, %c0_i32_0 : i32, i32
  }
  func.func @transform_3(%arg0: i32) -> (i32, i32) {
    %c2_i32 = arith.constant 2 : i32
    %c0_i32 = arith.constant 0 : i32
    %c0_i32_0 = arith.constant 0 : i32
    return %c2_i32, %c0_i32 : i32, i32
  }
  func.func @transform_4(%arg0: i32) -> (i32, i32) {
    %c0_i32 = arith.constant 0 : i32
    %c0_i32_0 = arith.constant 0 : i32
    %c0_i32_1 = arith.constant 0 : i32
    return %c0_i32, %c0_i32_0 : i32, i32
  }
  func.func @transform_5(%arg0: i32) -> (i32, i32) {
    %c0_i32 = arith.constant 0 : i32
    %c0_i32_0 = arith.constant 0 : i32
    %c0_i32_1 = arith.constant 0 : i32
    return %c0_i32, %c0_i32_0 : i32, i32
  }
  func.func @transform_6(%arg0: i32) -> (i32, i32) {
    %c0_i32 = arith.constant 0 : i32
    %c0_i32_0 = arith.constant 0 : i32
    %c0_i32_1 = arith.constant 0 : i32
    return %c0_i32, %c0_i32_0 : i32, i32
  }
}

</mosaic_0001>

<sc_bundles>
// kernel: sc_agg.11.cloned.1.call-start
scs
__scs_entry_jumppad:
0x0: {  	(pc) =	sbr.rel $0x88, $3  }
0x1: {  	(tag) =	ssettag $0x0;
	lr =	simm.s32 $0x1  }
0x2: {  	[smem:$0x3F93] =	sst lr;
	_ =	strace $0xD0000000  }
0x3: {  	_ = 	snop  }
0x4: {  	_ = 	snop  }
0x5: {  	_ = 	snop  }
0x6: {  	_ = 	snop  }
0x7: {  	_ = 	snop  }
__scs_overlays_trampoline_lowered:
0x8: {  	[smem:$0x3FA2] =	sst s0  }
0x9: {  	[smem:$0x3FA3] =	sst s1  }
0xa: {  	[smem:$0x3FA4] =	sst s2  }
0xb: {  	[smem:$0x3FA5] =	sst s3  }
0xc: {  	[smem:$0x3FA6] =	sst s4  }
0xd: {  	[smem:$0x3FA7] =	sst s5  }
0xe: {  	[smem:$0x3FA8] =	sst s6  }
0xf: {  	[smem:$0x3FA9] =	sst s7  }
0x10: {  	[smem:$0x3FAA] =	sst s8  }
0x11: {  	[smem:$0x3FAB] =	sst s9;
	s0 =	simm.s32 @!p0 $0x0  }
0x12: {  	s1 =	sld [smem:$0x3F91];
	s0 =	simm.s32 @p0 $0x1  }
0x13: {  	[smem:$0x3FAC] =	sst s0;
	s0 =	simm.s32 @!p1 $0x0  }
0x14: {  	s2 =	sld [smem:$0x3F90];
	s0 =	simm.s32 @p1 $0x1  }
0x15: {  	[smem:$0x3FAD] =	sst s0;
	s0 =	simm.s32 @!p2 $0x0  }
0x16: {  	s3 =	sld [smem:$0x3FDB];
	s0 =	simm.s32 @p2 $0x1  }
0x17: {  	s4 =	simm.s32 $0x1BF5;
	[smem:$0x3FAF] =	sst s0  }
0x18: {  	s0 =	sld [smem:$0x3F92];
	_ =	swait.ge [sflag:s4], $0x0  }
0x19: {  	s7 =	sld [smem:$0x3F93]  }
0x1a: {  	s8 =	sadd.s32 $0xFFFFE003, lr  }
0x1b: {  	s9 =	sadd.s32 $0xFFFFFEF7, lr;
	s5 =	simm.s32 $0xFFFFFFFF;
	p2 =	slt.u32 s8, $0xFFFFF086  }
0x1c: {  	p1 =	slt.u32 s9, $0xF7A;
	s5 =	simm.s32 @!p2 $0x0  }
0x1d: {  	s5 =	simm.s32 @p1 $0x1;
	p0 =	seq.s32 s7, s2  }
0x1e: {  	s7 =	smul.u32 @!p0 $0xF7A, s2;
	p2 =	seq.s32 @!p0 s5, $0x0  }
0x1f: {  	s9 =	smul.u32 $0xF7A, s1;
	s8 =	simm.s32 @!p0 $0x1BF5;
	p2 =	por !p2, p0  }
0x20: {  	[sflag:s8] =	ssyncset.s32 @!p0 $0xFFFFF086;
	s6 =	sadd.s32 @!p0 s3, s7;
	s7 =	simm.s32 @!p0 $0x108  }
0x21: {  	s3 =	sadd.s32 s3, s9;
	s6 =	sadd.s32 @!p0 $0x88, s6;
	s7 =	simm.s32 @p2 $0x1082  }
0x22: {  	[simem:s7], [sflag:s8] =	dma.local @!p0 [hbm:s6], $0xF7A  }
0x23: {  	s9 =	sor.u32 $0xD0000000, s2;
	s6 =	simm.s32 $0x108;
	_ =	swait.ge @!p0 [sflag:s8], $0x0  }
0x24: {  	s3 =	sadd.s32 $0x88, s3;
	s6 =	simm.s32 @!p1 $0x1082;
	[sflag:s4] =	ssyncset.s32 $0xFFFFF086  }
0x25: {  	[simem:s6], [sflag:s4] =	dma.local [hbm:s3], $0xF7A  }
0x26: {  	[smem:$0x3F93] =	sst s1;
	(tag) =	ssettag s2;
	_ =	strace s9  }
0x27: {  	s1 =	sld [smem:$0x3FA3]  }
0x28: {  	s2 =	sld [smem:$0x3FA4]  }
0x29: {  	s4 =	sld [smem:$0x3FA6]  }
0x2a: {  	p0 =	seq.s32 s5, $0x0;
	s5 =	sld [smem:$0x3FA7]  }
0x2b: {  	s6 =	sld [smem:$0x3FA8]  }
0x2c: {  	s7 =	sld [smem:$0x3FA9]  }
0x2d: {  	s3 =	simm.s32 $0x108;
	s8 =	sld [smem:$0x3FAA]  }
0x2e: {  	s3 =	simm.s32 @!p0 $0x1082;
	s9 =	sld [smem:$0x3FAB]  }
0x2f: {  	lr =	sadd.s32 s0, s3;
	s0 =	sld [smem:$0x3FA2]  }
0x30: {  	s3 =	sld [smem:$0x3FA5]  }
0x31: {  	[smem:$0x3FAE] =	sst s10  }
0x32: {  	s10 =	sld [smem:$0x3FAC];
	_ =	sdelay $0x3  }
0x33: {  	p0 =	seq.s32 s10, $0x1;
	s10 =	sld [smem:$0x3FAE];
	_ =	sdelay $0x3  }
0x34: {  	[smem:$0x3FAE] =	sst s10  }
0x35: {  	s10 =	sld [smem:$0x3FAD];
	_ =	sdelay $0x3  }
0x36: {  	p1 =	seq.s32 s10, $0x1;
	s10 =	sld [smem:$0x3FAE];
	_ =	sdelay $0x3  }
0x37: {  	[smem:$0x3FAE] =	sst s10  }
0x38: {  	s10 =	sld [smem:$0x3FAF]  }
0x39: {  	_ = 	snop;
	(pc) =	sbr.ind lr, $3  }
0x3a: {  	_ = 	snop  }
0x3b: {  	_ = 	snop  }
0x3c: {  	p2 =	seq.s32 s10, $0x1;
	s10 =	sld [smem:$0x3FAE]  }
0x3d: {  	_ =	shalt  }
0x3e: {  	_ =	shalt  }
0x3f: {  	_ =	shalt  }
0x40: {  	_ =	shalt  }
0x41: {  	_ =	shalt  }
0x42: {  	_ =	shalt  }
0x43: {  	_ =	shalt  }
0x44: {  	_ =	shalt  }
0x45: {  	_ =	shalt  }
0x46: {  	_ =	shalt  }
0x47: {  	_ =	shalt  }
0x48: {  	_ =	shalt  }
0x49: {  	_ =	shalt  }
0x4a: {  	_ =	shalt  }
0x4b: {  	_ =	shalt  }
0x4c: {  	_ =	shalt  }
0x4d: {  	_ =	shalt  }
0x4e: {  	_ =	shalt  }
0x4f: {  	_ =	shalt  }
0x50: {  	_ =	shalt  }
0x51: {  	_ =	shalt  }
0x52: {  	_ =	shalt  }
0x53: {  	_ =	shalt  }
0x54: {  	_ =	shalt  }
0x55: {  	_ =	shalt  }
0x56: {  	_ =	shalt  }
0x57: {  	_ =	shalt  }
0x58: {  	_ =	shalt  }
0x59: {  	_ =	shalt  }
0x5a: {  	_ =	shalt  }
0x5b: {  	_ =	shalt  }
0x5c: {  	_ =	shalt  }
0x5d: {  	_ =	shalt  }
0x5e: {  	_ =	shalt  }
0x5f: {  	_ =	shalt  }
0x60: {  	_ =	shalt  }
0x61: {  	_ =	shalt  }
0x62: {  	_ =	shalt  }
0x63: {  	_ =	shalt  }
0x64: {  	_ =	shalt  }
0x65: {  	_ =	shalt  }
0x66: {  	_ =	shalt  }
0x67: {  	_ =	shalt  }
0x68: {  	_ =	shalt  }
0x69: {  	_ =	shalt  }
0x6a: {  	_ =	shalt  }
0x6b: {  	_ =	shalt  }
0x6c: {  	_ =	shalt  }
0x6d: {  	_ =	shalt  }
0x6e: {  	_ =	shalt  }
0x6f: {  	_ =	shalt  }
0x70: {  	_ =	shalt  }
0x71: {  	_ =	shalt  }
0x72: {  	_ =	shalt  }
0x73: {  	_ =	shalt  }
0x74: {  	_ =	shalt  }
0x75: {  	_ =	shalt  }
0x76: {  	_ =	shalt  }
0x77: {  	_ =	shalt  }
0x78: {  	_ =	shalt  }
0x79: {  	_ =	shalt  }
0x7a: {  	_ =	shalt  }
0x7b: {  	_ =	shalt  }
0x7c: {  	_ =	shalt  }
0x7d: {  	_ =	shalt  }
0x7e: {  	_ =	shalt  }
0x7f: {  	_ =	shalt  }
0x80: {  	_ =	shalt  }
0x81: {  	_ =	shalt  }
0x82: {  	_ =	shalt  }
0x83: {  	_ =	shalt  }
0x84: {  	_ =	shalt  }
0x85: {  	_ =	shalt  }
0x86: {  	_ =	shalt  }
0x87: {  	_ =	shalt  }
.Lfunc_end0:
.L_simem_size_0:
called_computation.3_lowered:
.L_overlay_start_0:
0x88: {  	s2 =	sld [smem:$0x3FD9]  }
0x89: {  	s3 =	sld [smem:$0x3FFE];
	_ =	sdelay $0x1  }
0x8a: {  	s1 =	srdreg.scid  }
0x8b: {  	s0 =	sand.u32 $0x1, s1  }
0x8c: {  	s16 =	sshll.u32 s0, $0xA;
	s2 =	sadd.s32 s3, s2  }
0x8d: {  	s2 =	sadd.s32 s2, s16  }
0x8e: {  	[smem:$0x3FBA] =	sst s2  }
0x8f: {  	_ = 	snop  }
0x90: {  	(tm) =	ssettm $0x1  }
0x91: {  	s17 =	sld [smem:$0x3FFB];
	_ =	sdelay $0x3  }
0x92: {  	_ =	strace s17  }
0x93: {  	s2 =	sld [smem:$0x3FFC];
	_ =	sdelay $0x3  }
0x94: {  	_ =	strace s2  }
0x95: {  	s2 =	sld [smem:$0x3FFD];
	_ =	sdelay $0x3  }
0x96: {  	_ =	strace s2  }
0x97: {  	_ =	strace $0x8FFFFFFF  }
0x98: {  	s18 =	sld [smem:$0x3FDB];
	_ =	sdelay $0x1  }
0x99: {  	s19 =	simm.s32 $_scs_section_size  }
0x9a: {  	s4 =	simm.s32 $_size__tile_overlayer_lowered;
	s5 =	simm.s32 $_tile_overlayer_lowered  }
0x9b: {  	s22 =	simm.s32 $0x1BFF;
	s21 =	sshll.u32 s5, $0x1;
	s2 =	sadd.s32 s19, s18  }
0x9c: {  	s6 =	simm.s32 $0x0;
	s20 =	sshll.u32 s4, $0x1;
	s4 =	sadd.s32 s21, s2  }
0x9d: {  	[timem:s6], [sflag:s22] =	dma.local [hbm:s4], s20  }
0x9e: {  	_ =	swait.ge [sflag:s22], s20  }
0x9f: {  	s3 =	ssub.s32 $0x0, s20;
	[sflag:s22] =	ssyncset.done $0x0  }
0xa0: {  	[sflag:s22] =	ssyncadd.s32 s3;
	_ =	sdelay $0x1  }
0xa1: {  	s23 =	simm.s32 $0x1B8B  }
0xa2: {  	_ =	swait.ge [sflag:s23], $0x1  }
0xa3: {  	[sflag:s23] =	ssyncset.done $0x0  }
0xa4: {  	s25 =	simm.s32 $0x1B8E;
	s24 =	sld [smem:$0x3FFE];
	[sflag:s23] =	ssyncadd.s32 $0xFFFFFFFF  }
0xa5: {  	s26 =	simm.s32 $execute0_lowered;
	[smem:$0x3FD2] =	sst s25  }
0xa6: {  	s4 =	sshll.u32 s26, $0x1;
	_ =	strace $0x8000004F;
	[dreg:$0x1] =	wrdreg $0xFFFFFFFF  }
0xa7: {  	s28 =	simm.s32 $_size_execute0_lowered;
	s2 =	sadd.s32 s2, s4;
	[dreg:$0x0] =	wrdreg $0x0  }
0xa8: {  	s4 =	sshll.u32 s28, $0x1;
	[dreg:$0x2] =	wrdreg s2  }
0xa9: {  	[dreg:$0x3] =	wrdreg s4  }
0xaa: {  	[dreg:$0x4] =	wrdreg $0xC0  }
0xab: {  	_ =	task [dreg:s6], $0x5FFFF  }
0xac: {  	[dreg:$0x1] =	wrdreg $0xFFFFFFFF  }
0xad: {  	[dreg:$0x0] =	wrdreg $0x60  }
0xae: {  	[dreg:$0x2] =	wrdreg s24  }
0xaf: {  	[dreg:$0x3] =	wrdreg $0x90000  }
0xb0: {  	[dreg:$0x4] =	wrdreg $0x9  }
0xb1: {  	_ =	task.clear_ibuf [dreg:s6], $0x5FFFF;
	_ =	strace $0x9000004F  }
0xb2: {  	s29 =	simm.s32 $0x9;
	_ =	strace $0x80000051  }
0xb3: {  	_ =	swait.ge [sflag:s29], $0x1  }
0xb4: {  	[sflag:s29] =	ssyncadd.s32 $0xFFFFFFFF  }
0xb5: {  	_ =	strace $0x90000051  }
0xb6: {  	_ =	sfence  }
0xb7: {  	s30 =	sld [smem:$0x0];
	_ =	sdelay $0x2  }
0xb8: {  	s31 =	sshll.u32 s1, $0xD;
	s1 =	sshrl.u32 s1, $0x2  }
0xb9: {  	s3 =	sand.u32 $0x4000, s31;
	s1 =	sadd.s32 s1, s30  }
0xba: {  	s0 =	sor.u32 s3, s0;
	s1 =	sshll.u32 s1, $0x11  }
0xbb: {  	s0 =	sor.u32 s1, s0  }
0xbc: {  	s0 =	sadd.s32 $0x8F2B, s0  }
0xbd: {  	[sflag:s0] =	ssyncadd.remote.s32 $0x1  }
0xbe: {  	_ =	sfence.sel $0xFFFF  }
0xbf: {  	[dreg:$0x0] =	wrdreg $0xFFFFFFFF;
	(pc) =	sbr.abs _section_cstart, $3  }
0xc0: {  	[dreg:$0x1] =	wrdreg $0xFFFFFFFF  }
0xc1: {  	_ =	task.clear_ibuf [dreg:s6], $0x2FFFF;
	_ =	strace $0x9FFFFFFF  }
0xc2: {  	(tm) =	ssettm $0x7FFFFFFF  }
0xc3: {  	_ =	shalt  }
tec
execute0_lowered:
.L_overlay_start_1:
0x0: {  	(tag) =	ssettag $0x1  }
0x1: {  	s0 =	rddreg [dreg:$0x0]  }
0x2: {  	s2 =	rddreg [dreg:$0x1];
	s3 =	simm.s32 $0x0;
	s1 =	srdreg.scid  }
0x3: {  	s9 =	stileid.u32;
	s28 =	simm.s32 $0x3;
	s31 =	simm.s32 $0x4  }
0x4: {  	s13 =	simm.s32 $0xC00;
	s14 =	simm.s32 $0x480;
	s11 =	simm.s32 $0xD80  }
0x5: {  	s29 =	simm.s32 $0x680;
	s30 =	simm.s32 $0xE80;
	s4 =	smul.u32 $0x90, s9  }
0x6: {  	s1 =	sand.u32 $0x1, s1;
	s5 =	sshll.u32 s9, $0x4;
	s6 =	smul.u32 $0x280, s9  }
0x7: {  	[smem:$0x7FF] =	sst s3;
	s9 =	smul.u32 $0x50000, s9;
	s10 =	sadd.s32 $0x4B800, s0  }
0x8: {  	p0 =	seq.s32 s1, $0x0;
	s5 =	sor.u32 $0x900, s5;
	_ =	strace $0x80000050  }
0x9: {  	s7 =	smul.u32 $0x2800, s1;
	s8 =	ssub.s32 $0x2, s1;
	[dreg:$0x3] =	wrdreg s10  }
0xa: {  	s10 =	simm.s32 $0x580;
	s5 =	smov.u32 @p0 s4;
	s4 =	sadd.s32 $0xF800, s0  }
0xb: {  	s18 =	sshrl.u32 s8, $0x1;
	s19 =	sshrl.u32 s9, $0x2;
	p0 =	sne.s32 s1, $0x0  }
0xc: {  	s6 =	sadd.s32 s6, s7;
	s7 =	ssub.s32 s8, s18;
	s8 =	sadd.s32 s19, s2  }
0xd: {  	s1 =	simm.s32 $0xF00;
	s20 =	smax.u32 s7, $0x1;
	[dreg:$0x4] =	wrdreg s8  }
0xe: {  	s5 =	sshll.u32 s5, $0x4;
	s7 =	sadd.s32 $0x4000, s8;
	[dreg:$0x5] =	wrdreg s20  }
0xf: {  	s19 =	simm.s32 $0x1000;
	s9 =	sadd.s32 $0x8000, s8;
	[dreg:$0x6] =	wrdreg s7  }
0x10: {  	s18 =	simm.s32 $0xC80;
	s17 =	sadd.s32 $0xC000, s8;
	[dreg:$0x7] =	wrdreg s9  }
0x11: {  	s5 =	sadd.s32 s5, s0;
	s16 =	sadd.s32 $0x10000, s8;
	[dreg:$0x8] =	wrdreg s17  }
0x12: {  	s6 =	sshll.u32 s6, $0x4;
	s25 =	sadd.s32 $0x5600, s5;
	[dreg:$0x9] =	wrdreg s16  }
0x13: {  	s0 =	sadd.s32 s6, s0;
	s26 =	sadd.s32 $0x41800, s5;
	[dreg:$0xf] =	wrdreg s25  }
0x14: {  	s20 =	simm.s32 $0x5;
	s21 =	sadd.s32 $0x4C000, s0;
	[dreg:$0x10] =	wrdreg s26  }
0x15: {  	s6 =	simm.s32 $0x600;
	s22 =	sadd.s32 $0x4C800, s0;
	[dreg:$0xa] =	wrdreg s21  }
0x16: {  	s5 =	simm.s32 $0x780;
	s23 =	sadd.s32 $0x4D000, s0;
	[dreg:$0xb] =	wrdreg s22  }
0x17: {  	s24 =	sadd.s32 $0x4D800, s0;
	s0 =	sadd.s32 $0x4E000, s0;
	[dreg:$0xc] =	wrdreg s23  }
0x18: {  	s25 =	simm.s32 $0x2;
	s26 =	simm.s32 $0xE00;
	[dreg:$0xd] =	wrdreg s24  }
0x19: {  	[dreg:$0xe] =	wrdreg s0;
	s21 =	simm.s32 $0x800;
	s22 =	simm.s32 $0x80  }
0x1a: {  	s23 =	simm.s32 $0x1;
	s24 =	simm.s32 $0x5000;
	s0 =	simm.s32 $0x0  }
.LBB2_1:
0x1b: {  	[dreg:$0x11] =	wrdreg s0  }
0x1c: {  	s15 =	rddreg [dreg:$0x3]  }
0x1d: {  	[tilespmem:s19], [sflag:$0x5] =	stream.linear.gather [hbm4b:s15+s3], $0x4000, $0x38;
	[tilespmem:$0x1D000] =	vst v63  }
0x1e: {  	_ =	swait.ge [sflag:s20], $0x4000  }
0x1f: {  	[sflag:s20] =	ssyncset.done $0x0  }
0x20: {  	[sflag:s20] =	ssyncadd.s32 $0xFFFFC000  }
0x21: {  	[spmem:s8] =	stream.linear.scatter [tilespmem:s19], [sflag:$0x5], $0x4000, $0x38;
	[tilespmem:$0x1D000] =	vst v63  }
0x22: {  	_ =	swait.ge [sflag:s20], $0x4000  }
0x23: {  	[sflag:s20] =	ssyncset.done $0x0  }
0x24: {  	[sflag:s20] =	ssyncadd.s32 $0xFFFFC000  }
0x25: {  	[spmem:s7] =	stream.linear.scatter [tilespmem:s19], [sflag:$0x5], $0x4000, $0x38;
	[tilespmem:$0x1D000] =	vst v63  }
0x26: {  	_ =	swait.ge [sflag:s20], $0x4000  }
0x27: {  	[sflag:s20] =	ssyncset.done $0x0  }
0x28: {  	[sflag:s20] =	ssyncadd.s32 $0xFFFFC000  }
0x29: {  	[spmem:s9] =	stream.linear.scatter [tilespmem:s19], [sflag:$0x5], $0x4000, $0x38;
	[tilespmem:$0x1D000] =	vst v63  }
0x2a: {  	_ =	swait.ge [sflag:s20], $0x4000  }
0x2b: {  	[sflag:s20] =	ssyncset.done $0x0  }
0x2c: {  	[sflag:s20] =	ssyncadd.s32 $0xFFFFC000  }
0x2d: {  	[spmem:s17] =	stream.linear.scatter [tilespmem:s19], [sflag:$0x5], $0x4000, $0x38;
	[tilespmem:$0x1D000] =	vst v63  }
0x2e: {  	_ =	swait.ge [sflag:s20], $0x4000  }
0x2f: {  	[sflag:s20] =	ssyncset.done $0x0  }
0x30: {  	[sflag:s20] =	ssyncadd.s32 $0xFFFFC000  }
0x31: {  	[spmem:s16] =	stream.linear.scatter [tilespmem:s19], [sflag:$0x5], $0x4000, $0x38;
	[tilespmem:$0x1D000] =	vst v63  }
0x32: {  	_ =	swait.ge [sflag:s20], $0x4000  }
0x33: {  	[sflag:s20] =	ssyncset.done $0x0  }
0x34: {  	[sflag:s20] =	ssyncadd.s32 $0xFFFFC000  }
0x35: {  	s0 =	simm.s32 $0x700;
	[bflag:$0x0] =	sbarrier.arrive $0xFFFF  }
0x36: {  	s8 =	simm.s32 $0x500;
	s7 =	simm.s32 $0xF80;
	s15 =	rddreg [dreg:$0x10]  }
0x37: {  	s9 =	simm.s32 $0xD00;
	s17 =	simm.s32 $0x0;
	s16 =	rddreg [dreg:$0xf]  }
.LBB2_2:
0x38: {  	[tilespmem:s3], [sflag:$0x5] =	stream.linear.gather [hbm4b:s15+s3], $0x800, $0x38;
	[tilespmem:$0x1D000] =	vst v63  }
0x39: {  	_ =	swait.ge [sflag:s20], $0x800  }
0x3a: {  	[sflag:s20] =	ssyncset.done $0x0  }
0x3b: {  	[sflag:s20] =	ssyncadd.s32 $0xFFFFF800  }
0x3c: {  	[tilespmem:s21], [sflag:$0x5] =	stream.linear.gather [hbm4b:s16+s3], $0x800, $0x38;
	[tilespmem:$0x1D000] =	vst v63  }
0x3d: {  	_ =	swait.ge [sflag:s20], $0x800  }
0x3e: {  	[sflag:s20] =	ssyncset.done $0x0  }
0x3f: {  	[sflag:s20] =	ssyncadd.s32 $0xFFFFF800  }
0x40: {  	[tilespmem:s19], [sflag:$0x1] =	stream.indirect.gather [hbm4b:s4+s22], $0x80, s3, s22, $0xb8;
	[tilespmem:$0x1D000] =	vst v63  }
0x41: {  	_ =	swait.ge [sflag:s23], $0x4000  }
0x42: {  	[sflag:s23] =	ssyncset.done $0x0  }
0x43: {  	[sflag:s23] =	ssyncadd.s32 $0xFFFFC000  }
0x44: {  	[spmem:s2] =	stream.indirect.scatter.add.f32 [tilespmem:s19], [sflag:$0x3], $0x80, s21, s22, $0xb8;
	[tilespmem:$0x1D000] =	vst v63  }
0x45: {  	_ = 	snop  }
0x46: {  	[tilespmem:s24], [sflag:$0x2] =	stream.indirect.gather [hbm4b:s4+s22], $0x80, s22, s22, $0xb8;
	[tilespmem:$0x1D000] =	vst v63  }
0x47: {  	_ =	swait.ge [sflag:s25], $0x4000  }
0x48: {  	[sflag:s25] =	ssyncset.done $0x0  }
0x49: {  	s12 =	simm.s32 $0x880;
	[sflag:s25] =	ssyncadd.s32 $0xFFFFC000  }
0x4a: {  	[spmem:s2] =	stream.indirect.scatter.add.f32 [tilespmem:s24], [sflag:$0x4], $0x80, s12, s22, $0xb8;
	[tilespmem:$0x1D000] =	vst v63  }
0x4b: {  	_ =	swait.ge [sflag:s28], $0x4000  }
0x4c: {  	[sflag:s28] =	ssyncset.done $0x0  }
0x4d: {  	s12 =	simm.s32 $0x100;
	[sflag:s28] =	ssyncadd.s32 $0xFFFFC000  }
0x4e: {  	[tilespmem:s19], [sflag:$0x1] =	stream.indirect.gather [hbm4b:s4+s22], $0x80, s12, s22, $0xb8;
	[tilespmem:$0x1D000] =	vst v63  }
0x4f: {  	_ =	swait.ge [sflag:s23], $0x4000  }
0x50: {  	[sflag:s23] =	ssyncset.done $0x0  }
0x51: {  	s12 =	simm.s32 $0x900;
	[sflag:s23] =	ssyncadd.s32 $0xFFFFC000  }
0x52: {  	[spmem:s2] =	stream.indirect.scatter.add.f32 [tilespmem:s19], [sflag:$0x3], $0x80, s12, s22, $0xb8;
	[tilespmem:$0x1D000] =	vst v63  }
0x53: {  	_ =	swait.ge [sflag:s31], $0x4000  }
0x54: {  	[sflag:s31] =	ssyncset.done $0x0  }
0x55: {  	s12 =	simm.s32 $0x180;
	[sflag:s31] =	ssyncadd.s32 $0xFFFFC000  }
0x56: {  	[tilespmem:s24], [sflag:$0x2] =	stream.indirect.gather [hbm4b:s4+s22], $0x80, s12, s22, $0xb8;
	[tilespmem:$0x1D000] =	vst v63  }
0x57: {  	_ =	swait.ge [sflag:s25], $0x4000  }
0x58: {  	[sflag:s25] =	ssyncset.done $0x0  }
0x59: {  	s12 =	simm.s32 $0x980;
	[sflag:s25] =	ssyncadd.s32 $0xFFFFC000  }
0x5a: {  	[spmem:s2] =	stream.indirect.scatter.add.f32 [tilespmem:s24], [sflag:$0x4], $0x80, s12, s22, $0xb8;
	[tilespmem:$0x1D000] =	vst v63  }
0x5b: {  	_ =	swait.ge [sflag:s28], $0x4000  }
0x5c: {  	[sflag:s28] =	ssyncset.done $0x0  }
0x5d: {  	s12 =	simm.s32 $0x200;
	[sflag:s28] =	ssyncadd.s32 $0xFFFFC000  }
0x5e: {  	[tilespmem:s19], [sflag:$0x1] =	stream.indirect.gather [hbm4b:s4+s22], $0x80, s12, s22, $0xb8;
	[tilespmem:$0x1D000] =	vst v63  }
0x5f: {  	_ =	swait.ge [sflag:s23], $0x4000  }
0x60: {  	[sflag:s23] =	ssyncset.done $0x0  }
0x61: {  	s12 =	simm.s32 $0xA00;
	[sflag:s23] =	ssyncadd.s32 $0xFFFFC000  }
0x62: {  	[spmem:s2] =	stream.indirect.scatter.add.f32 [tilespmem:s19], [sflag:$0x3], $0x80, s12, s22, $0xb8;
	[tilespmem:$0x1D000] =	vst v63  }
0x63: {  	_ =	swait.ge [sflag:s31], $0x4000  }
0x64: {  	[sflag:s31] =	ssyncset.done $0x0  }
0x65: {  	s12 =	simm.s32 $0x280;
	[sflag:s31] =	ssyncadd.s32 $0xFFFFC000  }
0x66: {  	[tilespmem:s24], [sflag:$0x2] =	stream.indirect.gather [hbm4b:s4+s22], $0x80, s12, s22, $0xb8;
	[tilespmem:$0x1D000] =	vst v63  }
0x67: {  	_ =	swait.ge [sflag:s25], $0x4000  }
0x68: {  	[sflag:s25] =	ssyncset.done $0x0  }
0x69: {  	s12 =	simm.s32 $0xA80;
	[sflag:s25] =	ssyncadd.s32 $0xFFFFC000  }
0x6a: {  	[spmem:s2] =	stream.indirect.scatter.add.f32 [tilespmem:s24], [sflag:$0x4], $0x80, s12, s22, $0xb8;
	[tilespmem:$0x1D000] =	vst v63  }
0x6b: {  	_ =	swait.ge [sflag:s28], $0x4000  }
0x6c: {  	[sflag:s28] =	ssyncset.done $0x0  }
0x6d: {  	s12 =	simm.s32 $0x300;
	[sflag:s28] =	ssyncadd.s32 $0xFFFFC000  }
0x6e: {  	[tilespmem:s19], [sflag:$0x1] =	stream.indirect.gather [hbm4b:s4+s22], $0x80, s12, s22, $0xb8;
	[tilespmem:$0x1D000] =	vst v63  }
0x6f: {  	_ =	swait.ge [sflag:s23], $0x4000  }
0x70: {  	[sflag:s23] =	ssyncset.done $0x0  }
0x71: {  	s12 =	simm.s32 $0xB00;
	[sflag:s23] =	ssyncadd.s32 $0xFFFFC000  }
0x72: {  	[spmem:s2] =	stream.indirect.scatter.add.f32 [tilespmem:s19], [sflag:$0x3], $0x80, s12, s22, $0xb8;
	[tilespmem:$0x1D000] =	vst v63  }
0x73: {  	_ =	swait.ge [sflag:s31], $0x4000  }
0x74: {  	[sflag:s31] =	ssyncset.done $0x0  }
0x75: {  	s12 =	simm.s32 $0x380;
	[sflag:s31] =	ssyncadd.s32 $0xFFFFC000  }
0x76: {  	[tilespmem:s24], [sflag:$0x2] =	stream.indirect.gather [hbm4b:s4+s22], $0x80, s12, s22, $0xb8;
	[tilespmem:$0x1D000] =	vst v63  }
0x77: {  	_ =	swait.ge [sflag:s25], $0x4000  }
0x78: {  	[sflag:s25] =	ssyncset.done $0x0  }
0x79: {  	s12 =	simm.s32 $0xB80;
	[sflag:s25] =	ssyncadd.s32 $0xFFFFC000  }
0x7a: {  	[spmem:s2] =	stream.indirect.scatter.add.f32 [tilespmem:s24], [sflag:$0x4], $0x80, s12, s22, $0xb8;
	[tilespmem:$0x1D000] =	vst v63  }
0x7b: {  	_ =	swait.ge [sflag:s28], $0x4000  }
0x7c: {  	[sflag:s28] =	ssyncset.done $0x0  }
0x7d: {  	s12 =	simm.s32 $0x400;
	[sflag:s28] =	ssyncadd.s32 $0xFFFFC000  }
0x7e: {  	[tilespmem:s19], [sflag:$0x1] =	stream.indirect.gather [hbm4b:s4+s22], $0x80, s12, s22, $0xb8;
	[tilespmem:$0x1D000] =	vst v63  }
0x7f: {  	_ =	swait.ge [sflag:s23], $0x4000  }
0x80: {  	[sflag:s23] =	ssyncset.done $0x0  }
0x81: {  	[sflag:s23] =	ssyncadd.s32 $0xFFFFC000  }
0x82: {  	[spmem:s2] =	stream.indirect.scatter.add.f32 [tilespmem:s19], [sflag:$0x3], $0x80, s13, s22, $0xb8;
	[tilespmem:$0x1D000] =	vst v63  }
0x83: {  	_ =	swait.ge [sflag:s31], $0x4000  }
0x84: {  	[sflag:s31] =	ssyncset.done $0x0  }
0x85: {  	[sflag:s31] =	ssyncadd.s32 $0xFFFFC000  }
0x86: {  	[tilespmem:s24], [sflag:$0x2] =	stream.indirect.gather [hbm4b:s4+s22], $0x80, s14, s22, $0xb8;
	[tilespmem:$0x1D000] =	vst v63  }
0x87: {  	_ =	swait.ge [sflag:s25], $0x4000  }
0x88: {  	[sflag:s25] =	ssyncset.done $0x0  }
0x89: {  	[sflag:s25] =	ssyncadd.s32 $0xFFFFC000  }
0x8a: {  	[spmem:s2] =	stream.indirect.scatter.add.f32 [tilespmem:s24], [sflag:$0x4], $0x80, s18, s22, $0xb8;
	[tilespmem:$0x1D000] =	vst v63  }
0x8b: {  	_ =	swait.ge [sflag:s28], $0x4000  }
0x8c: {  	[sflag:s28] =	ssyncset.done $0x0  }
0x8d: {  	[sflag:s28] =	ssyncadd.s32 $0xFFFFC000  }
0x8e: {  	[tilespmem:s19], [sflag:$0x1] =	stream.indirect.gather [hbm4b:s4+s22], $0x80, s8, s22, $0xb8;
	[tilespmem:$0x1D000] =	vst v63  }
0x8f: {  	_ =	swait.ge [sflag:s23], $0x4000  }
0x90: {  	[sflag:s23] =	ssyncset.done $0x0  }
0x91: {  	[sflag:s23] =	ssyncadd.s32 $0xFFFFC000  }
0x92: {  	[spmem:s2] =	stream.indirect.scatter.add.f32 [tilespmem:s19], [sflag:$0x3], $0x80, s9, s22, $0xb8;
	[tilespmem:$0x1D000] =	vst v63  }
0x93: {  	_ =	swait.ge [sflag:s31], $0x4000  }
0x94: {  	[sflag:s31] =	ssyncset.done $0x0  }
0x95: {  	[sflag:s31] =	ssyncadd.s32 $0xFFFFC000  }
0x96: {  	[tilespmem:s24], [sflag:$0x2] =	stream.indirect.gather [hbm4b:s4+s22], $0x80, s10, s22, $0xb8;
	[tilespmem:$0x1D000] =	vst v63  }
0x97: {  	_ =	swait.ge [sflag:s25], $0x4000  }
0x98: {  	[sflag:s25] =	ssyncset.done $0x0  }
0x99: {  	[sflag:s25] =	ssyncadd.s32 $0xFFFFC000  }
0x9a: {  	[spmem:s2] =	stream.indirect.scatter.add.f32 [tilespmem:s24], [sflag:$0x4], $0x80, s11, s22, $0xb8;
	[tilespmem:$0x1D000] =	vst v63  }
0x9b: {  	_ =	swait.ge [sflag:s28], $0x4000  }
0x9c: {  	[sflag:s28] =	ssyncset.done $0x0  }
0x9d: {  	[sflag:s28] =	ssyncadd.s32 $0xFFFFC000  }
0x9e: {  	[tilespmem:s19], [sflag:$0x1] =	stream.indirect.gather [hbm4b:s4+s22], $0x80, s6, s22, $0xb8;
	[tilespmem:$0x1D000] =	vst v63  }
0x9f: {  	_ =	swait.ge [sflag:s23], $0x4000  }
0xa0: {  	[sflag:s23] =	ssyncset.done $0x0  }
0xa1: {  	[sflag:s23] =	ssyncadd.s32 $0xFFFFC000  }
0xa2: {  	[spmem:s2] =	stream.indirect.scatter.add.f32 [tilespmem:s19], [sflag:$0x3], $0x80, s26, s22, $0xb8;
	[tilespmem:$0x1D000] =	vst v63  }
0xa3: {  	_ =	swait.ge [sflag:s31], $0x4000  }
0xa4: {  	[sflag:s31] =	ssyncset.done $0x0  }
0xa5: {  	[sflag:s31] =	ssyncadd.s32 $0xFFFFC000  }
0xa6: {  	[tilespmem:s24], [sflag:$0x2] =	stream.indirect.gather [hbm4b:s4+s22], $0x80, s29, s22, $0xb8;
	[tilespmem:$0x1D000] =	vst v63  }
0xa7: {  	_ =	swait.ge [sflag:s25], $0x4000  }
0xa8: {  	[sflag:s25] =	ssyncset.done $0x0  }
0xa9: {  	[sflag:s25] =	ssyncadd.s32 $0xFFFFC000  }
0xaa: {  	[spmem:s2] =	stream.indirect.scatter.add.f32 [tilespmem:s24], [sflag:$0x4], $0x80, s30, s22, $0xb8;
	[tilespmem:$0x1D000] =	vst v63  }
0xab: {  	_ =	swait.ge [sflag:s28], $0x4000  }
0xac: {  	[sflag:s28] =	ssyncset.done $0x0  }
0xad: {  	[sflag:s28] =	ssyncadd.s32 $0xFFFFC000  }
0xae: {  	[tilespmem:s19], [sflag:$0x1] =	stream.indirect.gather [hbm4b:s4+s22], $0x80, s0, s22, $0xb8;
	[tilespmem:$0x1D000] =	vst v63  }
0xaf: {  	_ =	swait.ge [sflag:s23], $0x4000  }
0xb0: {  	[sflag:s23] =	ssyncset.done $0x0  }
0xb1: {  	[sflag:s23] =	ssyncadd.s32 $0xFFFFC000  }
0xb2: {  	[spmem:s2] =	stream.indirect.scatter.add.f32 [tilespmem:s19], [sflag:$0x3], $0x80, s1, s22, $0xb8;
	[tilespmem:$0x1D000] =	vst v63  }
0xb3: {  	_ =	swait.ge [sflag:s31], $0x4000  }
0xb4: {  	[sflag:s31] =	ssyncset.done $0x0  }
0xb5: {  	[sflag:s31] =	ssyncadd.s32 $0xFFFFC000  }
0xb6: {  	[tilespmem:s24], [sflag:$0x2] =	stream.indirect.gather [hbm4b:s4+s22], $0x80, s5, s22, $0xb8;
	[tilespmem:$0x1D000] =	vst v63  }
0xb7: {  	_ =	swait.ge [sflag:s25], $0x4000  }
0xb8: {  	[sflag:s25] =	ssyncset.done $0x0  }
0xb9: {  	p1 =	slt.u32 @!p0 s17, $0x8;
	[sflag:s25] =	ssyncadd.s32 $0xFFFFC000  }
0xba: {  	[spmem:s2] =	stream.indirect.scatter.add.f32 [tilespmem:s24], [sflag:$0x4], $0x80, s7, s22, $0xb8;
	[tilespmem:$0x1D000] =	vst v63  }
0xbb: {  	p1 =	por p0, !p1;
	_ =	swait.ge [sflag:s28], $0x4000  }
.Ltmp0:
0xbc: {  	[sflag:s28] =	ssyncset.done $0x0;
	(pc) =	sbr.rel @!p1 .LBB2_2-.Ltmp0, $4  }
0xbd: {  	[sflag:s28] =	ssyncadd.s32 $0xFFFFC000  }
0xbe: {  	_ =	swait.ge [sflag:s31], $0x4000  }
0xbf: {  	s17 =	sadd.s32 $0x1, s17;
	[sflag:s31] =	ssyncset.done $0x0  }
0xc0: {  	s15 =	sadd.s32 $0x100, s15;
	s16 =	sadd.s32 $0x100, s16;
	[sflag:s31] =	ssyncadd.s32 $0xFFFFC000  }
0xc1: {  	[bflag:$0x0] =	sbarrier.arrive $0xFFFF  }
0xc2: {  	s8 =	rddreg [dreg:$0x4]  }
0xc3: {  	[tilespmem:s19], [sflag:$0x5] =	stream.linear.gather [spmem:s8], $0x4000, $0x38;
	[tilespmem:$0x1D000] =	vst v63  }
0xc4: {  	_ =	swait.ge [sflag:s20], $0x4000  }
0xc5: {  	[sflag:s20] =	ssyncset.done $0x0  }
0xc6: {  	s15 =	rddreg [dreg:$0xa];
	[sflag:s20] =	ssyncadd.s32 $0xFFFFC000  }
0xc7: {  	[hbm4b:s15+s3] =	stream.linear.scatter [tilespmem:s19], [sflag:$0x5], $0x4000, $0x38;
	[tilespmem:$0x1D000] =	vst v63  }
0xc8: {  	_ =	swait.ge [sflag:s20], $0x4000  }
0xc9: {  	[sflag:s20] =	ssyncset.done $0x0  }
0xca: {  	s7 =	rddreg [dreg:$0x6];
	[sflag:s20] =	ssyncadd.s32 $0xFFFFC000  }
0xcb: {  	[tilespmem:s19], [sflag:$0x5] =	stream.linear.gather [spmem:s7], $0x4000, $0x38;
	[tilespmem:$0x1D000] =	vst v63  }
0xcc: {  	_ =	swait.ge [sflag:s20], $0x4000  }
0xcd: {  	[sflag:s20] =	ssyncset.done $0x0  }
0xce: {  	s9 =	rddreg [dreg:$0xb];
	[sflag:s20] =	ssyncadd.s32 $0xFFFFC000  }
0xcf: {  	[hbm4b:s9+s3] =	stream.linear.scatter [tilespmem:s19], [sflag:$0x5], $0x4000, $0x38;
	[tilespmem:$0x1D000] =	vst v63  }
0xd0: {  	_ =	swait.ge [sflag:s20], $0x4000  }
0xd1: {  	[sflag:s20] =	ssyncset.done $0x0  }
0xd2: {  	s9 =	rddreg [dreg:$0x7];
	[sflag:s20] =	ssyncadd.s32 $0xFFFFC000  }
0xd3: {  	[tilespmem:s19], [sflag:$0x5] =	stream.linear.gather [spmem:s9], $0x4000, $0x38;
	[tilespmem:$0x1D000] =	vst v63  }
0xd4: {  	_ =	swait.ge [sflag:s20], $0x4000  }
0xd5: {  	[sflag:s20] =	ssyncset.done $0x0  }
0xd6: {  	s12 =	rddreg [dreg:$0xc];
	[sflag:s20] =	ssyncadd.s32 $0xFFFFC000  }
0xd7: {  	[hbm4b:s12+s3] =	stream.linear.scatter [tilespmem:s19], [sflag:$0x5], $0x4000, $0x38;
	[tilespmem:$0x1D000] =	vst v63  }
0xd8: {  	_ =	swait.ge [sflag:s20], $0x4000  }
0xd9: {  	[sflag:s20] =	ssyncset.done $0x0  }
0xda: {  	s17 =	rddreg [dreg:$0x8];
	[sflag:s20] =	ssyncadd.s32 $0xFFFFC000  }
0xdb: {  	[tilespmem:s19], [sflag:$0x5] =	stream.linear.gather [spmem:s17], $0x4000, $0x38;
	[tilespmem:$0x1D000] =	vst v63  }
0xdc: {  	_ =	swait.ge [sflag:s20], $0x4000  }
0xdd: {  	[sflag:s20] =	ssyncset.done $0x0  }
0xde: {  	s16 =	rddreg [dreg:$0xd];
	[sflag:s20] =	ssyncadd.s32 $0xFFFFC000  }
0xdf: {  	[hbm4b:s16+s3] =	stream.linear.scatter [tilespmem:s19], [sflag:$0x5], $0x4000, $0x38;
	[tilespmem:$0x1D000] =	vst v63  }
0xe0: {  	_ =	swait.ge [sflag:s20], $0x4000  }
0xe1: {  	[sflag:s20] =	ssyncset.done $0x0  }
0xe2: {  	s16 =	rddreg [dreg:$0x9];
	[sflag:s20] =	ssyncadd.s32 $0xFFFFC000  }
0xe3: {  	[tilespmem:s19], [sflag:$0x5] =	stream.linear.gather [spmem:s16], $0x4000, $0x38;
	[tilespmem:$0x1D000] =	vst v63  }
0xe4: {  	_ =	swait.ge [sflag:s20], $0x4000  }
0xe5: {  	[sflag:s20] =	ssyncset.done $0x0  }
0xe6: {  	s0 =	rddreg [dreg:$0xe];
	[sflag:s20] =	ssyncadd.s32 $0xFFFFC000  }
0xe7: {  	[hbm4b:s0+s3] =	stream.linear.scatter [tilespmem:s19], [sflag:$0x5], $0x4000, $0x38;
	[tilespmem:$0x1D000] =	vst v63  }
0xe8: {  	_ =	swait.ge [sflag:s20], $0x4000  }
0xe9: {  	s0 =	rddreg [dreg:$0x11]  }
0xea: {  	s12 =	rddreg [dreg:$0x5];
	s0 =	sadd.s32 $0x1, s0  }
0xeb: {  	p1 =	sne.s32 s0, s12  }
.Ltmp1:
0xec: {  	_ = 	snop;
	(pc) =	sbr.rel @p1 .LBB2_1-.Ltmp1, $3  }
0xed: {  	_ =	sdelay $0x1  }
0xee: {  	[sflag:s20] =	ssyncset.done $0x0  }
0xef: {  	[sflag:s20] =	ssyncadd.s32 $0xFFFFC000  }
0xf0: {  	_ =	sfence.sel $0x180000  }
0xf1: {  	[bflag:$0x0] =	sbarrier.arrive $0xFFFF  }
0xf2: {  	_ =	strace $0x90000050  }
0xf3: {  	s0 =	stileid.u32;
	[bflag:$0x2] =	sbarrier.arrive $0xFFFF  }
0xf4: {  	p0 =	sne.s32 s0, $0x0;
	s0 =	rddreg [dreg:$0x2]  }
0xf5: {  	s0 =	sadd.s32 @!p0 $0x100000, s0  }
0xf6: {  	[sflag:s0] =	ssyncadd.tile.s32 @!p0 $0x1;
	_ =	shalt  }
.Lfunc_end2:
_tile_overlayer_lowered:
.L_overlay_start_2:
0xf7: {  	(tag) =	ssettag $0x2  }
0xf8: {  	s0 =	rddreg [dreg:$0x0];
	s2 =	stileid.u32  }
0xf9: {  	s1 =	rddreg [dreg:$0x1];
	p0 =	sne.s32 s2, $0x0  }
0xfa: {  	s3 =	rddreg [dreg:$0x2];
	[bflag:$0x3] =	sbarrier.arrive $0xFFFF;
	s2 =	simm.s32 @!p0 $0x1C05  }
0xfb: {  	[timem:s3], [sflag:s2] =	dma.local @!p0 [hbm:s0], s1  }
0xfc: {  	s0 =	simm.s32 @!p0 $0x5  }
0xfd: {  	_ =	swait.ge @!p0 [sflag:s0], s1  }
0xfe: {  	s1 =	ssub.s32 @!p0 $0x0, s1;
	[sflag:s0] =	ssyncset.done @!p0 $0x0  }
0xff: {  	[sflag:s0] =	ssyncadd.s32 @!p0 s1  }
0x100: {  	[bflag:$0x3] =	sbarrier.arrive $0xFFFF  }
0x101: {  	_ =	shalt  }

// kernel: sc_agg.5.cloned.1.call-start
scs
__scs_entry_jumppad:
0x0: {  	(pc) =	sbr.rel $0x88, $3  }
0x1: {  	(tag) =	ssettag $0x0;
	lr =	simm.s32 $0x1  }
0x2: {  	[smem:$0x3F93] =	sst lr;
	_ =	strace $0xD0000000  }
0x3: {  	_ = 	snop  }
0x4: {  	_ = 	snop  }
0x5: {  	_ = 	snop  }
0x6: {  	_ = 	snop  }
0x7: {  	_ = 	snop  }
__scs_overlays_trampoline_lowered:
0x8: {  	[smem:$0x3FA2] =	sst s0  }
0x9: {  	[smem:$0x3FA3] =	sst s1  }
0xa: {  	[smem:$0x3FA4] =	sst s2  }
0xb: {  	[smem:$0x3FA5] =	sst s3  }
0xc: {  	[smem:$0x3FA6] =	sst s4  }
0xd: {  	[smem:$0x3FA7] =	sst s5  }
0xe: {  	[smem:$0x3FA8] =	sst s6  }
0xf: {  	[smem:$0x3FA9] =	sst s7  }
0x10: {  	[smem:$0x3FAA] =	sst s8  }
0x11: {  	[smem:$0x3FAB] =	sst s9;
	s0 =	simm.s32 @!p0 $0x0  }
0x12: {  	s1 =	sld [smem:$0x3F91];
	s0 =	simm.s32 @p0 $0x1  }
0x13: {  	[smem:$0x3FAC] =	sst s0;
	s0 =	simm.s32 @!p1 $0x0  }
0x14: {  	s2 =	sld [smem:$0x3F90];
	s0 =	simm.s32 @p1 $0x1  }
0x15: {  	[smem:$0x3FAD] =	sst s0;
	s0 =	simm.s32 @!p2 $0x0  }
0x16: {  	s3 =	sld [smem:$0x3FDB];
	s0 =	simm.s32 @p2 $0x1  }
0x17: {  	s4 =	simm.s32 $0x1BF5;
	[smem:$0x3FAF] =	sst s0  }
0x18: {  	s0 =	sld [smem:$0x3F92];
	_ =	swait.ge [sflag:s4], $0x0  }
0x19: {  	s7 =	sld [smem:$0x3F93]  }
0x1a: {  	s8 =	sadd.s32 $0xFFFFE003, lr  }
0x1b: {  	s9 =	sadd.s32 $0xFFFFFEF7, lr;
	s5 =	simm.s32 $0xFFFFFFFF;
	p2 =	slt.u32 s8, $0xFFFFF086  }
0x1c: {  	p1 =	slt.u32 s9, $0xF7A;
	s5 =	simm.s32 @!p2 $0x0  }
0x1d: {  	s5 =	simm.s32 @p1 $0x1;
	p0 =	seq.s32 s7, s2  }
0x1e: {  	s7 =	smul.u32 @!p0 $0xF7A, s2;
	p2 =	seq.s32 @!p0 s5, $0x0  }
0x1f: {  	s9 =	smul.u32 $0xF7A, s1;
	s8 =	simm.s32 @!p0 $0x1BF5;
	p2 =	por !p2, p0  }
0x20: {  	[sflag:s8] =	ssyncset.s32 @!p0 $0xFFFFF086;
	s6 =	sadd.s32 @!p0 s3, s7;
	s7 =	simm.s32 @!p0 $0x108  }
0x21: {  	s3 =	sadd.s32 s3, s9;
	s6 =	sadd.s32 @!p0 $0x88, s6;
	s7 =	simm.s32 @p2 $0x1082  }
0x22: {  	[simem:s7], [sflag:s8] =	dma.local @!p0 [hbm:s6], $0xF7A  }
0x23: {  	s9 =	sor.u32 $0xD0000000, s2;
	s6 =	simm.s32 $0x108;
	_ =	swait.ge @!p0 [sflag:s8], $0x0  }
0x24: {  	s3 =	sadd.s32 $0x88, s3;
	s6 =	simm.s32 @!p1 $0x1082;
	[sflag:s4] =	ssyncset.s32 $0xFFFFF086  }
0x25: {  	[simem:s6], [sflag:s4] =	dma.local [hbm:s3], $0xF7A  }
0x26: {  	[smem:$0x3F93] =	sst s1;
	(tag) =	ssettag s2;
	_ =	strace s9  }
0x27: {  	s1 =	sld [smem:$0x3FA3]  }
0x28: {  	s2 =	sld [smem:$0x3FA4]  }
0x29: {  	s4 =	sld [smem:$0x3FA6]  }
0x2a: {  	p0 =	seq.s32 s5, $0x0;
	s5 =	sld [smem:$0x3FA7]  }
0x2b: {  	s6 =	sld [smem:$0x3FA8]  }
0x2c: {  	s7 =	sld [smem:$0x3FA9]  }
0x2d: {  	s3 =	simm.s32 $0x108;
	s8 =	sld [smem:$0x3FAA]  }
0x2e: {  	s3 =	simm.s32 @!p0 $0x1082;
	s9 =	sld [smem:$0x3FAB]  }
0x2f: {  	lr =	sadd.s32 s0, s3;
	s0 =	sld [smem:$0x3FA2]  }
0x30: {  	s3 =	sld [smem:$0x3FA5]  }
0x31: {  	[smem:$0x3FAE] =	sst s10  }
0x32: {  	s10 =	sld [smem:$0x3FAC];
	_ =	sdelay $0x3  }
0x33: {  	p0 =	seq.s32 s10, $0x1;
	s10 =	sld [smem:$0x3FAE];
	_ =	sdelay $0x3  }
0x34: {  	[smem:$0x3FAE] =	sst s10  }
0x35: {  	s10 =	sld [smem:$0x3FAD];
	_ =	sdelay $0x3  }
0x36: {  	p1 =	seq.s32 s10, $0x1;
	s10 =	sld [smem:$0x3FAE];
	_ =	sdelay $0x3  }
0x37: {  	[smem:$0x3FAE] =	sst s10  }
0x38: {  	s10 =	sld [smem:$0x3FAF]  }
0x39: {  	_ = 	snop;
	(pc) =	sbr.ind lr, $3  }
0x3a: {  	_ = 	snop  }
0x3b: {  	_ = 	snop  }
0x3c: {  	p2 =	seq.s32 s10, $0x1;
	s10 =	sld [smem:$0x3FAE]  }
0x3d: {  	_ =	shalt  }
0x3e: {  	_ =	shalt  }
0x3f: {  	_ =	shalt  }
0x40: {  	_ =	shalt  }
0x41: {  	_ =	shalt  }
0x42: {  	_ =	shalt  }
0x43: {  	_ =	shalt  }
0x44: {  	_ =	shalt  }
0x45: {  	_ =	shalt  }
0x46: {  	_ =	shalt  }
0x47: {  	_ =	shalt  }
0x48: {  	_ =	shalt  }
0x49: {  	_ =	shalt  }
0x4a: {  	_ =	shalt  }
0x4b: {  	_ =	shalt  }
0x4c: {  	_ =	shalt  }
0x4d: {  	_ =	shalt  }
0x4e: {  	_ =	shalt  }
0x4f: {  	_ =	shalt  }
0x50: {  	_ =	shalt  }
0x51: {  	_ =	shalt  }
0x52: {  	_ =	shalt  }
0x53: {  	_ =	shalt  }
0x54: {  	_ =	shalt  }
0x55: {  	_ =	shalt  }
0x56: {  	_ =	shalt  }
0x57: {  	_ =	shalt  }
0x58: {  	_ =	shalt  }
0x59: {  	_ =	shalt  }
0x5a: {  	_ =	shalt  }
0x5b: {  	_ =	shalt  }
0x5c: {  	_ =	shalt  }
0x5d: {  	_ =	shalt  }
0x5e: {  	_ =	shalt  }
0x5f: {  	_ =	shalt  }
0x60: {  	_ =	shalt  }
0x61: {  	_ =	shalt  }
0x62: {  	_ =	shalt  }
0x63: {  	_ =	shalt  }
0x64: {  	_ =	shalt  }
0x65: {  	_ =	shalt  }
0x66: {  	_ =	shalt  }
0x67: {  	_ =	shalt  }
0x68: {  	_ =	shalt  }
0x69: {  	_ =	shalt  }
0x6a: {  	_ =	shalt  }
0x6b: {  	_ =	shalt  }
0x6c: {  	_ =	shalt  }
0x6d: {  	_ =	shalt  }
0x6e: {  	_ =	shalt  }
0x6f: {  	_ =	shalt  }
0x70: {  	_ =	shalt  }
0x71: {  	_ =	shalt  }
0x72: {  	_ =	shalt  }
0x73: {  	_ =	shalt  }
0x74: {  	_ =	shalt  }
0x75: {  	_ =	shalt  }
0x76: {  	_ =	shalt  }
0x77: {  	_ =	shalt  }
0x78: {  	_ =	shalt  }
0x79: {  	_ =	shalt  }
0x7a: {  	_ =	shalt  }
0x7b: {  	_ =	shalt  }
0x7c: {  	_ =	shalt  }
0x7d: {  	_ =	shalt  }
0x7e: {  	_ =	shalt  }
0x7f: {  	_ =	shalt  }
0x80: {  	_ =	shalt  }
0x81: {  	_ =	shalt  }
0x82: {  	_ =	shalt  }
0x83: {  	_ =	shalt  }
0x84: {  	_ =	shalt  }
0x85: {  	_ =	shalt  }
0x86: {  	_ =	shalt  }
0x87: {  	_ =	shalt  }
.Lfunc_end0:
.L_simem_size_0:
called_computation.1_lowered:
.L_overlay_start_0:
0x88: {  	s2 =	sld [smem:$0x3FD9]  }
0x89: {  	s3 =	sld [smem:$0x3FFE];
	_ =	sdelay $0x1  }
0x8a: {  	s1 =	srdreg.scid  }
0x8b: {  	s0 =	sand.u32 $0x1, s1  }
0x8c: {  	s17 =	sshll.u32 s0, $0xA;
	s2 =	sadd.s32 s3, s2  }
0x8d: {  	s2 =	sadd.s32 s2, s17  }
0x8e: {  	[smem:$0x3FBA] =	sst s2  }
0x8f: {  	_ = 	snop  }
0x90: {  	(tm) =	ssettm $0x1  }
0x91: {  	s18 =	sld [smem:$0x3FFB];
	_ =	sdelay $0x3  }
0x92: {  	_ =	strace s18  }
0x93: {  	s2 =	sld [smem:$0x3FFC];
	_ =	sdelay $0x3  }
0x94: {  	_ =	strace s2  }
0x95: {  	s2 =	sld [smem:$0x3FFD];
	_ =	sdelay $0x3  }
0x96: {  	_ =	strace s2  }
0x97: {  	_ =	strace $0x8FFFFFFF  }
0x98: {  	s19 =	sld [smem:$0x3FDB];
	_ =	sdelay $0x1  }
0x99: {  	s20 =	simm.s32 $_scs_section_size  }
0x9a: {  	s4 =	simm.s32 $_size__tile_overlayer_lowered;
	s5 =	simm.s32 $_tile_overlayer_lowered  }
0x9b: {  	s6 =	simm.s32 $0x1BFF;
	s21 =	sshll.u32 s5, $0x1;
	s3 =	sadd.s32 s20, s19  }
0x9c: {  	s22 =	simm.s32 $0x0;
	s4 =	sshll.u32 s4, $0x1;
	s5 =	sadd.s32 s21, s3  }
0x9d: {  	[timem:s22], [sflag:s6] =	dma.local [hbm:s5], s4  }
0x9e: {  	_ =	swait.ge [sflag:s6], s4  }
0x9f: {  	s4 =	ssub.s32 $0x0, s4;
	[sflag:s6] =	ssyncset.done $0x0  }
0xa0: {  	[sflag:s6] =	ssyncadd.s32 s4;
	_ =	sdelay $0x1  }
0xa1: {  	s23 =	simm.s32 $0x1B8B  }
0xa2: {  	_ =	swait.ge [sflag:s23], $0x1  }
0xa3: {  	[sflag:s23] =	ssyncset.done $0x0  }
0xa4: {  	[sflag:s23] =	ssyncadd.s32 $0xFFFFFFFF  }
0xa5: {  	s4 =	sld [smem:$0x0]  }
0xa6: {  	s5 =	sand.u32 $0xFFFFFFFE, s1  }
0xa7: {  	p0 =	sne.s32 s1, s5  }
0xa8: {  	s5 =	sshll.u32 @p0 s5, $0xE  }
0xa9: {  	s5 =	sadd.s32 @p0 $0x11B8D, s5;
	s6 =	sshll.u32 @p0 s4, $0x11  }
0xaa: {  	s5 =	sor.u32 @p0 s6, s5  }
0xab: {  	[sflag:s5] =	ssyncadd.remote.s32 @p0 $0x1;
	_ =	sdelay $0x1  }
0xac: {  	s5 =	simm.s32 @p0 $0x1B8D  }
0xad: {  	_ =	swait.eq @p0 [sflag:s5], $0x1  }
0xae: {  	[sflag:s5] =	ssyncadd.s32 @p0 $0xFFFFFFFF  }
0xaf: {  	s6 =	sshll.u32 @!p0 s1, $0xE  }
0xb0: {  	s6 =	sor.u32 @!p0 $0x4000, s6;
	s5 =	simm.s32 @!p0 $0x1B8D  }
0xb1: {  	s4 =	sshll.u32 @!p0 s4, $0x11;
	s6 =	sadd.s32 @!p0 $0x11B8D, s6;
	_ =	swait.eq @!p0 [sflag:s5], $0x1  }
0xb2: {  	s4 =	sor.u32 @!p0 s4, s6;
	[sflag:s5] =	ssyncadd.s32 @!p0 $0xFFFFFFFF  }
0xb3: {  	s25 =	simm.s32 $0x1B8E;
	s24 =	sld [smem:$0x3FFE];
	[sflag:s4] =	ssyncadd.remote.s32 @!p0 $0x1  }
0xb4: {  	s26 =	simm.s32 $execute0_lowered;
	[smem:$0x3FD2] =	sst s25  }
0xb5: {  	s5 =	sshll.u32 s26, $0x1;
	_ =	strace $0x80000049;
	[dreg:$0x1] =	wrdreg $0xFFFFFFFF  }
0xb6: {  	s28 =	simm.s32 $_size_execute0_lowered;
	s3 =	sadd.s32 s3, s5;
	[dreg:$0x0] =	wrdreg $0x0  }
0xb7: {  	s5 =	sshll.u32 s28, $0x1;
	[dreg:$0x2] =	wrdreg s3  }
0xb8: {  	[dreg:$0x3] =	wrdreg s5  }
0xb9: {  	[dreg:$0x4] =	wrdreg $0xC0  }
0xba: {  	_ =	task [dreg:s22], $0x5FFFF  }
0xbb: {  	[dreg:$0x1] =	wrdreg $0xFFFFFFFF  }
0xbc: {  	[dreg:$0x0] =	wrdreg $0x60  }
0xbd: {  	[dreg:$0x2] =	wrdreg s24  }
0xbe: {  	[dreg:$0x3] =	wrdreg $0x90000  }
0xbf: {  	[dreg:$0x4] =	wrdreg $0xA  }
0xc0: {  	_ =	task.clear_ibuf [dreg:s22], $0x5FFFF;
	_ =	strace $0x90000049  }
0xc1: {  	s29 =	simm.s32 $0xA;
	_ =	strace $0x8000004B  }
0xc2: {  	_ =	swait.ge [sflag:s29], $0x1  }
0xc3: {  	[sflag:s29] =	ssyncadd.s32 $0xFFFFFFFF  }
0xc4: {  	_ =	strace $0x9000004B  }
0xc5: {  	_ =	sfence  }
0xc6: {  	s30 =	sld [smem:$0x0];
	_ =	sdelay $0x2  }
0xc7: {  	s31 =	sshll.u32 s1, $0xD;
	s1 =	sshrl.u32 s1, $0x2  }
0xc8: {  	s4 =	sand.u32 $0x4000, s31;
	s1 =	sadd.s32 s1, s30  }
0xc9: {  	s0 =	sor.u32 s4, s0;
	s1 =	sshll.u32 s1, $0x11  }
0xca: {  	s0 =	sor.u32 s1, s0  }
0xcb: {  	s0 =	sadd.s32 $0x8F2B, s0  }
0xcc: {  	[sflag:s0] =	ssyncadd.remote.s32 $0x1  }
0xcd: {  	_ =	sfence.sel $0xFFFF  }
0xce: {  	[dreg:$0x0] =	wrdreg $0xFFFFFFFF;
	(pc) =	sbr.abs _section_cstart, $3  }
0xcf: {  	[dreg:$0x1] =	wrdreg $0xFFFFFFFF  }
0xd0: {  	_ =	task.clear_ibuf [dreg:s22], $0x2FFFF;
	_ =	strace $0x9FFFFFFF  }
0xd1: {  	(tm) =	ssettm $0x7FFFFFFF  }
tec
execute0_lowered:
.L_overlay_start_1:
0x0: {  	(tag) =	ssettag $0x1  }
0x1: {  	s0 =	rddreg [dreg:$0x0]  }
0x2: {  	s2 =	rddreg [dreg:$0x1];
	s3 =	simm.s32 $0x0;
	s1 =	srdreg.scid  }
0x3: {  	s9 =	stileid.u32;
	s28 =	simm.s32 $0x3;
	s31 =	simm.s32 $0x4  }
0x4: {  	s13 =	simm.s32 $0xC00;
	s14 =	simm.s32 $0x480;
	s11 =	simm.s32 $0xD80  }
0x5: {  	s29 =	simm.s32 $0x680;
	s30 =	simm.s32 $0xE80;
	s4 =	smul.u32 $0x90, s9  }
0x6: {  	s1 =	sand.u32 $0x1, s1;
	s5 =	sshll.u32 s9, $0x4;
	s6 =	smul.u32 $0x280, s9  }
0x7: {  	[smem:$0x7FF] =	sst s3;
	s9 =	smul.u32 $0x50000, s9;
	s10 =	sadd.s32 $0x4B800, s0  }
0x8: {  	p0 =	seq.s32 s1, $0x0;
	s5 =	sor.u32 $0x900, s5;
	_ =	strace $0x8000004A  }
0x9: {  	s7 =	smul.u32 $0x2800, s1;
	s8 =	ssub.s32 $0x2, s1;
	[dreg:$0x3] =	wrdreg s10  }
0xa: {  	s10 =	simm.s32 $0x580;
	s5 =	smov.u32 @p0 s4;
	s4 =	sadd.s32 $0x19800, s0  }
0xb: {  	s18 =	sshrl.u32 s8, $0x1;
	s19 =	sshrl.u32 s9, $0x2;
	p0 =	sne.s32 s1, $0x0  }
0xc: {  	s6 =	sadd.s32 s6, s7;
	s7 =	ssub.s32 s8, s18;
	s8 =	sadd.s32 s19, s2  }
0xd: {  	s1 =	simm.s32 $0xF00;
	s20 =	smax.u32 s7, $0x1;
	[dreg:$0x4] =	wrdreg s8  }
0xe: {  	s5 =	sshll.u32 s5, $0x4;
	s7 =	sadd.s32 $0x4000, s8;
	[dreg:$0x5] =	wrdreg s20  }
0xf: {  	s19 =	simm.s32 $0x1000;
	s9 =	sadd.s32 $0x8000, s8;
	[dreg:$0x6] =	wrdreg s7  }
0x10: {  	s18 =	simm.s32 $0xC80;
	s17 =	sadd.s32 $0xC000, s8;
	[dreg:$0x7] =	wrdreg s9  }
0x11: {  	s5 =	sadd.s32 s5, s0;
	s16 =	sadd.s32 $0x10000, s8;
	[dreg:$0x8] =	wrdreg s17  }
0x12: {  	s6 =	sshll.u32 s6, $0x4;
	s25 =	sadd.s32 $0x5600, s5;
	[dreg:$0x9] =	wrdreg s16  }
0x13: {  	s0 =	sadd.s32 s6, s0;
	s26 =	sadd.s32 $0x41800, s5;
	[dreg:$0xf] =	wrdreg s25  }
0x14: {  	s20 =	simm.s32 $0x5;
	s21 =	sadd.s32 $0x4C000, s0;
	[dreg:$0x10] =	wrdreg s26  }
0x15: {  	s6 =	simm.s32 $0x600;
	s22 =	sadd.s32 $0x4C800, s0;
	[dreg:$0xa] =	wrdreg s21  }
0x16: {  	s5 =	simm.s32 $0x780;
	s23 =	sadd.s32 $0x4D000, s0;
	[dreg:$0xb] =	wrdreg s22  }
0x17: {  	s24 =	sadd.s32 $0x4D800, s0;
	s0 =	sadd.s32 $0x4E000, s0;
	[dreg:$0xc] =	wrdreg s23  }
0x18: {  	s25 =	simm.s32 $0x2;
	s26 =	simm.s32 $0xE00;
	[dreg:$0xd] =	wrdreg s24  }
0x19: {  	[dreg:$0xe] =	wrdreg s0;
	s21 =	simm.s32 $0x800;
	s22 =	simm.s32 $0x80  }
0x1a: {  	s23 =	simm.s32 $0x1;
	s24 =	simm.s32 $0x5000;
	s0 =	simm.s32 $0x0  }
.LBB2_1:
0x1b: {  	[dreg:$0x11] =	wrdreg s0  }
0x1c: {  	s15 =	rddreg [dreg:$0x3]  }
0x1d: {  	[tilespmem:s19], [sflag:$0x5] =	stream.linear.gather [hbm4b:s15+s3], $0x4000, $0x38;
	[tilespmem:$0x1D000] =	vst v63  }
0x1e: {  	_ =	swait.ge [sflag:s20], $0x4000  }
0x1f: {  	[sflag:s20] =	ssyncset.done $0x0  }
0x20: {  	[sflag:s20] =	ssyncadd.s32 $0xFFFFC000  }
0x21: {  	[spmem:s8] =	stream.linear.scatter [tilespmem:s19], [sflag:$0x5], $0x4000, $0x38;
	[tilespmem:$0x1D000] =	vst v63  }
0x22: {  	_ =	swait.ge [sflag:s20], $0x4000  }
0x23: {  	[sflag:s20] =	ssyncset.done $0x0  }
0x24: {  	[sflag:s20] =	ssyncadd.s32 $0xFFFFC000  }
0x25: {  	[spmem:s7] =	stream.linear.scatter [tilespmem:s19], [sflag:$0x5], $0x4000, $0x38;
	[tilespmem:$0x1D000] =	vst v63  }
0x26: {  	_ =	swait.ge [sflag:s20], $0x4000  }
0x27: {  	[sflag:s20] =	ssyncset.done $0x0  }
0x28: {  	[sflag:s20] =	ssyncadd.s32 $0xFFFFC000  }
0x29: {  	[spmem:s9] =	stream.linear.scatter [tilespmem:s19], [sflag:$0x5], $0x4000, $0x38;
	[tilespmem:$0x1D000] =	vst v63  }
0x2a: {  	_ =	swait.ge [sflag:s20], $0x4000  }
0x2b: {  	[sflag:s20] =	ssyncset.done $0x0  }
0x2c: {  	[sflag:s20] =	ssyncadd.s32 $0xFFFFC000  }
0x2d: {  	[spmem:s17] =	stream.linear.scatter [tilespmem:s19], [sflag:$0x5], $0x4000, $0x38;
	[tilespmem:$0x1D000] =	vst v63  }
0x2e: {  	_ =	swait.ge [sflag:s20], $0x4000  }
0x2f: {  	[sflag:s20] =	ssyncset.done $0x0  }
0x30: {  	[sflag:s20] =	ssyncadd.s32 $0xFFFFC000  }
0x31: {  	[spmem:s16] =	stream.linear.scatter [tilespmem:s19], [sflag:$0x5], $0x4000, $0x38;
	[tilespmem:$0x1D000] =	vst v63  }
0x32: {  	_ =	swait.ge [sflag:s20], $0x4000  }
0x33: {  	[sflag:s20] =	ssyncset.done $0x0  }
0x34: {  	[sflag:s20] =	ssyncadd.s32 $0xFFFFC000  }
0x35: {  	s0 =	simm.s32 $0x700;
	[bflag:$0x0] =	sbarrier.arrive $0xFFFF  }
0x36: {  	s8 =	simm.s32 $0x500;
	s7 =	simm.s32 $0xF80;
	s15 =	rddreg [dreg:$0x10]  }
0x37: {  	s9 =	simm.s32 $0xD00;
	s17 =	simm.s32 $0x0;
	s16 =	rddreg [dreg:$0xf]  }
.LBB2_2:
0x38: {  	[tilespmem:s3], [sflag:$0x5] =	stream.linear.gather [hbm4b:s15+s3], $0x800, $0x38;
	[tilespmem:$0x1D000] =	vst v63  }
0x39: {  	_ =	swait.ge [sflag:s20], $0x800  }
0x3a: {  	[sflag:s20] =	ssyncset.done $0x0  }
0x3b: {  	[sflag:s20] =	ssyncadd.s32 $0xFFFFF800  }
0x3c: {  	[tilespmem:s21], [sflag:$0x5] =	stream.linear.gather [hbm4b:s16+s3], $0x800, $0x38;
	[tilespmem:$0x1D000] =	vst v63  }
0x3d: {  	_ =	swait.ge [sflag:s20], $0x800  }
0x3e: {  	[sflag:s20] =	ssyncset.done $0x0  }
0x3f: {  	[sflag:s20] =	ssyncadd.s32 $0xFFFFF800  }
0x40: {  	[tilespmem:s19], [sflag:$0x1] =	stream.indirect.gather [hbm4b:s4+s22], $0x80, s3, s22, $0xb8;
	[tilespmem:$0x1D000] =	vst v63  }
0x41: {  	_ =	swait.ge [sflag:s23], $0x4000  }
0x42: {  	[sflag:s23] =	ssyncset.done $0x0  }
0x43: {  	[sflag:s23] =	ssyncadd.s32 $0xFFFFC000  }
0x44: {  	[spmem:s2] =	stream.indirect.scatter.add.f32 [tilespmem:s19], [sflag:$0x3], $0x80, s21, s22, $0xb8;
	[tilespmem:$0x1D000] =	vst v63  }
0x45: {  	_ = 	snop  }
0x46: {  	[tilespmem:s24], [sflag:$0x2] =	stream.indirect.gather [hbm4b:s4+s22], $0x80, s22, s22, $0xb8;
	[tilespmem:$0x1D000] =	vst v63  }
0x47: {  	_ =	swait.ge [sflag:s25], $0x4000  }
0x48: {  	[sflag:s25] =	ssyncset.done $0x0  }
0x49: {  	s12 =	simm.s32 $0x880;
	[sflag:s25] =	ssyncadd.s32 $0xFFFFC000  }
0x4a: {  	[spmem:s2] =	stream.indirect.scatter.add.f32 [tilespmem:s24], [sflag:$0x4], $0x80, s12, s22, $0xb8;
	[tilespmem:$0x1D000] =	vst v63  }
0x4b: {  	_ =	swait.ge [sflag:s28], $0x4000  }
0x4c: {  	[sflag:s28] =	ssyncset.done $0x0  }
0x4d: {  	s12 =	simm.s32 $0x100;
	[sflag:s28] =	ssyncadd.s32 $0xFFFFC000  }
0x4e: {  	[tilespmem:s19], [sflag:$0x1] =	stream.indirect.gather [hbm4b:s4+s22], $0x80, s12, s22, $0xb8;
	[tilespmem:$0x1D000] =	vst v63  }
0x4f: {  	_ =	swait.ge [sflag:s23], $0x4000  }
0x50: {  	[sflag:s23] =	ssyncset.done $0x0  }
0x51: {  	s12 =	simm.s32 $0x900;
	[sflag:s23] =	ssyncadd.s32 $0xFFFFC000  }
0x52: {  	[spmem:s2] =	stream.indirect.scatter.add.f32 [tilespmem:s19], [sflag:$0x3], $0x80, s12, s22, $0xb8;
	[tilespmem:$0x1D000] =	vst v63  }
0x53: {  	_ =	swait.ge [sflag:s31], $0x4000  }
0x54: {  	[sflag:s31] =	ssyncset.done $0x0  }
0x55: {  	s12 =	simm.s32 $0x180;
	[sflag:s31] =	ssyncadd.s32 $0xFFFFC000  }
0x56: {  	[tilespmem:s24], [sflag:$0x2] =	stream.indirect.gather [hbm4b:s4+s22], $0x80, s12, s22, $0xb8;
	[tilespmem:$0x1D000] =	vst v63  }
0x57: {  	_ =	swait.ge [sflag:s25], $0x4000  }
0x58: {  	[sflag:s25] =	ssyncset.done $0x0  }
0x59: {  	s12 =	simm.s32 $0x980;
	[sflag:s25] =	ssyncadd.s32 $0xFFFFC000  }
0x5a: {  	[spmem:s2] =	stream.indirect.scatter.add.f32 [tilespmem:s24], [sflag:$0x4], $0x80, s12, s22, $0xb8;
	[tilespmem:$0x1D000] =	vst v63  }
0x5b: {  	_ =	swait.ge [sflag:s28], $0x4000  }
0x5c: {  	[sflag:s28] =	ssyncset.done $0x0  }
0x5d: {  	s12 =	simm.s32 $0x200;
	[sflag:s28] =	ssyncadd.s32 $0xFFFFC000  }
0x5e: {  	[tilespmem:s19], [sflag:$0x1] =	stream.indirect.gather [hbm4b:s4+s22], $0x80, s12, s22, $0xb8;
	[tilespmem:$0x1D000] =	vst v63  }
0x5f: {  	_ =	swait.ge [sflag:s23], $0x4000  }
0x60: {  	[sflag:s23] =	ssyncset.done $0x0  }
0x61: {  	s12 =	simm.s32 $0xA00;
	[sflag:s23] =	ssyncadd.s32 $0xFFFFC000  }
0x62: {  	[spmem:s2] =	stream.indirect.scatter.add.f32 [tilespmem:s19], [sflag:$0x3], $0x80, s12, s22, $0xb8;
	[tilespmem:$0x1D000] =	vst v63  }
0x63: {  	_ =	swait.ge [sflag:s31], $0x4000  }
0x64: {  	[sflag:s31] =	ssyncset.done $0x0  }
0x65: {  	s12 =	simm.s32 $0x280;
	[sflag:s31] =	ssyncadd.s32 $0xFFFFC000  }
0x66: {  	[tilespmem:s24], [sflag:$0x2] =	stream.indirect.gather [hbm4b:s4+s22], $0x80, s12, s22, $0xb8;
	[tilespmem:$0x1D000] =	vst v63  }
0x67: {  	_ =	swait.ge [sflag:s25], $0x4000  }
0x68: {  	[sflag:s25] =	ssyncset.done $0x0  }
0x69: {  	s12 =	simm.s32 $0xA80;
	[sflag:s25] =	ssyncadd.s32 $0xFFFFC000  }
0x6a: {  	[spmem:s2] =	stream.indirect.scatter.add.f32 [tilespmem:s24], [sflag:$0x4], $0x80, s12, s22, $0xb8;
	[tilespmem:$0x1D000] =	vst v63  }
0x6b: {  	_ =	swait.ge [sflag:s28], $0x4000  }
0x6c: {  	[sflag:s28] =	ssyncset.done $0x0  }
0x6d: {  	s12 =	simm.s32 $0x300;
	[sflag:s28] =	ssyncadd.s32 $0xFFFFC000  }
0x6e: {  	[tilespmem:s19], [sflag:$0x1] =	stream.indirect.gather [hbm4b:s4+s22], $0x80, s12, s22, $0xb8;
	[tilespmem:$0x1D000] =	vst v63  }
0x6f: {  	_ =	swait.ge [sflag:s23], $0x4000  }
0x70: {  	[sflag:s23] =	ssyncset.done $0x0  }
0x71: {  	s12 =	simm.s32 $0xB00;
	[sflag:s23] =	ssyncadd.s32 $0xFFFFC000  }
0x72: {  	[spmem:s2] =	stream.indirect.scatter.add.f32 [tilespmem:s19], [sflag:$0x3], $0x80, s12, s22, $0xb8;
	[tilespmem:$0x1D000] =	vst v63  }
0x73: {  	_ =	swait.ge [sflag:s31], $0x4000  }
0x74: {  	[sflag:s31] =	ssyncset.done $0x0  }
0x75: {  	s12 =	simm.s32 $0x380;
	[sflag:s31] =	ssyncadd.s32 $0xFFFFC000  }
0x76: {  	[tilespmem:s24], [sflag:$0x2] =	stream.indirect.gather [hbm4b:s4+s22], $0x80, s12, s22, $0xb8;
	[tilespmem:$0x1D000] =	vst v63  }
0x77: {  	_ =	swait.ge [sflag:s25], $0x4000  }
0x78: {  	[sflag:s25] =	ssyncset.done $0x0  }
0x79: {  	s12 =	simm.s32 $0xB80;
	[sflag:s25] =	ssyncadd.s32 $0xFFFFC000  }
0x7a: {  	[spmem:s2] =	stream.indirect.scatter.add.f32 [tilespmem:s24], [sflag:$0x4], $0x80, s12, s22, $0xb8;
	[tilespmem:$0x1D000] =	vst v63  }
0x7b: {  	_ =	swait.ge [sflag:s28], $0x4000  }
0x7c: {  	[sflag:s28] =	ssyncset.done $0x0  }
0x7d: {  	s12 =	simm.s32 $0x400;
	[sflag:s28] =	ssyncadd.s32 $0xFFFFC000  }
0x7e: {  	[tilespmem:s19], [sflag:$0x1] =	stream.indirect.gather [hbm4b:s4+s22], $0x80, s12, s22, $0xb8;
	[tilespmem:$0x1D000] =	vst v63  }
0x7f: {  	_ =	swait.ge [sflag:s23], $0x4000  }
0x80: {  	[sflag:s23] =	ssyncset.done $0x0  }
0x81: {  	[sflag:s23] =	ssyncadd.s32 $0xFFFFC000  }
0x82: {  	[spmem:s2] =	stream.indirect.scatter.add.f32 [tilespmem:s19], [sflag:$0x3], $0x80, s13, s22, $0xb8;
	[tilespmem:$0x1D000] =	vst v63  }
0x83: {  	_ =	swait.ge [sflag:s31], $0x4000  }
0x84: {  	[sflag:s31] =	ssyncset.done $0x0  }
0x85: {  	[sflag:s31] =	ssyncadd.s32 $0xFFFFC000  }
0x86: {  	[tilespmem:s24], [sflag:$0x2] =	stream.indirect.gather [hbm4b:s4+s22], $0x80, s14, s22, $0xb8;
	[tilespmem:$0x1D000] =	vst v63  }
0x87: {  	_ =	swait.ge [sflag:s25], $0x4000  }
0x88: {  	[sflag:s25] =	ssyncset.done $0x0  }
0x89: {  	[sflag:s25] =	ssyncadd.s32 $0xFFFFC000  }
0x8a: {  	[spmem:s2] =	stream.indirect.scatter.add.f32 [tilespmem:s24], [sflag:$0x4], $0x80, s18, s22, $0xb8;
	[tilespmem:$0x1D000] =	vst v63  }
0x8b: {  	_ =	swait.ge [sflag:s28], $0x4000  }
0x8c: {  	[sflag:s28] =	ssyncset.done $0x0  }
0x8d: {  	[sflag:s28] =	ssyncadd.s32 $0xFFFFC000  }
0x8e: {  	[tilespmem:s19], [sflag:$0x1] =	stream.indirect.gather [hbm4b:s4+s22], $0x80, s8, s22, $0xb8;
	[tilespmem:$0x1D000] =	vst v63  }
0x8f: {  	_ =	swait.ge [sflag:s23], $0x4000  }
0x90: {  	[sflag:s23] =	ssyncset.done $0x0  }
0x91: {  	[sflag:s23] =	ssyncadd.s32 $0xFFFFC000  }
0x92: {  	[spmem:s2] =	stream.indirect.scatter.add.f32 [tilespmem:s19], [sflag:$0x3], $0x80, s9, s22, $0xb8;
	[tilespmem:$0x1D000] =	vst v63  }
0x93: {  	_ =	swait.ge [sflag:s31], $0x4000  }
0x94: {  	[sflag:s31] =	ssyncset.done $0x0  }
0x95: {  	[sflag:s31] =	ssyncadd.s32 $0xFFFFC000  }
0x96: {  	[tilespmem:s24], [sflag:$0x2] =	stream.indirect.gather [hbm4b:s4+s22], $0x80, s10, s22, $0xb8;
	[tilespmem:$0x1D000] =	vst v63  }
0x97: {  	_ =	swait.ge [sflag:s25], $0x4000  }
0x98: {  	[sflag:s25] =	ssyncset.done $0x0  }
0x99: {  	[sflag:s25] =	ssyncadd.s32 $0xFFFFC000  }
0x9a: {  	[spmem:s2] =	stream.indirect.scatter.add.f32 [tilespmem:s24], [sflag:$0x4], $0x80, s11, s22, $0xb8;
	[tilespmem:$0x1D000] =	vst v63  }
0x9b: {  	_ =	swait.ge [sflag:s28], $0x4000  }
0x9c: {  	[sflag:s28] =	ssyncset.done $0x0  }
0x9d: {  	[sflag:s28] =	ssyncadd.s32 $0xFFFFC000  }
0x9e: {  	[tilespmem:s19], [sflag:$0x1] =	stream.indirect.gather [hbm4b:s4+s22], $0x80, s6, s22, $0xb8;
	[tilespmem:$0x1D000] =	vst v63  }
0x9f: {  	_ =	swait.ge [sflag:s23], $0x4000  }
0xa0: {  	[sflag:s23] =	ssyncset.done $0x0  }
0xa1: {  	[sflag:s23] =	ssyncadd.s32 $0xFFFFC000  }
0xa2: {  	[spmem:s2] =	stream.indirect.scatter.add.f32 [tilespmem:s19], [sflag:$0x3], $0x80, s26, s22, $0xb8;
	[tilespmem:$0x1D000] =	vst v63  }
0xa3: {  	_ =	swait.ge [sflag:s31], $0x4000  }
0xa4: {  	[sflag:s31] =	ssyncset.done $0x0  }
0xa5: {  	[sflag:s31] =	ssyncadd.s32 $0xFFFFC000  }
0xa6: {  	[tilespmem:s24], [sflag:$0x2] =	stream.indirect.gather [hbm4b:s4+s22], $0x80, s29, s22, $0xb8;
	[tilespmem:$0x1D000] =	vst v63  }
0xa7: {  	_ =	swait.ge [sflag:s25], $0x4000  }
0xa8: {  	[sflag:s25] =	ssyncset.done $0x0  }
0xa9: {  	[sflag:s25] =	ssyncadd.s32 $0xFFFFC000  }
0xaa: {  	[spmem:s2] =	stream.indirect.scatter.add.f32 [tilespmem:s24], [sflag:$0x4], $0x80, s30, s22, $0xb8;
	[tilespmem:$0x1D000] =	vst v63  }
0xab: {  	_ =	swait.ge [sflag:s28], $0x4000  }
0xac: {  	[sflag:s28] =	ssyncset.done $0x0  }
0xad: {  	[sflag:s28] =	ssyncadd.s32 $0xFFFFC000  }
0xae: {  	[tilespmem:s19], [sflag:$0x1] =	stream.indirect.gather [hbm4b:s4+s22], $0x80, s0, s22, $0xb8;
	[tilespmem:$0x1D000] =	vst v63  }
0xaf: {  	_ =	swait.ge [sflag:s23], $0x4000  }
0xb0: {  	[sflag:s23] =	ssyncset.done $0x0  }
0xb1: {  	[sflag:s23] =	ssyncadd.s32 $0xFFFFC000  }
0xb2: {  	[spmem:s2] =	stream.indirect.scatter.add.f32 [tilespmem:s19], [sflag:$0x3], $0x80, s1, s22, $0xb8;
	[tilespmem:$0x1D000] =	vst v63  }
0xb3: {  	_ =	swait.ge [sflag:s31], $0x4000  }
0xb4: {  	[sflag:s31] =	ssyncset.done $0x0  }
0xb5: {  	[sflag:s31] =	ssyncadd.s32 $0xFFFFC000  }
0xb6: {  	[tilespmem:s24], [sflag:$0x2] =	stream.indirect.gather [hbm4b:s4+s22], $0x80, s5, s22, $0xb8;
	[tilespmem:$0x1D000] =	vst v63  }
0xb7: {  	_ =	swait.ge [sflag:s25], $0x4000  }
0xb8: {  	[sflag:s25] =	ssyncset.done $0x0  }
0xb9: {  	p1 =	slt.u32 @!p0 s17, $0x8;
	[sflag:s25] =	ssyncadd.s32 $0xFFFFC000  }
0xba: {  	[spmem:s2] =	stream.indirect.scatter.add.f32 [tilespmem:s24], [sflag:$0x4], $0x80, s7, s22, $0xb8;
	[tilespmem:$0x1D000] =	vst v63  }
0xbb: {  	p1 =	por p0, !p1;
	_ =	swait.ge [sflag:s28], $0x4000  }
.Ltmp0:
0xbc: {  	[sflag:s28] =	ssyncset.done $0x0;
	(pc) =	sbr.rel @!p1 .LBB2_2-.Ltmp0, $4  }
0xbd: {  	[sflag:s28] =	ssyncadd.s32 $0xFFFFC000  }
0xbe: {  	_ =	swait.ge [sflag:s31], $0x4000  }
0xbf: {  	s17 =	sadd.s32 $0x1, s17;
	[sflag:s31] =	ssyncset.done $0x0  }
0xc0: {  	s15 =	sadd.s32 $0x100, s15;
	s16 =	sadd.s32 $0x100, s16;
	[sflag:s31] =	ssyncadd.s32 $0xFFFFC000  }
0xc1: {  	[bflag:$0x0] =	sbarrier.arrive $0xFFFF  }
0xc2: {  	s8 =	rddreg [dreg:$0x4]  }
0xc3: {  	[tilespmem:s19], [sflag:$0x5] =	stream.linear.gather [spmem:s8], $0x4000, $0x38;
	[tilespmem:$0x1D000] =	vst v63  }
0xc4: {  	_ =	swait.ge [sflag:s20], $0x4000  }
0xc5: {  	[sflag:s20] =	ssyncset.done $0x0  }
0xc6: {  	s15 =	rddreg [dreg:$0xa];
	[sflag:s20] =	ssyncadd.s32 $0xFFFFC000  }
0xc7: {  	[hbm4b:s15+s3] =	stream.linear.scatter [tilespmem:s19], [sflag:$0x5], $0x4000, $0x38;
	[tilespmem:$0x1D000] =	vst v63  }
0xc8: {  	_ =	swait.ge [sflag:s20], $0x4000  }
0xc9: {  	[sflag:s20] =	ssyncset.done $0x0  }
0xca: {  	s7 =	rddreg [dreg:$0x6];
	[sflag:s20] =	ssyncadd.s32 $0xFFFFC000  }
0xcb: {  	[tilespmem:s19], [sflag:$0x5] =	stream.linear.gather [spmem:s7], $0x4000, $0x38;
	[tilespmem:$0x1D000] =	vst v63  }
0xcc: {  	_ =	swait.ge [sflag:s20], $0x4000  }
0xcd: {  	[sflag:s20] =	ssyncset.done $0x0  }
0xce: {  	s9 =	rddreg [dreg:$0xb];
	[sflag:s20] =	ssyncadd.s32 $0xFFFFC000  }
0xcf: {  	[hbm4b:s9+s3] =	stream.linear.scatter [tilespmem:s19], [sflag:$0x5], $0x4000, $0x38;
	[tilespmem:$0x1D000] =	vst v63  }
0xd0: {  	_ =	swait.ge [sflag:s20], $0x4000  }
0xd1: {  	[sflag:s20] =	ssyncset.done $0x0  }
0xd2: {  	s9 =	rddreg [dreg:$0x7];
	[sflag:s20] =	ssyncadd.s32 $0xFFFFC000  }
0xd3: {  	[tilespmem:s19], [sflag:$0x5] =	stream.linear.gather [spmem:s9], $0x4000, $0x38;
	[tilespmem:$0x1D000] =	vst v63  }
0xd4: {  	_ =	swait.ge [sflag:s20], $0x4000  }
0xd5: {  	[sflag:s20] =	ssyncset.done $0x0  }
0xd6: {  	s12 =	rddreg [dreg:$0xc];
	[sflag:s20] =	ssyncadd.s32 $0xFFFFC000  }
0xd7: {  	[hbm4b:s12+s3] =	stream.linear.scatter [tilespmem:s19], [sflag:$0x5], $0x4000, $0x38;
	[tilespmem:$0x1D000] =	vst v63  }
0xd8: {  	_ =	swait.ge [sflag:s20], $0x4000  }
0xd9: {  	[sflag:s20] =	ssyncset.done $0x0  }
0xda: {  	s17 =	rddreg [dreg:$0x8];
	[sflag:s20] =	ssyncadd.s32 $0xFFFFC000  }
0xdb: {  	[tilespmem:s19], [sflag:$0x5] =	stream.linear.gather [spmem:s17], $0x4000, $0x38;
	[tilespmem:$0x1D000] =	vst v63  }
0xdc: {  	_ =	swait.ge [sflag:s20], $0x4000  }
0xdd: {  	[sflag:s20] =	ssyncset.done $0x0  }
0xde: {  	s16 =	rddreg [dreg:$0xd];
	[sflag:s20] =	ssyncadd.s32 $0xFFFFC000  }
0xdf: {  	[hbm4b:s16+s3] =	stream.linear.scatter [tilespmem:s19], [sflag:$0x5], $0x4000, $0x38;
	[tilespmem:$0x1D000] =	vst v63  }
0xe0: {  	_ =	swait.ge [sflag:s20], $0x4000  }
0xe1: {  	[sflag:s20] =	ssyncset.done $0x0  }
0xe2: {  	s16 =	rddreg [dreg:$0x9];
	[sflag:s20] =	ssyncadd.s32 $0xFFFFC000  }
0xe3: {  	[tilespmem:s19], [sflag:$0x5] =	stream.linear.gather [spmem:s16], $0x4000, $0x38;
	[tilespmem:$0x1D000] =	vst v63  }
0xe4: {  	_ =	swait.ge [sflag:s20], $0x4000  }
0xe5: {  	[sflag:s20] =	ssyncset.done $0x0  }
0xe6: {  	s0 =	rddreg [dreg:$0xe];
	[sflag:s20] =	ssyncadd.s32 $0xFFFFC000  }
0xe7: {  	[hbm4b:s0+s3] =	stream.linear.scatter [tilespmem:s19], [sflag:$0x5], $0x4000, $0x38;
	[tilespmem:$0x1D000] =	vst v63  }
0xe8: {  	_ =	swait.ge [sflag:s20], $0x4000  }
0xe9: {  	s0 =	rddreg [dreg:$0x11]  }
0xea: {  	s12 =	rddreg [dreg:$0x5];
	s0 =	sadd.s32 $0x1, s0  }
0xeb: {  	p1 =	sne.s32 s0, s12  }
.Ltmp1:
0xec: {  	_ = 	snop;
	(pc) =	sbr.rel @p1 .LBB2_1-.Ltmp1, $3  }
0xed: {  	_ =	sdelay $0x1  }
0xee: {  	[sflag:s20] =	ssyncset.done $0x0  }
0xef: {  	[sflag:s20] =	ssyncadd.s32 $0xFFFFC000  }
0xf0: {  	_ =	sfence.sel $0x180000  }
0xf1: {  	[bflag:$0x0] =	sbarrier.arrive $0xFFFF  }
0xf2: {  	_ =	strace $0x9000004A  }
0xf3: {  	s0 =	stileid.u32;
	[bflag:$0x2] =	sbarrier.arrive $0xFFFF  }
0xf4: {  	p0 =	sne.s32 s0, $0x0;
	s0 =	rddreg [dreg:$0x2]  }
0xf5: {  	s0 =	sadd.s32 @!p0 $0x100000, s0  }
0xf6: {  	[sflag:s0] =	ssyncadd.tile.s32 @!p0 $0x1;
	_ =	shalt  }
.Lfunc_end2:
_tile_overlayer_lowered:
.L_overlay_start_2:
0xf7: {  	(tag) =	ssettag $0x2  }
0xf8: {  	s0 =	rddreg [dreg:$0x0];
	s2 =	stileid.u32  }
0xf9: {  	s1 =	rddreg [dreg:$0x1];
	p0 =	sne.s32 s2, $0x0  }
0xfa: {  	s3 =	rddreg [dreg:$0x2];
	[bflag:$0x3] =	sbarrier.arrive $0xFFFF;
	s2 =	simm.s32 @!p0 $0x1C05  }
0xfb: {  	[timem:s3], [sflag:s2] =	dma.local @!p0 [hbm:s0], s1  }
0xfc: {  	s0 =	simm.s32 @!p0 $0x5  }
0xfd: {  	_ =	swait.ge @!p0 [sflag:s0], s1  }
0xfe: {  	s1 =	ssub.s32 @!p0 $0x0, s1;
	[sflag:s0] =	ssyncset.done @!p0 $0x0  }
0xff: {  	[sflag:s0] =	ssyncadd.s32 @!p0 s1  }
0x100: {  	[bflag:$0x3] =	sbarrier.arrive $0xFFFF  }
0x101: {  	_ =	shalt  }

// kernel: sc_agg.8.cloned.1.call-start
scs
__scs_entry_jumppad:
0x0: {  	(pc) =	sbr.rel $0x88, $3  }
0x1: {  	(tag) =	ssettag $0x0;
	lr =	simm.s32 $0x1  }
0x2: {  	[smem:$0x3F93] =	sst lr;
	_ =	strace $0xD0000000  }
0x3: {  	_ = 	snop  }
0x4: {  	_ = 	snop  }
0x5: {  	_ = 	snop  }
0x6: {  	_ = 	snop  }
0x7: {  	_ = 	snop  }
__scs_overlays_trampoline_lowered:
0x8: {  	[smem:$0x3FA2] =	sst s0  }
0x9: {  	[smem:$0x3FA3] =	sst s1  }
0xa: {  	[smem:$0x3FA4] =	sst s2  }
0xb: {  	[smem:$0x3FA5] =	sst s3  }
0xc: {  	[smem:$0x3FA6] =	sst s4  }
0xd: {  	[smem:$0x3FA7] =	sst s5  }
0xe: {  	[smem:$0x3FA8] =	sst s6  }
0xf: {  	[smem:$0x3FA9] =	sst s7  }
0x10: {  	[smem:$0x3FAA] =	sst s8  }
0x11: {  	[smem:$0x3FAB] =	sst s9;
	s0 =	simm.s32 @!p0 $0x0  }
0x12: {  	s1 =	sld [smem:$0x3F91];
	s0 =	simm.s32 @p0 $0x1  }
0x13: {  	[smem:$0x3FAC] =	sst s0;
	s0 =	simm.s32 @!p1 $0x0  }
0x14: {  	s2 =	sld [smem:$0x3F90];
	s0 =	simm.s32 @p1 $0x1  }
0x15: {  	[smem:$0x3FAD] =	sst s0;
	s0 =	simm.s32 @!p2 $0x0  }
0x16: {  	s3 =	sld [smem:$0x3FDB];
	s0 =	simm.s32 @p2 $0x1  }
0x17: {  	s4 =	simm.s32 $0x1BF5;
	[smem:$0x3FAF] =	sst s0  }
0x18: {  	s0 =	sld [smem:$0x3F92];
	_ =	swait.ge [sflag:s4], $0x0  }
0x19: {  	s7 =	sld [smem:$0x3F93]  }
0x1a: {  	s8 =	sadd.s32 $0xFFFFE003, lr  }
0x1b: {  	s9 =	sadd.s32 $0xFFFFFEF7, lr;
	s5 =	simm.s32 $0xFFFFFFFF;
	p2 =	slt.u32 s8, $0xFFFFF086  }
0x1c: {  	p1 =	slt.u32 s9, $0xF7A;
	s5 =	simm.s32 @!p2 $0x0  }
0x1d: {  	s5 =	simm.s32 @p1 $0x1;
	p0 =	seq.s32 s7, s2  }
0x1e: {  	s7 =	smul.u32 @!p0 $0xF7A, s2;
	p2 =	seq.s32 @!p0 s5, $0x0  }
0x1f: {  	s9 =	smul.u32 $0xF7A, s1;
	s8 =	simm.s32 @!p0 $0x1BF5;
	p2 =	por !p2, p0  }
0x20: {  	[sflag:s8] =	ssyncset.s32 @!p0 $0xFFFFF086;
	s6 =	sadd.s32 @!p0 s3, s7;
	s7 =	simm.s32 @!p0 $0x108  }
0x21: {  	s3 =	sadd.s32 s3, s9;
	s6 =	sadd.s32 @!p0 $0x88, s6;
	s7 =	simm.s32 @p2 $0x1082  }
0x22: {  	[simem:s7], [sflag:s8] =	dma.local @!p0 [hbm:s6], $0xF7A  }
0x23: {  	s9 =	sor.u32 $0xD0000000, s2;
	s6 =	simm.s32 $0x108;
	_ =	swait.ge @!p0 [sflag:s8], $0x0  }
0x24: {  	s3 =	sadd.s32 $0x88, s3;
	s6 =	simm.s32 @!p1 $0x1082;
	[sflag:s4] =	ssyncset.s32 $0xFFFFF086  }
0x25: {  	[simem:s6], [sflag:s4] =	dma.local [hbm:s3], $0xF7A  }
0x26: {  	[smem:$0x3F93] =	sst s1;
	(tag) =	ssettag s2;
	_ =	strace s9  }
0x27: {  	s1 =	sld [smem:$0x3FA3]  }
0x28: {  	s2 =	sld [smem:$0x3FA4]  }
0x29: {  	s4 =	sld [smem:$0x3FA6]  }
0x2a: {  	p0 =	seq.s32 s5, $0x0;
	s5 =	sld [smem:$0x3FA7]  }
0x2b: {  	s6 =	sld [smem:$0x3FA8]  }
0x2c: {  	s7 =	sld [smem:$0x3FA9]  }
0x2d: {  	s3 =	simm.s32 $0x108;
	s8 =	sld [smem:$0x3FAA]  }
0x2e: {  	s3 =	simm.s32 @!p0 $0x1082;
	s9 =	sld [smem:$0x3FAB]  }
0x2f: {  	lr =	sadd.s32 s0, s3;
	s0 =	sld [smem:$0x3FA2]  }
0x30: {  	s3 =	sld [smem:$0x3FA5]  }
0x31: {  	[smem:$0x3FAE] =	sst s10  }
0x32: {  	s10 =	sld [smem:$0x3FAC];
	_ =	sdelay $0x3  }
0x33: {  	p0 =	seq.s32 s10, $0x1;
	s10 =	sld [smem:$0x3FAE];
	_ =	sdelay $0x3  }
0x34: {  	[smem:$0x3FAE] =	sst s10  }
0x35: {  	s10 =	sld [smem:$0x3FAD];
	_ =	sdelay $0x3  }
0x36: {  	p1 =	seq.s32 s10, $0x1;
	s10 =	sld [smem:$0x3FAE];
	_ =	sdelay $0x3  }
0x37: {  	[smem:$0x3FAE] =	sst s10  }
0x38: {  	s10 =	sld [smem:$0x3FAF]  }
0x39: {  	_ = 	snop;
	(pc) =	sbr.ind lr, $3  }
0x3a: {  	_ = 	snop  }
0x3b: {  	_ = 	snop  }
0x3c: {  	p2 =	seq.s32 s10, $0x1;
	s10 =	sld [smem:$0x3FAE]  }
0x3d: {  	_ =	shalt  }
0x3e: {  	_ =	shalt  }
0x3f: {  	_ =	shalt  }
0x40: {  	_ =	shalt  }
0x41: {  	_ =	shalt  }
0x42: {  	_ =	shalt  }
0x43: {  	_ =	shalt  }
0x44: {  	_ =	shalt  }
0x45: {  	_ =	shalt  }
0x46: {  	_ =	shalt  }
0x47: {  	_ =	shalt  }
0x48: {  	_ =	shalt  }
0x49: {  	_ =	shalt  }
0x4a: {  	_ =	shalt  }
0x4b: {  	_ =	shalt  }
0x4c: {  	_ =	shalt  }
0x4d: {  	_ =	shalt  }
0x4e: {  	_ =	shalt  }
0x4f: {  	_ =	shalt  }
0x50: {  	_ =	shalt  }
0x51: {  	_ =	shalt  }
0x52: {  	_ =	shalt  }
0x53: {  	_ =	shalt  }
0x54: {  	_ =	shalt  }
0x55: {  	_ =	shalt  }
0x56: {  	_ =	shalt  }
0x57: {  	_ =	shalt  }
0x58: {  	_ =	shalt  }
0x59: {  	_ =	shalt  }
0x5a: {  	_ =	shalt  }
0x5b: {  	_ =	shalt  }
0x5c: {  	_ =	shalt  }
0x5d: {  	_ =	shalt  }
0x5e: {  	_ =	shalt  }
0x5f: {  	_ =	shalt  }
0x60: {  	_ =	shalt  }
0x61: {  	_ =	shalt  }
0x62: {  	_ =	shalt  }
0x63: {  	_ =	shalt  }
0x64: {  	_ =	shalt  }
0x65: {  	_ =	shalt  }
0x66: {  	_ =	shalt  }
0x67: {  	_ =	shalt  }
0x68: {  	_ =	shalt  }
0x69: {  	_ =	shalt  }
0x6a: {  	_ =	shalt  }
0x6b: {  	_ =	shalt  }
0x6c: {  	_ =	shalt  }
0x6d: {  	_ =	shalt  }
0x6e: {  	_ =	shalt  }
0x6f: {  	_ =	shalt  }
0x70: {  	_ =	shalt  }
0x71: {  	_ =	shalt  }
0x72: {  	_ =	shalt  }
0x73: {  	_ =	shalt  }
0x74: {  	_ =	shalt  }
0x75: {  	_ =	shalt  }
0x76: {  	_ =	shalt  }
0x77: {  	_ =	shalt  }
0x78: {  	_ =	shalt  }
0x79: {  	_ =	shalt  }
0x7a: {  	_ =	shalt  }
0x7b: {  	_ =	shalt  }
0x7c: {  	_ =	shalt  }
0x7d: {  	_ =	shalt  }
0x7e: {  	_ =	shalt  }
0x7f: {  	_ =	shalt  }
0x80: {  	_ =	shalt  }
0x81: {  	_ =	shalt  }
0x82: {  	_ =	shalt  }
0x83: {  	_ =	shalt  }
0x84: {  	_ =	shalt  }
0x85: {  	_ =	shalt  }
0x86: {  	_ =	shalt  }
0x87: {  	_ =	shalt  }
.Lfunc_end0:
.L_simem_size_0:
called_computation.2_lowered:
.L_overlay_start_0:
0x88: {  	s2 =	sld [smem:$0x3FD9]  }
0x89: {  	s3 =	sld [smem:$0x3FFE];
	_ =	sdelay $0x1  }
0x8a: {  	s1 =	srdreg.scid  }
0x8b: {  	s0 =	sand.u32 $0x1, s1  }
0x8c: {  	s16 =	sshll.u32 s0, $0xA;
	s2 =	sadd.s32 s3, s2  }
0x8d: {  	s2 =	sadd.s32 s2, s16  }
0x8e: {  	[smem:$0x3FBA] =	sst s2  }
0x8f: {  	_ = 	snop  }
0x90: {  	(tm) =	ssettm $0x1  }
0x91: {  	s17 =	sld [smem:$0x3FFB];
	_ =	sdelay $0x3  }
0x92: {  	_ =	strace s17  }
0x93: {  	s2 =	sld [smem:$0x3FFC];
	_ =	sdelay $0x3  }
0x94: {  	_ =	strace s2  }
0x95: {  	s2 =	sld [smem:$0x3FFD];
	_ =	sdelay $0x3  }
0x96: {  	_ =	strace s2  }
0x97: {  	_ =	strace $0x8FFFFFFF  }
0x98: {  	s18 =	sld [smem:$0x3FDB];
	_ =	sdelay $0x1  }
0x99: {  	s19 =	simm.s32 $_scs_section_size  }
0x9a: {  	s4 =	simm.s32 $_size__tile_overlayer_lowered;
	s5 =	simm.s32 $_tile_overlayer_lowered  }
0x9b: {  	s22 =	simm.s32 $0x1BFF;
	s21 =	sshll.u32 s5, $0x1;
	s2 =	sadd.s32 s19, s18  }
0x9c: {  	s6 =	simm.s32 $0x0;
	s20 =	sshll.u32 s4, $0x1;
	s4 =	sadd.s32 s21, s2  }
0x9d: {  	[timem:s6], [sflag:s22] =	dma.local [hbm:s4], s20  }
0x9e: {  	_ =	swait.ge [sflag:s22], s20  }
0x9f: {  	s3 =	ssub.s32 $0x0, s20;
	[sflag:s22] =	ssyncset.done $0x0  }
0xa0: {  	[sflag:s22] =	ssyncadd.s32 s3;
	_ =	sdelay $0x1  }
0xa1: {  	s23 =	simm.s32 $0x1B8B  }
0xa2: {  	_ =	swait.ge [sflag:s23], $0x1  }
0xa3: {  	[sflag:s23] =	ssyncset.done $0x0  }
0xa4: {  	s25 =	simm.s32 $0x1B8E;
	s24 =	sld [smem:$0x3FFE];
	[sflag:s23] =	ssyncadd.s32 $0xFFFFFFFF  }
0xa5: {  	s26 =	simm.s32 $execute0_lowered;
	[smem:$0x3FD2] =	sst s25  }
0xa6: {  	s4 =	sshll.u32 s26, $0x1;
	_ =	strace $0x8000004C;
	[dreg:$0x1] =	wrdreg $0xFFFFFFFF  }
0xa7: {  	s28 =	simm.s32 $_size_execute0_lowered;
	s2 =	sadd.s32 s2, s4;
	[dreg:$0x0] =	wrdreg $0x0  }
0xa8: {  	s4 =	sshll.u32 s28, $0x1;
	[dreg:$0x2] =	wrdreg s2  }
0xa9: {  	[dreg:$0x3] =	wrdreg s4  }
0xaa: {  	[dreg:$0x4] =	wrdreg $0xC0  }
0xab: {  	_ =	task [dreg:s6], $0x5FFFF  }
0xac: {  	[dreg:$0x1] =	wrdreg $0xFFFFFFFF  }
0xad: {  	[dreg:$0x0] =	wrdreg $0x60  }
0xae: {  	[dreg:$0x2] =	wrdreg s24  }
0xaf: {  	[dreg:$0x3] =	wrdreg $0x90000  }
0xb0: {  	[dreg:$0x4] =	wrdreg $0x9  }
0xb1: {  	_ =	task.clear_ibuf [dreg:s6], $0x5FFFF;
	_ =	strace $0x9000004C  }
0xb2: {  	s29 =	simm.s32 $0x9;
	_ =	strace $0x8000004E  }
0xb3: {  	_ =	swait.ge [sflag:s29], $0x1  }
0xb4: {  	[sflag:s29] =	ssyncadd.s32 $0xFFFFFFFF  }
0xb5: {  	_ =	strace $0x9000004E  }
0xb6: {  	_ =	sfence  }
0xb7: {  	s30 =	sld [smem:$0x0];
	_ =	sdelay $0x2  }
0xb8: {  	s31 =	sshll.u32 s1, $0xD;
	s1 =	sshrl.u32 s1, $0x2  }
0xb9: {  	s3 =	sand.u32 $0x4000, s31;
	s1 =	sadd.s32 s1, s30  }
0xba: {  	s0 =	sor.u32 s3, s0;
	s1 =	sshll.u32 s1, $0x11  }
0xbb: {  	s0 =	sor.u32 s1, s0  }
0xbc: {  	s0 =	sadd.s32 $0x8F2B, s0  }
0xbd: {  	[sflag:s0] =	ssyncadd.remote.s32 $0x1  }
0xbe: {  	_ =	sfence.sel $0xFFFF  }
0xbf: {  	[dreg:$0x0] =	wrdreg $0xFFFFFFFF;
	(pc) =	sbr.abs _section_cstart, $3  }
0xc0: {  	[dreg:$0x1] =	wrdreg $0xFFFFFFFF  }
0xc1: {  	_ =	task.clear_ibuf [dreg:s6], $0x2FFFF;
	_ =	strace $0x9FFFFFFF  }
0xc2: {  	(tm) =	ssettm $0x7FFFFFFF  }
0xc3: {  	_ =	shalt  }
tec
execute0_lowered:
.L_overlay_start_1:
0x0: {  	(tag) =	ssettag $0x1  }
0x1: {  	s0 =	rddreg [dreg:$0x0]  }
0x2: {  	s2 =	rddreg [dreg:$0x1];
	s3 =	simm.s32 $0x0;
	s1 =	srdreg.scid  }
0x3: {  	s9 =	stileid.u32;
	s28 =	simm.s32 $0x3;
	s31 =	simm.s32 $0x4  }
0x4: {  	s13 =	simm.s32 $0xC00;
	s14 =	simm.s32 $0x480;
	s11 =	simm.s32 $0xD80  }
0x5: {  	s29 =	simm.s32 $0x680;
	s30 =	simm.s32 $0xE80;
	s4 =	smul.u32 $0x90, s9  }
0x6: {  	s1 =	sand.u32 $0x1, s1;
	s5 =	sshll.u32 s9, $0x4;
	s6 =	smul.u32 $0x280, s9  }
0x7: {  	[smem:$0x7FF] =	sst s3;
	s9 =	smul.u32 $0x50000, s9;
	s10 =	sadd.s32 $0x4B800, s0  }
0x8: {  	p0 =	seq.s32 s1, $0x0;
	s5 =	sor.u32 $0x900, s5;
	_ =	strace $0x8000004D  }
0x9: {  	s7 =	smul.u32 $0x2800, s1;
	s8 =	ssub.s32 $0x2, s1;
	[dreg:$0x3] =	wrdreg s10  }
0xa: {  	s10 =	simm.s32 $0x580;
	s5 =	smov.u32 @p0 s4;
	s4 =	sadd.s32 $0xF800, s0  }
0xb: {  	s18 =	sshrl.u32 s8, $0x1;
	s19 =	sshrl.u32 s9, $0x2;
	p0 =	sne.s32 s1, $0x0  }
0xc: {  	s6 =	sadd.s32 s6, s7;
	s7 =	ssub.s32 s8, s18;
	s8 =	sadd.s32 s19, s2  }
0xd: {  	s1 =	simm.s32 $0xF00;
	s20 =	smax.u32 s7, $0x1;
	[dreg:$0x4] =	wrdreg s8  }
0xe: {  	s5 =	sshll.u32 s5, $0x4;
	s7 =	sadd.s32 $0x4000, s8;
	[dreg:$0x5] =	wrdreg s20  }
0xf: {  	s19 =	simm.s32 $0x1000;
	s9 =	sadd.s32 $0x8000, s8;
	[dreg:$0x6] =	wrdreg s7  }
0x10: {  	s18 =	simm.s32 $0xC80;
	s17 =	sadd.s32 $0xC000, s8;
	[dreg:$0x7] =	wrdreg s9  }
0x11: {  	s5 =	sadd.s32 s5, s0;
	s16 =	sadd.s32 $0x10000, s8;
	[dreg:$0x8] =	wrdreg s17  }
0x12: {  	s6 =	sshll.u32 s6, $0x4;
	s25 =	sadd.s32 $0x5600, s5;
	[dreg:$0x9] =	wrdreg s16  }
0x13: {  	s0 =	sadd.s32 s6, s0;
	s26 =	sadd.s32 $0x41800, s5;
	[dreg:$0xf] =	wrdreg s25  }
0x14: {  	s20 =	simm.s32 $0x5;
	s21 =	sadd.s32 $0x4C000, s0;
	[dreg:$0x10] =	wrdreg s26  }
0x15: {  	s6 =	simm.s32 $0x600;
	s22 =	sadd.s32 $0x4C800, s0;
	[dreg:$0xa] =	wrdreg s21  }
0x16: {  	s5 =	simm.s32 $0x780;
	s23 =	sadd.s32 $0x4D000, s0;
	[dreg:$0xb] =	wrdreg s22  }
0x17: {  	s24 =	sadd.s32 $0x4D800, s0;
	s0 =	sadd.s32 $0x4E000, s0;
	[dreg:$0xc] =	wrdreg s23  }
0x18: {  	s25 =	simm.s32 $0x2;
	s26 =	simm.s32 $0xE00;
	[dreg:$0xd] =	wrdreg s24  }
0x19: {  	[dreg:$0xe] =	wrdreg s0;
	s21 =	simm.s32 $0x800;
	s22 =	simm.s32 $0x80  }
0x1a: {  	s23 =	simm.s32 $0x1;
	s24 =	simm.s32 $0x5000;
	s0 =	simm.s32 $0x0  }
.LBB2_1:
0x1b: {  	[dreg:$0x11] =	wrdreg s0  }
0x1c: {  	s15 =	rddreg [dreg:$0x3]  }
0x1d: {  	[tilespmem:s19], [sflag:$0x5] =	stream.linear.gather [hbm4b:s15+s3], $0x4000, $0x38;
	[tilespmem:$0x1D000] =	vst v63  }
0x1e: {  	_ =	swait.ge [sflag:s20], $0x4000  }
0x1f: {  	[sflag:s20] =	ssyncset.done $0x0  }
0x20: {  	[sflag:s20] =	ssyncadd.s32 $0xFFFFC000  }
0x21: {  	[spmem:s8] =	stream.linear.scatter [tilespmem:s19], [sflag:$0x5], $0x4000, $0x38;
	[tilespmem:$0x1D000] =	vst v63  }
0x22: {  	_ =	swait.ge [sflag:s20], $0x4000  }
0x23: {  	[sflag:s20] =	ssyncset.done $0x0  }
0x24: {  	[sflag:s20] =	ssyncadd.s32 $0xFFFFC000  }
0x25: {  	[spmem:s7] =	stream.linear.scatter [tilespmem:s19], [sflag:$0x5], $0x4000, $0x38;
	[tilespmem:$0x1D000] =	vst v63  }
0x26: {  	_ =	swait.ge [sflag:s20], $0x4000  }
0x27: {  	[sflag:s20] =	ssyncset.done $0x0  }
0x28: {  	[sflag:s20] =	ssyncadd.s32 $0xFFFFC000  }
0x29: {  	[spmem:s9] =	stream.linear.scatter [tilespmem:s19], [sflag:$0x5], $0x4000, $0x38;
	[tilespmem:$0x1D000] =	vst v63  }
0x2a: {  	_ =	swait.ge [sflag:s20], $0x4000  }
0x2b: {  	[sflag:s20] =	ssyncset.done $0x0  }
0x2c: {  	[sflag:s20] =	ssyncadd.s32 $0xFFFFC000  }
0x2d: {  	[spmem:s17] =	stream.linear.scatter [tilespmem:s19], [sflag:$0x5], $0x4000, $0x38;
	[tilespmem:$0x1D000] =	vst v63  }
0x2e: {  	_ =	swait.ge [sflag:s20], $0x4000  }
0x2f: {  	[sflag:s20] =	ssyncset.done $0x0  }
0x30: {  	[sflag:s20] =	ssyncadd.s32 $0xFFFFC000  }
0x31: {  	[spmem:s16] =	stream.linear.scatter [tilespmem:s19], [sflag:$0x5], $0x4000, $0x38;
	[tilespmem:$0x1D000] =	vst v63  }
0x32: {  	_ =	swait.ge [sflag:s20], $0x4000  }
0x33: {  	[sflag:s20] =	ssyncset.done $0x0  }
0x34: {  	[sflag:s20] =	ssyncadd.s32 $0xFFFFC000  }
0x35: {  	s0 =	simm.s32 $0x700;
	[bflag:$0x0] =	sbarrier.arrive $0xFFFF  }
0x36: {  	s8 =	simm.s32 $0x500;
	s7 =	simm.s32 $0xF80;
	s15 =	rddreg [dreg:$0x10]  }
0x37: {  	s9 =	simm.s32 $0xD00;
	s17 =	simm.s32 $0x0;
	s16 =	rddreg [dreg:$0xf]  }
.LBB2_2:
0x38: {  	[tilespmem:s3], [sflag:$0x5] =	stream.linear.gather [hbm4b:s15+s3], $0x800, $0x38;
	[tilespmem:$0x1D000] =	vst v63  }
0x39: {  	_ =	swait.ge [sflag:s20], $0x800  }
0x3a: {  	[sflag:s20] =	ssyncset.done $0x0  }
0x3b: {  	[sflag:s20] =	ssyncadd.s32 $0xFFFFF800  }
0x3c: {  	[tilespmem:s21], [sflag:$0x5] =	stream.linear.gather [hbm4b:s16+s3], $0x800, $0x38;
	[tilespmem:$0x1D000] =	vst v63  }
0x3d: {  	_ =	swait.ge [sflag:s20], $0x800  }
0x3e: {  	[sflag:s20] =	ssyncset.done $0x0  }
0x3f: {  	[sflag:s20] =	ssyncadd.s32 $0xFFFFF800  }
0x40: {  	[tilespmem:s19], [sflag:$0x1] =	stream.indirect.gather [hbm4b:s4+s22], $0x80, s3, s22, $0xb8;
	[tilespmem:$0x1D000] =	vst v63  }
0x41: {  	_ =	swait.ge [sflag:s23], $0x4000  }
0x42: {  	[sflag:s23] =	ssyncset.done $0x0  }
0x43: {  	[sflag:s23] =	ssyncadd.s32 $0xFFFFC000  }
0x44: {  	[spmem:s2] =	stream.indirect.scatter.add.f32 [tilespmem:s19], [sflag:$0x3], $0x80, s21, s22, $0xb8;
	[tilespmem:$0x1D000] =	vst v63  }
0x45: {  	_ = 	snop  }
0x46: {  	[tilespmem:s24], [sflag:$0x2] =	stream.indirect.gather [hbm4b:s4+s22], $0x80, s22, s22, $0xb8;
	[tilespmem:$0x1D000] =	vst v63  }
0x47: {  	_ =	swait.ge [sflag:s25], $0x4000  }
0x48: {  	[sflag:s25] =	ssyncset.done $0x0  }
0x49: {  	s12 =	simm.s32 $0x880;
	[sflag:s25] =	ssyncadd.s32 $0xFFFFC000  }
0x4a: {  	[spmem:s2] =	stream.indirect.scatter.add.f32 [tilespmem:s24], [sflag:$0x4], $0x80, s12, s22, $0xb8;
	[tilespmem:$0x1D000] =	vst v63  }
0x4b: {  	_ =	swait.ge [sflag:s28], $0x4000  }
0x4c: {  	[sflag:s28] =	ssyncset.done $0x0  }
0x4d: {  	s12 =	simm.s32 $0x100;
	[sflag:s28] =	ssyncadd.s32 $0xFFFFC000  }
0x4e: {  	[tilespmem:s19], [sflag:$0x1] =	stream.indirect.gather [hbm4b:s4+s22], $0x80, s12, s22, $0xb8;
	[tilespmem:$0x1D000] =	vst v63  }
0x4f: {  	_ =	swait.ge [sflag:s23], $0x4000  }
0x50: {  	[sflag:s23] =	ssyncset.done $0x0  }
0x51: {  	s12 =	simm.s32 $0x900;
	[sflag:s23] =	ssyncadd.s32 $0xFFFFC000  }
0x52: {  	[spmem:s2] =	stream.indirect.scatter.add.f32 [tilespmem:s19], [sflag:$0x3], $0x80, s12, s22, $0xb8;
	[tilespmem:$0x1D000] =	vst v63  }
0x53: {  	_ =	swait.ge [sflag:s31], $0x4000  }
0x54: {  	[sflag:s31] =	ssyncset.done $0x0  }
0x55: {  	s12 =	simm.s32 $0x180;
	[sflag:s31] =	ssyncadd.s32 $0xFFFFC000  }
0x56: {  	[tilespmem:s24], [sflag:$0x2] =	stream.indirect.gather [hbm4b:s4+s22], $0x80, s12, s22, $0xb8;
	[tilespmem:$0x1D000] =	vst v63  }
0x57: {  	_ =	swait.ge [sflag:s25], $0x4000  }
0x58: {  	[sflag:s25] =	ssyncset.done $0x0  }
0x59: {  	s12 =	simm.s32 $0x980;
	[sflag:s25] =	ssyncadd.s32 $0xFFFFC000  }
0x5a: {  	[spmem:s2] =	stream.indirect.scatter.add.f32 [tilespmem:s24], [sflag:$0x4], $0x80, s12, s22, $0xb8;
	[tilespmem:$0x1D000] =	vst v63  }
0x5b: {  	_ =	swait.ge [sflag:s28], $0x4000  }
0x5c: {  	[sflag:s28] =	ssyncset.done $0x0  }
0x5d: {  	s12 =	simm.s32 $0x200;
	[sflag:s28] =	ssyncadd.s32 $0xFFFFC000  }
0x5e: {  	[tilespmem:s19], [sflag:$0x1] =	stream.indirect.gather [hbm4b:s4+s22], $0x80, s12, s22, $0xb8;
	[tilespmem:$0x1D000] =	vst v63  }
0x5f: {  	_ =	swait.ge [sflag:s23], $0x4000  }
0x60: {  	[sflag:s23] =	ssyncset.done $0x0  }
0x61: {  	s12 =	simm.s32 $0xA00;
	[sflag:s23] =	ssyncadd.s32 $0xFFFFC000  }
0x62: {  	[spmem:s2] =	stream.indirect.scatter.add.f32 [tilespmem:s19], [sflag:$0x3], $0x80, s12, s22, $0xb8;
	[tilespmem:$0x1D000] =	vst v63  }
0x63: {  	_ =	swait.ge [sflag:s31], $0x4000  }
0x64: {  	[sflag:s31] =	ssyncset.done $0x0  }
0x65: {  	s12 =	simm.s32 $0x280;
	[sflag:s31] =	ssyncadd.s32 $0xFFFFC000  }
0x66: {  	[tilespmem:s24], [sflag:$0x2] =	stream.indirect.gather [hbm4b:s4+s22], $0x80, s12, s22, $0xb8;
	[tilespmem:$0x1D000] =	vst v63  }
0x67: {  	_ =	swait.ge [sflag:s25], $0x4000  }
0x68: {  	[sflag:s25] =	ssyncset.done $0x0  }
0x69: {  	s12 =	simm.s32 $0xA80;
	[sflag:s25] =	ssyncadd.s32 $0xFFFFC000  }
0x6a: {  	[spmem:s2] =	stream.indirect.scatter.add.f32 [tilespmem:s24], [sflag:$0x4], $0x80, s12, s22, $0xb8;
	[tilespmem:$0x1D000] =	vst v63  }
0x6b: {  	_ =	swait.ge [sflag:s28], $0x4000  }
0x6c: {  	[sflag:s28] =	ssyncset.done $0x0  }
0x6d: {  	s12 =	simm.s32 $0x300;
	[sflag:s28] =	ssyncadd.s32 $0xFFFFC000  }
0x6e: {  	[tilespmem:s19], [sflag:$0x1] =	stream.indirect.gather [hbm4b:s4+s22], $0x80, s12, s22, $0xb8;
	[tilespmem:$0x1D000] =	vst v63  }
0x6f: {  	_ =	swait.ge [sflag:s23], $0x4000  }
0x70: {  	[sflag:s23] =	ssyncset.done $0x0  }
0x71: {  	s12 =	simm.s32 $0xB00;
	[sflag:s23] =	ssyncadd.s32 $0xFFFFC000  }
0x72: {  	[spmem:s2] =	stream.indirect.scatter.add.f32 [tilespmem:s19], [sflag:$0x3], $0x80, s12, s22, $0xb8;
	[tilespmem:$0x1D000] =	vst v63  }
0x73: {  	_ =	swait.ge [sflag:s31], $0x4000  }
0x74: {  	[sflag:s31] =	ssyncset.done $0x0  }
0x75: {  	s12 =	simm.s32 $0x380;
	[sflag:s31] =	ssyncadd.s32 $0xFFFFC000  }
0x76: {  	[tilespmem:s24], [sflag:$0x2] =	stream.indirect.gather [hbm4b:s4+s22], $0x80, s12, s22, $0xb8;
	[tilespmem:$0x1D000] =	vst v63  }
0x77: {  	_ =	swait.ge [sflag:s25], $0x4000  }
0x78: {  	[sflag:s25] =	ssyncset.done $0x0  }
0x79: {  	s12 =	simm.s32 $0xB80;
	[sflag:s25] =	ssyncadd.s32 $0xFFFFC000  }
0x7a: {  	[spmem:s2] =	stream.indirect.scatter.add.f32 [tilespmem:s24], [sflag:$0x4], $0x80, s12, s22, $0xb8;
	[tilespmem:$0x1D000] =	vst v63  }
0x7b: {  	_ =	swait.ge [sflag:s28], $0x4000  }
0x7c: {  	[sflag:s28] =	ssyncset.done $0x0  }
0x7d: {  	s12 =	simm.s32 $0x400;
	[sflag:s28] =	ssyncadd.s32 $0xFFFFC000  }
0x7e: {  	[tilespmem:s19], [sflag:$0x1] =	stream.indirect.gather [hbm4b:s4+s22], $0x80, s12, s22, $0xb8;
	[tilespmem:$0x1D000] =	vst v63  }
0x7f: {  	_ =	swait.ge [sflag:s23], $0x4000  }
0x80: {  	[sflag:s23] =	ssyncset.done $0x0  }
0x81: {  	[sflag:s23] =	ssyncadd.s32 $0xFFFFC000  }
0x82: {  	[spmem:s2] =	stream.indirect.scatter.add.f32 [tilespmem:s19], [sflag:$0x3], $0x80, s13, s22, $0xb8;
	[tilespmem:$0x1D000] =	vst v63  }
0x83: {  	_ =	swait.ge [sflag:s31], $0x4000  }
0x84: {  	[sflag:s31] =	ssyncset.done $0x0  }
0x85: {  	[sflag:s31] =	ssyncadd.s32 $0xFFFFC000  }
0x86: {  	[tilespmem:s24], [sflag:$0x2] =	stream.indirect.gather [hbm4b:s4+s22], $0x80, s14, s22, $0xb8;
	[tilespmem:$0x1D000] =	vst v63  }
0x87: {  	_ =	swait.ge [sflag:s25], $0x4000  }
0x88: {  	[sflag:s25] =	ssyncset.done $0x0  }
0x89: {  	[sflag:s25] =	ssyncadd.s32 $0xFFFFC000  }
0x8a: {  	[spmem:s2] =	stream.indirect.scatter.add.f32 [tilespmem:s24], [sflag:$0x4], $0x80, s18, s22, $0xb8;
	[tilespmem:$0x1D000] =	vst v63  }
0x8b: {  	_ =	swait.ge [sflag:s28], $0x4000  }
0x8c: {  	[sflag:s28] =	ssyncset.done $0x0  }
0x8d: {  	[sflag:s28] =	ssyncadd.s32 $0xFFFFC000  }
0x8e: {  	[tilespmem:s19], [sflag:$0x1] =	stream.indirect.gather [hbm4b:s4+s22], $0x80, s8, s22, $0xb8;
	[tilespmem:$0x1D000] =	vst v63  }
0x8f: {  	_ =	swait.ge [sflag:s23], $0x4000  }
0x90: {  	[sflag:s23] =	ssyncset.done $0x0  }
0x91: {  	[sflag:s23] =	ssyncadd.s32 $0xFFFFC000  }
0x92: {  	[spmem:s2] =	stream.indirect.scatter.add.f32 [tilespmem:s19], [sflag:$0x3], $0x80, s9, s22, $0xb8;
	[tilespmem:$0x1D000] =	vst v63  }
0x93: {  	_ =	swait.ge [sflag:s31], $0x4000  }
0x94: {  	[sflag:s31] =	ssyncset.done $0x0  }
0x95: {  	[sflag:s31] =	ssyncadd.s32 $0xFFFFC000  }
0x96: {  	[tilespmem:s24], [sflag:$0x2] =	stream.indirect.gather [hbm4b:s4+s22], $0x80, s10, s22, $0xb8;
	[tilespmem:$0x1D000] =	vst v63  }
0x97: {  	_ =	swait.ge [sflag:s25], $0x4000  }
0x98: {  	[sflag:s25] =	ssyncset.done $0x0  }
0x99: {  	[sflag:s25] =	ssyncadd.s32 $0xFFFFC000  }
0x9a: {  	[spmem:s2] =	stream.indirect.scatter.add.f32 [tilespmem:s24], [sflag:$0x4], $0x80, s11, s22, $0xb8;
	[tilespmem:$0x1D000] =	vst v63  }
0x9b: {  	_ =	swait.ge [sflag:s28], $0x4000  }
0x9c: {  	[sflag:s28] =	ssyncset.done $0x0  }
0x9d: {  	[sflag:s28] =	ssyncadd.s32 $0xFFFFC000  }
0x9e: {  	[tilespmem:s19], [sflag:$0x1] =	stream.indirect.gather [hbm4b:s4+s22], $0x80, s6, s22, $0xb8;
	[tilespmem:$0x1D000] =	vst v63  }
0x9f: {  	_ =	swait.ge [sflag:s23], $0x4000  }
0xa0: {  	[sflag:s23] =	ssyncset.done $0x0  }
0xa1: {  	[sflag:s23] =	ssyncadd.s32 $0xFFFFC000  }
0xa2: {  	[spmem:s2] =	stream.indirect.scatter.add.f32 [tilespmem:s19], [sflag:$0x3], $0x80, s26, s22, $0xb8;
	[tilespmem:$0x1D000] =	vst v63  }
0xa3: {  	_ =	swait.ge [sflag:s31], $0x4000  }
0xa4: {  	[sflag:s31] =	ssyncset.done $0x0  }
0xa5: {  	[sflag:s31] =	ssyncadd.s32 $0xFFFFC000  }
0xa6: {  	[tilespmem:s24], [sflag:$0x2] =	stream.indirect.gather [hbm4b:s4+s22], $0x80, s29, s22, $0xb8;
	[tilespmem:$0x1D000] =	vst v63  }
0xa7: {  	_ =	swait.ge [sflag:s25], $0x4000  }
0xa8: {  	[sflag:s25] =	ssyncset.done $0x0  }
0xa9: {  	[sflag:s25] =	ssyncadd.s32 $0xFFFFC000  }
0xaa: {  	[spmem:s2] =	stream.indirect.scatter.add.f32 [tilespmem:s24], [sflag:$0x4], $0x80, s30, s22, $0xb8;
	[tilespmem:$0x1D000] =	vst v63  }
0xab: {  	_ =	swait.ge [sflag:s28], $0x4000  }
0xac: {  	[sflag:s28] =	ssyncset.done $0x0  }
0xad: {  	[sflag:s28] =	ssyncadd.s32 $0xFFFFC000  }
0xae: {  	[tilespmem:s19], [sflag:$0x1] =	stream.indirect.gather [hbm4b:s4+s22], $0x80, s0, s22, $0xb8;
	[tilespmem:$0x1D000] =	vst v63  }
0xaf: {  	_ =	swait.ge [sflag:s23], $0x4000  }
0xb0: {  	[sflag:s23] =	ssyncset.done $0x0  }
0xb1: {  	[sflag:s23] =	ssyncadd.s32 $0xFFFFC000  }
0xb2: {  	[spmem:s2] =	stream.indirect.scatter.add.f32 [tilespmem:s19], [sflag:$0x3], $0x80, s1, s22, $0xb8;
	[tilespmem:$0x1D000] =	vst v63  }
0xb3: {  	_ =	swait.ge [sflag:s31], $0x4000  }
0xb4: {  	[sflag:s31] =	ssyncset.done $0x0  }
0xb5: {  	[sflag:s31] =	ssyncadd.s32 $0xFFFFC000  }
0xb6: {  	[tilespmem:s24], [sflag:$0x2] =	stream.indirect.gather [hbm4b:s4+s22], $0x80, s5, s22, $0xb8;
	[tilespmem:$0x1D000] =	vst v63  }
0xb7: {  	_ =	swait.ge [sflag:s25], $0x4000  }
0xb8: {  	[sflag:s25] =	ssyncset.done $0x0  }
0xb9: {  	p1 =	slt.u32 @!p0 s17, $0x8;
	[sflag:s25] =	ssyncadd.s32 $0xFFFFC000  }
0xba: {  	[spmem:s2] =	stream.indirect.scatter.add.f32 [tilespmem:s24], [sflag:$0x4], $0x80, s7, s22, $0xb8;
	[tilespmem:$0x1D000] =	vst v63  }
0xbb: {  	p1 =	por p0, !p1;
	_ =	swait.ge [sflag:s28], $0x4000  }
.Ltmp0:
0xbc: {  	[sflag:s28] =	ssyncset.done $0x0;
	(pc) =	sbr.rel @!p1 .LBB2_2-.Ltmp0, $4  }
0xbd: {  	[sflag:s28] =	ssyncadd.s32 $0xFFFFC000  }
0xbe: {  	_ =	swait.ge [sflag:s31], $0x4000  }
0xbf: {  	s17 =	sadd.s32 $0x1, s17;
	[sflag:s31] =	ssyncset.done $0x0  }
0xc0: {  	s15 =	sadd.s32 $0x100, s15;
	s16 =	sadd.s32 $0x100, s16;
	[sflag:s31] =	ssyncadd.s32 $0xFFFFC000  }
0xc1: {  	[bflag:$0x0] =	sbarrier.arrive $0xFFFF  }
0xc2: {  	s8 =	rddreg [dreg:$0x4]  }
0xc3: {  	[tilespmem:s19], [sflag:$0x5] =	stream.linear.gather [spmem:s8], $0x4000, $0x38;
	[tilespmem:$0x1D000] =	vst v63  }
0xc4: {  	_ =	swait.ge [sflag:s20], $0x4000  }
0xc5: {  	[sflag:s20] =	ssyncset.done $0x0  }
0xc6: {  	s15 =	rddreg [dreg:$0xa];
	[sflag:s20] =	ssyncadd.s32 $0xFFFFC000  }
0xc7: {  	[hbm4b:s15+s3] =	stream.linear.scatter [tilespmem:s19], [sflag:$0x5], $0x4000, $0x38;
	[tilespmem:$0x1D000] =	vst v63  }
0xc8: {  	_ =	swait.ge [sflag:s20], $0x4000  }
0xc9: {  	[sflag:s20] =	ssyncset.done $0x0  }
0xca: {  	s7 =	rddreg [dreg:$0x6];
	[sflag:s20] =	ssyncadd.s32 $0xFFFFC000  }
0xcb: {  	[tilespmem:s19], [sflag:$0x5] =	stream.linear.gather [spmem:s7], $0x4000, $0x38;
	[tilespmem:$0x1D000] =	vst v63  }
0xcc: {  	_ =	swait.ge [sflag:s20], $0x4000  }
0xcd: {  	[sflag:s20] =	ssyncset.done $0x0  }
0xce: {  	s9 =	rddreg [dreg:$0xb];
	[sflag:s20] =	ssyncadd.s32 $0xFFFFC000  }
0xcf: {  	[hbm4b:s9+s3] =	stream.linear.scatter [tilespmem:s19], [sflag:$0x5], $0x4000, $0x38;
	[tilespmem:$0x1D000] =	vst v63  }
0xd0: {  	_ =	swait.ge [sflag:s20], $0x4000  }
0xd1: {  	[sflag:s20] =	ssyncset.done $0x0  }
0xd2: {  	s9 =	rddreg [dreg:$0x7];
	[sflag:s20] =	ssyncadd.s32 $0xFFFFC000  }
0xd3: {  	[tilespmem:s19], [sflag:$0x5] =	stream.linear.gather [spmem:s9], $0x4000, $0x38;
	[tilespmem:$0x1D000] =	vst v63  }
0xd4: {  	_ =	swait.ge [sflag:s20], $0x4000  }
0xd5: {  	[sflag:s20] =	ssyncset.done $0x0  }
0xd6: {  	s12 =	rddreg [dreg:$0xc];
	[sflag:s20] =	ssyncadd.s32 $0xFFFFC000  }
0xd7: {  	[hbm4b:s12+s3] =	stream.linear.scatter [tilespmem:s19], [sflag:$0x5], $0x4000, $0x38;
	[tilespmem:$0x1D000] =	vst v63  }
0xd8: {  	_ =	swait.ge [sflag:s20], $0x4000  }
0xd9: {  	[sflag:s20] =	ssyncset.done $0x0  }
0xda: {  	s17 =	rddreg [dreg:$0x8];
	[sflag:s20] =	ssyncadd.s32 $0xFFFFC000  }
0xdb: {  	[tilespmem:s19], [sflag:$0x5] =	stream.linear.gather [spmem:s17], $0x4000, $0x38;
	[tilespmem:$0x1D000] =	vst v63  }
0xdc: {  	_ =	swait.ge [sflag:s20], $0x4000  }
0xdd: {  	[sflag:s20] =	ssyncset.done $0x0  }
0xde: {  	s16 =	rddreg [dreg:$0xd];
	[sflag:s20] =	ssyncadd.s32 $0xFFFFC000  }
0xdf: {  	[hbm4b:s16+s3] =	stream.linear.scatter [tilespmem:s19], [sflag:$0x5], $0x4000, $0x38;
	[tilespmem:$0x1D000] =	vst v63  }
0xe0: {  	_ =	swait.ge [sflag:s20], $0x4000  }
0xe1: {  	[sflag:s20] =	ssyncset.done $0x0  }
0xe2: {  	s16 =	rddreg [dreg:$0x9];
	[sflag:s20] =	ssyncadd.s32 $0xFFFFC000  }
0xe3: {  	[tilespmem:s19], [sflag:$0x5] =	stream.linear.gather [spmem:s16], $0x4000, $0x38;
	[tilespmem:$0x1D000] =	vst v63  }
0xe4: {  	_ =	swait.ge [sflag:s20], $0x4000  }
0xe5: {  	[sflag:s20] =	ssyncset.done $0x0  }
0xe6: {  	s0 =	rddreg [dreg:$0xe];
	[sflag:s20] =	ssyncadd.s32 $0xFFFFC000  }
0xe7: {  	[hbm4b:s0+s3] =	stream.linear.scatter [tilespmem:s19], [sflag:$0x5], $0x4000, $0x38;
	[tilespmem:$0x1D000] =	vst v63  }
0xe8: {  	_ =	swait.ge [sflag:s20], $0x4000  }
0xe9: {  	s0 =	rddreg [dreg:$0x11]  }
0xea: {  	s12 =	rddreg [dreg:$0x5];
	s0 =	sadd.s32 $0x1, s0  }
0xeb: {  	p1 =	sne.s32 s0, s12  }
.Ltmp1:
0xec: {  	_ = 	snop;
	(pc) =	sbr.rel @p1 .LBB2_1-.Ltmp1, $3  }
0xed: {  	_ =	sdelay $0x1  }
0xee: {  	[sflag:s20] =	ssyncset.done $0x0  }
0xef: {  	[sflag:s20] =	ssyncadd.s32 $0xFFFFC000  }
0xf0: {  	_ =	sfence.sel $0x180000  }
0xf1: {  	[bflag:$0x0] =	sbarrier.arrive $0xFFFF  }
0xf2: {  	_ =	strace $0x9000004D  }
0xf3: {  	s0 =	stileid.u32;
	[bflag:$0x2] =	sbarrier.arrive $0xFFFF  }
0xf4: {  	p0 =	sne.s32 s0, $0x0;
	s0 =	rddreg [dreg:$0x2]  }
0xf5: {  	s0 =	sadd.s32 @!p0 $0x100000, s0  }
0xf6: {  	[sflag:s0] =	ssyncadd.tile.s32 @!p0 $0x1;
	_ =	shalt  }
.Lfunc_end2:
_tile_overlayer_lowered:
.L_overlay_start_2:
0xf7: {  	(tag) =	ssettag $0x2  }
0xf8: {  	s0 =	rddreg [dreg:$0x0];
	s2 =	stileid.u32  }
0xf9: {  	s1 =	rddreg [dreg:$0x1];
	p0 =	sne.s32 s2, $0x0  }
0xfa: {  	s3 =	rddreg [dreg:$0x2];
	[bflag:$0x3] =	sbarrier.arrive $0xFFFF;
	s2 =	simm.s32 @!p0 $0x1C05  }
0xfb: {  	[timem:s3], [sflag:s2] =	dma.local @!p0 [hbm:s0], s1  }
0xfc: {  	s0 =	simm.s32 @!p0 $0x5  }
0xfd: {  	_ =	swait.ge @!p0 [sflag:s0], s1  }
0xfe: {  	s1 =	ssub.s32 @!p0 $0x0, s1;
	[sflag:s0] =	ssyncset.done @!p0 $0x0  }
0xff: {  	[sflag:s0] =	ssyncadd.s32 @!p0 s1  }
0x100: {  	[bflag:$0x3] =	sbarrier.arrive $0xFFFF  }
0x101: {  	_ =	shalt  }

// kernel: sc_cnt.3.cloned.1.call-start
scs
__scs_entry_jumppad:
0x0: {  	(pc) =	sbr.rel $0x88, $3  }
0x1: {  	(tag) =	ssettag $0x0;
	lr =	simm.s32 $0x1  }
0x2: {  	[smem:$0x3F93] =	sst lr;
	_ =	strace $0xD0000000  }
0x3: {  	_ = 	snop  }
0x4: {  	_ = 	snop  }
0x5: {  	_ = 	snop  }
0x6: {  	_ = 	snop  }
0x7: {  	_ = 	snop  }
__scs_overlays_trampoline_lowered:
0x8: {  	[smem:$0x3FA2] =	sst s0  }
0x9: {  	[smem:$0x3FA3] =	sst s1  }
0xa: {  	[smem:$0x3FA4] =	sst s2  }
0xb: {  	[smem:$0x3FA5] =	sst s3  }
0xc: {  	[smem:$0x3FA6] =	sst s4  }
0xd: {  	[smem:$0x3FA7] =	sst s5  }
0xe: {  	[smem:$0x3FA8] =	sst s6  }
0xf: {  	[smem:$0x3FA9] =	sst s7  }
0x10: {  	[smem:$0x3FAA] =	sst s8  }
0x11: {  	[smem:$0x3FAB] =	sst s9;
	s0 =	simm.s32 @!p0 $0x0  }
0x12: {  	s1 =	sld [smem:$0x3F91];
	s0 =	simm.s32 @p0 $0x1  }
0x13: {  	[smem:$0x3FAC] =	sst s0;
	s0 =	simm.s32 @!p1 $0x0  }
0x14: {  	s2 =	sld [smem:$0x3F90];
	s0 =	simm.s32 @p1 $0x1  }
0x15: {  	[smem:$0x3FAD] =	sst s0;
	s0 =	simm.s32 @!p2 $0x0  }
0x16: {  	s3 =	sld [smem:$0x3FDB];
	s0 =	simm.s32 @p2 $0x1  }
0x17: {  	s4 =	simm.s32 $0x1BF5;
	[smem:$0x3FAF] =	sst s0  }
0x18: {  	s0 =	sld [smem:$0x3F92];
	_ =	swait.ge [sflag:s4], $0x0  }
0x19: {  	s7 =	sld [smem:$0x3F93]  }
0x1a: {  	s8 =	sadd.s32 $0xFFFFE003, lr  }
0x1b: {  	s9 =	sadd.s32 $0xFFFFFEF7, lr;
	s5 =	simm.s32 $0xFFFFFFFF;
	p2 =	slt.u32 s8, $0xFFFFF086  }
0x1c: {  	p1 =	slt.u32 s9, $0xF7A;
	s5 =	simm.s32 @!p2 $0x0  }
0x1d: {  	s5 =	simm.s32 @p1 $0x1;
	p0 =	seq.s32 s7, s2  }
0x1e: {  	s7 =	smul.u32 @!p0 $0xF7A, s2;
	p2 =	seq.s32 @!p0 s5, $0x0  }
0x1f: {  	s9 =	smul.u32 $0xF7A, s1;
	s8 =	simm.s32 @!p0 $0x1BF5;
	p2 =	por !p2, p0  }
0x20: {  	[sflag:s8] =	ssyncset.s32 @!p0 $0xFFFFF086;
	s6 =	sadd.s32 @!p0 s3, s7;
	s7 =	simm.s32 @!p0 $0x108  }
0x21: {  	s3 =	sadd.s32 s3, s9;
	s6 =	sadd.s32 @!p0 $0x88, s6;
	s7 =	simm.s32 @p2 $0x1082  }
0x22: {  	[simem:s7], [sflag:s8] =	dma.local @!p0 [hbm:s6], $0xF7A  }
0x23: {  	s9 =	sor.u32 $0xD0000000, s2;
	s6 =	simm.s32 $0x108;
	_ =	swait.ge @!p0 [sflag:s8], $0x0  }
0x24: {  	s3 =	sadd.s32 $0x88, s3;
	s6 =	simm.s32 @!p1 $0x1082;
	[sflag:s4] =	ssyncset.s32 $0xFFFFF086  }
0x25: {  	[simem:s6], [sflag:s4] =	dma.local [hbm:s3], $0xF7A  }
0x26: {  	[smem:$0x3F93] =	sst s1;
	(tag) =	ssettag s2;
	_ =	strace s9  }
0x27: {  	s1 =	sld [smem:$0x3FA3]  }
0x28: {  	s2 =	sld [smem:$0x3FA4]  }
0x29: {  	s4 =	sld [smem:$0x3FA6]  }
0x2a: {  	p0 =	seq.s32 s5, $0x0;
	s5 =	sld [smem:$0x3FA7]  }
0x2b: {  	s6 =	sld [smem:$0x3FA8]  }
0x2c: {  	s7 =	sld [smem:$0x3FA9]  }
0x2d: {  	s3 =	simm.s32 $0x108;
	s8 =	sld [smem:$0x3FAA]  }
0x2e: {  	s3 =	simm.s32 @!p0 $0x1082;
	s9 =	sld [smem:$0x3FAB]  }
0x2f: {  	lr =	sadd.s32 s0, s3;
	s0 =	sld [smem:$0x3FA2]  }
0x30: {  	s3 =	sld [smem:$0x3FA5]  }
0x31: {  	[smem:$0x3FAE] =	sst s10  }
0x32: {  	s10 =	sld [smem:$0x3FAC];
	_ =	sdelay $0x3  }
0x33: {  	p0 =	seq.s32 s10, $0x1;
	s10 =	sld [smem:$0x3FAE];
	_ =	sdelay $0x3  }
0x34: {  	[smem:$0x3FAE] =	sst s10  }
0x35: {  	s10 =	sld [smem:$0x3FAD];
	_ =	sdelay $0x3  }
0x36: {  	p1 =	seq.s32 s10, $0x1;
	s10 =	sld [smem:$0x3FAE];
	_ =	sdelay $0x3  }
0x37: {  	[smem:$0x3FAE] =	sst s10  }
0x38: {  	s10 =	sld [smem:$0x3FAF]  }
0x39: {  	_ = 	snop;
	(pc) =	sbr.ind lr, $3  }
0x3a: {  	_ = 	snop  }
0x3b: {  	_ = 	snop  }
0x3c: {  	p2 =	seq.s32 s10, $0x1;
	s10 =	sld [smem:$0x3FAE]  }
0x3d: {  	_ =	shalt  }
0x3e: {  	_ =	shalt  }
0x3f: {  	_ =	shalt  }
0x40: {  	_ =	shalt  }
0x41: {  	_ =	shalt  }
0x42: {  	_ =	shalt  }
0x43: {  	_ =	shalt  }
0x44: {  	_ =	shalt  }
0x45: {  	_ =	shalt  }
0x46: {  	_ =	shalt  }
0x47: {  	_ =	shalt  }
0x48: {  	_ =	shalt  }
0x49: {  	_ =	shalt  }
0x4a: {  	_ =	shalt  }
0x4b: {  	_ =	shalt  }
0x4c: {  	_ =	shalt  }
0x4d: {  	_ =	shalt  }
0x4e: {  	_ =	shalt  }
0x4f: {  	_ =	shalt  }
0x50: {  	_ =	shalt  }
0x51: {  	_ =	shalt  }
0x52: {  	_ =	shalt  }
0x53: {  	_ =	shalt  }
0x54: {  	_ =	shalt  }
0x55: {  	_ =	shalt  }
0x56: {  	_ =	shalt  }
0x57: {  	_ =	shalt  }
0x58: {  	_ =	shalt  }
0x59: {  	_ =	shalt  }
0x5a: {  	_ =	shalt  }
0x5b: {  	_ =	shalt  }
0x5c: {  	_ =	shalt  }
0x5d: {  	_ =	shalt  }
0x5e: {  	_ =	shalt  }
0x5f: {  	_ =	shalt  }
0x60: {  	_ =	shalt  }
0x61: {  	_ =	shalt  }
0x62: {  	_ =	shalt  }
0x63: {  	_ =	shalt  }
0x64: {  	_ =	shalt  }
0x65: {  	_ =	shalt  }
0x66: {  	_ =	shalt  }
0x67: {  	_ =	shalt  }
0x68: {  	_ =	shalt  }
0x69: {  	_ =	shalt  }
0x6a: {  	_ =	shalt  }
0x6b: {  	_ =	shalt  }
0x6c: {  	_ =	shalt  }
0x6d: {  	_ =	shalt  }
0x6e: {  	_ =	shalt  }
0x6f: {  	_ =	shalt  }
0x70: {  	_ =	shalt  }
0x71: {  	_ =	shalt  }
0x72: {  	_ =	shalt  }
0x73: {  	_ =	shalt  }
0x74: {  	_ =	shalt  }
0x75: {  	_ =	shalt  }
0x76: {  	_ =	shalt  }
0x77: {  	_ =	shalt  }
0x78: {  	_ =	shalt  }
0x79: {  	_ =	shalt  }
0x7a: {  	_ =	shalt  }
0x7b: {  	_ =	shalt  }
0x7c: {  	_ =	shalt  }
0x7d: {  	_ =	shalt  }
0x7e: {  	_ =	shalt  }
0x7f: {  	_ =	shalt  }
0x80: {  	_ =	shalt  }
0x81: {  	_ =	shalt  }
0x82: {  	_ =	shalt  }
0x83: {  	_ =	shalt  }
0x84: {  	_ =	shalt  }
0x85: {  	_ =	shalt  }
0x86: {  	_ =	shalt  }
0x87: {  	_ =	shalt  }
.Lfunc_end0:
.L_simem_size_0:
called_computation_lowered:
.L_overlay_start_0:
0x88: {  	s2 =	sld [smem:$0x3FD9]  }
0x89: {  	s3 =	sld [smem:$0x3FFE];
	_ =	sdelay $0x1  }
0x8a: {  	s1 =	srdreg.scid  }
0x8b: {  	s0 =	sand.u32 $0x1, s1  }
0x8c: {  	s17 =	sshll.u32 s0, $0xA;
	s2 =	sadd.s32 s3, s2  }
0x8d: {  	s2 =	sadd.s32 s2, s17  }
0x8e: {  	[smem:$0x3FBA] =	sst s2  }
0x8f: {  	_ = 	snop  }
0x90: {  	s2 =	sld [smem:$0x3FD0];
	(tm) =	ssettm $0x1  }
0x91: {  	s18 =	sld [smem:$0x3FFB];
	_ =	sdelay $0x3  }
0x92: {  	_ =	strace s18  }
0x93: {  	s3 =	sld [smem:$0x3FFC];
	_ =	sdelay $0x3  }
0x94: {  	_ =	strace s3  }
0x95: {  	s3 =	sld [smem:$0x3FFD];
	_ =	sdelay $0x3  }
0x96: {  	_ =	strace s3  }
0x97: {  	_ =	strace $0x8FFFFFFF  }
0x98: {  	s19 =	sld [smem:$0x3FDB];
	_ =	sdelay $0x1  }
0x99: {  	s4 =	simm.s32 $_scs_section_size  }
0x9a: {  	s5 =	simm.s32 $_size__tile_overlayer_lowered;
	s6 =	simm.s32 $_tile_overlayer_lowered  }
0x9b: {  	s22 =	simm.s32 $0x1BFF;
	s21 =	sshll.u32 s6, $0x1;
	s3 =	sadd.s32 s4, s19  }
0x9c: {  	s7 =	simm.s32 $0x0;
	s20 =	sshll.u32 s5, $0x1;
	s5 =	sadd.s32 s21, s3  }
0x9d: {  	[timem:s7], [sflag:s22] =	dma.local [hbm:s5], s20  }
0x9e: {  	_ =	swait.ge [sflag:s22], s20  }
0x9f: {  	s4 =	ssub.s32 $0x0, s20;
	[sflag:s22] =	ssyncset.done $0x0  }
0xa0: {  	[sflag:s22] =	ssyncadd.s32 s4;
	_ =	sdelay $0x1  }
0xa1: {  	s23 =	simm.s32 $0x1B8B  }
0xa2: {  	_ =	swait.ge [sflag:s23], $0x1  }
0xa3: {  	[sflag:s23] =	ssyncset.done $0x0  }
0xa4: {  	s25 =	simm.s32 $0x1B8E;
	s24 =	sld [smem:$0x3FFE];
	[sflag:s23] =	ssyncadd.s32 $0xFFFFFFFF  }
0xa5: {  	s26 =	simm.s32 $execute0_lowered;
	[smem:$0x3FD2] =	sst s25  }
0xa6: {  	s5 =	sshll.u32 s26, $0x1;
	_ =	strace $0x80000046;
	[dreg:$0x1] =	wrdreg $0xFFFFFFFF  }
0xa7: {  	s28 =	simm.s32 $_size_execute0_lowered;
	s3 =	sadd.s32 s3, s5;
	[dreg:$0x0] =	wrdreg $0x0  }
0xa8: {  	s5 =	sshll.u32 s28, $0x1;
	[dreg:$0x2] =	wrdreg s3  }
0xa9: {  	[dreg:$0x3] =	wrdreg s5  }
0xaa: {  	[dreg:$0x4] =	wrdreg $0xC0  }
0xab: {  	_ =	task [dreg:s7], $0x5FFFF  }
0xac: {  	[dreg:$0x1] =	wrdreg $0xFFFFFFFF  }
0xad: {  	[dreg:$0x0] =	wrdreg $0x60  }
0xae: {  	[dreg:$0x2] =	wrdreg s24  }
0xaf: {  	[dreg:$0x3] =	wrdreg s2  }
0xb0: {  	[dreg:$0x4] =	wrdreg $0x24000  }
0xb1: {  	[dreg:$0x5] =	wrdreg $0x9  }
0xb2: {  	_ =	task.clear_ibuf [dreg:s7], $0x6FFFF;
	_ =	strace $0x90000046  }
0xb3: {  	s29 =	simm.s32 $0x9;
	_ =	strace $0x80000048  }
0xb4: {  	_ =	swait.ge [sflag:s29], $0x1  }
0xb5: {  	[sflag:s29] =	ssyncadd.s32 $0xFFFFFFFF  }
0xb6: {  	_ =	strace $0x90000048  }
0xb7: {  	_ =	sfence  }
0xb8: {  	s30 =	sld [smem:$0x0];
	_ =	sdelay $0x2  }
0xb9: {  	s31 =	sshll.u32 s1, $0xD;
	s1 =	sshrl.u32 s1, $0x2  }
0xba: {  	s3 =	sand.u32 $0x4000, s31;
	s1 =	sadd.s32 s1, s30  }
0xbb: {  	s0 =	sor.u32 s3, s0;
	s1 =	sshll.u32 s1, $0x11  }
0xbc: {  	s0 =	sor.u32 s1, s0  }
0xbd: {  	s0 =	sadd.s32 $0x8F2B, s0  }
0xbe: {  	[sflag:s0] =	ssyncadd.remote.s32 $0x1  }
0xbf: {  	_ =	sfence.sel $0xFFFF  }
0xc0: {  	[dreg:$0x0] =	wrdreg $0xFFFFFFFF;
	(pc) =	sbr.abs _section_cstart, $3  }
0xc1: {  	[dreg:$0x1] =	wrdreg $0xFFFFFFFF  }
0xc2: {  	_ =	task.clear_ibuf [dreg:s7], $0x2FFFF;
	_ =	strace $0x9FFFFFFF  }
0xc3: {  	(tm) =	ssettm $0x7FFFFFFF  }
tec
execute0_lowered:
.L_overlay_start_1:
0x0: {  	(tag) =	ssettag $0x1  }
0x1: {  	s1 =	srdreg.scid;
	s7 =	rddreg [dreg:$0x0]  }
0x2: {  	s0 =	stileid.u32;
	s2 =	rddreg [dreg:$0x1]  }
0x3: {  	s3 =	rddreg [dreg:$0x2];
	s4 =	simm.s32 $0x0;
	s19 =	simm.s32 $0x1C00  }
0x4: {  	s20 =	simm.s32 $0x1;
	s21 =	simm.s32 $0x1400;
	s22 =	simm.s32 $0x80  }
0x5: {  	s23 =	simm.s32 $0x0;
	s6 =	sand.u32 $0x1, s1;
	s8 =	smul.u32 $0x280, s0  }
0x6: {  	s30 =	sshll.u32 s0, $0x1;
	[smem:$0x7FF] =	sst s4;
	s10 =	smul.u32 $0xA000, s0  }
0x7: {  	s1 =	sor.u32 s6, s30;
	s9 =	smul.u32 $0x2800, s6;
	s6 =	ssub.s32 $0x2, s6  }
0x8: {  	s5 =	smul.u32 $0x500, s1;
	s1 =	rddreg [dreg:$0x3];
	_ =	strace $0x80000047  }
0x9: {  	s31 =	sshrl.u32 s6, $0x1;
	s10 =	sshrl.u32 s10, $0x2;
	s8 =	sadd.s32 s8, s9  }
0xa: {  	s9 =	ssub.s32 s6, s31;
	s6 =	sadd.s32 s10, s3;
	s13 =	sadd.s32 s5, s7  }
0xb: {  	s5 =	sadd.s32 $0xF600, s7;
	s8 =	sshll.u32 s8, $0x1;
	s10 =	sadd.s32 $0x1800, s6  }
0xc: {  	s11 =	sadd.s32 $0x2000, s6;
	s18 =	sadd.s32 s8, s7;
	s7 =	smax.u32 s9, $0x1  }
0xd: {  	s8 =	sadd.s32 $0x800, s6;
	s9 =	sadd.s32 $0x1000, s6;
	s12 =	sadd.s32 $0x5600, s13  }
0xe: {  	s13 =	sadd.s32 $0x5880, s13;
	s14 =	sadd.s32 $0xF800, s18;
	s15 =	sadd.s32 $0xF900, s18  }
0xf: {  	s16 =	sadd.s32 $0xFA00, s18;
	s17 =	sadd.s32 $0xFB00, s18;
	s18 =	sadd.s32 $0xFC00, s18  }
.LBB2_1:
0x10: {  	[tilespmem:s19], [sflag:$0x1] =	stream.linear.gather [hbm4b:s5+s4], $0x800, $0x38;
	[tilespmem:$0x4C00] =	vst v63  }
0x11: {  	_ =	swait.ge [sflag:s20], $0x800  }
0x12: {  	[sflag:s20] =	ssyncset.done $0x0  }
0x13: {  	[sflag:s20] =	ssyncadd.s32 $0xFFFFF800  }
0x14: {  	[spmem:s6] =	stream.linear.scatter [tilespmem:s19], [sflag:$0x1], $0x800, $0x38;
	[tilespmem:$0x4C00] =	vst v63  }
0x15: {  	_ =	swait.ge [sflag:s20], $0x800  }
0x16: {  	[sflag:s20] =	ssyncset.done $0x0  }
0x17: {  	[sflag:s20] =	ssyncadd.s32 $0xFFFFF800  }
0x18: {  	[spmem:s8] =	stream.linear.scatter [tilespmem:s19], [sflag:$0x1], $0x800, $0x38;
	[tilespmem:$0x4C00] =	vst v63  }
0x19: {  	_ =	swait.ge [sflag:s20], $0x800  }
0x1a: {  	[sflag:s20] =	ssyncset.done $0x0  }
0x1b: {  	[sflag:s20] =	ssyncadd.s32 $0xFFFFF800  }
0x1c: {  	[spmem:s9] =	stream.linear.scatter [tilespmem:s19], [sflag:$0x1], $0x800, $0x38;
	[tilespmem:$0x4C00] =	vst v63  }
0x1d: {  	_ =	swait.ge [sflag:s20], $0x800  }
0x1e: {  	[sflag:s20] =	ssyncset.done $0x0  }
0x1f: {  	[sflag:s20] =	ssyncadd.s32 $0xFFFFF800  }
0x20: {  	[spmem:s10] =	stream.linear.scatter [tilespmem:s19], [sflag:$0x1], $0x800, $0x38;
	[tilespmem:$0x4C00] =	vst v63  }
0x21: {  	_ =	swait.ge [sflag:s20], $0x800  }
0x22: {  	[sflag:s20] =	ssyncset.done $0x0  }
0x23: {  	[sflag:s20] =	ssyncadd.s32 $0xFFFFF800  }
0x24: {  	[spmem:s11] =	stream.linear.scatter [tilespmem:s19], [sflag:$0x1], $0x800, $0x38;
	[tilespmem:$0x4C00] =	vst v63  }
0x25: {  	_ =	swait.ge [sflag:s20], $0x800  }
0x26: {  	[sflag:s20] =	ssyncset.done $0x0  }
0x27: {  	[sflag:s20] =	ssyncadd.s32 $0xFFFFF800  }
0x28: {  	[tilespmem:s21], [sflag:$0x1] =	stream.linear.gather [hbm4b:s2+s4], $0x800, $0x38;
	[tilespmem:$0x4C00] =	vst v63  }
0x29: {  	_ =	swait.ge [sflag:s20], $0x800  }
0x2a: {  	[sflag:s20] =	ssyncset.done $0x0  }
0x2b: {  	[sflag:s20] =	ssyncadd.s32 $0xFFFFF800  }
0x2c: {  	[bflag:$0x0] =	sbarrier.arrive $0xFFFF  }
0x2d: {  	[tilespmem:s4], [sflag:$0x1] =	stream.linear.gather [hbm4b:s12+s4], $0x1400, $0x38;
	[tilespmem:$0x4C00] =	vst v63  }
0x2e: {  	_ =	swait.ge [sflag:s20], $0x1400  }
0x2f: {  	[sflag:s20] =	ssyncset.done $0x0  }
0x30: {  	s24 =	simm.s32 $0x0;
	[sflag:s20] =	ssyncadd.s32 $0xFFFFEC00  }
0x31: {  	[spmem:s3] =	stream.indirect.scatter.add.f32 [tilespmem:s21], [sflag:$0x1], $0x10, s24, s22, $0xb8;
	[tilespmem:$0x4C00] =	vst v63  }
0x32: {  	_ =	swait.ge [sflag:s20], $0x800  }
0x33: {  	s24 =	simm.s32 $0x200;
	[sflag:s20] =	ssyncset.done $0x0  }
.LBB2_2:
0x34: {  	s25 =	sshra.s32 s24, $0x2;
	[sflag:s20] =	ssyncadd.s32 $0xFFFFF800;
	p0 =	sne.s32 s24, $0x4E00  }
0x35: {  	[spmem:s3] =	stream.indirect.scatter.add.f32 [tilespmem:s21], [sflag:$0x1], $0x10, s25, s22, $0xb8;
	[tilespmem:$0x4C00] =	vst v63  }
.Ltmp0:
0x36: {  	_ = 	snop;
	(pc) =	sbr.rel @p0 .LBB2_2-.Ltmp0, $4  }
0x37: {  	_ = 	snop  }
0x38: {  	s24 =	sadd.s32 $0x200, s24  }
0x39: {  	_ =	swait.ge [sflag:s20], $0x800  }
0x3a: {  	[sflag:s20] =	ssyncset.done $0x0  }
0x3b: {  	[sflag:s20] =	ssyncadd.s32 $0xFFFFF800;
	s24 =	simm.s32 $0x0  }
0x3c: {  	[tilespmem:s24], [sflag:$0x1] =	stream.linear.gather [hbm4b:s13+s24], $0x1400, $0x38;
	[tilespmem:$0x4C00] =	vst v63  }
0x3d: {  	_ =	swait.ge [sflag:s20], $0x1400  }
0x3e: {  	[sflag:s20] =	ssyncset.done $0x0  }
0x3f: {  	s31 =	simm.s32 $0x0;
	[sflag:s20] =	ssyncadd.s32 $0xFFFFEC00  }
0x40: {  	[spmem:s3] =	stream.indirect.scatter.add.f32 [tilespmem:s21], [sflag:$0x1], $0x10, s31, s22, $0xb8;
	[tilespmem:$0x4C00] =	vst v63  }
0x41: {  	_ =	swait.ge [sflag:s20], $0x800  }
0x42: {  	s24 =	simm.s32 $0x200;
	[sflag:s20] =	ssyncset.done $0x0  }
.LBB2_4:
0x43: {  	s25 =	sshra.s32 s24, $0x2;
	[sflag:s20] =	ssyncadd.s32 $0xFFFFF800;
	p0 =	sne.s32 s24, $0x4E00  }
0x44: {  	[spmem:s3] =	stream.indirect.scatter.add.f32 [tilespmem:s21], [sflag:$0x1], $0x10, s25, s22, $0xb8;
	[tilespmem:$0x4C00] =	vst v63  }
.Ltmp1:
0x45: {  	_ = 	snop;
	(pc) =	sbr.rel @p0 .LBB2_4-.Ltmp1, $4  }
0x46: {  	_ = 	snop  }
0x47: {  	s24 =	sadd.s32 $0x200, s24  }
0x48: {  	_ =	swait.ge [sflag:s20], $0x800  }
0x49: {  	[sflag:s20] =	ssyncset.done $0x0  }
0x4a: {  	[sflag:s20] =	ssyncadd.s32 $0xFFFFF800  }
0x4b: {  	[bflag:$0x0] =	sbarrier.arrive $0xFFFF  }
0x4c: {  	[tilespmem:s19], [sflag:$0x1] =	stream.linear.gather [spmem:s6], $0x800, $0x38;
	[tilespmem:$0x4C00] =	vst v63  }
0x4d: {  	_ =	swait.ge [sflag:s20], $0x800  }
0x4e: {  	[sflag:s20] =	ssyncset.done $0x0  }
0x4f: {  	[sflag:s20] =	ssyncadd.s32 $0xFFFFF800  }
0x50: {  	[hbm4b:s14+s4] =	stream.linear.scatter [tilespmem:s19], [sflag:$0x1], $0x800, $0x38;
	[tilespmem:$0x4C00] =	vst v63  }
0x51: {  	_ =	swait.ge [sflag:s20], $0x800  }
0x52: {  	[sflag:s20] =	ssyncset.done $0x0  }
0x53: {  	[sflag:s20] =	ssyncadd.s32 $0xFFFFF800  }
0x54: {  	[tilespmem:s19], [sflag:$0x1] =	stream.linear.gather [spmem:s8], $0x800, $0x38;
	[tilespmem:$0x4C00] =	vst v63  }
0x55: {  	_ =	swait.ge [sflag:s20], $0x800  }
0x56: {  	[sflag:s20] =	ssyncset.done $0x0  }
0x57: {  	[sflag:s20] =	ssyncadd.s32 $0xFFFFF800  }
0x58: {  	[hbm4b:s15+s4] =	stream.linear.scatter [tilespmem:s19], [sflag:$0x1], $0x800, $0x38;
	[tilespmem:$0x4C00] =	vst v63  }
0x59: {  	_ =	swait.ge [sflag:s20], $0x800  }
0x5a: {  	[sflag:s20] =	ssyncset.done $0x0  }
0x5b: {  	[sflag:s20] =	ssyncadd.s32 $0xFFFFF800  }
0x5c: {  	[tilespmem:s19], [sflag:$0x1] =	stream.linear.gather [spmem:s9], $0x800, $0x38;
	[tilespmem:$0x4C00] =	vst v63  }
0x5d: {  	_ =	swait.ge [sflag:s20], $0x800  }
0x5e: {  	[sflag:s20] =	ssyncset.done $0x0  }
0x5f: {  	[sflag:s20] =	ssyncadd.s32 $0xFFFFF800  }
0x60: {  	[hbm4b:s16+s4] =	stream.linear.scatter [tilespmem:s19], [sflag:$0x1], $0x800, $0x38;
	[tilespmem:$0x4C00] =	vst v63  }
0x61: {  	_ =	swait.ge [sflag:s20], $0x800  }
0x62: {  	[sflag:s20] =	ssyncset.done $0x0  }
0x63: {  	[sflag:s20] =	ssyncadd.s32 $0xFFFFF800  }
0x64: {  	[tilespmem:s19], [sflag:$0x1] =	stream.linear.gather [spmem:s10], $0x800, $0x38;
	[tilespmem:$0x4C00] =	vst v63  }
0x65: {  	_ =	swait.ge [sflag:s20], $0x800  }
0x66: {  	[sflag:s20] =	ssyncset.done $0x0  }
0x67: {  	[sflag:s20] =	ssyncadd.s32 $0xFFFFF800  }
0x68: {  	[hbm4b:s17+s4] =	stream.linear.scatter [tilespmem:s19], [sflag:$0x1], $0x800, $0x38;
	[tilespmem:$0x4C00] =	vst v63  }
0x69: {  	_ =	swait.ge [sflag:s20], $0x800  }
0x6a: {  	[sflag:s20] =	ssyncset.done $0x0  }
0x6b: {  	[sflag:s20] =	ssyncadd.s32 $0xFFFFF800  }
0x6c: {  	[tilespmem:s19], [sflag:$0x1] =	stream.linear.gather [spmem:s11], $0x800, $0x38;
	[tilespmem:$0x4C00] =	vst v63  }
0x6d: {  	s23 =	sadd.s32 $0x1, s23;
	_ =	swait.ge [sflag:s20], $0x800  }
0x6e: {  	p0 =	sne.s32 s23, s7;
	[sflag:s20] =	ssyncset.done $0x0  }
.Ltmp2:
0x6f: {  	[sflag:s20] =	ssyncadd.s32 $0xFFFFF800;
	(pc) =	sbr.rel @p0 .LBB2_1-.Ltmp2, $4  }
0x70: {  	[hbm4b:s18+s4] =	stream.linear.scatter [tilespmem:s19], [sflag:$0x1], $0x800, $0x38;
	[tilespmem:$0x4C00] =	vst v63  }
0x71: {  	_ =	swait.ge [sflag:s20], $0x800  }
0x72: {  	[sflag:s20] =	ssyncset.done $0x0  }
0x73: {  	[sflag:s20] =	ssyncadd.s32 $0xFFFFF800  }
0x74: {  	_ =	sfence.sel $0x180000  }
0x75: {  	[bflag:$0x0] =	sbarrier.arrive $0xFFFF  }
0x76: {  	p0 =	sne.s32 s0, $0x0;
	_ =	strace $0x90000047  }
0x77: {  	s0 =	sadd.s32 @!p0 $0x100000, s1;
	[bflag:$0x2] =	sbarrier.arrive $0xFFFF  }
0x78: {  	[sflag:s0] =	ssyncadd.tile.s32 @!p0 $0x1;
	_ =	shalt  }
.Lfunc_end2:
_tile_overlayer_lowered:
.L_overlay_start_2:
0x79: {  	(tag) =	ssettag $0x2  }
0x7a: {  	s0 =	rddreg [dreg:$0x0];
	s2 =	stileid.u32  }
0x7b: {  	s1 =	rddreg [dreg:$0x1];
	p0 =	sne.s32 s2, $0x0  }
0x7c: {  	s3 =	rddreg [dreg:$0x2];
	[bflag:$0x3] =	sbarrier.arrive $0xFFFF;
	s2 =	simm.s32 @!p0 $0x1C01  }
0x7d: {  	[timem:s3], [sflag:s2] =	dma.local @!p0 [hbm:s0], s1  }
0x7e: {  	s0 =	simm.s32 @!p0 $0x1  }
0x7f: {  	_ =	swait.ge @!p0 [sflag:s0], s1  }
0x80: {  	s1 =	ssub.s32 @!p0 $0x0, s1;
	[sflag:s0] =	ssyncset.done @!p0 $0x0  }
0x81: {  	[sflag:s0] =	ssyncadd.s32 @!p0 s1  }
0x82: {  	[bflag:$0x3] =	sbarrier.arrive $0xFFFF  }
0x83: {  	_ =	shalt  }

// kernel: sc_pool.3.cloned.1.call-start
scs
__scs_entry_jumppad:
0x0: {  	(pc) =	sbr.rel $0x88, $3  }
0x1: {  	(tag) =	ssettag $0x0;
	lr =	simm.s32 $0x1  }
0x2: {  	[smem:$0x3F93] =	sst lr;
	_ =	strace $0xD0000000  }
0x3: {  	_ = 	snop  }
0x4: {  	_ = 	snop  }
0x5: {  	_ = 	snop  }
0x6: {  	_ = 	snop  }
0x7: {  	_ = 	snop  }
__scs_overlays_trampoline_lowered:
0x8: {  	[smem:$0x3FA2] =	sst s0  }
0x9: {  	[smem:$0x3FA3] =	sst s1  }
0xa: {  	[smem:$0x3FA4] =	sst s2  }
0xb: {  	[smem:$0x3FA5] =	sst s3  }
0xc: {  	[smem:$0x3FA6] =	sst s4  }
0xd: {  	[smem:$0x3FA7] =	sst s5  }
0xe: {  	[smem:$0x3FA8] =	sst s6  }
0xf: {  	[smem:$0x3FA9] =	sst s7  }
0x10: {  	[smem:$0x3FAA] =	sst s8  }
0x11: {  	[smem:$0x3FAB] =	sst s9;
	s0 =	simm.s32 @!p0 $0x0  }
0x12: {  	s1 =	sld [smem:$0x3F91];
	s0 =	simm.s32 @p0 $0x1  }
0x13: {  	[smem:$0x3FAC] =	sst s0;
	s0 =	simm.s32 @!p1 $0x0  }
0x14: {  	s2 =	sld [smem:$0x3F90];
	s0 =	simm.s32 @p1 $0x1  }
0x15: {  	[smem:$0x3FAD] =	sst s0;
	s0 =	simm.s32 @!p2 $0x0  }
0x16: {  	s3 =	sld [smem:$0x3FDB];
	s0 =	simm.s32 @p2 $0x1  }
0x17: {  	s4 =	simm.s32 $0x1BF5;
	[smem:$0x3FAF] =	sst s0  }
0x18: {  	s0 =	sld [smem:$0x3F92];
	_ =	swait.ge [sflag:s4], $0x0  }
0x19: {  	s7 =	sld [smem:$0x3F93]  }
0x1a: {  	s8 =	sadd.s32 $0xFFFFE003, lr  }
0x1b: {  	s9 =	sadd.s32 $0xFFFFFEF7, lr;
	s5 =	simm.s32 $0xFFFFFFFF;
	p2 =	slt.u32 s8, $0xFFFFF086  }
0x1c: {  	p1 =	slt.u32 s9, $0xF7A;
	s5 =	simm.s32 @!p2 $0x0  }
0x1d: {  	s5 =	simm.s32 @p1 $0x1;
	p0 =	seq.s32 s7, s2  }
0x1e: {  	s7 =	smul.u32 @!p0 $0xF7A, s2;
	p2 =	seq.s32 @!p0 s5, $0x0  }
0x1f: {  	s9 =	smul.u32 $0xF7A, s1;
	s8 =	simm.s32 @!p0 $0x1BF5;
	p2 =	por !p2, p0  }
0x20: {  	[sflag:s8] =	ssyncset.s32 @!p0 $0xFFFFF086;
	s6 =	sadd.s32 @!p0 s3, s7;
	s7 =	simm.s32 @!p0 $0x108  }
0x21: {  	s3 =	sadd.s32 s3, s9;
	s6 =	sadd.s32 @!p0 $0x88, s6;
	s7 =	simm.s32 @p2 $0x1082  }
0x22: {  	[simem:s7], [sflag:s8] =	dma.local @!p0 [hbm:s6], $0xF7A  }
0x23: {  	s9 =	sor.u32 $0xD0000000, s2;
	s6 =	simm.s32 $0x108;
	_ =	swait.ge @!p0 [sflag:s8], $0x0  }
0x24: {  	s3 =	sadd.s32 $0x88, s3;
	s6 =	simm.s32 @!p1 $0x1082;
	[sflag:s4] =	ssyncset.s32 $0xFFFFF086  }
0x25: {  	[simem:s6], [sflag:s4] =	dma.local [hbm:s3], $0xF7A  }
0x26: {  	[smem:$0x3F93] =	sst s1;
	(tag) =	ssettag s2;
	_ =	strace s9  }
0x27: {  	s1 =	sld [smem:$0x3FA3]  }
0x28: {  	s2 =	sld [smem:$0x3FA4]  }
0x29: {  	s4 =	sld [smem:$0x3FA6]  }
0x2a: {  	p0 =	seq.s32 s5, $0x0;
	s5 =	sld [smem:$0x3FA7]  }
0x2b: {  	s6 =	sld [smem:$0x3FA8]  }
0x2c: {  	s7 =	sld [smem:$0x3FA9]  }
0x2d: {  	s3 =	simm.s32 $0x108;
	s8 =	sld [smem:$0x3FAA]  }
0x2e: {  	s3 =	simm.s32 @!p0 $0x1082;
	s9 =	sld [smem:$0x3FAB]  }
0x2f: {  	lr =	sadd.s32 s0, s3;
	s0 =	sld [smem:$0x3FA2]  }
0x30: {  	s3 =	sld [smem:$0x3FA5]  }
0x31: {  	[smem:$0x3FAE] =	sst s10  }
0x32: {  	s10 =	sld [smem:$0x3FAC];
	_ =	sdelay $0x3  }
0x33: {  	p0 =	seq.s32 s10, $0x1;
	s10 =	sld [smem:$0x3FAE];
	_ =	sdelay $0x3  }
0x34: {  	[smem:$0x3FAE] =	sst s10  }
0x35: {  	s10 =	sld [smem:$0x3FAD];
	_ =	sdelay $0x3  }
0x36: {  	p1 =	seq.s32 s10, $0x1;
	s10 =	sld [smem:$0x3FAE];
	_ =	sdelay $0x3  }
0x37: {  	[smem:$0x3FAE] =	sst s10  }
0x38: {  	s10 =	sld [smem:$0x3FAF]  }
0x39: {  	_ = 	snop;
	(pc) =	sbr.ind lr, $3  }
0x3a: {  	_ = 	snop  }
0x3b: {  	_ = 	snop  }
0x3c: {  	p2 =	seq.s32 s10, $0x1;
	s10 =	sld [smem:$0x3FAE]  }
0x3d: {  	_ =	shalt  }
0x3e: {  	_ =	shalt  }
0x3f: {  	_ =	shalt  }
0x40: {  	_ =	shalt  }
0x41: {  	_ =	shalt  }
0x42: {  	_ =	shalt  }
0x43: {  	_ =	shalt  }
0x44: {  	_ =	shalt  }
0x45: {  	_ =	shalt  }
0x46: {  	_ =	shalt  }
0x47: {  	_ =	shalt  }
0x48: {  	_ =	shalt  }
0x49: {  	_ =	shalt  }
0x4a: {  	_ =	shalt  }
0x4b: {  	_ =	shalt  }
0x4c: {  	_ =	shalt  }
0x4d: {  	_ =	shalt  }
0x4e: {  	_ =	shalt  }
0x4f: {  	_ =	shalt  }
0x50: {  	_ =	shalt  }
0x51: {  	_ =	shalt  }
0x52: {  	_ =	shalt  }
0x53: {  	_ =	shalt  }
0x54: {  	_ =	shalt  }
0x55: {  	_ =	shalt  }
0x56: {  	_ =	shalt  }
0x57: {  	_ =	shalt  }
0x58: {  	_ =	shalt  }
0x59: {  	_ =	shalt  }
0x5a: {  	_ =	shalt  }
0x5b: {  	_ =	shalt  }
0x5c: {  	_ =	shalt  }
0x5d: {  	_ =	shalt  }
0x5e: {  	_ =	shalt  }
0x5f: {  	_ =	shalt  }
0x60: {  	_ =	shalt  }
0x61: {  	_ =	shalt  }
0x62: {  	_ =	shalt  }
0x63: {  	_ =	shalt  }
0x64: {  	_ =	shalt  }
0x65: {  	_ =	shalt  }
0x66: {  	_ =	shalt  }
0x67: {  	_ =	shalt  }
0x68: {  	_ =	shalt  }
0x69: {  	_ =	shalt  }
0x6a: {  	_ =	shalt  }
0x6b: {  	_ =	shalt  }
0x6c: {  	_ =	shalt  }
0x6d: {  	_ =	shalt  }
0x6e: {  	_ =	shalt  }
0x6f: {  	_ =	shalt  }
0x70: {  	_ =	shalt  }
0x71: {  	_ =	shalt  }
0x72: {  	_ =	shalt  }
0x73: {  	_ =	shalt  }
0x74: {  	_ =	shalt  }
0x75: {  	_ =	shalt  }
0x76: {  	_ =	shalt  }
0x77: {  	_ =	shalt  }
0x78: {  	_ =	shalt  }
0x79: {  	_ =	shalt  }
0x7a: {  	_ =	shalt  }
0x7b: {  	_ =	shalt  }
0x7c: {  	_ =	shalt  }
0x7d: {  	_ =	shalt  }
0x7e: {  	_ =	shalt  }
0x7f: {  	_ =	shalt  }
0x80: {  	_ =	shalt  }
0x81: {  	_ =	shalt  }
0x82: {  	_ =	shalt  }
0x83: {  	_ =	shalt  }
0x84: {  	_ =	shalt  }
0x85: {  	_ =	shalt  }
0x86: {  	_ =	shalt  }
0x87: {  	_ =	shalt  }
.Lfunc_end0:
.L_simem_size_0:
called_computation.4_lowered:
.L_overlay_start_0:
0x88: {  	s2 =	sld [smem:$0x3FD9]  }
0x89: {  	s3 =	sld [smem:$0x3FFE];
	_ =	sdelay $0x1  }
0x8a: {  	s1 =	srdreg.scid  }
0x8b: {  	s0 =	sand.u32 $0x1, s1  }
0x8c: {  	s17 =	sshll.u32 s0, $0xA;
	s2 =	sadd.s32 s3, s2  }
0x8d: {  	s2 =	sadd.s32 s2, s17  }
0x8e: {  	[smem:$0x3FBA] =	sst s2  }
0x8f: {  	_ = 	snop  }
0x90: {  	s2 =	sld [smem:$0x3FD0];
	(tm) =	ssettm $0x1  }
0x91: {  	s18 =	sld [smem:$0x3FFB];
	_ =	sdelay $0x3  }
0x92: {  	_ =	strace s18  }
0x93: {  	s3 =	sld [smem:$0x3FFC];
	_ =	sdelay $0x3  }
0x94: {  	_ =	strace s3  }
0x95: {  	s3 =	sld [smem:$0x3FFD];
	_ =	sdelay $0x3  }
0x96: {  	_ =	strace s3  }
0x97: {  	_ =	strace $0x8FFFFFFF  }
0x98: {  	s19 =	sld [smem:$0x3FDB];
	_ =	sdelay $0x1  }
0x99: {  	s4 =	simm.s32 $_scs_section_size  }
0x9a: {  	s5 =	simm.s32 $_size__tile_overlayer_lowered;
	s6 =	simm.s32 $_tile_overlayer_lowered  }
0x9b: {  	s22 =	simm.s32 $0x1BFF;
	s21 =	sshll.u32 s6, $0x1;
	s3 =	sadd.s32 s4, s19  }
0x9c: {  	s7 =	simm.s32 $0x0;
	s20 =	sshll.u32 s5, $0x1;
	s5 =	sadd.s32 s21, s3  }
0x9d: {  	[timem:s7], [sflag:s22] =	dma.local [hbm:s5], s20  }
0x9e: {  	_ =	swait.ge [sflag:s22], s20  }
0x9f: {  	s4 =	ssub.s32 $0x0, s20;
	[sflag:s22] =	ssyncset.done $0x0  }
0xa0: {  	[sflag:s22] =	ssyncadd.s32 s4;
	_ =	sdelay $0x1  }
0xa1: {  	s23 =	simm.s32 $0x1B8B  }
0xa2: {  	_ =	swait.ge [sflag:s23], $0x1  }
0xa3: {  	[sflag:s23] =	ssyncset.done $0x0  }
0xa4: {  	s25 =	simm.s32 $0x1B8E;
	s24 =	sld [smem:$0x3FFE];
	[sflag:s23] =	ssyncadd.s32 $0xFFFFFFFF  }
0xa5: {  	s26 =	simm.s32 $execute0_lowered;
	[smem:$0x3FD2] =	sst s25  }
0xa6: {  	s5 =	sshll.u32 s26, $0x1;
	_ =	strace $0x80000052;
	[dreg:$0x1] =	wrdreg $0xFFFFFFFF  }
0xa7: {  	s28 =	simm.s32 $_size_execute0_lowered;
	s3 =	sadd.s32 s3, s5;
	[dreg:$0x0] =	wrdreg $0x0  }
0xa8: {  	s5 =	sshll.u32 s28, $0x1;
	[dreg:$0x2] =	wrdreg s3  }
0xa9: {  	[dreg:$0x3] =	wrdreg s5  }
0xaa: {  	[dreg:$0x4] =	wrdreg $0xC0  }
0xab: {  	_ =	task [dreg:s7], $0x5FFFF  }
0xac: {  	[dreg:$0x1] =	wrdreg $0xFFFFFFFF  }
0xad: {  	[dreg:$0x0] =	wrdreg $0x60  }
0xae: {  	[dreg:$0x2] =	wrdreg s24  }
0xaf: {  	[dreg:$0x3] =	wrdreg s2  }
0xb0: {  	[dreg:$0x4] =	wrdreg $0x78000  }
0xb1: {  	[dreg:$0x5] =	wrdreg $0x7C000  }
0xb2: {  	[dreg:$0x6] =	wrdreg $0x9  }
0xb3: {  	_ =	task.clear_ibuf [dreg:s7], $0x7FFFF;
	_ =	strace $0x90000052  }
0xb4: {  	s29 =	simm.s32 $0x9;
	_ =	strace $0x80000054  }
0xb5: {  	_ =	swait.ge [sflag:s29], $0x1  }
0xb6: {  	[sflag:s29] =	ssyncadd.s32 $0xFFFFFFFF  }
0xb7: {  	_ =	strace $0x90000054  }
0xb8: {  	_ =	sfence  }
0xb9: {  	s30 =	sld [smem:$0x0];
	_ =	sdelay $0x2  }
0xba: {  	s31 =	sshll.u32 s1, $0xD;
	s1 =	sshrl.u32 s1, $0x2  }
0xbb: {  	s3 =	sand.u32 $0x4000, s31;
	s1 =	sadd.s32 s1, s30  }
0xbc: {  	s0 =	sor.u32 s3, s0;
	s1 =	sshll.u32 s1, $0x11  }
0xbd: {  	s0 =	sor.u32 s1, s0  }
0xbe: {  	s0 =	sadd.s32 $0x8F2B, s0  }
0xbf: {  	[sflag:s0] =	ssyncadd.remote.s32 $0x1  }
0xc0: {  	_ =	sfence.sel $0xFFFF  }
0xc1: {  	[dreg:$0x0] =	wrdreg $0xFFFFFFFF;
	(pc) =	sbr.abs _section_cstart, $3  }
0xc2: {  	[dreg:$0x1] =	wrdreg $0xFFFFFFFF  }
0xc3: {  	_ =	task.clear_ibuf [dreg:s7], $0x2FFFF;
	_ =	strace $0x9FFFFFFF  }
0xc4: {  	(tm) =	ssettm $0x7FFFFFFF  }
0xc5: {  	_ =	shalt  }
tec
execute0_lowered:
.L_overlay_start_1:
0x0: {  	(tag) =	ssettag $0x1  }
0x1: {  	s0 =	rddreg [dreg:$0x0]  }
0x2: {  	s25 =	rddreg [dreg:$0x1]  }
0x3: {  	s2 =	rddreg [dreg:$0x2]  }
0x4: {  	s1 =	rddreg [dreg:$0x3]  }
0x5: {  	s23 =	rddreg [dreg:$0x4];
	s6 =	simm.s32 $0x0  }
0x6: {  	s3 =	srdreg.scid;
	s9 =	stileid.u32;
	s13 =	simm.s32 $0x6800  }
0x7: {  	s17 =	simm.s32 $0x2800;
	s16 =	simm.s32 $0x80;
	p2 =	por $0x0, $0x0  }
0x8: {  	[smem:$0x7FF] =	sst s6;
	s4 =	sadd.s32 $0x37800, s0;
	s5 =	sand.u32 $0x1, s3  }
0x9: {  	s7 =	sadd.s32 $0xF800, s0;
	s22 =	sadd.s32 $0x4B800, s0;
	s21 =	sadd.s32 $0xF600, s0  }
0xa: {  	s10 =	sshll.u32 s9, $0x1;
	p0 =	sne.s32 s9, $0x0;
	_ =	strace $0x80000053  }
0xb: {  	[dreg:$0x5] =	wrdreg s4;
	s3 =	sshll.u32 s5, $0xB;
	s8 =	ssub.s32 $0x2, s5  }
0xc: {  	s19 =	sshll.u32 s5, $0x8;
	s11 =	sor.u32 s5, s10;
	s20 =	sshrl.u32 s8, $0x1  }
0xd: {  	s12 =	sor.u32 $0x40, s10;
	s3 =	sadd.s32 s3, s0;
	s8 =	ssub.s32 s8, s20  }
0xe: {  	s0 =	sadd.s32 s19, s0;
	s26 =	sshll.u32 s11, $0xB;
	s24 =	smax.u32 s8, $0x1  }
0xf: {  	s28 =	sor.u32 $0x20, s11;
	s15 =	sshll.u32 s11, $0x7;
	s9 =	sadd.s32 $0xFFFFFFFF, s24  }
0x10: {  	s5 =	sor.u32 s5, s12;
	p1 =	sgt.u32 s12, $0x4F;
	p3 =	sne.s32 s9, $0x0  }
.Ltmp0:
0x11: {  	s12 =	simm.s32 $0x2;
	s19 =	simm.s32 $0x3;
	(pc) =	sbr.rel @!p3 .LBB2_1-.Ltmp0, $4  }
0x12: {  	s4 =	sadd.s32 $0x5800, s3;
	s31 =	sadd.s32 $0x5600, s0;
	s18 =	sadd.s32 s7, s26  }
0x13: {  	s29 =	sshll.u32 s28, $0xB;
	s11 =	sshll.u32 s28, $0x7;
	s30 =	sshll.u32 s5, $0xB  }
0x14: {  	s20 =	simm.s32 $0x1;
	s3 =	simm.s32 @!p0 $0x2;
	s14 =	sadd.s32 s7, s29  }
0x15: {  	s10 =	sadd.s32 s7, s30;
	s8 =	sshll.u32 s5, $0x7;
	s7 =	simm.s32 @!p0 $0x0  }
0x16: {  	s23 =	simm.s32 @!p0 $0x2800  }
0x17: {  	[tilespmem:s23], [sflag:$0x2] =	stream.linear.gather @!p0 [hbm4b:s22+s7], $0x4000, $0x38;
	[tilespmem:$0x7C80] =	vst v63  }
0x18: {  	_ =	swait.ge @!p0 [sflag:s3], $0x4000  }
0x19: {  	[sflag:s3] =	ssyncset.done @!p0 $0x0  }
0x1a: {  	[sflag:s3] =	ssyncadd.s32 @!p0 $0xFFFFC000  }
0x1b: {  	[spmem:s2] =	stream.linear.scatter @!p0 [tilespmem:s23], [sflag:$0x2], $0x4000, $0x38;
	[tilespmem:$0x7C80] =	vst v63  }
0x1c: {  	_ =	swait.ge @!p0 [sflag:s3], $0x4000  }
0x1d: {  	[sflag:s3] =	ssyncset.done @!p0 $0x0  }
0x1e: {  	s24 =	simm.s32 @!p0 $0x7000;
	[sflag:s3] =	ssyncadd.s32 @!p0 $0xFFFFC000  }
0x1f: {  	[tilespmem:s24], [sflag:$0x2] =	stream.linear.gather @!p0 [hbm4b:s21+s7], $0x800, $0x38;
	[tilespmem:$0x7C80] =	vst v63  }
0x20: {  	_ =	swait.ge @!p0 [sflag:s3], $0x800  }
0x21: {  	[sflag:s3] =	ssyncset.done @!p0 $0x0  }
0x22: {  	[sflag:s3] =	ssyncadd.s32 @!p0 $0xFFFFF800  }
0x23: {  	[spmem:s1] =	stream.linear.scatter @!p0 [tilespmem:s24], [sflag:$0x2], $0x800, $0x38;
	[tilespmem:$0x7C80] =	vst v63  }
0x24: {  	_ =	swait.ge @!p0 [sflag:s3], $0x800  }
0x25: {  	[sflag:s3] =	ssyncset.done @!p0 $0x0  }
0x26: {  	[sflag:s3] =	ssyncadd.s32 @!p0 $0xFFFFF800  }
0x27: {  	[tilespmem:s13], [sflag:$0x2] =	stream.linear.gather [hbm4b:s25+s6], $0x800, $0x38;
	[tilespmem:$0x7C80] =	vst v63  }
0x28: {  	_ =	swait.ge [sflag:s12], $0x800  }
0x29: {  	[sflag:s12] =	ssyncset.done $0x0  }
0x2a: {  	s0 =	rddreg [dreg:$0x5];
	[sflag:s12] =	ssyncadd.s32 $0xFFFFF800  }
0x2b: {  	[tilespmem:s6], [sflag:$0x2] =	stream.linear.gather [hbm4b:s0+s6], $0x2800, $0x38;
	[tilespmem:$0x7C80] =	vst v63  }
0x2c: {  	_ =	swait.ge [sflag:s12], $0x2800  }
0x2d: {  	[sflag:s12] =	ssyncset.done $0x0  }
0x2e: {  	[sflag:s12] =	ssyncadd.s32 $0xFFFFD800  }
0x2f: {  	[bflag:$0x0] =	sbarrier.arrive $0xFFFF  }
0x30: {  	[tilespmem:s17], [sflag:$0x1] =	stream.linear.gather [hbm4b:s18+s6], $0x4000, $0x38;
	[tilespmem:$0x7C80] =	vst v63  }
0x31: {  	_ =	swait.ge [sflag:s20], $0x4000  }
0x32: {  	[sflag:s20] =	ssyncset.done $0x0  }
0x33: {  	[sflag:s20] =	ssyncadd.s32 $0xFFFFC000  }
0x34: {  	[spmem:s2] =	stream.indirect.scatter.add.f32 [tilespmem:s17], [sflag:$0x3], $0x80, s15, s16, $0xb8;
	[tilespmem:$0x7C80] =	vst v63  }
0x35: {  	_ =	swait.ge [sflag:s19], $0x4000  }
0x36: {  	[sflag:s19] =	ssyncset.done $0x0  }
0x37: {  	[sflag:s19] =	ssyncadd.s32 $0xFFFFC000  }
0x38: {  	[spmem:s1] =	stream.indirect.scatter.add.f32 [tilespmem:s13], [sflag:$0x2], $0x10, s15, s16, $0xb8;
	[tilespmem:$0x7C80] =	vst v63  }
0x39: {  	_ =	swait.ge [sflag:s12], $0x800  }
0x3a: {  	[sflag:s12] =	ssyncset.done $0x0  }
0x3b: {  	[sflag:s12] =	ssyncadd.s32 $0xFFFFF800  }
0x3c: {  	[tilespmem:s17], [sflag:$0x1] =	stream.linear.gather [hbm4b:s14+s6], $0x4000, $0x38;
	[tilespmem:$0x7C80] =	vst v63  }
0x3d: {  	_ =	swait.ge [sflag:s20], $0x4000  }
0x3e: {  	[sflag:s20] =	ssyncset.done $0x0  }
0x3f: {  	[sflag:s20] =	ssyncadd.s32 $0xFFFFC000  }
0x40: {  	[spmem:s2] =	stream.indirect.scatter.add.f32 [tilespmem:s17], [sflag:$0x3], $0x80, s11, s16, $0xb8;
	[tilespmem:$0x7C80] =	vst v63  }
0x41: {  	_ =	swait.ge [sflag:s19], $0x4000  }
0x42: {  	[sflag:s19] =	ssyncset.done $0x0  }
0x43: {  	[sflag:s19] =	ssyncadd.s32 $0xFFFFC000  }
0x44: {  	[spmem:s1] =	stream.indirect.scatter.add.f32 [tilespmem:s13], [sflag:$0x2], $0x10, s11, s16, $0xb8;
	[tilespmem:$0x7C80] =	vst v63  }
0x45: {  	_ =	swait.ge [sflag:s12], $0x800  }
0x46: {  	s5 =	simm.s32 @!p1 $0x2800;
	[sflag:s12] =	ssyncset.done $0x0  }
0x47: {  	s25 =	simm.s32 @!p1 $0x1;
	s0 =	simm.s32 @!p1 $0x0;
	[sflag:s12] =	ssyncadd.s32 $0xFFFFF800  }
0x48: {  	[tilespmem:s5], [sflag:$0x1] =	stream.linear.gather @!p1 [hbm4b:s10+s0], $0x4000, $0x38;
	[tilespmem:$0x7C80] =	vst v63  }
0x49: {  	_ =	swait.ge @!p1 [sflag:s25], $0x4000  }
0x4a: {  	[sflag:s25] =	ssyncset.done @!p1 $0x0  }
0x4b: {  	s29 =	simm.s32 @!p1 $0x80;
	s30 =	simm.s32 @!p1 $0x3;
	[sflag:s25] =	ssyncadd.s32 @!p1 $0xFFFFC000  }
0x4c: {  	[spmem:s2] =	stream.indirect.scatter.add.f32 @!p1 [tilespmem:s5], [sflag:$0x3], $0x80, s8, s29, $0xb8;
	[tilespmem:$0x7C80] =	vst v63  }
0x4d: {  	_ =	swait.ge @!p1 [sflag:s30], $0x4000  }
0x4e: {  	[sflag:s30] =	ssyncset.done @!p1 $0x0  }
0x4f: {  	s0 =	simm.s32 @!p1 $0x2;
	s5 =	simm.s32 @!p1 $0x6800;
	[sflag:s30] =	ssyncadd.s32 @!p1 $0xFFFFC000  }
0x50: {  	[spmem:s1] =	stream.indirect.scatter.add.f32 @!p1 [tilespmem:s5], [sflag:$0x2], $0x10, s8, s29, $0xb8;
	[tilespmem:$0x7C80] =	vst v63  }
0x51: {  	_ =	swait.ge @!p1 [sflag:s0], $0x800  }
0x52: {  	[sflag:s0] =	ssyncset.done @!p1 $0x0  }
0x53: {  	[sflag:s0] =	ssyncadd.s32 @!p1 $0xFFFFF800  }
0x54: {  	[bflag:$0x0] =	sbarrier.arrive $0xFFFF  }
0x55: {  	[tilespmem:s23], [sflag:$0x2] =	stream.linear.gather @!p0 [spmem:s2], $0x4000, $0x38;
	[tilespmem:$0x7C80] =	vst v63  }
0x56: {  	_ =	swait.ge @!p0 [sflag:s3], $0x4000  }
0x57: {  	[sflag:s3] =	ssyncset.done @!p0 $0x0  }
0x58: {  	[sflag:s3] =	ssyncadd.s32 @!p0 $0xFFFFC000  }
0x59: {  	[hbm4b:s4+s7] =	stream.linear.scatter @!p0 [tilespmem:s23], [sflag:$0x2], $0x4000, $0x38;
	[tilespmem:$0x7C80] =	vst v63  }
0x5a: {  	_ =	swait.ge @!p0 [sflag:s3], $0x4000  }
0x5b: {  	[sflag:s3] =	ssyncset.done @!p0 $0x0  }
0x5c: {  	s9 =	sadd.s32 $0xFFFFFFFF, s9;
	[sflag:s3] =	ssyncadd.s32 @!p0 $0xFFFFC000  }
0x5d: {  	[tilespmem:s24], [sflag:$0x2] =	stream.linear.gather @!p0 [spmem:s1], $0x800, $0x38;
	[tilespmem:$0x7C80] =	vst v63  }
0x5e: {  	p3 =	sne.s32 s9, $0x0;
	_ =	swait.ge @!p0 [sflag:s3], $0x800  }
.Ltmp1:
0x5f: {  	[sflag:s3] =	ssyncset.done @!p0 $0x0;
	(pc) =	sbr.rel @!p3 .LBB2_3-.Ltmp1, $4  }
0x60: {  	[sflag:s3] =	ssyncadd.s32 @!p0 $0xFFFFF800  }
0x61: {  	[hbm4b:s31+s7] =	stream.linear.scatter @!p0 [tilespmem:s24], [sflag:$0x2], $0x800, $0x38;
	[tilespmem:$0x7C80] =	vst v63  }
0x62: {  	p2 =	por $0x1, $0x1;
	s26 =	simm.s32 @!p0 $0x2;
	_ =	swait.ge @!p0 [sflag:s3], $0x800  }
0x63: {  	s5 =	smov.u32 s4;
	s4 =	smov.u32 s31;
	[sflag:s3] =	ssyncset.done @!p0 $0x0  }
.LBB2_4:
0x64: {  	[sflag:s26] =	ssyncadd.s32 @!p0 $0xFFFFF800  }
0x65: {  	[tilespmem:s23], [sflag:$0x2] =	stream.linear.gather @!p0 [hbm4b:s22+s7], $0x4000, $0x38;
	[tilespmem:$0x7C80] =	vst v63  }
0x66: {  	s26 =	smov.u32 s3;
	_ =	swait.ge @!p0 [sflag:s3], $0x4000  }
0x67: {  	[sflag:s26] =	ssyncset.done @!p0 $0x0  }
0x68: {  	[sflag:s26] =	ssyncadd.s32 @!p0 $0xFFFFC000  }
0x69: {  	[spmem:s2] =	stream.linear.scatter @!p0 [tilespmem:s23], [sflag:$0x2], $0x4000, $0x38;
	[tilespmem:$0x7C80] =	vst v63  }
0x6a: {  	_ =	swait.ge @!p0 [sflag:s26], $0x4000  }
0x6b: {  	[sflag:s26] =	ssyncset.done @!p0 $0x0  }
0x6c: {  	[sflag:s26] =	ssyncadd.s32 @!p0 $0xFFFFC000  }
0x6d: {  	[tilespmem:s24], [sflag:$0x2] =	stream.linear.gather @!p0 [hbm4b:s21+s7], $0x800, $0x38;
	[tilespmem:$0x7C80] =	vst v63  }
0x6e: {  	_ =	swait.ge @!p0 [sflag:s26], $0x800  }
0x6f: {  	[sflag:s26] =	ssyncset.done @!p0 $0x0  }
0x70: {  	[sflag:s26] =	ssyncadd.s32 @!p0 $0xFFFFF800  }
0x71: {  	[spmem:s1] =	stream.linear.scatter @!p0 [tilespmem:s24], [sflag:$0x2], $0x800, $0x38;
	[tilespmem:$0x7C80] =	vst v63  }
0x72: {  	_ =	swait.ge @!p0 [sflag:s26], $0x800  }
0x73: {  	[sflag:s26] =	ssyncset.done @!p0 $0x0  }
0x74: {  	[sflag:s26] =	ssyncadd.s32 @!p0 $0xFFFFF800  }
0x75: {  	s28 =	rddreg [dreg:$0x1]  }
0x76: {  	[tilespmem:s13], [sflag:$0x2] =	stream.linear.gather [hbm4b:s28+s6], $0x800, $0x38;
	[tilespmem:$0x7C80] =	vst v63  }
0x77: {  	_ =	swait.ge [sflag:s12], $0x800  }
0x78: {  	[sflag:s12] =	ssyncset.done $0x0  }
0x79: {  	s28 =	rddreg [dreg:$0x5];
	[sflag:s12] =	ssyncadd.s32 $0xFFFFF800  }
0x7a: {  	[tilespmem:s6], [sflag:$0x2] =	stream.linear.gather [hbm4b:s28+s6], $0x2800, $0x38;
	[tilespmem:$0x7C80] =	vst v63  }
0x7b: {  	_ =	swait.ge [sflag:s12], $0x2800  }
0x7c: {  	[sflag:s12] =	ssyncset.done $0x0  }
0x7d: {  	[sflag:s12] =	ssyncadd.s32 $0xFFFFD800  }
0x7e: {  	[bflag:$0x0] =	sbarrier.arrive $0xFFFF  }
0x7f: {  	[tilespmem:s17], [sflag:$0x1] =	stream.linear.gather [hbm4b:s18+s6], $0x4000, $0x38;
	[tilespmem:$0x7C80] =	vst v63  }
0x80: {  	_ =	swait.ge [sflag:s20], $0x4000  }
0x81: {  	[sflag:s20] =	ssyncset.done $0x0  }
0x82: {  	[sflag:s20] =	ssyncadd.s32 $0xFFFFC000  }
0x83: {  	[spmem:s2] =	stream.indirect.scatter.add.f32 [tilespmem:s17], [sflag:$0x3], $0x80, s15, s16, $0xb8;
	[tilespmem:$0x7C80] =	vst v63  }
0x84: {  	_ =	swait.ge [sflag:s19], $0x4000  }
0x85: {  	[sflag:s19] =	ssyncset.done $0x0  }
0x86: {  	[sflag:s19] =	ssyncadd.s32 $0xFFFFC000  }
0x87: {  	[spmem:s1] =	stream.indirect.scatter.add.f32 [tilespmem:s13], [sflag:$0x2], $0x10, s15, s16, $0xb8;
	[tilespmem:$0x7C80] =	vst v63  }
0x88: {  	_ =	swait.ge [sflag:s12], $0x800  }
0x89: {  	[sflag:s12] =	ssyncset.done $0x0  }
0x8a: {  	[sflag:s12] =	ssyncadd.s32 $0xFFFFF800  }
0x8b: {  	[tilespmem:s17], [sflag:$0x1] =	stream.linear.gather [hbm4b:s14+s6], $0x4000, $0x38;
	[tilespmem:$0x7C80] =	vst v63  }
0x8c: {  	_ =	swait.ge [sflag:s20], $0x4000  }
0x8d: {  	[sflag:s20] =	ssyncset.done $0x0  }
0x8e: {  	[sflag:s20] =	ssyncadd.s32 $0xFFFFC000  }
0x8f: {  	[spmem:s2] =	stream.indirect.scatter.add.f32 [tilespmem:s17], [sflag:$0x3], $0x80, s11, s16, $0xb8;
	[tilespmem:$0x7C80] =	vst v63  }
0x90: {  	_ =	swait.ge [sflag:s19], $0x4000  }
0x91: {  	[sflag:s19] =	ssyncset.done $0x0  }
0x92: {  	s28 =	simm.s32 @!p1 $0x2800;
	[sflag:s19] =	ssyncadd.s32 $0xFFFFC000  }
0x93: {  	[spmem:s1] =	stream.indirect.scatter.add.f32 [tilespmem:s13], [sflag:$0x2], $0x10, s11, s16, $0xb8;
	[tilespmem:$0x7C80] =	vst v63  }
0x94: {  	s13 =	smov.u32 s22;
	s22 =	smov.u32 s21;
	_ =	swait.ge [sflag:s12], $0x800  }
0x95: {  	s21 =	smov.u32 s18;
	s18 =	smov.u32 s14;
	[sflag:s12] =	ssyncset.done $0x0  }
0x96: {  	s14 =	smov.u32 s10;
	s10 =	simm.s32 @!p1 $0x0;
	[sflag:s12] =	ssyncadd.s32 $0xFFFFF800  }
0x97: {  	[tilespmem:s28], [sflag:$0x1] =	stream.linear.gather @!p1 [hbm4b:s14+s10], $0x4000, $0x38;
	[tilespmem:$0x7C80] =	vst v63  }
0x98: {  	_ =	swait.ge @!p1 [sflag:s25], $0x4000  }
0x99: {  	[sflag:s25] =	ssyncset.done @!p1 $0x0  }
0x9a: {  	[sflag:s25] =	ssyncadd.s32 @!p1 $0xFFFFC000  }
0x9b: {  	[spmem:s2] =	stream.indirect.scatter.add.f32 @!p1 [tilespmem:s28], [sflag:$0x3], $0x80, s8, s29, $0xb8;
	[tilespmem:$0x7C80] =	vst v63  }
0x9c: {  	_ =	swait.ge @!p1 [sflag:s30], $0x4000  }
0x9d: {  	[sflag:s30] =	ssyncset.done @!p1 $0x0  }
0x9e: {  	s28 =	simm.s32 @!p1 $0x6800;
	[sflag:s30] =	ssyncadd.s32 @!p1 $0xFFFFC000  }
0x9f: {  	[spmem:s1] =	stream.indirect.scatter.add.f32 @!p1 [tilespmem:s28], [sflag:$0x2], $0x10, s8, s29, $0xb8;
	[tilespmem:$0x7C80] =	vst v63  }
0xa0: {  	_ =	swait.ge @!p1 [sflag:s0], $0x800  }
0xa1: {  	[sflag:s0] =	ssyncset.done @!p1 $0x0  }
0xa2: {  	[sflag:s0] =	ssyncadd.s32 @!p1 $0xFFFFF800  }
0xa3: {  	[bflag:$0x0] =	sbarrier.arrive $0xFFFF  }
0xa4: {  	[tilespmem:s23], [sflag:$0x2] =	stream.linear.gather @!p0 [spmem:s2], $0x4000, $0x38;
	[tilespmem:$0x7C80] =	vst v63  }
0xa5: {  	_ =	swait.ge @!p0 [sflag:s26], $0x4000  }
0xa6: {  	[sflag:s26] =	ssyncset.done @!p0 $0x0  }
0xa7: {  	[sflag:s26] =	ssyncadd.s32 @!p0 $0xFFFFC000  }
0xa8: {  	[hbm4b:s5+s7] =	stream.linear.scatter @!p0 [tilespmem:s23], [sflag:$0x2], $0x4000, $0x38;
	[tilespmem:$0x7C80] =	vst v63  }
0xa9: {  	_ =	swait.ge @!p0 [sflag:s26], $0x4000  }
0xaa: {  	[sflag:s26] =	ssyncset.done @!p0 $0x0  }
0xab: {  	s31 =	simm.s32 @!p0 $0x0;
	s9 =	sadd.s32 $0xFFFFFFFF, s9;
	[sflag:s26] =	ssyncadd.s32 @!p0 $0xFFFFC000  }
0xac: {  	[tilespmem:s24], [sflag:$0x2] =	stream.linear.gather @!p0 [spmem:s1], $0x800, $0x38;
	[tilespmem:$0x7C80] =	vst v63  }
0xad: {  	p3 =	sne.s32 s9, $0x0;
	s3 =	simm.s32 @!p0 $0x2;
	_ =	swait.ge @!p0 [sflag:s26], $0x800  }
.Ltmp2:
0xae: {  	s10 =	smov.u32 s14;
	[sflag:s26] =	ssyncset.done @!p0 $0x0;
	(pc) =	sbr.rel @p3 .LBB2_4-.Ltmp2, $4  }
0xaf: {  	s14 =	smov.u32 s18;
	s18 =	smov.u32 s21;
	[sflag:s26] =	ssyncadd.s32 @!p0 $0xFFFFF800  }
0xb0: {  	[hbm4b:s4+s7] =	stream.linear.scatter @!p0 [tilespmem:s24], [sflag:$0x2], $0x800, $0x38;
	[tilespmem:$0x7C80] =	vst v63  }
0xb1: {  	s21 =	smov.u32 s22;
	s22 =	smov.u32 s13;
	_ =	swait.ge @!p0 [sflag:s26], $0x800  }
0xb2: {  	s13 =	simm.s32 $0x6800;
	s7 =	smov.u32 s31;
	[sflag:s26] =	ssyncset.done @!p0 $0x0  }
0xb3: {  	s23 =	rddreg [dreg:$0x4]  }
0xb4: {  	s31 =	smov.u32 s4;
	s4 =	smov.u32 s5;
	s25 =	rddreg [dreg:$0x1]  }
.LBB2_6:
0xb5: {  	p2 =	por p0, !p2  }
0xb6: {  	s0 =	simm.s32 @!p0 $0x2800;
	[sflag:s26] =	ssyncadd.s32 @!p2 $0xFFFFF800  }
0xb7: {  	[tilespmem:s0], [sflag:$0x2] =	stream.linear.gather @!p0 [hbm4b:s22+s7], $0x4000, $0x38;
	[tilespmem:$0x7C80] =	vst v63  }
0xb8: {  	_ =	swait.ge @!p0 [sflag:s3], $0x4000  }
0xb9: {  	[sflag:s3] =	ssyncset.done @!p0 $0x0  }
0xba: {  	[sflag:s3] =	ssyncadd.s32 @!p0 $0xFFFFC000  }
0xbb: {  	[spmem:s2] =	stream.linear.scatter @!p0 [tilespmem:s0], [sflag:$0x2], $0x4000, $0x38;
	[tilespmem:$0x7C80] =	vst v63  }
0xbc: {  	_ =	swait.ge @!p0 [sflag:s3], $0x4000  }
0xbd: {  	[sflag:s3] =	ssyncset.done @!p0 $0x0  }
0xbe: {  	s9 =	simm.s32 @!p0 $0x7000;
	[sflag:s3] =	ssyncadd.s32 @!p0 $0xFFFFC000  }
0xbf: {  	[tilespmem:s9], [sflag:$0x2] =	stream.linear.gather @!p0 [hbm4b:s21+s7], $0x800, $0x38;
	[tilespmem:$0x7C80] =	vst v63  }
0xc0: {  	_ =	swait.ge @!p0 [sflag:s3], $0x800  }
0xc1: {  	[sflag:s3] =	ssyncset.done @!p0 $0x0  }
0xc2: {  	[sflag:s3] =	ssyncadd.s32 @!p0 $0xFFFFF800  }
0xc3: {  	[spmem:s1] =	stream.linear.scatter @!p0 [tilespmem:s9], [sflag:$0x2], $0x800, $0x38;
	[tilespmem:$0x7C80] =	vst v63  }
0xc4: {  	_ =	swait.ge @!p0 [sflag:s3], $0x800  }
0xc5: {  	[sflag:s3] =	ssyncset.done @!p0 $0x0  }
0xc6: {  	[sflag:s3] =	ssyncadd.s32 @!p0 $0xFFFFF800  }
0xc7: {  	[tilespmem:s13], [sflag:$0x2] =	stream.linear.gather [hbm4b:s25+s6], $0x800, $0x38;
	[tilespmem:$0x7C80] =	vst v63  }
0xc8: {  	_ =	swait.ge [sflag:s12], $0x800  }
0xc9: {  	[sflag:s12] =	ssyncset.done $0x0  }
0xca: {  	s30 =	rddreg [dreg:$0x5];
	[sflag:s12] =	ssyncadd.s32 $0xFFFFF800  }
0xcb: {  	[tilespmem:s6], [sflag:$0x2] =	stream.linear.gather [hbm4b:s30+s6], $0x2800, $0x38;
	[tilespmem:$0x7C80] =	vst v63  }
0xcc: {  	_ =	swait.ge [sflag:s12], $0x2800  }
0xcd: {  	[sflag:s12] =	ssyncset.done $0x0  }
0xce: {  	[sflag:s12] =	ssyncadd.s32 $0xFFFFD800  }
0xcf: {  	[bflag:$0x0] =	sbarrier.arrive $0xFFFF  }
0xd0: {  	[tilespmem:s17], [sflag:$0x1] =	stream.linear.gather [hbm4b:s18+s6], $0x4000, $0x38;
	[tilespmem:$0x7C80] =	vst v63  }
0xd1: {  	_ =	swait.ge [sflag:s20], $0x4000  }
0xd2: {  	[sflag:s20] =	ssyncset.done $0x0  }
0xd3: {  	[sflag:s20] =	ssyncadd.s32 $0xFFFFC000  }
0xd4: {  	[spmem:s2] =	stream.indirect.scatter.add.f32 [tilespmem:s17], [sflag:$0x3], $0x80, s15, s16, $0xb8;
	[tilespmem:$0x7C80] =	vst v63  }
0xd5: {  	_ =	swait.ge [sflag:s19], $0x4000  }
0xd6: {  	[sflag:s19] =	ssyncset.done $0x0  }
0xd7: {  	[sflag:s19] =	ssyncadd.s32 $0xFFFFC000  }
0xd8: {  	[spmem:s1] =	stream.indirect.scatter.add.f32 [tilespmem:s13], [sflag:$0x2], $0x10, s15, s16, $0xb8;
	[tilespmem:$0x7C80] =	vst v63  }
0xd9: {  	_ =	swait.ge [sflag:s12], $0x800  }
0xda: {  	[sflag:s12] =	ssyncset.done $0x0  }
0xdb: {  	[sflag:s12] =	ssyncadd.s32 $0xFFFFF800  }
0xdc: {  	[tilespmem:s17], [sflag:$0x1] =	stream.linear.gather [hbm4b:s14+s6], $0x4000, $0x38;
	[tilespmem:$0x7C80] =	vst v63  }
0xdd: {  	_ =	swait.ge [sflag:s20], $0x4000  }
0xde: {  	[sflag:s20] =	ssyncset.done $0x0  }
0xdf: {  	[sflag:s20] =	ssyncadd.s32 $0xFFFFC000  }
0xe0: {  	[spmem:s2] =	stream.indirect.scatter.add.f32 [tilespmem:s17], [sflag:$0x3], $0x80, s11, s16, $0xb8;
	[tilespmem:$0x7C80] =	vst v63  }
0xe1: {  	_ =	swait.ge [sflag:s19], $0x4000  }
0xe2: {  	[sflag:s19] =	ssyncset.done $0x0  }
0xe3: {  	[sflag:s19] =	ssyncadd.s32 $0xFFFFC000  }
0xe4: {  	[spmem:s1] =	stream.indirect.scatter.add.f32 [tilespmem:s13], [sflag:$0x2], $0x10, s11, s16, $0xb8;
	[tilespmem:$0x7C80] =	vst v63  }
0xe5: {  	_ =	swait.ge [sflag:s12], $0x800  }
0xe6: {  	s3 =	simm.s32 @!p1 $0x1;
	[sflag:s12] =	ssyncset.done $0x0  }
0xe7: {  	s6 =	simm.s32 @!p1 $0x0;
	s11 =	simm.s32 @!p1 $0x2800;
	[sflag:s12] =	ssyncadd.s32 $0xFFFFF800  }
0xe8: {  	[tilespmem:s11], [sflag:$0x1] =	stream.linear.gather @!p1 [hbm4b:s10+s6], $0x4000, $0x38;
	[tilespmem:$0x7C80] =	vst v63  }
0xe9: {  	_ =	swait.ge @!p1 [sflag:s3], $0x4000  }
0xea: {  	[sflag:s3] =	ssyncset.done @!p1 $0x0  }
0xeb: {  	s6 =	simm.s32 @!p1 $0x3;
	[sflag:s3] =	ssyncadd.s32 @!p1 $0xFFFFC000;
	s3 =	simm.s32 @!p1 $0x80  }
0xec: {  	[spmem:s2] =	stream.indirect.scatter.add.f32 @!p1 [tilespmem:s11], [sflag:$0x3], $0x80, s8, s3, $0xb8;
	[tilespmem:$0x7C80] =	vst v63  }
0xed: {  	_ =	swait.ge @!p1 [sflag:s6], $0x4000  }
0xee: {  	[sflag:s6] =	ssyncset.done @!p1 $0x0  }
0xef: {  	s10 =	simm.s32 @!p1 $0x2;
	[sflag:s6] =	ssyncadd.s32 @!p1 $0xFFFFC000;
	s6 =	simm.s32 @!p1 $0x6800  }
0xf0: {  	[spmem:s1] =	stream.indirect.scatter.add.f32 @!p1 [tilespmem:s6], [sflag:$0x2], $0x10, s8, s3, $0xb8;
	[tilespmem:$0x7C80] =	vst v63  }
0xf1: {  	_ =	swait.ge @!p1 [sflag:s10], $0x800  }
0xf2: {  	[sflag:s10] =	ssyncset.done @!p1 $0x0  }
0xf3: {  	[sflag:s10] =	ssyncadd.s32 @!p1 $0xFFFFF800  }
0xf4: {  	s5 =	simm.s32 @!p0 $0x2;
	[bflag:$0x0] =	sbarrier.arrive $0xFFFF  }
0xf5: {  	[tilespmem:s0], [sflag:$0x2] =	stream.linear.gather @!p0 [spmem:s2], $0x4000, $0x38;
	[tilespmem:$0x7C80] =	vst v63  }
0xf6: {  	_ =	swait.ge @!p0 [sflag:s5], $0x4000  }
0xf7: {  	[sflag:s5] =	ssyncset.done @!p0 $0x0  }
0xf8: {  	[sflag:s5] =	ssyncadd.s32 @!p0 $0xFFFFC000  }
0xf9: {  	[hbm4b:s4+s7] =	stream.linear.scatter @!p0 [tilespmem:s0], [sflag:$0x2], $0x4000, $0x38;
	[tilespmem:$0x7C80] =	vst v63  }
0xfa: {  	_ =	swait.ge @!p0 [sflag:s5], $0x4000  }
0xfb: {  	[sflag:s5] =	ssyncset.done @!p0 $0x0  }
0xfc: {  	[sflag:s5] =	ssyncadd.s32 @!p0 $0xFFFFC000  }
0xfd: {  	[tilespmem:s9], [sflag:$0x2] =	stream.linear.gather @!p0 [spmem:s1], $0x800, $0x38;
	[tilespmem:$0x7C80] =	vst v63  }
0xfe: {  	_ =	swait.ge @!p0 [sflag:s5], $0x800  }
0xff: {  	[sflag:s5] =	ssyncset.done @!p0 $0x0  }
0x100: {  	[sflag:s5] =	ssyncadd.s32 @!p0 $0xFFFFF800  }
0x101: {  	[hbm4b:s31+s7] =	stream.linear.scatter @!p0 [tilespmem:s9], [sflag:$0x2], $0x800, $0x38;
	[tilespmem:$0x7C80] =	vst v63  }
0x102: {  	_ =	swait.ge @!p0 [sflag:s5], $0x800  }
0x103: {  	[sflag:s5] =	ssyncset.done @!p0 $0x0  }
0x104: {  	[sflag:s5] =	ssyncadd.s32 @!p0 $0xFFFFF800  }
0x105: {  	_ =	sfence.sel $0x180000  }
0x106: {  	[bflag:$0x0] =	sbarrier.arrive $0xFFFF  }
0x107: {  	_ =	strace $0x90000053  }
0x108: {  	s0 =	sadd.s32 @!p0 $0x100000, s23;
	[bflag:$0x2] =	sbarrier.arrive $0xFFFF  }
0x109: {  	[sflag:s0] =	ssyncadd.tile.s32 @!p0 $0x1;
	_ =	shalt  }
.LBB2_1:
.Ltmp3:
0x10a: {  	(pc) =	sbr.rel .LBB2_6-.Ltmp3, $2  }
0x10b: {  	_ =	sdelay $0x2  }
0x10c: {  	_ = 	snop  }
.LBB2_3:
.Ltmp4:
0x10d: {  	(pc) =	sbr.rel .LBB2_6-.Ltmp4, $3  }
0x10e: {  	_ =	sdelay $0x1  }
0x10f: {  	s26 =	simm.s32 @!p0 $0x2;
	s23 =	rddreg [dreg:$0x4]  }
0x110: {  	s31 =	smov.u32 s4;
	s4 =	smov.u32 s5;
	s25 =	rddreg [dreg:$0x1]  }
.Lfunc_end2:
_tile_overlayer_lowered:
.L_overlay_start_2:
0x111: {  	(tag) =	ssettag $0x2  }
0x112: {  	s0 =	rddreg [dreg:$0x0];
	s2 =	stileid.u32  }
0x113: {  	s1 =	rddreg [dreg:$0x1];
	p0 =	sne.s32 s2, $0x0  }
0x114: {  	s3 =	rddreg [dreg:$0x2];
	[bflag:$0x3] =	sbarrier.arrive $0xFFFF;
	s2 =	simm.s32 @!p0 $0x1C02  }
0x115: {  	[timem:s3], [sflag:s2] =	dma.local @!p0 [hbm:s0], s1  }
0x116: {  	s0 =	simm.s32 @!p0 $0x2  }
0x117: {  	_ =	swait.ge @!p0 [sflag:s0], s1  }
0x118: {  	s1 =	ssub.s32 @!p0 $0x0, s1;
	[sflag:s0] =	ssyncset.done @!p0 $0x0  }
0x119: {  	[sflag:s0] =	ssyncadd.s32 @!p0 s1  }
0x11a: {  	[bflag:$0x3] =	sbarrier.arrive $0xFFFF  }
0x11b: {  	_ =	shalt  }

</sc_bundles>
